<compile_context>
chip_gen: v7x
topology: tpu7x:2x2x1
jax: 0.10.2.dev20260603
libtpu: 0.0.44.dev20260713+nightly
codegen_flags: <defaults>
</compile_context>

<pallas_src>
import functools
import itertools

import jax
import jax.numpy as jnp
import numpy as np
from jax import lax
from jax.experimental import pallas as pl
from jax.experimental.pallas import tpu as pltpu
from jax.experimental.pallas import tpu_sc as plsc

_N_BITS = 20
_ORDER = 4
_BATCH = 4096
_NC = 2
_NS = 16
_NW = _NC * _NS
_ROWS_PER_W = _BATCH // _NW
_R = 8
_NCHUNK = _ROWS_PER_W // _R
_XCOLS = 24
_LANES = 16


def _build_tables():
    combos = []
    for size in range(1, _ORDER + 1):
        combos.extend(itertools.combinations(range(_N_BITS), size))
    num_terms = len(combos)
    tpad = ((num_terms + _LANES - 1) // _LANES) * _LANES
    par_x = np.full(tpad, 20, np.int32)
    par_t = np.zeros(tpad, np.int32)
    from_term = np.zeros(tpad, bool)
    leaf = np.full(tpad, 21, np.int32)
    idx_of = {}
    for t, c in enumerate(combos):
        idx_of[c] = t
        leaf[t] = c[-1]
        if len(c) == 1:
            par_x[t] = 20
        elif len(c) == 2:
            par_x[t] = c[0]
        else:
            from_term[t] = True
            par_t[t] = idx_of[c[:-1]]
    for t in range(num_terms):
        if from_term[t]:
            assert par_t[t] // _LANES < t // _LANES
    first_term_parent = int(np.argmax(from_term))
    mixed_chunk = first_term_parent // _LANES
    assert not from_term[: mixed_chunk * _LANES].any()
    mixed_lane = first_term_parent - mixed_chunk * _LANES
    assert from_term[first_term_parent: num_terms].all()
    return (par_x, par_t, leaf, mixed_lane, mixed_chunk, num_terms, tpad)


(_PARX_NP, _PART_NP, _LEAF_NP, _MIXED_LANE, _MIXED_CHUNK, _NUM_TERMS,
 _TPAD) = _build_tables()
_TC_STEPS = _TPAD // _LANES
_SLAB = _R * _NUM_TERMS
_B_END = 85


def _sc_parity(x_hbm, parx_hbm, part_hbm, leaf_hbm, out_hbm,
               parx_v, part_v, leaf_v, x_all, stage0, stage1, sem0, sem1):
    wid = lax.axis_index("s") * _NC + lax.axis_index("c")
    pltpu.sync_copy(parx_hbm, parx_v)
    pltpu.sync_copy(part_hbm, part_v)
    pltpu.sync_copy(leaf_hbm, leaf_v)
    pltpu.sync_copy(x_hbm.at[pl.ds(wid * _ROWS_PER_W, _ROWS_PER_W), :],
                    x_all)
    lane = lax.iota(jnp.int32, _LANES)
    mixed = lane >= jnp.int32(_MIXED_LANE)
    tail_mask = lane < jnp.int32(_NUM_TERMS - (_TC_STEPS - 1) * _LANES)

    def compute_slab(sl, stage):
        rbase = sl * _R

        def rsplat(r):
            return jnp.full((_LANES,), r, jnp.int32)

        def xrow(r):
            return rbase + rsplat(r)

        def step(s, from_stage):
            lvec = leaf_v[pl.ds(s * _LANES, _LANES)]
            pvec = (part_v if from_stage else parx_v)[pl.ds(s * _LANES,
                                                            _LANES)]
            tcol = s * _LANES + lane
            pas, lfs = [], []
            for r in range(_R):
                if from_stage:
                    pas.append(plsc.load_gather(stage, [rsplat(r), pvec]))
                else:
                    pas.append(plsc.load_gather(x_all, [xrow(r), pvec]))
                lfs.append(plsc.load_gather(x_all, [xrow(r), lvec]))
            for r in range(_R):
                plsc.store_scatter(stage, [rsplat(r), tcol],
                                   pas[r] * lfs[r])

        @plsc.parallel_loop(0, _MIXED_CHUNK, unroll=1)
        def _pa(s):
            step(s, False)

        s = _MIXED_CHUNK
        lvec = leaf_v[pl.ds(s * _LANES, _LANES)]
        pxv = parx_v[pl.ds(s * _LANES, _LANES)]
        ptv = part_v[pl.ds(s * _LANES, _LANES)]
        tcol = s * _LANES + lane
        vals = []
        for r in range(_R):
            pa_x = plsc.load_gather(x_all, [xrow(r), pxv])
            pa_t = plsc.load_gather(stage, [rsplat(r), ptv])
            lf = plsc.load_gather(x_all, [xrow(r), lvec])
            vals.append(jnp.where(mixed, pa_t, pa_x) * lf)
        for r in range(_R):
            plsc.store_scatter(stage, [rsplat(r), tcol], vals[r])

        @plsc.parallel_loop(_MIXED_CHUNK + 1, _B_END, unroll=2)
        def _pb(s2):
            step(s2, True)

        @plsc.parallel_loop(_B_END, _TC_STEPS - 1, unroll=2)
        def _pc(s3):
            step(s3, True)

        s = _TC_STEPS - 1
        lvec = leaf_v[pl.ds(s * _LANES, _LANES)]
        ptv = part_v[pl.ds(s * _LANES, _LANES)]
        tcol = s * _LANES + lane
        vals = []
        for r in range(_R):
            pa = plsc.load_gather(stage, [rsplat(r), ptv])
            lf = plsc.load_gather(x_all, [xrow(r), lvec])
            vals.append(pa * lf)
        for r in range(_R):
            plsc.store_scatter(stage, [rsplat(r), tcol], vals[r],
                               mask=tail_mask)

    def dst(sl):
        return out_hbm.at[pl.ds(wid * _ROWS_PER_W + sl * _R, _R), :]

    def pair_body(k, carry):
        sl0 = 2 * k
        sl1 = 2 * k + 1

        @pl.when(k > 0)
        def _w0():
            pltpu.make_async_copy(stage0, dst(sl0), sem0).wait()

        compute_slab(sl0, stage0)
        pltpu.async_copy(stage0, dst(sl0), sem0)

        @pl.when(k > 0)
        def _w1():
            pltpu.make_async_copy(stage1, dst(sl1), sem1).wait()

        compute_slab(sl1, stage1)
        pltpu.async_copy(stage1, dst(sl1), sem1)
        return carry

    lax.fori_loop(0, _NCHUNK // 2, pair_body, 0)
    pltpu.make_async_copy(stage0, dst(_NCHUNK - 2), sem0).wait()
    pltpu.make_async_copy(stage1, dst(_NCHUNK - 1), sem1).wait()


@functools.lru_cache(maxsize=1)
def _sc_call():
    return functools.partial(
        pl.kernel,
        out_type=jax.ShapeDtypeStruct((_BATCH, _NUM_TERMS), jnp.float32),
        mesh=plsc.VectorSubcoreMesh(core_axis_name="c", subcore_axis_name="s"),
        scratch_types=[
            pltpu.VMEM((_TPAD,), jnp.int32),
            pltpu.VMEM((_TPAD,), jnp.int32),
            pltpu.VMEM((_TPAD,), jnp.int32),
            pltpu.VMEM((_ROWS_PER_W, _XCOLS), jnp.float32),
            pltpu.VMEM((_R, _NUM_TERMS), jnp.float32),
            pltpu.VMEM((_R, _NUM_TERMS), jnp.float32),
            pltpu.SemaphoreType.DMA,
            pltpu.SemaphoreType.DMA,
        ],
        compiler_params=pltpu.CompilerParams(
            use_tc_tiling_on_sc=False, needs_layout_passes=False),
    )(_sc_parity)


@jax.jit
def kernel(inputs):
    batch = inputs.shape[0]
    x = jnp.concatenate(
        [inputs,
         jnp.ones((batch, 1), jnp.float32),
         jnp.zeros((batch, _XCOLS - _N_BITS - 1), jnp.float32)],
        axis=1)
    return _sc_call()(x, jnp.asarray(_PARX_NP), jnp.asarray(_PART_NP),
                      jnp.asarray(_LEAF_NP))

# --- scband reference (transcript-rebuilt; emitter-appended) ---
"""Pipeline reference for scband-parity-9603546874313 (READ-ONLY COPY).

The authoritative reference and input builder live on the scoring server;
editing this copy changes nothing except your own understanding.
"""

import jax, jax.numpy as jnp
import numpy as np
import itertools

BITS = list(range(20))
ORDER = 4
BATCH = 4096


def _build_padded_indices(n_bits, order):
    # Faithful to tf.ragged.stack of all combinations of sizes 1..order.
    indices_list = []
    for i in range(1, order + 1):
        indices_list.extend(list(itertools.combinations(range(n_bits), i)))
    num_terms = len(indices_list)
    # Pad ragged rows with index n_bits, which points at an appended column
    # of ones so the padded product equals the ragged reduce_prod.
    padded = np.full((num_terms, order), n_bits, dtype=np.int64)
    for j, combo in enumerate(indices_list):
        padded[j, : len(combo)] = np.asarray(combo, dtype=np.int64)
    return jnp.asarray(padded)


def setup_inputs(seed: int = 0) -> dict:
    key = jax.random.key(seed)
    inputs = jax.random.normal(key, (BATCH, len(BITS)), dtype=jnp.float32)
    return {"inputs": inputs}


def reference(inputs):
    n_bits = len(BITS)
    idx = _build_padded_indices(n_bits, ORDER)  # [num_terms, ORDER] int64 constants
    ones = jnp.ones((inputs.shape[0], 1), dtype=inputs.dtype)
    x = jnp.concatenate([inputs, ones], axis=-1)  # [B, n_bits+1]
    # gather: for each term, pull its member bit columns -> [B, num_terms, ORDER]
    gathered = jnp.take(x, idx, axis=-1)
    # ragged reduce_prod over each term's members (pad entries multiply by 1)
    parities = jnp.prod(gathered, axis=-1)  # [B, num_terms]
    # Original returns transpose of [num_terms, B] scatter buffer -> [B, num_terms]
    return parities

if __name__ == "__main__":
    import jax
    _d = setup_inputs()
    print(jax.jit(kernel)(*tuple(_d.values())))

</pallas_src>

<mosaic_0001>
#map = affine_map<(d0, d1) -> (0, 0)>
#map1 = affine_map<(d0, d1) -> (0)>
module attributes {stable_mosaic.version = 14 : i64} {
  func.func @_sc_parity(%arg0: i32, %arg1: i32, %arg2: memref<4096x24xf32, #tpu.memory_space<hbm>>, %arg3: memref<6208xi32, #tpu.memory_space<hbm>>, %arg4: memref<6208xi32, #tpu.memory_space<hbm>>, %arg5: memref<6208xi32, #tpu.memory_space<hbm>>, %arg6: memref<4096x6195xf32, #tpu.memory_space<hbm>>, %arg7: memref<6208xi32, #tpu.memory_space<vmem>>, %arg8: memref<6208xi32, #tpu.memory_space<vmem>>, %arg9: memref<6208xi32, #tpu.memory_space<vmem>>, %arg10: memref<128x24xf32, #tpu.memory_space<vmem>>, %arg11: memref<8x6195xf32, #tpu.memory_space<vmem>>, %arg12: memref<8x6195xf32, #tpu.memory_space<vmem>>, %arg13: memref<!tpu.dma_semaphore, #tpu.memory_space<semaphore_mem>>, %arg14: memref<!tpu.dma_semaphore, #tpu.memory_space<semaphore_mem>>) attributes {dimension_semantics = [#tpu.dimension_semantics<core_parallel>, #tpu.dimension_semantics<subcore_parallel>], iteration_bounds = array<i64: 2, 16>, scalar_prefetch = 0 : i64, scratch_operands = 8 : i64, tpu.core_type = #tpu.core_type<sc_vector_subcore>, window_params = [{transform_indices = #map}, {transform_indices = #map1}, {transform_indices = #map1}, {transform_indices = #map1}, {transform_indices = #map}]} {
    %mul3A = arith.constant 2 : i32
    %mul3A_0 = arith.muli %arg1, %mul3A : i32
    %add3A = arith.addi %mul3A_0, %arg0 : i32
    "tpu.region"() ({
      %run_scoped3A = tpu.sem_alloc : memref<!tpu.dma_semaphore, #tpu.memory_space<semaphore_mem>>
      tpu.enqueue_dma source(%arg3 : memref<6208xi32, #tpu.memory_space<hbm>>) target(%arg7 : memref<6208xi32, #tpu.memory_space<vmem>>) target_semaphore(%run_scoped3A : memref<!tpu.dma_semaphore, #tpu.memory_space<semaphore_mem>>)
      tpu.wait_dma2 semaphore(%run_scoped3A : memref<!tpu.dma_semaphore, #tpu.memory_space<semaphore_mem>>) src(%arg3 : memref<6208xi32, #tpu.memory_space<hbm>>) dst(%arg7 : memref<6208xi32, #tpu.memory_space<vmem>>)
      tpu.yield
    }) : () -> ()
    "tpu.region"() ({
      %run_scoped3A = tpu.sem_alloc : memref<!tpu.dma_semaphore, #tpu.memory_space<semaphore_mem>>
      tpu.enqueue_dma source(%arg4 : memref<6208xi32, #tpu.memory_space<hbm>>) target(%arg8 : memref<6208xi32, #tpu.memory_space<vmem>>) target_semaphore(%run_scoped3A : memref<!tpu.dma_semaphore, #tpu.memory_space<semaphore_mem>>)
      tpu.wait_dma2 semaphore(%run_scoped3A : memref<!tpu.dma_semaphore, #tpu.memory_space<semaphore_mem>>) src(%arg4 : memref<6208xi32, #tpu.memory_space<hbm>>) dst(%arg8 : memref<6208xi32, #tpu.memory_space<vmem>>)
      tpu.yield
    }) : () -> ()
    "tpu.region"() ({
      %run_scoped3A = tpu.sem_alloc : memref<!tpu.dma_semaphore, #tpu.memory_space<semaphore_mem>>
      tpu.enqueue_dma source(%arg5 : memref<6208xi32, #tpu.memory_space<hbm>>) target(%arg9 : memref<6208xi32, #tpu.memory_space<vmem>>) target_semaphore(%run_scoped3A : memref<!tpu.dma_semaphore, #tpu.memory_space<semaphore_mem>>)
      tpu.wait_dma2 semaphore(%run_scoped3A : memref<!tpu.dma_semaphore, #tpu.memory_space<semaphore_mem>>) src(%arg5 : memref<6208xi32, #tpu.memory_space<hbm>>) dst(%arg9 : memref<6208xi32, #tpu.memory_space<vmem>>)
      tpu.yield
    }) : () -> ()
    %mul3A_1 = arith.constant 128 : i32
    %mul3A_2 = arith.muli %add3A, %mul3A_1 : i32
    "tpu.region"() ({
      %run_scoped3A = tpu.sem_alloc : memref<!tpu.dma_semaphore, #tpu.memory_space<semaphore_mem>>
      %dma_start3A = arith.constant 0 : i32
      %dma_start3A_27 = tpu.memref_slice %arg2[%mul3A_2, %dma_start3A] : memref<4096x24xf32, #tpu.memory_space<hbm>> -> memref<128x24xf32, #tpu.memory_space<hbm>>
      %dma_start3A_28 = arith.constant 0 : i32
      %dma_start3A_29 = tpu.memref_slice %arg2[%mul3A_2, %dma_start3A_28] : memref<4096x24xf32, #tpu.memory_space<hbm>> -> memref<128x24xf32, #tpu.memory_space<hbm>>
      tpu.enqueue_dma source(%dma_start3A_29 : memref<128x24xf32, #tpu.memory_space<hbm>>) target(%arg10 : memref<128x24xf32, #tpu.memory_space<vmem>>) target_semaphore(%run_scoped3A : memref<!tpu.dma_semaphore, #tpu.memory_space<semaphore_mem>>)
      %dma_wait3A_30 = arith.constant 0 : i32
      %dma_wait3A_31 = tpu.memref_slice %arg2[%mul3A_2, %dma_wait3A_30] : memref<4096x24xf32, #tpu.memory_space<hbm>> -> memref<128x24xf32, #tpu.memory_space<hbm>>
      %dma_wait3A_32 = arith.constant 0 : i32
      %dma_wait3A_33 = tpu.memref_slice %arg2[%mul3A_2, %dma_wait3A_32] : memref<4096x24xf32, #tpu.memory_space<hbm>> -> memref<128x24xf32, #tpu.memory_space<hbm>>
      tpu.wait_dma2 semaphore(%run_scoped3A : memref<!tpu.dma_semaphore, #tpu.memory_space<semaphore_mem>>) src(%dma_wait3A_33 : memref<128x24xf32, #tpu.memory_space<hbm>>) dst(%arg10 : memref<128x24xf32, #tpu.memory_space<vmem>>)
      tpu.yield
    }) : () -> ()
    %iota3A = tpu.iota {dimensions = array<i32: 0>} : vector<16xi32>
    %ge3A = arith.constant 2 : i32
    %ge3A_3 = vector.broadcast %ge3A : i32 to vector<16xi32>
    %ge3A_4 = arith.cmpi sge, %iota3A, %ge3A_3 : vector<16xi32>
    %lt3A = arith.constant 3 : i32
    %lt3A_5 = vector.broadcast %lt3A : i32 to vector<16xi32>
    %lt3A_6 = arith.cmpi slt, %iota3A, %lt3A_5 : vector<16xi32>
    %scan3A = arith.constant 0 : i32
    %scan3A_7 = arith.constant 0 : i32
    %scan3A_8 = arith.constant 8 : i32
    %scan3A_9 = arith.addi %scan3A_7, %scan3A_8 : i32
    %scan3A_10 = arith.constant 1 : i32
    scf.for %scan3A_27 = %scan3A_7 to %scan3A_9 step %scan3A_10  : i32 {
      %mul3A_28 = arith.constant 2 : i32
      %mul3A_29 = arith.muli %mul3A_28, %scan3A_27 : i32
      %mul3A_30 = arith.constant 2 : i32
      %mul3A_31 = arith.muli %mul3A_30, %scan3A_27 : i32
      %add3A_32 = arith.constant 1 : i32
      %add3A_33 = arith.addi %mul3A_31, %add3A_32 : i32
      %gt3A = arith.constant 0 : i32
      %gt3A_34 = arith.cmpi sgt, %scan3A_27, %gt3A : i32
      %convert_element_type3A = arith.extui %gt3A_34 : i1 to i32
      %cond3A = arith.constant 0 : i32
      %cond3A_35 = arith.cmpi ne, %convert_element_type3A, %cond3A : i32
      scf.if %cond3A_35 {
        %mul3A_555 = arith.constant 128 : i32
        %mul3A_556 = arith.muli %add3A, %mul3A_555 : i32
        %mul3A_557 = arith.constant 8 : i32
        %mul3A_558 = arith.muli %mul3A_29, %mul3A_557 : i32
        %add3A_559 = arith.addi %mul3A_556, %mul3A_558 : i32
        %dma_wait3A_560 = arith.constant 0 : i32
        %dma_wait3A_561 = tpu.memref_slice %arg6[%add3A_559, %dma_wait3A_560] : memref<4096x6195xf32, #tpu.memory_space<hbm>> -> memref<8x6195xf32, #tpu.memory_space<hbm>>
        %dma_wait3A_562 = arith.constant 0 : i32
        %dma_wait3A_563 = tpu.memref_slice %arg6[%add3A_559, %dma_wait3A_562] : memref<4096x6195xf32, #tpu.memory_space<hbm>> -> memref<8x6195xf32, #tpu.memory_space<hbm>>
        tpu.wait_dma2 semaphore(%arg13 : memref<!tpu.dma_semaphore, #tpu.memory_space<semaphore_mem>>) src(%arg11 : memref<8x6195xf32, #tpu.memory_space<vmem>>) dst(%dma_wait3A_563 : memref<8x6195xf32, #tpu.memory_space<hbm>>)
      } else {
      }
      %mul3A_36 = arith.constant 8 : i32
      %mul3A_37 = arith.muli %mul3A_29, %mul3A_36 : i32
      %parallel_loop3A = arith.constant 0 : i32
      %parallel_loop3A_38 = arith.constant 13 : i32
      %parallel_loop3A_39 = arith.constant 1 : i32
      scf.for %parallel_loop3A_555 = %parallel_loop3A to %parallel_loop3A_38 step %parallel_loop3A_39  : i32 {
        %parallel_loop3A_556 = arith.constant 16 : i32
        %parallel_loop3A_557 = arith.muli %parallel_loop3A_555, %parallel_loop3A_556 : i32
        %parallel_loop3A_558 = arith.index_cast %parallel_loop3A_557 : i32 to index
        %parallel_loop3A_559 = tpu.vector_load %arg9[%parallel_loop3A_558] {strides = array<i32>} : memref<6208xi32, #tpu.memory_space<vmem>>, vector<16xi32>,
        %parallel_loop3A_560 = arith.constant 16 : i32
        %parallel_loop3A_561 = arith.muli %parallel_loop3A_555, %parallel_loop3A_560 : i32
        %parallel_loop3A_562 = arith.index_cast %parallel_loop3A_561 : i32 to index
        %parallel_loop3A_563 = tpu.vector_load %arg7[%parallel_loop3A_562] {strides = array<i32>} : memref<6208xi32, #tpu.memory_space<vmem>>, vector<16xi32>,
        %parallel_loop3A_564 = arith.constant 16 : i32
        %parallel_loop3A_565 = arith.muli %parallel_loop3A_555, %parallel_loop3A_564 : i32
        %parallel_loop3A_566 = vector.broadcast %parallel_loop3A_565 : i32 to vector<16xi32>
        %parallel_loop3A_567 = arith.addi %parallel_loop3A_566, %iota3A : vector<16xi32>
        %parallel_loop3A_568 = arith.constant 0 : i32
        %parallel_loop3A_569 = vector.broadcast %parallel_loop3A_568 : i32 to vector<16xi32>
        %parallel_loop3A_570 = vector.broadcast %mul3A_37 : i32 to vector<16xi32>
        %parallel_loop3A_571 = arith.addi %parallel_loop3A_570, %parallel_loop3A_569 : vector<16xi32>
        %parallel_loop3A_572 = tpu.vector_load_idx %arg10[%parallel_loop3A_571, %parallel_loop3A_563] : memref<128x24xf32, #tpu.memory_space<vmem>>[vector<16xi32>, vector<16xi32>], vector<16xf32>,
        %parallel_loop3A_573 = arith.constant 0 : i32
        %parallel_loop3A_574 = vector.broadcast %parallel_loop3A_573 : i32 to vector<16xi32>
        %parallel_loop3A_575 = vector.broadcast %mul3A_37 : i32 to vector<16xi32>
        %parallel_loop3A_576 = arith.addi %parallel_loop3A_575, %parallel_loop3A_574 : vector<16xi32>
        %parallel_loop3A_577 = tpu.vector_load_idx %arg10[%parallel_loop3A_576, %parallel_loop3A_559] : memref<128x24xf32, #tpu.memory_space<vmem>>[vector<16xi32>, vector<16xi32>], vector<16xf32>,
        %parallel_loop3A_578 = arith.constant 1 : i32
        %parallel_loop3A_579 = vector.broadcast %parallel_loop3A_578 : i32 to vector<16xi32>
        %parallel_loop3A_580 = vector.broadcast %mul3A_37 : i32 to vector<16xi32>
        %parallel_loop3A_581 = arith.addi %parallel_loop3A_580, %parallel_loop3A_579 : vector<16xi32>
        %parallel_loop3A_582 = tpu.vector_load_idx %arg10[%parallel_loop3A_581, %parallel_loop3A_563] : memref<128x24xf32, #tpu.memory_space<vmem>>[vector<16xi32>, vector<16xi32>], vector<16xf32>,
        %parallel_loop3A_583 = arith.constant 1 : i32
        %parallel_loop3A_584 = vector.broadcast %parallel_loop3A_583 : i32 to vector<16xi32>
        %parallel_loop3A_585 = vector.broadcast %mul3A_37 : i32 to vector<16xi32>
        %parallel_loop3A_586 = arith.addi %parallel_loop3A_585, %parallel_loop3A_584 : vector<16xi32>
        %parallel_loop3A_587 = tpu.vector_load_idx %arg10[%parallel_loop3A_586, %parallel_loop3A_559] : memref<128x24xf32, #tpu.memory_space<vmem>>[vector<16xi32>, vector<16xi32>], vector<16xf32>,
        %parallel_loop3A_588 = arith.constant 2 : i32
        %parallel_loop3A_589 = vector.broadcast %parallel_loop3A_588 : i32 to vector<16xi32>
        %parallel_loop3A_590 = vector.broadcast %mul3A_37 : i32 to vector<16xi32>
        %parallel_loop3A_591 = arith.addi %parallel_loop3A_590, %parallel_loop3A_589 : vector<16xi32>
        %parallel_loop3A_592 = tpu.vector_load_idx %arg10[%parallel_loop3A_591, %parallel_loop3A_563] : memref<128x24xf32, #tpu.memory_space<vmem>>[vector<16xi32>, vector<16xi32>], vector<16xf32>,
        %parallel_loop3A_593 = arith.constant 2 : i32
        %parallel_loop3A_594 = vector.broadcast %parallel_loop3A_593 : i32 to vector<16xi32>
        %parallel_loop3A_595 = vector.broadcast %mul3A_37 : i32 to vector<16xi32>
        %parallel_loop3A_596 = arith.addi %parallel_loop3A_595, %parallel_loop3A_594 : vector<16xi32>
        %parallel_loop3A_597 = tpu.vector_load_idx %arg10[%parallel_loop3A_596, %parallel_loop3A_559] : memref<128x24xf32, #tpu.memory_space<vmem>>[vector<16xi32>, vector<16xi32>], vector<16xf32>,
        %parallel_loop3A_598 = arith.constant 3 : i32
        %parallel_loop3A_599 = vector.broadcast %parallel_loop3A_598 : i32 to vector<16xi32>
        %parallel_loop3A_600 = vector.broadcast %mul3A_37 : i32 to vector<16xi32>
        %parallel_loop3A_601 = arith.addi %parallel_loop3A_600, %parallel_loop3A_599 : vector<16xi32>
        %parallel_loop3A_602 = tpu.vector_load_idx %arg10[%parallel_loop3A_601, %parallel_loop3A_563] : memref<128x24xf32, #tpu.memory_space<vmem>>[vector<16xi32>, vector<16xi32>], vector<16xf32>,
        %parallel_loop3A_603 = arith.constant 3 : i32
        %parallel_loop3A_604 = vector.broadcast %parallel_loop3A_603 : i32 to vector<16xi32>
        %parallel_loop3A_605 = vector.broadcast %mul3A_37 : i32 to vector<16xi32>
        %parallel_loop3A_606 = arith.addi %parallel_loop3A_605, %parallel_loop3A_604 : vector<16xi32>
        %parallel_loop3A_607 = tpu.vector_load_idx %arg10[%parallel_loop3A_606, %parallel_loop3A_559] : memref<128x24xf32, #tpu.memory_space<vmem>>[vector<16xi32>, vector<16xi32>], vector<16xf32>,
        %parallel_loop3A_608 = arith.constant 4 : i32
        %parallel_loop3A_609 = vector.broadcast %parallel_loop3A_608 : i32 to vector<16xi32>
        %parallel_loop3A_610 = vector.broadcast %mul3A_37 : i32 to vector<16xi32>
        %parallel_loop3A_611 = arith.addi %parallel_loop3A_610, %parallel_loop3A_609 : vector<16xi32>
        %parallel_loop3A_612 = tpu.vector_load_idx %arg10[%parallel_loop3A_611, %parallel_loop3A_563] : memref<128x24xf32, #tpu.memory_space<vmem>>[vector<16xi32>, vector<16xi32>], vector<16xf32>,
        %parallel_loop3A_613 = arith.constant 4 : i32
        %parallel_loop3A_614 = vector.broadcast %parallel_loop3A_613 : i32 to vector<16xi32>
        %parallel_loop3A_615 = vector.broadcast %mul3A_37 : i32 to vector<16xi32>
        %parallel_loop3A_616 = arith.addi %parallel_loop3A_615, %parallel_loop3A_614 : vector<16xi32>
        %parallel_loop3A_617 = tpu.vector_load_idx %arg10[%parallel_loop3A_616, %parallel_loop3A_559] : memref<128x24xf32, #tpu.memory_space<vmem>>[vector<16xi32>, vector<16xi32>], vector<16xf32>,
        %parallel_loop3A_618 = arith.constant 5 : i32
        %parallel_loop3A_619 = vector.broadcast %parallel_loop3A_618 : i32 to vector<16xi32>
        %parallel_loop3A_620 = vector.broadcast %mul3A_37 : i32 to vector<16xi32>
        %parallel_loop3A_621 = arith.addi %parallel_loop3A_620, %parallel_loop3A_619 : vector<16xi32>
        %parallel_loop3A_622 = tpu.vector_load_idx %arg10[%parallel_loop3A_621, %parallel_loop3A_563] : memref<128x24xf32, #tpu.memory_space<vmem>>[vector<16xi32>, vector<16xi32>], vector<16xf32>,
        %parallel_loop3A_623 = arith.constant 5 : i32
        %parallel_loop3A_624 = vector.broadcast %parallel_loop3A_623 : i32 to vector<16xi32>
        %parallel_loop3A_625 = vector.broadcast %mul3A_37 : i32 to vector<16xi32>
        %parallel_loop3A_626 = arith.addi %parallel_loop3A_625, %parallel_loop3A_624 : vector<16xi32>
        %parallel_loop3A_627 = tpu.vector_load_idx %arg10[%parallel_loop3A_626, %parallel_loop3A_559] : memref<128x24xf32, #tpu.memory_space<vmem>>[vector<16xi32>, vector<16xi32>], vector<16xf32>,
        %parallel_loop3A_628 = arith.constant 6 : i32
        %parallel_loop3A_629 = vector.broadcast %parallel_loop3A_628 : i32 to vector<16xi32>
        %parallel_loop3A_630 = vector.broadcast %mul3A_37 : i32 to vector<16xi32>
        %parallel_loop3A_631 = arith.addi %parallel_loop3A_630, %parallel_loop3A_629 : vector<16xi32>
        %parallel_loop3A_632 = tpu.vector_load_idx %arg10[%parallel_loop3A_631, %parallel_loop3A_563] : memref<128x24xf32, #tpu.memory_space<vmem>>[vector<16xi32>, vector<16xi32>], vector<16xf32>,
        %parallel_loop3A_633 = arith.constant 6 : i32
        %parallel_loop3A_634 = vector.broadcast %parallel_loop3A_633 : i32 to vector<16xi32>
        %parallel_loop3A_635 = vector.broadcast %mul3A_37 : i32 to vector<16xi32>
        %parallel_loop3A_636 = arith.addi %parallel_loop3A_635, %parallel_loop3A_634 : vector<16xi32>
        %parallel_loop3A_637 = tpu.vector_load_idx %arg10[%parallel_loop3A_636, %parallel_loop3A_559] : memref<128x24xf32, #tpu.memory_space<vmem>>[vector<16xi32>, vector<16xi32>], vector<16xf32>,
        %parallel_loop3A_638 = arith.constant 7 : i32
        %parallel_loop3A_639 = vector.broadcast %parallel_loop3A_638 : i32 to vector<16xi32>
        %parallel_loop3A_640 = vector.broadcast %mul3A_37 : i32 to vector<16xi32>
        %parallel_loop3A_641 = arith.addi %parallel_loop3A_640, %parallel_loop3A_639 : vector<16xi32>
        %parallel_loop3A_642 = tpu.vector_load_idx %arg10[%parallel_loop3A_641, %parallel_loop3A_563] : memref<128x24xf32, #tpu.memory_space<vmem>>[vector<16xi32>, vector<16xi32>], vector<16xf32>,
        %parallel_loop3A_643 = arith.constant 7 : i32
        %parallel_loop3A_644 = vector.broadcast %parallel_loop3A_643 : i32 to vector<16xi32>
        %parallel_loop3A_645 = vector.broadcast %mul3A_37 : i32 to vector<16xi32>
        %parallel_loop3A_646 = arith.addi %parallel_loop3A_645, %parallel_loop3A_644 : vector<16xi32>
        %parallel_loop3A_647 = tpu.vector_load_idx %arg10[%parallel_loop3A_646, %parallel_loop3A_559] : memref<128x24xf32, #tpu.memory_space<vmem>>[vector<16xi32>, vector<16xi32>], vector<16xf32>,
        %parallel_loop3A_648 = arith.constant 0 : i32
        %parallel_loop3A_649 = vector.broadcast %parallel_loop3A_648 : i32 to vector<16xi32>
        %parallel_loop3A_650 = arith.mulf %parallel_loop3A_572, %parallel_loop3A_577 : vector<16xf32>
        tpu.vector_store_idx %arg11[%parallel_loop3A_649, %parallel_loop3A_567], %parallel_loop3A_650 : memref<8x6195xf32, #tpu.memory_space<vmem>>[vector<16xi32>, vector<16xi32>], vector<16xf32>,
        %parallel_loop3A_651 = arith.constant 1 : i32
        %parallel_loop3A_652 = vector.broadcast %parallel_loop3A_651 : i32 to vector<16xi32>
        %parallel_loop3A_653 = arith.mulf %parallel_loop3A_582, %parallel_loop3A_587 : vector<16xf32>
        tpu.vector_store_idx %arg11[%parallel_loop3A_652, %parallel_loop3A_567], %parallel_loop3A_653 : memref<8x6195xf32, #tpu.memory_space<vmem>>[vector<16xi32>, vector<16xi32>], vector<16xf32>,
        %parallel_loop3A_654 = arith.constant 2 : i32
        %parallel_loop3A_655 = vector.broadcast %parallel_loop3A_654 : i32 to vector<16xi32>
        %parallel_loop3A_656 = arith.mulf %parallel_loop3A_592, %parallel_loop3A_597 : vector<16xf32>
        tpu.vector_store_idx %arg11[%parallel_loop3A_655, %parallel_loop3A_567], %parallel_loop3A_656 : memref<8x6195xf32, #tpu.memory_space<vmem>>[vector<16xi32>, vector<16xi32>], vector<16xf32>,
        %parallel_loop3A_657 = arith.constant 3 : i32
        %parallel_loop3A_658 = vector.broadcast %parallel_loop3A_657 : i32 to vector<16xi32>
        %parallel_loop3A_659 = arith.mulf %parallel_loop3A_602, %parallel_loop3A_607 : vector<16xf32>
        tpu.vector_store_idx %arg11[%parallel_loop3A_658, %parallel_loop3A_567], %parallel_loop3A_659 : memref<8x6195xf32, #tpu.memory_space<vmem>>[vector<16xi32>, vector<16xi32>], vector<16xf32>,
        %parallel_loop3A_660 = arith.constant 4 : i32
        %parallel_loop3A_661 = vector.broadcast %parallel_loop3A_660 : i32 to vector<16xi32>
        %parallel_loop3A_662 = arith.mulf %parallel_loop3A_612, %parallel_loop3A_617 : vector<16xf32>
        tpu.vector_store_idx %arg11[%parallel_loop3A_661, %parallel_loop3A_567], %parallel_loop3A_662 : memref<8x6195xf32, #tpu.memory_space<vmem>>[vector<16xi32>, vector<16xi32>], vector<16xf32>,
        %parallel_loop3A_663 = arith.constant 5 : i32
        %parallel_loop3A_664 = vector.broadcast %parallel_loop3A_663 : i32 to vector<16xi32>
        %parallel_loop3A_665 = arith.mulf %parallel_loop3A_622, %parallel_loop3A_627 : vector<16xf32>
        tpu.vector_store_idx %arg11[%parallel_loop3A_664, %parallel_loop3A_567], %parallel_loop3A_665 : memref<8x6195xf32, #tpu.memory_space<vmem>>[vector<16xi32>, vector<16xi32>], vector<16xf32>,
        %parallel_loop3A_666 = arith.constant 6 : i32
        %parallel_loop3A_667 = vector.broadcast %parallel_loop3A_666 : i32 to vector<16xi32>
        %parallel_loop3A_668 = arith.mulf %parallel_loop3A_632, %parallel_loop3A_637 : vector<16xf32>
        tpu.vector_store_idx %arg11[%parallel_loop3A_667, %parallel_loop3A_567], %parallel_loop3A_668 : memref<8x6195xf32, #tpu.memory_space<vmem>>[vector<16xi32>, vector<16xi32>], vector<16xf32>,
        %parallel_loop3A_669 = arith.constant 7 : i32
        %parallel_loop3A_670 = vector.broadcast %parallel_loop3A_669 : i32 to vector<16xi32>
        %parallel_loop3A_671 = arith.mulf %parallel_loop3A_642, %parallel_loop3A_647 : vector<16xf32>
        tpu.vector_store_idx %arg11[%parallel_loop3A_670, %parallel_loop3A_567], %parallel_loop3A_671 : memref<8x6195xf32, #tpu.memory_space<vmem>>[vector<16xi32>, vector<16xi32>], vector<16xf32>,
      } {sc.loop_unroll_factor = 1 : i64, sc.parallel_access}
      %get3A = arith.constant 208 : index
      %get3A_40 = tpu.vector_load %arg9[%get3A] {strides = array<i32>} : memref<6208xi32, #tpu.memory_space<vmem>>, vector<16xi32>,
      %get3A_41 = arith.constant 208 : index
      %get3A_42 = tpu.vector_load %arg7[%get3A_41] {strides = array<i32>} : memref<6208xi32, #tpu.memory_space<vmem>>, vector<16xi32>,
      %get3A_43 = arith.constant 208 : index
      %get3A_44 = tpu.vector_load %arg8[%get3A_43] {strides = array<i32>} : memref<6208xi32, #tpu.memory_space<vmem>>, vector<16xi32>,
      %add3A_45 = arith.constant 208 : i32
      %add3A_46 = vector.broadcast %add3A_45 : i32 to vector<16xi32>
      %add3A_47 = arith.addi %add3A_46, %iota3A : vector<16xi32>
      %broadcast_in_dim3A = arith.constant 0 : i32
      %broadcast_in_dim3A_48 = vector.broadcast %broadcast_in_dim3A : i32 to vector<16xi32>
      %add3A_49 = vector.broadcast %mul3A_37 : i32 to vector<16xi32>
      %add3A_50 = arith.addi %add3A_49, %broadcast_in_dim3A_48 : vector<16xi32>
      %gather3A = tpu.vector_load_idx %arg10[%add3A_50, %get3A_42] : memref<128x24xf32, #tpu.memory_space<vmem>>[vector<16xi32>, vector<16xi32>], vector<16xf32>,
      %broadcast_in_dim3A_51 = arith.constant 0 : i32
      %broadcast_in_dim3A_52 = vector.broadcast %broadcast_in_dim3A_51 : i32 to vector<16xi32>
      %gather3A_53 = tpu.vector_load_idx %arg11[%broadcast_in_dim3A_52, %get3A_44] : memref<8x6195xf32, #tpu.memory_space<vmem>>[vector<16xi32>, vector<16xi32>], vector<16xf32>,
      %broadcast_in_dim3A_54 = arith.constant 0 : i32
      %broadcast_in_dim3A_55 = vector.broadcast %broadcast_in_dim3A_54 : i32 to vector<16xi32>
      %add3A_56 = vector.broadcast %mul3A_37 : i32 to vector<16xi32>
      %add3A_57 = arith.addi %add3A_56, %broadcast_in_dim3A_55 : vector<16xi32>
      %gather3A_58 = tpu.vector_load_idx %arg10[%add3A_57, %get3A_40] : memref<128x24xf32, #tpu.memory_space<vmem>>[vector<16xi32>, vector<16xi32>], vector<16xf32>,
      %select_n3A = arith.select %ge3A_4, %gather3A_53, %gather3A : vector<16xi1>, vector<16xf32>
      %mul3A_59 = arith.mulf %select_n3A, %gather3A_58 : vector<16xf32>
      %broadcast_in_dim3A_60 = arith.constant 1 : i32
      %broadcast_in_dim3A_61 = vector.broadcast %broadcast_in_dim3A_60 : i32 to vector<16xi32>
      %add3A_62 = vector.broadcast %mul3A_37 : i32 to vector<16xi32>
      %add3A_63 = arith.addi %add3A_62, %broadcast_in_dim3A_61 : vector<16xi32>
      %gather3A_64 = tpu.vector_load_idx %arg10[%add3A_63, %get3A_42] : memref<128x24xf32, #tpu.memory_space<vmem>>[vector<16xi32>, vector<16xi32>], vector<16xf32>,
      %broadcast_in_dim3A_65 = arith.constant 1 : i32
      %broadcast_in_dim3A_66 = vector.broadcast %broadcast_in_dim3A_65 : i32 to vector<16xi32>
      %gather3A_67 = tpu.vector_load_idx %arg11[%broadcast_in_dim3A_66, %get3A_44] : memref<8x6195xf32, #tpu.memory_space<vmem>>[vector<16xi32>, vector<16xi32>], vector<16xf32>,
      %broadcast_in_dim3A_68 = arith.constant 1 : i32
      %broadcast_in_dim3A_69 = vector.broadcast %broadcast_in_dim3A_68 : i32 to vector<16xi32>
      %add3A_70 = vector.broadcast %mul3A_37 : i32 to vector<16xi32>
      %add3A_71 = arith.addi %add3A_70, %broadcast_in_dim3A_69 : vector<16xi32>
      %gather3A_72 = tpu.vector_load_idx %arg10[%add3A_71, %get3A_40] : memref<128x24xf32, #tpu.memory_space<vmem>>[vector<16xi32>, vector<16xi32>], vector<16xf32>,
      %select_n3A_73 = arith.select %ge3A_4, %gather3A_67, %gather3A_64 : vector<16xi1>, vector<16xf32>
      %mul3A_74 = arith.mulf %select_n3A_73, %gather3A_72 : vector<16xf32>
      %broadcast_in_dim3A_75 = arith.constant 2 : i32
      %broadcast_in_dim3A_76 = vector.broadcast %broadcast_in_dim3A_75 : i32 to vector<16xi32>
      %add3A_77 = vector.broadcast %mul3A_37 : i32 to vector<16xi32>
      %add3A_78 = arith.addi %add3A_77, %broadcast_in_dim3A_76 : vector<16xi32>
      %gather3A_79 = tpu.vector_load_idx %arg10[%add3A_78, %get3A_42] : memref<128x24xf32, #tpu.memory_space<vmem>>[vector<16xi32>, vector<16xi32>], vector<16xf32>,
      %broadcast_in_dim3A_80 = arith.constant 2 : i32
      %broadcast_in_dim3A_81 = vector.broadcast %broadcast_in_dim3A_80 : i32 to vector<16xi32>
      %gather3A_82 = tpu.vector_load_idx %arg11[%broadcast_in_dim3A_81, %get3A_44] : memref<8x6195xf32, #tpu.memory_space<vmem>>[vector<16xi32>, vector<16xi32>], vector<16xf32>,
      %broadcast_in_dim3A_83 = arith.constant 2 : i32
      %broadcast_in_dim3A_84 = vector.broadcast %broadcast_in_dim3A_83 : i32 to vector<16xi32>
      %add3A_85 = vector.broadcast %mul3A_37 : i32 to vector<16xi32>
      %add3A_86 = arith.addi %add3A_85, %broadcast_in_dim3A_84 : vector<16xi32>
      %gather3A_87 = tpu.vector_load_idx %arg10[%add3A_86, %get3A_40] : memref<128x24xf32, #tpu.memory_space<vmem>>[vector<16xi32>, vector<16xi32>], vector<16xf32>,
      %select_n3A_88 = arith.select %ge3A_4, %gather3A_82, %gather3A_79 : vector<16xi1>, vector<16xf32>
      %mul3A_89 = arith.mulf %select_n3A_88, %gather3A_87 : vector<16xf32>
      %broadcast_in_dim3A_90 = arith.constant 3 : i32
      %broadcast_in_dim3A_91 = vector.broadcast %broadcast_in_dim3A_90 : i32 to vector<16xi32>
      %add3A_92 = vector.broadcast %mul3A_37 : i32 to vector<16xi32>
      %add3A_93 = arith.addi %add3A_92, %broadcast_in_dim3A_91 : vector<16xi32>
      %gather3A_94 = tpu.vector_load_idx %arg10[%add3A_93, %get3A_42] : memref<128x24xf32, #tpu.memory_space<vmem>>[vector<16xi32>, vector<16xi32>], vector<16xf32>,
      %broadcast_in_dim3A_95 = arith.constant 3 : i32
      %broadcast_in_dim3A_96 = vector.broadcast %broadcast_in_dim3A_95 : i32 to vector<16xi32>
      %gather3A_97 = tpu.vector_load_idx %arg11[%broadcast_in_dim3A_96, %get3A_44] : memref<8x6195xf32, #tpu.memory_space<vmem>>[vector<16xi32>, vector<16xi32>], vector<16xf32>,
      %broadcast_in_dim3A_98 = arith.constant 3 : i32
      %broadcast_in_dim3A_99 = vector.broadcast %broadcast_in_dim3A_98 : i32 to vector<16xi32>
      %add3A_100 = vector.broadcast %mul3A_37 : i32 to vector<16xi32>
      %add3A_101 = arith.addi %add3A_100, %broadcast_in_dim3A_99 : vector<16xi32>
      %gather3A_102 = tpu.vector_load_idx %arg10[%add3A_101, %get3A_40] : memref<128x24xf32, #tpu.memory_space<vmem>>[vector<16xi32>, vector<16xi32>], vector<16xf32>,
      %select_n3A_103 = arith.select %ge3A_4, %gather3A_97, %gather3A_94 : vector<16xi1>, vector<16xf32>
      %mul3A_104 = arith.mulf %select_n3A_103, %gather3A_102 : vector<16xf32>
      %broadcast_in_dim3A_105 = arith.constant 4 : i32
      %broadcast_in_dim3A_106 = vector.broadcast %broadcast_in_dim3A_105 : i32 to vector<16xi32>
      %add3A_107 = vector.broadcast %mul3A_37 : i32 to vector<16xi32>
      %add3A_108 = arith.addi %add3A_107, %broadcast_in_dim3A_106 : vector<16xi32>
      %gather3A_109 = tpu.vector_load_idx %arg10[%add3A_108, %get3A_42] : memref<128x24xf32, #tpu.memory_space<vmem>>[vector<16xi32>, vector<16xi32>], vector<16xf32>,
      %broadcast_in_dim3A_110 = arith.constant 4 : i32
      %broadcast_in_dim3A_111 = vector.broadcast %broadcast_in_dim3A_110 : i32 to vector<16xi32>
      %gather3A_112 = tpu.vector_load_idx %arg11[%broadcast_in_dim3A_111, %get3A_44] : memref<8x6195xf32, #tpu.memory_space<vmem>>[vector<16xi32>, vector<16xi32>], vector<16xf32>,
      %broadcast_in_dim3A_113 = arith.constant 4 : i32
      %broadcast_in_dim3A_114 = vector.broadcast %broadcast_in_dim3A_113 : i32 to vector<16xi32>
      %add3A_115 = vector.broadcast %mul3A_37 : i32 to vector<16xi32>
      %add3A_116 = arith.addi %add3A_115, %broadcast_in_dim3A_114 : vector<16xi32>
      %gather3A_117 = tpu.vector_load_idx %arg10[%add3A_116, %get3A_40] : memref<128x24xf32, #tpu.memory_space<vmem>>[vector<16xi32>, vector<16xi32>], vector<16xf32>,
      %select_n3A_118 = arith.select %ge3A_4, %gather3A_112, %gather3A_109 : vector<16xi1>, vector<16xf32>
      %mul3A_119 = arith.mulf %select_n3A_118, %gather3A_117 : vector<16xf32>
      %broadcast_in_dim3A_120 = arith.constant 5 : i32
      %broadcast_in_dim3A_121 = vector.broadcast %broadcast_in_dim3A_120 : i32 to vector<16xi32>
      %add3A_122 = vector.broadcast %mul3A_37 : i32 to vector<16xi32>
      %add3A_123 = arith.addi %add3A_122, %broadcast_in_dim3A_121 : vector<16xi32>
      %gather3A_124 = tpu.vector_load_idx %arg10[%add3A_123, %get3A_42] : memref<128x24xf32, #tpu.memory_space<vmem>>[vector<16xi32>, vector<16xi32>], vector<16xf32>,
      %broadcast_in_dim3A_125 = arith.constant 5 : i32
      %broadcast_in_dim3A_126 = vector.broadcast %broadcast_in_dim3A_125 : i32 to vector<16xi32>
      %gather3A_127 = tpu.vector_load_idx %arg11[%broadcast_in_dim3A_126, %get3A_44] : memref<8x6195xf32, #tpu.memory_space<vmem>>[vector<16xi32>, vector<16xi32>], vector<16xf32>,
      %broadcast_in_dim3A_128 = arith.constant 5 : i32
      %broadcast_in_dim3A_129 = vector.broadcast %broadcast_in_dim3A_128 : i32 to vector<16xi32>
      %add3A_130 = vector.broadcast %mul3A_37 : i32 to vector<16xi32>
      %add3A_131 = arith.addi %add3A_130, %broadcast_in_dim3A_129 : vector<16xi32>
      %gather3A_132 = tpu.vector_load_idx %arg10[%add3A_131, %get3A_40] : memref<128x24xf32, #tpu.memory_space<vmem>>[vector<16xi32>, vector<16xi32>], vector<16xf32>,
      %select_n3A_133 = arith.select %ge3A_4, %gather3A_127, %gather3A_124 : vector<16xi1>, vector<16xf32>
      %mul3A_134 = arith.mulf %select_n3A_133, %gather3A_132 : vector<16xf32>
      %broadcast_in_dim3A_135 = arith.constant 6 : i32
      %broadcast_in_dim3A_136 = vector.broadcast %broadcast_in_dim3A_135 : i32 to vector<16xi32>
      %add3A_137 = vector.broadcast %mul3A_37 : i32 to vector<16xi32>
      %add3A_138 = arith.addi %add3A_137, %broadcast_in_dim3A_136 : vector<16xi32>
      %gather3A_139 = tpu.vector_load_idx %arg10[%add3A_138, %get3A_42] : memref<128x24xf32, #tpu.memory_space<vmem>>[vector<16xi32>, vector<16xi32>], vector<16xf32>,
      %broadcast_in_dim3A_140 = arith.constant 6 : i32
      %broadcast_in_dim3A_141 = vector.broadcast %broadcast_in_dim3A_140 : i32 to vector<16xi32>
      %gather3A_142 = tpu.vector_load_idx %arg11[%broadcast_in_dim3A_141, %get3A_44] : memref<8x6195xf32, #tpu.memory_space<vmem>>[vector<16xi32>, vector<16xi32>], vector<16xf32>,
      %broadcast_in_dim3A_143 = arith.constant 6 : i32
      %broadcast_in_dim3A_144 = vector.broadcast %broadcast_in_dim3A_143 : i32 to vector<16xi32>
      %add3A_145 = vector.broadcast %mul3A_37 : i32 to vector<16xi32>
      %add3A_146 = arith.addi %add3A_145, %broadcast_in_dim3A_144 : vector<16xi32>
      %gather3A_147 = tpu.vector_load_idx %arg10[%add3A_146, %get3A_40] : memref<128x24xf32, #tpu.memory_space<vmem>>[vector<16xi32>, vector<16xi32>], vector<16xf32>,
      %select_n3A_148 = arith.select %ge3A_4, %gather3A_142, %gather3A_139 : vector<16xi1>, vector<16xf32>
      %mul3A_149 = arith.mulf %select_n3A_148, %gather3A_147 : vector<16xf32>
      %broadcast_in_dim3A_150 = arith.constant 7 : i32
      %broadcast_in_dim3A_151 = vector.broadcast %broadcast_in_dim3A_150 : i32 to vector<16xi32>
      %add3A_152 = vector.broadcast %mul3A_37 : i32 to vector<16xi32>
      %add3A_153 = arith.addi %add3A_152, %broadcast_in_dim3A_151 : vector<16xi32>
      %gather3A_154 = tpu.vector_load_idx %arg10[%add3A_153, %get3A_42] : memref<128x24xf32, #tpu.memory_space<vmem>>[vector<16xi32>, vector<16xi32>], vector<16xf32>,
      %broadcast_in_dim3A_155 = arith.constant 7 : i32
      %broadcast_in_dim3A_156 = vector.broadcast %broadcast_in_dim3A_155 : i32 to vector<16xi32>
      %gather3A_157 = tpu.vector_load_idx %arg11[%broadcast_in_dim3A_156, %get3A_44] : memref<8x6195xf32, #tpu.memory_space<vmem>>[vector<16xi32>, vector<16xi32>], vector<16xf32>,
      %broadcast_in_dim3A_158 = arith.constant 7 : i32
      %broadcast_in_dim3A_159 = vector.broadcast %broadcast_in_dim3A_158 : i32 to vector<16xi32>
      %add3A_160 = vector.broadcast %mul3A_37 : i32 to vector<16xi32>
      %add3A_161 = arith.addi %add3A_160, %broadcast_in_dim3A_159 : vector<16xi32>
      %gather3A_162 = tpu.vector_load_idx %arg10[%add3A_161, %get3A_40] : memref<128x24xf32, #tpu.memory_space<vmem>>[vector<16xi32>, vector<16xi32>], vector<16xf32>,
      %select_n3A_163 = arith.select %ge3A_4, %gather3A_157, %gather3A_154 : vector<16xi1>, vector<16xf32>
      %mul3A_164 = arith.mulf %select_n3A_163, %gather3A_162 : vector<16xf32>
      %broadcast_in_dim3A_165 = arith.constant 0 : i32
      %broadcast_in_dim3A_166 = vector.broadcast %broadcast_in_dim3A_165 : i32 to vector<16xi32>
      tpu.vector_store_idx %arg11[%broadcast_in_dim3A_166, %add3A_47], %mul3A_59 : memref<8x6195xf32, #tpu.memory_space<vmem>>[vector<16xi32>, vector<16xi32>], vector<16xf32>,
      %broadcast_in_dim3A_167 = arith.constant 1 : i32
      %broadcast_in_dim3A_168 = vector.broadcast %broadcast_in_dim3A_167 : i32 to vector<16xi32>
      tpu.vector_store_idx %arg11[%broadcast_in_dim3A_168, %add3A_47], %mul3A_74 : memref<8x6195xf32, #tpu.memory_space<vmem>>[vector<16xi32>, vector<16xi32>], vector<16xf32>,
      %broadcast_in_dim3A_169 = arith.constant 2 : i32
      %broadcast_in_dim3A_170 = vector.broadcast %broadcast_in_dim3A_169 : i32 to vector<16xi32>
      tpu.vector_store_idx %arg11[%broadcast_in_dim3A_170, %add3A_47], %mul3A_89 : memref<8x6195xf32, #tpu.memory_space<vmem>>[vector<16xi32>, vector<16xi32>], vector<16xf32>,
      %broadcast_in_dim3A_171 = arith.constant 3 : i32
      %broadcast_in_dim3A_172 = vector.broadcast %broadcast_in_dim3A_171 : i32 to vector<16xi32>
      tpu.vector_store_idx %arg11[%broadcast_in_dim3A_172, %add3A_47], %mul3A_104 : memref<8x6195xf32, #tpu.memory_space<vmem>>[vector<16xi32>, vector<16xi32>], vector<16xf32>,
      %broadcast_in_dim3A_173 = arith.constant 4 : i32
      %broadcast_in_dim3A_174 = vector.broadcast %broadcast_in_dim3A_173 : i32 to vector<16xi32>
      tpu.vector_store_idx %arg11[%broadcast_in_dim3A_174, %add3A_47], %mul3A_119 : memref<8x6195xf32, #tpu.memory_space<vmem>>[vector<16xi32>, vector<16xi32>], vector<16xf32>,
      %broadcast_in_dim3A_175 = arith.constant 5 : i32
      %broadcast_in_dim3A_176 = vector.broadcast %broadcast_in_dim3A_175 : i32 to vector<16xi32>
      tpu.vector_store_idx %arg11[%broadcast_in_dim3A_176, %add3A_47], %mul3A_134 : memref<8x6195xf32, #tpu.memory_space<vmem>>[vector<16xi32>, vector<16xi32>], vector<16xf32>,
      %broadcast_in_dim3A_177 = arith.constant 6 : i32
      %broadcast_in_dim3A_178 = vector.broadcast %broadcast_in_dim3A_177 : i32 to vector<16xi32>
      tpu.vector_store_idx %arg11[%broadcast_in_dim3A_178, %add3A_47], %mul3A_149 : memref<8x6195xf32, #tpu.memory_space<vmem>>[vector<16xi32>, vector<16xi32>], vector<16xf32>,
      %broadcast_in_dim3A_179 = arith.constant 7 : i32
      %broadcast_in_dim3A_180 = vector.broadcast %broadcast_in_dim3A_179 : i32 to vector<16xi32>
      tpu.vector_store_idx %arg11[%broadcast_in_dim3A_180, %add3A_47], %mul3A_164 : memref<8x6195xf32, #tpu.memory_space<vmem>>[vector<16xi32>, vector<16xi32>], vector<16xf32>,
      %parallel_loop3A_181 = arith.constant 14 : i32
      %parallel_loop3A_182 = arith.constant 85 : i32
      %parallel_loop3A_183 = arith.constant 1 : i32
      scf.for %parallel_loop3A_555 = %parallel_loop3A_181 to %parallel_loop3A_182 step %parallel_loop3A_183  : i32 {
        %parallel_loop3A_556 = arith.constant 16 : i32
        %parallel_loop3A_557 = arith.muli %parallel_loop3A_555, %parallel_loop3A_556 : i32
        %parallel_loop3A_558 = arith.index_cast %parallel_loop3A_557 : i32 to index
        %parallel_loop3A_559 = tpu.vector_load %arg9[%parallel_loop3A_558] {strides = array<i32>} : memref<6208xi32, #tpu.memory_space<vmem>>, vector<16xi32>,
        %parallel_loop3A_560 = arith.constant 16 : i32
        %parallel_loop3A_561 = arith.muli %parallel_loop3A_555, %parallel_loop3A_560 : i32
        %parallel_loop3A_562 = arith.index_cast %parallel_loop3A_561 : i32 to index
        %parallel_loop3A_563 = tpu.vector_load %arg8[%parallel_loop3A_562] {strides = array<i32>} : memref<6208xi32, #tpu.memory_space<vmem>>, vector<16xi32>,
        %parallel_loop3A_564 = arith.constant 16 : i32
        %parallel_loop3A_565 = arith.muli %parallel_loop3A_555, %parallel_loop3A_564 : i32
        %parallel_loop3A_566 = vector.broadcast %parallel_loop3A_565 : i32 to vector<16xi32>
        %parallel_loop3A_567 = arith.addi %parallel_loop3A_566, %iota3A : vector<16xi32>
        %parallel_loop3A_568 = arith.constant 0 : i32
        %parallel_loop3A_569 = vector.broadcast %parallel_loop3A_568 : i32 to vector<16xi32>
        %parallel_loop3A_570 = tpu.vector_load_idx %arg11[%parallel_loop3A_569, %parallel_loop3A_563] : memref<8x6195xf32, #tpu.memory_space<vmem>>[vector<16xi32>, vector<16xi32>], vector<16xf32>,
        %parallel_loop3A_571 = arith.constant 0 : i32
        %parallel_loop3A_572 = vector.broadcast %parallel_loop3A_571 : i32 to vector<16xi32>
        %parallel_loop3A_573 = vector.broadcast %mul3A_37 : i32 to vector<16xi32>
        %parallel_loop3A_574 = arith.addi %parallel_loop3A_573, %parallel_loop3A_572 : vector<16xi32>
        %parallel_loop3A_575 = tpu.vector_load_idx %arg10[%parallel_loop3A_574, %parallel_loop3A_559] : memref<128x24xf32, #tpu.memory_space<vmem>>[vector<16xi32>, vector<16xi32>], vector<16xf32>,
        %parallel_loop3A_576 = arith.constant 1 : i32
        %parallel_loop3A_577 = vector.broadcast %parallel_loop3A_576 : i32 to vector<16xi32>
        %parallel_loop3A_578 = tpu.vector_load_idx %arg11[%parallel_loop3A_577, %parallel_loop3A_563] : memref<8x6195xf32, #tpu.memory_space<vmem>>[vector<16xi32>, vector<16xi32>], vector<16xf32>,
        %parallel_loop3A_579 = arith.constant 1 : i32
        %parallel_loop3A_580 = vector.broadcast %parallel_loop3A_579 : i32 to vector<16xi32>
        %parallel_loop3A_581 = vector.broadcast %mul3A_37 : i32 to vector<16xi32>
        %parallel_loop3A_582 = arith.addi %parallel_loop3A_581, %parallel_loop3A_580 : vector<16xi32>
        %parallel_loop3A_583 = tpu.vector_load_idx %arg10[%parallel_loop3A_582, %parallel_loop3A_559] : memref<128x24xf32, #tpu.memory_space<vmem>>[vector<16xi32>, vector<16xi32>], vector<16xf32>,
        %parallel_loop3A_584 = arith.constant 2 : i32
        %parallel_loop3A_585 = vector.broadcast %parallel_loop3A_584 : i32 to vector<16xi32>
        %parallel_loop3A_586 = tpu.vector_load_idx %arg11[%parallel_loop3A_585, %parallel_loop3A_563] : memref<8x6195xf32, #tpu.memory_space<vmem>>[vector<16xi32>, vector<16xi32>], vector<16xf32>,
        %parallel_loop3A_587 = arith.constant 2 : i32
        %parallel_loop3A_588 = vector.broadcast %parallel_loop3A_587 : i32 to vector<16xi32>
        %parallel_loop3A_589 = vector.broadcast %mul3A_37 : i32 to vector<16xi32>
        %parallel_loop3A_590 = arith.addi %parallel_loop3A_589, %parallel_loop3A_588 : vector<16xi32>
        %parallel_loop3A_591 = tpu.vector_load_idx %arg10[%parallel_loop3A_590, %parallel_loop3A_559] : memref<128x24xf32, #tpu.memory_space<vmem>>[vector<16xi32>, vector<16xi32>], vector<16xf32>,
        %parallel_loop3A_592 = arith.constant 3 : i32
        %parallel_loop3A_593 = vector.broadcast %parallel_loop3A_592 : i32 to vector<16xi32>
        %parallel_loop3A_594 = tpu.vector_load_idx %arg11[%parallel_loop3A_593, %parallel_loop3A_563] : memref<8x6195xf32, #tpu.memory_space<vmem>>[vector<16xi32>, vector<16xi32>], vector<16xf32>,
        %parallel_loop3A_595 = arith.constant 3 : i32
        %parallel_loop3A_596 = vector.broadcast %parallel_loop3A_595 : i32 to vector<16xi32>
        %parallel_loop3A_597 = vector.broadcast %mul3A_37 : i32 to vector<16xi32>
        %parallel_loop3A_598 = arith.addi %parallel_loop3A_597, %parallel_loop3A_596 : vector<16xi32>
        %parallel_loop3A_599 = tpu.vector_load_idx %arg10[%parallel_loop3A_598, %parallel_loop3A_559] : memref<128x24xf32, #tpu.memory_space<vmem>>[vector<16xi32>, vector<16xi32>], vector<16xf32>,
        %parallel_loop3A_600 = arith.constant 4 : i32
        %parallel_loop3A_601 = vector.broadcast %parallel_loop3A_600 : i32 to vector<16xi32>
        %parallel_loop3A_602 = tpu.vector_load_idx %arg11[%parallel_loop3A_601, %parallel_loop3A_563] : memref<8x6195xf32, #tpu.memory_space<vmem>>[vector<16xi32>, vector<16xi32>], vector<16xf32>,
        %parallel_loop3A_603 = arith.constant 4 : i32
        %parallel_loop3A_604 = vector.broadcast %parallel_loop3A_603 : i32 to vector<16xi32>
        %parallel_loop3A_605 = vector.broadcast %mul3A_37 : i32 to vector<16xi32>
        %parallel_loop3A_606 = arith.addi %parallel_loop3A_605, %parallel_loop3A_604 : vector<16xi32>
        %parallel_loop3A_607 = tpu.vector_load_idx %arg10[%parallel_loop3A_606, %parallel_loop3A_559] : memref<128x24xf32, #tpu.memory_space<vmem>>[vector<16xi32>, vector<16xi32>], vector<16xf32>,
        %parallel_loop3A_608 = arith.constant 5 : i32
        %parallel_loop3A_609 = vector.broadcast %parallel_loop3A_608 : i32 to vector<16xi32>
        %parallel_loop3A_610 = tpu.vector_load_idx %arg11[%parallel_loop3A_609, %parallel_loop3A_563] : memref<8x6195xf32, #tpu.memory_space<vmem>>[vector<16xi32>, vector<16xi32>], vector<16xf32>,
        %parallel_loop3A_611 = arith.constant 5 : i32
        %parallel_loop3A_612 = vector.broadcast %parallel_loop3A_611 : i32 to vector<16xi32>
        %parallel_loop3A_613 = vector.broadcast %mul3A_37 : i32 to vector<16xi32>
        %parallel_loop3A_614 = arith.addi %parallel_loop3A_613, %parallel_loop3A_612 : vector<16xi32>
        %parallel_loop3A_615 = tpu.vector_load_idx %arg10[%parallel_loop3A_614, %parallel_loop3A_559] : memref<128x24xf32, #tpu.memory_space<vmem>>[vector<16xi32>, vector<16xi32>], vector<16xf32>,
        %parallel_loop3A_616 = arith.constant 6 : i32
        %parallel_loop3A_617 = vector.broadcast %parallel_loop3A_616 : i32 to vector<16xi32>
        %parallel_loop3A_618 = tpu.vector_load_idx %arg11[%parallel_loop3A_617, %parallel_loop3A_563] : memref<8x6195xf32, #tpu.memory_space<vmem>>[vector<16xi32>, vector<16xi32>], vector<16xf32>,
        %parallel_loop3A_619 = arith.constant 6 : i32
        %parallel_loop3A_620 = vector.broadcast %parallel_loop3A_619 : i32 to vector<16xi32>
        %parallel_loop3A_621 = vector.broadcast %mul3A_37 : i32 to vector<16xi32>
        %parallel_loop3A_622 = arith.addi %parallel_loop3A_621, %parallel_loop3A_620 : vector<16xi32>
        %parallel_loop3A_623 = tpu.vector_load_idx %arg10[%parallel_loop3A_622, %parallel_loop3A_559] : memref<128x24xf32, #tpu.memory_space<vmem>>[vector<16xi32>, vector<16xi32>], vector<16xf32>,
        %parallel_loop3A_624 = arith.constant 7 : i32
        %parallel_loop3A_625 = vector.broadcast %parallel_loop3A_624 : i32 to vector<16xi32>
        %parallel_loop3A_626 = tpu.vector_load_idx %arg11[%parallel_loop3A_625, %parallel_loop3A_563] : memref<8x6195xf32, #tpu.memory_space<vmem>>[vector<16xi32>, vector<16xi32>], vector<16xf32>,
        %parallel_loop3A_627 = arith.constant 7 : i32
        %parallel_loop3A_628 = vector.broadcast %parallel_loop3A_627 : i32 to vector<16xi32>
        %parallel_loop3A_629 = vector.broadcast %mul3A_37 : i32 to vector<16xi32>
        %parallel_loop3A_630 = arith.addi %parallel_loop3A_629, %parallel_loop3A_628 : vector<16xi32>
        %parallel_loop3A_631 = tpu.vector_load_idx %arg10[%parallel_loop3A_630, %parallel_loop3A_559] : memref<128x24xf32, #tpu.memory_space<vmem>>[vector<16xi32>, vector<16xi32>], vector<16xf32>,
        %parallel_loop3A_632 = arith.constant 0 : i32
        %parallel_loop3A_633 = vector.broadcast %parallel_loop3A_632 : i32 to vector<16xi32>
        %parallel_loop3A_634 = arith.mulf %parallel_loop3A_570, %parallel_loop3A_575 : vector<16xf32>
        tpu.vector_store_idx %arg11[%parallel_loop3A_633, %parallel_loop3A_567], %parallel_loop3A_634 : memref<8x6195xf32, #tpu.memory_space<vmem>>[vector<16xi32>, vector<16xi32>], vector<16xf32>,
        %parallel_loop3A_635 = arith.constant 1 : i32
        %parallel_loop3A_636 = vector.broadcast %parallel_loop3A_635 : i32 to vector<16xi32>
        %parallel_loop3A_637 = arith.mulf %parallel_loop3A_578, %parallel_loop3A_583 : vector<16xf32>
        tpu.vector_store_idx %arg11[%parallel_loop3A_636, %parallel_loop3A_567], %parallel_loop3A_637 : memref<8x6195xf32, #tpu.memory_space<vmem>>[vector<16xi32>, vector<16xi32>], vector<16xf32>,
        %parallel_loop3A_638 = arith.constant 2 : i32
        %parallel_loop3A_639 = vector.broadcast %parallel_loop3A_638 : i32 to vector<16xi32>
        %parallel_loop3A_640 = arith.mulf %parallel_loop3A_586, %parallel_loop3A_591 : vector<16xf32>
        tpu.vector_store_idx %arg11[%parallel_loop3A_639, %parallel_loop3A_567], %parallel_loop3A_640 : memref<8x6195xf32, #tpu.memory_space<vmem>>[vector<16xi32>, vector<16xi32>], vector<16xf32>,
        %parallel_loop3A_641 = arith.constant 3 : i32
        %parallel_loop3A_642 = vector.broadcast %parallel_loop3A_641 : i32 to vector<16xi32>
        %parallel_loop3A_643 = arith.mulf %parallel_loop3A_594, %parallel_loop3A_599 : vector<16xf32>
        tpu.vector_store_idx %arg11[%parallel_loop3A_642, %parallel_loop3A_567], %parallel_loop3A_643 : memref<8x6195xf32, #tpu.memory_space<vmem>>[vector<16xi32>, vector<16xi32>], vector<16xf32>,
        %parallel_loop3A_644 = arith.constant 4 : i32
        %parallel_loop3A_645 = vector.broadcast %parallel_loop3A_644 : i32 to vector<16xi32>
        %parallel_loop3A_646 = arith.mulf %parallel_loop3A_602, %parallel_loop3A_607 : vector<16xf32>
        tpu.vector_store_idx %arg11[%parallel_loop3A_645, %parallel_loop3A_567], %parallel_loop3A_646 : memref<8x6195xf32, #tpu.memory_space<vmem>>[vector<16xi32>, vector<16xi32>], vector<16xf32>,
        %parallel_loop3A_647 = arith.constant 5 : i32
        %parallel_loop3A_648 = vector.broadcast %parallel_loop3A_647 : i32 to vector<16xi32>
        %parallel_loop3A_649 = arith.mulf %parallel_loop3A_610, %parallel_loop3A_615 : vector<16xf32>
        tpu.vector_store_idx %arg11[%parallel_loop3A_648, %parallel_loop3A_567], %parallel_loop3A_649 : memref<8x6195xf32, #tpu.memory_space<vmem>>[vector<16xi32>, vector<16xi32>], vector<16xf32>,
        %parallel_loop3A_650 = arith.constant 6 : i32
        %parallel_loop3A_651 = vector.broadcast %parallel_loop3A_650 : i32 to vector<16xi32>
        %parallel_loop3A_652 = arith.mulf %parallel_loop3A_618, %parallel_loop3A_623 : vector<16xf32>
        tpu.vector_store_idx %arg11[%parallel_loop3A_651, %parallel_loop3A_567], %parallel_loop3A_652 : memref<8x6195xf32, #tpu.memory_space<vmem>>[vector<16xi32>, vector<16xi32>], vector<16xf32>,
        %parallel_loop3A_653 = arith.constant 7 : i32
        %parallel_loop3A_654 = vector.broadcast %parallel_loop3A_653 : i32 to vector<16xi32>
        %parallel_loop3A_655 = arith.mulf %parallel_loop3A_626, %parallel_loop3A_631 : vector<16xf32>
        tpu.vector_store_idx %arg11[%parallel_loop3A_654, %parallel_loop3A_567], %parallel_loop3A_655 : memref<8x6195xf32, #tpu.memory_space<vmem>>[vector<16xi32>, vector<16xi32>], vector<16xf32>,
      } {sc.loop_unroll_factor = 2 : i64, sc.parallel_access}
      %parallel_loop3A_184 = arith.constant 85 : i32
      %parallel_loop3A_185 = arith.constant 387 : i32
      %parallel_loop3A_186 = arith.constant 1 : i32
      scf.for %parallel_loop3A_555 = %parallel_loop3A_184 to %parallel_loop3A_185 step %parallel_loop3A_186  : i32 {
        %parallel_loop3A_556 = arith.constant 16 : i32
        %parallel_loop3A_557 = arith.muli %parallel_loop3A_555, %parallel_loop3A_556 : i32
        %parallel_loop3A_558 = arith.index_cast %parallel_loop3A_557 : i32 to index
        %parallel_loop3A_559 = tpu.vector_load %arg9[%parallel_loop3A_558] {strides = array<i32>} : memref<6208xi32, #tpu.memory_space<vmem>>, vector<16xi32>,
        %parallel_loop3A_560 = arith.constant 16 : i32
        %parallel_loop3A_561 = arith.muli %parallel_loop3A_555, %parallel_loop3A_560 : i32
        %parallel_loop3A_562 = arith.index_cast %parallel_loop3A_561 : i32 to index
        %parallel_loop3A_563 = tpu.vector_load %arg8[%parallel_loop3A_562] {strides = array<i32>} : memref<6208xi32, #tpu.memory_space<vmem>>, vector<16xi32>,
        %parallel_loop3A_564 = arith.constant 16 : i32
        %parallel_loop3A_565 = arith.muli %parallel_loop3A_555, %parallel_loop3A_564 : i32
        %parallel_loop3A_566 = vector.broadcast %parallel_loop3A_565 : i32 to vector<16xi32>
        %parallel_loop3A_567 = arith.addi %parallel_loop3A_566, %iota3A : vector<16xi32>
        %parallel_loop3A_568 = arith.constant 0 : i32
        %parallel_loop3A_569 = vector.broadcast %parallel_loop3A_568 : i32 to vector<16xi32>
        %parallel_loop3A_570 = tpu.vector_load_idx %arg11[%parallel_loop3A_569, %parallel_loop3A_563] : memref<8x6195xf32, #tpu.memory_space<vmem>>[vector<16xi32>, vector<16xi32>], vector<16xf32>,
        %parallel_loop3A_571 = arith.constant 0 : i32
        %parallel_loop3A_572 = vector.broadcast %parallel_loop3A_571 : i32 to vector<16xi32>
        %parallel_loop3A_573 = vector.broadcast %mul3A_37 : i32 to vector<16xi32>
        %parallel_loop3A_574 = arith.addi %parallel_loop3A_573, %parallel_loop3A_572 : vector<16xi32>
        %parallel_loop3A_575 = tpu.vector_load_idx %arg10[%parallel_loop3A_574, %parallel_loop3A_559] : memref<128x24xf32, #tpu.memory_space<vmem>>[vector<16xi32>, vector<16xi32>], vector<16xf32>,
        %parallel_loop3A_576 = arith.constant 1 : i32
        %parallel_loop3A_577 = vector.broadcast %parallel_loop3A_576 : i32 to vector<16xi32>
        %parallel_loop3A_578 = tpu.vector_load_idx %arg11[%parallel_loop3A_577, %parallel_loop3A_563] : memref<8x6195xf32, #tpu.memory_space<vmem>>[vector<16xi32>, vector<16xi32>], vector<16xf32>,
        %parallel_loop3A_579 = arith.constant 1 : i32
        %parallel_loop3A_580 = vector.broadcast %parallel_loop3A_579 : i32 to vector<16xi32>
        %parallel_loop3A_581 = vector.broadcast %mul3A_37 : i32 to vector<16xi32>
        %parallel_loop3A_582 = arith.addi %parallel_loop3A_581, %parallel_loop3A_580 : vector<16xi32>
        %parallel_loop3A_583 = tpu.vector_load_idx %arg10[%parallel_loop3A_582, %parallel_loop3A_559] : memref<128x24xf32, #tpu.memory_space<vmem>>[vector<16xi32>, vector<16xi32>], vector<16xf32>,
        %parallel_loop3A_584 = arith.constant 2 : i32
        %parallel_loop3A_585 = vector.broadcast %parallel_loop3A_584 : i32 to vector<16xi32>
        %parallel_loop3A_586 = tpu.vector_load_idx %arg11[%parallel_loop3A_585, %parallel_loop3A_563] : memref<8x6195xf32, #tpu.memory_space<vmem>>[vector<16xi32>, vector<16xi32>], vector<16xf32>,
        %parallel_loop3A_587 = arith.constant 2 : i32
        %parallel_loop3A_588 = vector.broadcast %parallel_loop3A_587 : i32 to vector<16xi32>
        %parallel_loop3A_589 = vector.broadcast %mul3A_37 : i32 to vector<16xi32>
        %parallel_loop3A_590 = arith.addi %parallel_loop3A_589, %parallel_loop3A_588 : vector<16xi32>
        %parallel_loop3A_591 = tpu.vector_load_idx %arg10[%parallel_loop3A_590, %parallel_loop3A_559] : memref<128x24xf32, #tpu.memory_space<vmem>>[vector<16xi32>, vector<16xi32>], vector<16xf32>,
        %parallel_loop3A_592 = arith.constant 3 : i32
        %parallel_loop3A_593 = vector.broadcast %parallel_loop3A_592 : i32 to vector<16xi32>
        %parallel_loop3A_594 = tpu.vector_load_idx %arg11[%parallel_loop3A_593, %parallel_loop3A_563] : memref<8x6195xf32, #tpu.memory_space<vmem>>[vector<16xi32>, vector<16xi32>], vector<16xf32>,
        %parallel_loop3A_595 = arith.constant 3 : i32
        %parallel_loop3A_596 = vector.broadcast %parallel_loop3A_595 : i32 to vector<16xi32>
        %parallel_loop3A_597 = vector.broadcast %mul3A_37 : i32 to vector<16xi32>
        %parallel_loop3A_598 = arith.addi %parallel_loop3A_597, %parallel_loop3A_596 : vector<16xi32>
        %parallel_loop3A_599 = tpu.vector_load_idx %arg10[%parallel_loop3A_598, %parallel_loop3A_559] : memref<128x24xf32, #tpu.memory_space<vmem>>[vector<16xi32>, vector<16xi32>], vector<16xf32>,
        %parallel_loop3A_600 = arith.constant 4 : i32
        %parallel_loop3A_601 = vector.broadcast %parallel_loop3A_600 : i32 to vector<16xi32>
        %parallel_loop3A_602 = tpu.vector_load_idx %arg11[%parallel_loop3A_601, %parallel_loop3A_563] : memref<8x6195xf32, #tpu.memory_space<vmem>>[vector<16xi32>, vector<16xi32>], vector<16xf32>,
        %parallel_loop3A_603 = arith.constant 4 : i32
        %parallel_loop3A_604 = vector.broadcast %parallel_loop3A_603 : i32 to vector<16xi32>
        %parallel_loop3A_605 = vector.broadcast %mul3A_37 : i32 to vector<16xi32>
        %parallel_loop3A_606 = arith.addi %parallel_loop3A_605, %parallel_loop3A_604 : vector<16xi32>
        %parallel_loop3A_607 = tpu.vector_load_idx %arg10[%parallel_loop3A_606, %parallel_loop3A_559] : memref<128x24xf32, #tpu.memory_space<vmem>>[vector<16xi32>, vector<16xi32>], vector<16xf32>,
        %parallel_loop3A_608 = arith.constant 5 : i32
        %parallel_loop3A_609 = vector.broadcast %parallel_loop3A_608 : i32 to vector<16xi32>
        %parallel_loop3A_610 = tpu.vector_load_idx %arg11[%parallel_loop3A_609, %parallel_loop3A_563] : memref<8x6195xf32, #tpu.memory_space<vmem>>[vector<16xi32>, vector<16xi32>], vector<16xf32>,
        %parallel_loop3A_611 = arith.constant 5 : i32
        %parallel_loop3A_612 = vector.broadcast %parallel_loop3A_611 : i32 to vector<16xi32>
        %parallel_loop3A_613 = vector.broadcast %mul3A_37 : i32 to vector<16xi32>
        %parallel_loop3A_614 = arith.addi %parallel_loop3A_613, %parallel_loop3A_612 : vector<16xi32>
        %parallel_loop3A_615 = tpu.vector_load_idx %arg10[%parallel_loop3A_614, %parallel_loop3A_559] : memref<128x24xf32, #tpu.memory_space<vmem>>[vector<16xi32>, vector<16xi32>], vector<16xf32>,
        %parallel_loop3A_616 = arith.constant 6 : i32
        %parallel_loop3A_617 = vector.broadcast %parallel_loop3A_616 : i32 to vector<16xi32>
        %parallel_loop3A_618 = tpu.vector_load_idx %arg11[%parallel_loop3A_617, %parallel_loop3A_563] : memref<8x6195xf32, #tpu.memory_space<vmem>>[vector<16xi32>, vector<16xi32>], vector<16xf32>,
        %parallel_loop3A_619 = arith.constant 6 : i32
        %parallel_loop3A_620 = vector.broadcast %parallel_loop3A_619 : i32 to vector<16xi32>
        %parallel_loop3A_621 = vector.broadcast %mul3A_37 : i32 to vector<16xi32>
        %parallel_loop3A_622 = arith.addi %parallel_loop3A_621, %parallel_loop3A_620 : vector<16xi32>
        %parallel_loop3A_623 = tpu.vector_load_idx %arg10[%parallel_loop3A_622, %parallel_loop3A_559] : memref<128x24xf32, #tpu.memory_space<vmem>>[vector<16xi32>, vector<16xi32>], vector<16xf32>,
        %parallel_loop3A_624 = arith.constant 7 : i32
        %parallel_loop3A_625 = vector.broadcast %parallel_loop3A_624 : i32 to vector<16xi32>
        %parallel_loop3A_626 = tpu.vector_load_idx %arg11[%parallel_loop3A_625, %parallel_loop3A_563] : memref<8x6195xf32, #tpu.memory_space<vmem>>[vector<16xi32>, vector<16xi32>], vector<16xf32>,
        %parallel_loop3A_627 = arith.constant 7 : i32
        %parallel_loop3A_628 = vector.broadcast %parallel_loop3A_627 : i32 to vector<16xi32>
        %parallel_loop3A_629 = vector.broadcast %mul3A_37 : i32 to vector<16xi32>
        %parallel_loop3A_630 = arith.addi %parallel_loop3A_629, %parallel_loop3A_628 : vector<16xi32>
        %parallel_loop3A_631 = tpu.vector_load_idx %arg10[%parallel_loop3A_630, %parallel_loop3A_559] : memref<128x24xf32, #tpu.memory_space<vmem>>[vector<16xi32>, vector<16xi32>], vector<16xf32>,
        %parallel_loop3A_632 = arith.constant 0 : i32
        %parallel_loop3A_633 = vector.broadcast %parallel_loop3A_632 : i32 to vector<16xi32>
        %parallel_loop3A_634 = arith.mulf %parallel_loop3A_570, %parallel_loop3A_575 : vector<16xf32>
        tpu.vector_store_idx %arg11[%parallel_loop3A_633, %parallel_loop3A_567], %parallel_loop3A_634 : memref<8x6195xf32, #tpu.memory_space<vmem>>[vector<16xi32>, vector<16xi32>], vector<16xf32>,
        %parallel_loop3A_635 = arith.constant 1 : i32
        %parallel_loop3A_636 = vector.broadcast %parallel_loop3A_635 : i32 to vector<16xi32>
        %parallel_loop3A_637 = arith.mulf %parallel_loop3A_578, %parallel_loop3A_583 : vector<16xf32>
        tpu.vector_store_idx %arg11[%parallel_loop3A_636, %parallel_loop3A_567], %parallel_loop3A_637 : memref<8x6195xf32, #tpu.memory_space<vmem>>[vector<16xi32>, vector<16xi32>], vector<16xf32>,
        %parallel_loop3A_638 = arith.constant 2 : i32
        %parallel_loop3A_639 = vector.broadcast %parallel_loop3A_638 : i32 to vector<16xi32>
        %parallel_loop3A_640 = arith.mulf %parallel_loop3A_586, %parallel_loop3A_591 : vector<16xf32>
        tpu.vector_store_idx %arg11[%parallel_loop3A_639, %parallel_loop3A_567], %parallel_loop3A_640 : memref<8x6195xf32, #tpu.memory_space<vmem>>[vector<16xi32>, vector<16xi32>], vector<16xf32>,
        %parallel_loop3A_641 = arith.constant 3 : i32
        %parallel_loop3A_642 = vector.broadcast %parallel_loop3A_641 : i32 to vector<16xi32>
        %parallel_loop3A_643 = arith.mulf %parallel_loop3A_594, %parallel_loop3A_599 : vector<16xf32>
        tpu.vector_store_idx %arg11[%parallel_loop3A_642, %parallel_loop3A_567], %parallel_loop3A_643 : memref<8x6195xf32, #tpu.memory_space<vmem>>[vector<16xi32>, vector<16xi32>], vector<16xf32>,
        %parallel_loop3A_644 = arith.constant 4 : i32
        %parallel_loop3A_645 = vector.broadcast %parallel_loop3A_644 : i32 to vector<16xi32>
        %parallel_loop3A_646 = arith.mulf %parallel_loop3A_602, %parallel_loop3A_607 : vector<16xf32>
        tpu.vector_store_idx %arg11[%parallel_loop3A_645, %parallel_loop3A_567], %parallel_loop3A_646 : memref<8x6195xf32, #tpu.memory_space<vmem>>[vector<16xi32>, vector<16xi32>], vector<16xf32>,
        %parallel_loop3A_647 = arith.constant 5 : i32
        %parallel_loop3A_648 = vector.broadcast %parallel_loop3A_647 : i32 to vector<16xi32>
        %parallel_loop3A_649 = arith.mulf %parallel_loop3A_610, %parallel_loop3A_615 : vector<16xf32>
        tpu.vector_store_idx %arg11[%parallel_loop3A_648, %parallel_loop3A_567], %parallel_loop3A_649 : memref<8x6195xf32, #tpu.memory_space<vmem>>[vector<16xi32>, vector<16xi32>], vector<16xf32>,
        %parallel_loop3A_650 = arith.constant 6 : i32
        %parallel_loop3A_651 = vector.broadcast %parallel_loop3A_650 : i32 to vector<16xi32>
        %parallel_loop3A_652 = arith.mulf %parallel_loop3A_618, %parallel_loop3A_623 : vector<16xf32>
        tpu.vector_store_idx %arg11[%parallel_loop3A_651, %parallel_loop3A_567], %parallel_loop3A_652 : memref<8x6195xf32, #tpu.memory_space<vmem>>[vector<16xi32>, vector<16xi32>], vector<16xf32>,
        %parallel_loop3A_653 = arith.constant 7 : i32
        %parallel_loop3A_654 = vector.broadcast %parallel_loop3A_653 : i32 to vector<16xi32>
        %parallel_loop3A_655 = arith.mulf %parallel_loop3A_626, %parallel_loop3A_631 : vector<16xf32>
        tpu.vector_store_idx %arg11[%parallel_loop3A_654, %parallel_loop3A_567], %parallel_loop3A_655 : memref<8x6195xf32, #tpu.memory_space<vmem>>[vector<16xi32>, vector<16xi32>], vector<16xf32>,
      } {sc.loop_unroll_factor = 2 : i64, sc.parallel_access}
      %get3A_187 = arith.constant 6192 : index
      %get3A_188 = tpu.vector_load %arg9[%get3A_187] {strides = array<i32>} : memref<6208xi32, #tpu.memory_space<vmem>>, vector<16xi32>,
      %get3A_189 = arith.constant 6192 : index
      %get3A_190 = tpu.vector_load %arg8[%get3A_189] {strides = array<i32>} : memref<6208xi32, #tpu.memory_space<vmem>>, vector<16xi32>,
      %add3A_191 = arith.constant 6192 : i32
      %add3A_192 = vector.broadcast %add3A_191 : i32 to vector<16xi32>
      %add3A_193 = arith.addi %add3A_192, %iota3A : vector<16xi32>
      %broadcast_in_dim3A_194 = arith.constant 0 : i32
      %broadcast_in_dim3A_195 = vector.broadcast %broadcast_in_dim3A_194 : i32 to vector<16xi32>
      %gather3A_196 = tpu.vector_load_idx %arg11[%broadcast_in_dim3A_195, %get3A_190] : memref<8x6195xf32, #tpu.memory_space<vmem>>[vector<16xi32>, vector<16xi32>], vector<16xf32>,
      %broadcast_in_dim3A_197 = arith.constant 0 : i32
      %broadcast_in_dim3A_198 = vector.broadcast %broadcast_in_dim3A_197 : i32 to vector<16xi32>
      %add3A_199 = vector.broadcast %mul3A_37 : i32 to vector<16xi32>
      %add3A_200 = arith.addi %add3A_199, %broadcast_in_dim3A_198 : vector<16xi32>
      %gather3A_201 = tpu.vector_load_idx %arg10[%add3A_200, %get3A_188] : memref<128x24xf32, #tpu.memory_space<vmem>>[vector<16xi32>, vector<16xi32>], vector<16xf32>,
      %mul3A_202 = arith.mulf %gather3A_196, %gather3A_201 : vector<16xf32>
      %broadcast_in_dim3A_203 = arith.constant 1 : i32
      %broadcast_in_dim3A_204 = vector.broadcast %broadcast_in_dim3A_203 : i32 to vector<16xi32>
      %gather3A_205 = tpu.vector_load_idx %arg11[%broadcast_in_dim3A_204, %get3A_190] : memref<8x6195xf32, #tpu.memory_space<vmem>>[vector<16xi32>, vector<16xi32>], vector<16xf32>,
      %broadcast_in_dim3A_206 = arith.constant 1 : i32
      %broadcast_in_dim3A_207 = vector.broadcast %broadcast_in_dim3A_206 : i32 to vector<16xi32>
      %add3A_208 = vector.broadcast %mul3A_37 : i32 to vector<16xi32>
      %add3A_209 = arith.addi %add3A_208, %broadcast_in_dim3A_207 : vector<16xi32>
      %gather3A_210 = tpu.vector_load_idx %arg10[%add3A_209, %get3A_188] : memref<128x24xf32, #tpu.memory_space<vmem>>[vector<16xi32>, vector<16xi32>], vector<16xf32>,
      %mul3A_211 = arith.mulf %gather3A_205, %gather3A_210 : vector<16xf32>
      %broadcast_in_dim3A_212 = arith.constant 2 : i32
      %broadcast_in_dim3A_213 = vector.broadcast %broadcast_in_dim3A_212 : i32 to vector<16xi32>
      %gather3A_214 = tpu.vector_load_idx %arg11[%broadcast_in_dim3A_213, %get3A_190] : memref<8x6195xf32, #tpu.memory_space<vmem>>[vector<16xi32>, vector<16xi32>], vector<16xf32>,
      %broadcast_in_dim3A_215 = arith.constant 2 : i32
      %broadcast_in_dim3A_216 = vector.broadcast %broadcast_in_dim3A_215 : i32 to vector<16xi32>
      %add3A_217 = vector.broadcast %mul3A_37 : i32 to vector<16xi32>
      %add3A_218 = arith.addi %add3A_217, %broadcast_in_dim3A_216 : vector<16xi32>
      %gather3A_219 = tpu.vector_load_idx %arg10[%add3A_218, %get3A_188] : memref<128x24xf32, #tpu.memory_space<vmem>>[vector<16xi32>, vector<16xi32>], vector<16xf32>,
      %mul3A_220 = arith.mulf %gather3A_214, %gather3A_219 : vector<16xf32>
      %broadcast_in_dim3A_221 = arith.constant 3 : i32
      %broadcast_in_dim3A_222 = vector.broadcast %broadcast_in_dim3A_221 : i32 to vector<16xi32>
      %gather3A_223 = tpu.vector_load_idx %arg11[%broadcast_in_dim3A_222, %get3A_190] : memref<8x6195xf32, #tpu.memory_space<vmem>>[vector<16xi32>, vector<16xi32>], vector<16xf32>,
      %broadcast_in_dim3A_224 = arith.constant 3 : i32
      %broadcast_in_dim3A_225 = vector.broadcast %broadcast_in_dim3A_224 : i32 to vector<16xi32>
      %add3A_226 = vector.broadcast %mul3A_37 : i32 to vector<16xi32>
      %add3A_227 = arith.addi %add3A_226, %broadcast_in_dim3A_225 : vector<16xi32>
      %gather3A_228 = tpu.vector_load_idx %arg10[%add3A_227, %get3A_188] : memref<128x24xf32, #tpu.memory_space<vmem>>[vector<16xi32>, vector<16xi32>], vector<16xf32>,
      %mul3A_229 = arith.mulf %gather3A_223, %gather3A_228 : vector<16xf32>
      %broadcast_in_dim3A_230 = arith.constant 4 : i32
      %broadcast_in_dim3A_231 = vector.broadcast %broadcast_in_dim3A_230 : i32 to vector<16xi32>
      %gather3A_232 = tpu.vector_load_idx %arg11[%broadcast_in_dim3A_231, %get3A_190] : memref<8x6195xf32, #tpu.memory_space<vmem>>[vector<16xi32>, vector<16xi32>], vector<16xf32>,
      %broadcast_in_dim3A_233 = arith.constant 4 : i32
      %broadcast_in_dim3A_234 = vector.broadcast %broadcast_in_dim3A_233 : i32 to vector<16xi32>
      %add3A_235 = vector.broadcast %mul3A_37 : i32 to vector<16xi32>
      %add3A_236 = arith.addi %add3A_235, %broadcast_in_dim3A_234 : vector<16xi32>
      %gather3A_237 = tpu.vector_load_idx %arg10[%add3A_236, %get3A_188] : memref<128x24xf32, #tpu.memory_space<vmem>>[vector<16xi32>, vector<16xi32>], vector<16xf32>,
      %mul3A_238 = arith.mulf %gather3A_232, %gather3A_237 : vector<16xf32>
      %broadcast_in_dim3A_239 = arith.constant 5 : i32
      %broadcast_in_dim3A_240 = vector.broadcast %broadcast_in_dim3A_239 : i32 to vector<16xi32>
      %gather3A_241 = tpu.vector_load_idx %arg11[%broadcast_in_dim3A_240, %get3A_190] : memref<8x6195xf32, #tpu.memory_space<vmem>>[vector<16xi32>, vector<16xi32>], vector<16xf32>,
      %broadcast_in_dim3A_242 = arith.constant 5 : i32
      %broadcast_in_dim3A_243 = vector.broadcast %broadcast_in_dim3A_242 : i32 to vector<16xi32>
      %add3A_244 = vector.broadcast %mul3A_37 : i32 to vector<16xi32>
      %add3A_245 = arith.addi %add3A_244, %broadcast_in_dim3A_243 : vector<16xi32>
      %gather3A_246 = tpu.vector_load_idx %arg10[%add3A_245, %get3A_188] : memref<128x24xf32, #tpu.memory_space<vmem>>[vector<16xi32>, vector<16xi32>], vector<16xf32>,
      %mul3A_247 = arith.mulf %gather3A_241, %gather3A_246 : vector<16xf32>
      %broadcast_in_dim3A_248 = arith.constant 6 : i32
      %broadcast_in_dim3A_249 = vector.broadcast %broadcast_in_dim3A_248 : i32 to vector<16xi32>
      %gather3A_250 = tpu.vector_load_idx %arg11[%broadcast_in_dim3A_249, %get3A_190] : memref<8x6195xf32, #tpu.memory_space<vmem>>[vector<16xi32>, vector<16xi32>], vector<16xf32>,
      %broadcast_in_dim3A_251 = arith.constant 6 : i32
      %broadcast_in_dim3A_252 = vector.broadcast %broadcast_in_dim3A_251 : i32 to vector<16xi32>
      %add3A_253 = vector.broadcast %mul3A_37 : i32 to vector<16xi32>
      %add3A_254 = arith.addi %add3A_253, %broadcast_in_dim3A_252 : vector<16xi32>
      %gather3A_255 = tpu.vector_load_idx %arg10[%add3A_254, %get3A_188] : memref<128x24xf32, #tpu.memory_space<vmem>>[vector<16xi32>, vector<16xi32>], vector<16xf32>,
      %mul3A_256 = arith.mulf %gather3A_250, %gather3A_255 : vector<16xf32>
      %broadcast_in_dim3A_257 = arith.constant 7 : i32
      %broadcast_in_dim3A_258 = vector.broadcast %broadcast_in_dim3A_257 : i32 to vector<16xi32>
      %gather3A_259 = tpu.vector_load_idx %arg11[%broadcast_in_dim3A_258, %get3A_190] : memref<8x6195xf32, #tpu.memory_space<vmem>>[vector<16xi32>, vector<16xi32>], vector<16xf32>,
      %broadcast_in_dim3A_260 = arith.constant 7 : i32
      %broadcast_in_dim3A_261 = vector.broadcast %broadcast_in_dim3A_260 : i32 to vector<16xi32>
      %add3A_262 = vector.broadcast %mul3A_37 : i32 to vector<16xi32>
      %add3A_263 = arith.addi %add3A_262, %broadcast_in_dim3A_261 : vector<16xi32>
      %gather3A_264 = tpu.vector_load_idx %arg10[%add3A_263, %get3A_188] : memref<128x24xf32, #tpu.memory_space<vmem>>[vector<16xi32>, vector<16xi32>], vector<16xf32>,
      %mul3A_265 = arith.mulf %gather3A_259, %gather3A_264 : vector<16xf32>
      %broadcast_in_dim3A_266 = arith.constant 0 : i32
      %broadcast_in_dim3A_267 = vector.broadcast %broadcast_in_dim3A_266 : i32 to vector<16xi32>
      tpu.vector_store_idx %arg11[%broadcast_in_dim3A_267, %add3A_193], %mul3A_202 masked %lt3A_6 : memref<8x6195xf32, #tpu.memory_space<vmem>>[vector<16xi32>, vector<16xi32>], vector<16xf32>, vector<16xi1>
      %broadcast_in_dim3A_268 = arith.constant 1 : i32
      %broadcast_in_dim3A_269 = vector.broadcast %broadcast_in_dim3A_268 : i32 to vector<16xi32>
      tpu.vector_store_idx %arg11[%broadcast_in_dim3A_269, %add3A_193], %mul3A_211 masked %lt3A_6 : memref<8x6195xf32, #tpu.memory_space<vmem>>[vector<16xi32>, vector<16xi32>], vector<16xf32>, vector<16xi1>
      %broadcast_in_dim3A_270 = arith.constant 2 : i32
      %broadcast_in_dim3A_271 = vector.broadcast %broadcast_in_dim3A_270 : i32 to vector<16xi32>
      tpu.vector_store_idx %arg11[%broadcast_in_dim3A_271, %add3A_193], %mul3A_220 masked %lt3A_6 : memref<8x6195xf32, #tpu.memory_space<vmem>>[vector<16xi32>, vector<16xi32>], vector<16xf32>, vector<16xi1>
      %broadcast_in_dim3A_272 = arith.constant 3 : i32
      %broadcast_in_dim3A_273 = vector.broadcast %broadcast_in_dim3A_272 : i32 to vector<16xi32>
      tpu.vector_store_idx %arg11[%broadcast_in_dim3A_273, %add3A_193], %mul3A_229 masked %lt3A_6 : memref<8x6195xf32, #tpu.memory_space<vmem>>[vector<16xi32>, vector<16xi32>], vector<16xf32>, vector<16xi1>
      %broadcast_in_dim3A_274 = arith.constant 4 : i32
      %broadcast_in_dim3A_275 = vector.broadcast %broadcast_in_dim3A_274 : i32 to vector<16xi32>
      tpu.vector_store_idx %arg11[%broadcast_in_dim3A_275, %add3A_193], %mul3A_238 masked %lt3A_6 : memref<8x6195xf32, #tpu.memory_space<vmem>>[vector<16xi32>, vector<16xi32>], vector<16xf32>, vector<16xi1>
      %broadcast_in_dim3A_276 = arith.constant 5 : i32
      %broadcast_in_dim3A_277 = vector.broadcast %broadcast_in_dim3A_276 : i32 to vector<16xi32>
      tpu.vector_store_idx %arg11[%broadcast_in_dim3A_277, %add3A_193], %mul3A_247 masked %lt3A_6 : memref<8x6195xf32, #tpu.memory_space<vmem>>[vector<16xi32>, vector<16xi32>], vector<16xf32>, vector<16xi1>
      %broadcast_in_dim3A_278 = arith.constant 6 : i32
      %broadcast_in_dim3A_279 = vector.broadcast %broadcast_in_dim3A_278 : i32 to vector<16xi32>
      tpu.vector_store_idx %arg11[%broadcast_in_dim3A_279, %add3A_193], %mul3A_256 masked %lt3A_6 : memref<8x6195xf32, #tpu.memory_space<vmem>>[vector<16xi32>, vector<16xi32>], vector<16xf32>, vector<16xi1>
      %broadcast_in_dim3A_280 = arith.constant 7 : i32
      %broadcast_in_dim3A_281 = vector.broadcast %broadcast_in_dim3A_280 : i32 to vector<16xi32>
      tpu.vector_store_idx %arg11[%broadcast_in_dim3A_281, %add3A_193], %mul3A_265 masked %lt3A_6 : memref<8x6195xf32, #tpu.memory_space<vmem>>[vector<16xi32>, vector<16xi32>], vector<16xf32>, vector<16xi1>
      %mul3A_282 = arith.constant 128 : i32
      %mul3A_283 = arith.muli %add3A, %mul3A_282 : i32
      %mul3A_284 = arith.constant 8 : i32
      %mul3A_285 = arith.muli %mul3A_29, %mul3A_284 : i32
      %add3A_286 = arith.addi %mul3A_283, %mul3A_285 : i32
      %dma_start3A = arith.constant 0 : i32
      %dma_start3A_287 = tpu.memref_slice %arg6[%add3A_286, %dma_start3A] : memref<4096x6195xf32, #tpu.memory_space<hbm>> -> memref<8x6195xf32, #tpu.memory_space<hbm>>
      %dma_start3A_288 = arith.constant 0 : i32
      %dma_start3A_289 = tpu.memref_slice %arg6[%add3A_286, %dma_start3A_288] : memref<4096x6195xf32, #tpu.memory_space<hbm>> -> memref<8x6195xf32, #tpu.memory_space<hbm>>
      tpu.enqueue_dma source(%arg11 : memref<8x6195xf32, #tpu.memory_space<vmem>>) target(%dma_start3A_289 : memref<8x6195xf32, #tpu.memory_space<hbm>>) target_semaphore(%arg13 : memref<!tpu.dma_semaphore, #tpu.memory_space<semaphore_mem>>)
      %gt3A_290 = arith.constant 0 : i32
      %gt3A_291 = arith.cmpi sgt, %scan3A_27, %gt3A_290 : i32
      %convert_element_type3A_292 = arith.extui %gt3A_291 : i1 to i32
      %cond3A_293 = arith.constant 0 : i32
      %cond3A_294 = arith.cmpi ne, %convert_element_type3A_292, %cond3A_293 : i32
      scf.if %cond3A_294 {
        %mul3A_555 = arith.constant 128 : i32
        %mul3A_556 = arith.muli %add3A, %mul3A_555 : i32
        %mul3A_557 = arith.constant 8 : i32
        %mul3A_558 = arith.muli %add3A_33, %mul3A_557 : i32
        %add3A_559 = arith.addi %mul3A_556, %mul3A_558 : i32
        %dma_wait3A_560 = arith.constant 0 : i32
        %dma_wait3A_561 = tpu.memref_slice %arg6[%add3A_559, %dma_wait3A_560] : memref<4096x6195xf32, #tpu.memory_space<hbm>> -> memref<8x6195xf32, #tpu.memory_space<hbm>>
        %dma_wait3A_562 = arith.constant 0 : i32
        %dma_wait3A_563 = tpu.memref_slice %arg6[%add3A_559, %dma_wait3A_562] : memref<4096x6195xf32, #tpu.memory_space<hbm>> -> memref<8x6195xf32, #tpu.memory_space<hbm>>
        tpu.wait_dma2 semaphore(%arg14 : memref<!tpu.dma_semaphore, #tpu.memory_space<semaphore_mem>>) src(%arg12 : memref<8x6195xf32, #tpu.memory_space<vmem>>) dst(%dma_wait3A_563 : memref<8x6195xf32, #tpu.memory_space<hbm>>)
      } else {
      }
      %mul3A_295 = arith.constant 8 : i32
      %mul3A_296 = arith.muli %add3A_33, %mul3A_295 : i32
      %parallel_loop3A_297 = arith.constant 0 : i32
      %parallel_loop3A_298 = arith.constant 13 : i32
      %parallel_loop3A_299 = arith.constant 1 : i32
      scf.for %parallel_loop3A_555 = %parallel_loop3A_297 to %parallel_loop3A_298 step %parallel_loop3A_299  : i32 {
        %parallel_loop3A_556 = arith.constant 16 : i32
        %parallel_loop3A_557 = arith.muli %parallel_loop3A_555, %parallel_loop3A_556 : i32
        %parallel_loop3A_558 = arith.index_cast %parallel_loop3A_557 : i32 to index
        %parallel_loop3A_559 = tpu.vector_load %arg9[%parallel_loop3A_558] {strides = array<i32>} : memref<6208xi32, #tpu.memory_space<vmem>>, vector<16xi32>,
        %parallel_loop3A_560 = arith.constant 16 : i32
        %parallel_loop3A_561 = arith.muli %parallel_loop3A_555, %parallel_loop3A_560 : i32
        %parallel_loop3A_562 = arith.index_cast %parallel_loop3A_561 : i32 to index
        %parallel_loop3A_563 = tpu.vector_load %arg7[%parallel_loop3A_562] {strides = array<i32>} : memref<6208xi32, #tpu.memory_space<vmem>>, vector<16xi32>,
        %parallel_loop3A_564 = arith.constant 16 : i32
        %parallel_loop3A_565 = arith.muli %parallel_loop3A_555, %parallel_loop3A_564 : i32
        %parallel_loop3A_566 = vector.broadcast %parallel_loop3A_565 : i32 to vector<16xi32>
        %parallel_loop3A_567 = arith.addi %parallel_loop3A_566, %iota3A : vector<16xi32>
        %parallel_loop3A_568 = arith.constant 0 : i32
        %parallel_loop3A_569 = vector.broadcast %parallel_loop3A_568 : i32 to vector<16xi32>
        %parallel_loop3A_570 = vector.broadcast %mul3A_296 : i32 to vector<16xi32>
        %parallel_loop3A_571 = arith.addi %parallel_loop3A_570, %parallel_loop3A_569 : vector<16xi32>
        %parallel_loop3A_572 = tpu.vector_load_idx %arg10[%parallel_loop3A_571, %parallel_loop3A_563] : memref<128x24xf32, #tpu.memory_space<vmem>>[vector<16xi32>, vector<16xi32>], vector<16xf32>,
        %parallel_loop3A_573 = arith.constant 0 : i32
        %parallel_loop3A_574 = vector.broadcast %parallel_loop3A_573 : i32 to vector<16xi32>
        %parallel_loop3A_575 = vector.broadcast %mul3A_296 : i32 to vector<16xi32>
        %parallel_loop3A_576 = arith.addi %parallel_loop3A_575, %parallel_loop3A_574 : vector<16xi32>
        %parallel_loop3A_577 = tpu.vector_load_idx %arg10[%parallel_loop3A_576, %parallel_loop3A_559] : memref<128x24xf32, #tpu.memory_space<vmem>>[vector<16xi32>, vector<16xi32>], vector<16xf32>,
        %parallel_loop3A_578 = arith.constant 1 : i32
        %parallel_loop3A_579 = vector.broadcast %parallel_loop3A_578 : i32 to vector<16xi32>
        %parallel_loop3A_580 = vector.broadcast %mul3A_296 : i32 to vector<16xi32>
        %parallel_loop3A_581 = arith.addi %parallel_loop3A_580, %parallel_loop3A_579 : vector<16xi32>
        %parallel_loop3A_582 = tpu.vector_load_idx %arg10[%parallel_loop3A_581, %parallel_loop3A_563] : memref<128x24xf32, #tpu.memory_space<vmem>>[vector<16xi32>, vector<16xi32>], vector<16xf32>,
        %parallel_loop3A_583 = arith.constant 1 : i32
        %parallel_loop3A_584 = vector.broadcast %parallel_loop3A_583 : i32 to vector<16xi32>
        %parallel_loop3A_585 = vector.broadcast %mul3A_296 : i32 to vector<16xi32>
        %parallel_loop3A_586 = arith.addi %parallel_loop3A_585, %parallel_loop3A_584 : vector<16xi32>
        %parallel_loop3A_587 = tpu.vector_load_idx %arg10[%parallel_loop3A_586, %parallel_loop3A_559] : memref<128x24xf32, #tpu.memory_space<vmem>>[vector<16xi32>, vector<16xi32>], vector<16xf32>,
        %parallel_loop3A_588 = arith.constant 2 : i32
        %parallel_loop3A_589 = vector.broadcast %parallel_loop3A_588 : i32 to vector<16xi32>
        %parallel_loop3A_590 = vector.broadcast %mul3A_296 : i32 to vector<16xi32>
        %parallel_loop3A_591 = arith.addi %parallel_loop3A_590, %parallel_loop3A_589 : vector<16xi32>
        %parallel_loop3A_592 = tpu.vector_load_idx %arg10[%parallel_loop3A_591, %parallel_loop3A_563] : memref<128x24xf32, #tpu.memory_space<vmem>>[vector<16xi32>, vector<16xi32>], vector<16xf32>,
        %parallel_loop3A_593 = arith.constant 2 : i32
        %parallel_loop3A_594 = vector.broadcast %parallel_loop3A_593 : i32 to vector<16xi32>
        %parallel_loop3A_595 = vector.broadcast %mul3A_296 : i32 to vector<16xi32>
        %parallel_loop3A_596 = arith.addi %parallel_loop3A_595, %parallel_loop3A_594 : vector<16xi32>
        %parallel_loop3A_597 = tpu.vector_load_idx %arg10[%parallel_loop3A_596, %parallel_loop3A_559] : memref<128x24xf32, #tpu.memory_space<vmem>>[vector<16xi32>, vector<16xi32>], vector<16xf32>,
        %parallel_loop3A_598 = arith.constant 3 : i32
        %parallel_loop3A_599 = vector.broadcast %parallel_loop3A_598 : i32 to vector<16xi32>
        %parallel_loop3A_600 = vector.broadcast %mul3A_296 : i32 to vector<16xi32>
        %parallel_loop3A_601 = arith.addi %parallel_loop3A_600, %parallel_loop3A_599 : vector<16xi32>
        %parallel_loop3A_602 = tpu.vector_load_idx %arg10[%parallel_loop3A_601, %parallel_loop3A_563] : memref<128x24xf32, #tpu.memory_space<vmem>>[vector<16xi32>, vector<16xi32>], vector<16xf32>,
        %parallel_loop3A_603 = arith.constant 3 : i32
        %parallel_loop3A_604 = vector.broadcast %parallel_loop3A_603 : i32 to vector<16xi32>
        %parallel_loop3A_605 = vector.broadcast %mul3A_296 : i32 to vector<16xi32>
        %parallel_loop3A_606 = arith.addi %parallel_loop3A_605, %parallel_loop3A_604 : vector<16xi32>
        %parallel_loop3A_607 = tpu.vector_load_idx %arg10[%parallel_loop3A_606, %parallel_loop3A_559] : memref<128x24xf32, #tpu.memory_space<vmem>>[vector<16xi32>, vector<16xi32>], vector<16xf32>,
        %parallel_loop3A_608 = arith.constant 4 : i32
        %parallel_loop3A_609 = vector.broadcast %parallel_loop3A_608 : i32 to vector<16xi32>
        %parallel_loop3A_610 = vector.broadcast %mul3A_296 : i32 to vector<16xi32>
        %parallel_loop3A_611 = arith.addi %parallel_loop3A_610, %parallel_loop3A_609 : vector<16xi32>
        %parallel_loop3A_612 = tpu.vector_load_idx %arg10[%parallel_loop3A_611, %parallel_loop3A_563] : memref<128x24xf32, #tpu.memory_space<vmem>>[vector<16xi32>, vector<16xi32>], vector<16xf32>,
        %parallel_loop3A_613 = arith.constant 4 : i32
        %parallel_loop3A_614 = vector.broadcast %parallel_loop3A_613 : i32 to vector<16xi32>
        %parallel_loop3A_615 = vector.broadcast %mul3A_296 : i32 to vector<16xi32>
        %parallel_loop3A_616 = arith.addi %parallel_loop3A_615, %parallel_loop3A_614 : vector<16xi32>
        %parallel_loop3A_617 = tpu.vector_load_idx %arg10[%parallel_loop3A_616, %parallel_loop3A_559] : memref<128x24xf32, #tpu.memory_space<vmem>>[vector<16xi32>, vector<16xi32>], vector<16xf32>,
        %parallel_loop3A_618 = arith.constant 5 : i32
        %parallel_loop3A_619 = vector.broadcast %parallel_loop3A_618 : i32 to vector<16xi32>
        %parallel_loop3A_620 = vector.broadcast %mul3A_296 : i32 to vector<16xi32>
        %parallel_loop3A_621 = arith.addi %parallel_loop3A_620, %parallel_loop3A_619 : vector<16xi32>
        %parallel_loop3A_622 = tpu.vector_load_idx %arg10[%parallel_loop3A_621, %parallel_loop3A_563] : memref<128x24xf32, #tpu.memory_space<vmem>>[vector<16xi32>, vector<16xi32>], vector<16xf32>,
        %parallel_loop3A_623 = arith.constant 5 : i32
        %parallel_loop3A_624 = vector.broadcast %parallel_loop3A_623 : i32 to vector<16xi32>
        %parallel_loop3A_625 = vector.broadcast %mul3A_296 : i32 to vector<16xi32>
        %parallel_loop3A_626 = arith.addi %parallel_loop3A_625, %parallel_loop3A_624 : vector<16xi32>
        %parallel_loop3A_627 = tpu.vector_load_idx %arg10[%parallel_loop3A_626, %parallel_loop3A_559] : memref<128x24xf32, #tpu.memory_space<vmem>>[vector<16xi32>, vector<16xi32>], vector<16xf32>,
        %parallel_loop3A_628 = arith.constant 6 : i32
        %parallel_loop3A_629 = vector.broadcast %parallel_loop3A_628 : i32 to vector<16xi32>
        %parallel_loop3A_630 = vector.broadcast %mul3A_296 : i32 to vector<16xi32>
        %parallel_loop3A_631 = arith.addi %parallel_loop3A_630, %parallel_loop3A_629 : vector<16xi32>
        %parallel_loop3A_632 = tpu.vector_load_idx %arg10[%parallel_loop3A_631, %parallel_loop3A_563] : memref<128x24xf32, #tpu.memory_space<vmem>>[vector<16xi32>, vector<16xi32>], vector<16xf32>,
        %parallel_loop3A_633 = arith.constant 6 : i32
        %parallel_loop3A_634 = vector.broadcast %parallel_loop3A_633 : i32 to vector<16xi32>
        %parallel_loop3A_635 = vector.broadcast %mul3A_296 : i32 to vector<16xi32>
        %parallel_loop3A_636 = arith.addi %parallel_loop3A_635, %parallel_loop3A_634 : vector<16xi32>
        %parallel_loop3A_637 = tpu.vector_load_idx %arg10[%parallel_loop3A_636, %parallel_loop3A_559] : memref<128x24xf32, #tpu.memory_space<vmem>>[vector<16xi32>, vector<16xi32>], vector<16xf32>,
        %parallel_loop3A_638 = arith.constant 7 : i32
        %parallel_loop3A_639 = vector.broadcast %parallel_loop3A_638 : i32 to vector<16xi32>
        %parallel_loop3A_640 = vector.broadcast %mul3A_296 : i32 to vector<16xi32>
        %parallel_loop3A_641 = arith.addi %parallel_loop3A_640, %parallel_loop3A_639 : vector<16xi32>
        %parallel_loop3A_642 = tpu.vector_load_idx %arg10[%parallel_loop3A_641, %parallel_loop3A_563] : memref<128x24xf32, #tpu.memory_space<vmem>>[vector<16xi32>, vector<16xi32>], vector<16xf32>,
        %parallel_loop3A_643 = arith.constant 7 : i32
        %parallel_loop3A_644 = vector.broadcast %parallel_loop3A_643 : i32 to vector<16xi32>
        %parallel_loop3A_645 = vector.broadcast %mul3A_296 : i32 to vector<16xi32>
        %parallel_loop3A_646 = arith.addi %parallel_loop3A_645, %parallel_loop3A_644 : vector<16xi32>
        %parallel_loop3A_647 = tpu.vector_load_idx %arg10[%parallel_loop3A_646, %parallel_loop3A_559] : memref<128x24xf32, #tpu.memory_space<vmem>>[vector<16xi32>, vector<16xi32>], vector<16xf32>,
        %parallel_loop3A_648 = arith.constant 0 : i32
        %parallel_loop3A_649 = vector.broadcast %parallel_loop3A_648 : i32 to vector<16xi32>
        %parallel_loop3A_650 = arith.mulf %parallel_loop3A_572, %parallel_loop3A_577 : vector<16xf32>
        tpu.vector_store_idx %arg12[%parallel_loop3A_649, %parallel_loop3A_567], %parallel_loop3A_650 : memref<8x6195xf32, #tpu.memory_space<vmem>>[vector<16xi32>, vector<16xi32>], vector<16xf32>,
        %parallel_loop3A_651 = arith.constant 1 : i32
        %parallel_loop3A_652 = vector.broadcast %parallel_loop3A_651 : i32 to vector<16xi32>
        %parallel_loop3A_653 = arith.mulf %parallel_loop3A_582, %parallel_loop3A_587 : vector<16xf32>
        tpu.vector_store_idx %arg12[%parallel_loop3A_652, %parallel_loop3A_567], %parallel_loop3A_653 : memref<8x6195xf32, #tpu.memory_space<vmem>>[vector<16xi32>, vector<16xi32>], vector<16xf32>,
        %parallel_loop3A_654 = arith.constant 2 : i32
        %parallel_loop3A_655 = vector.broadcast %parallel_loop3A_654 : i32 to vector<16xi32>
        %parallel_loop3A_656 = arith.mulf %parallel_loop3A_592, %parallel_loop3A_597 : vector<16xf32>
        tpu.vector_store_idx %arg12[%parallel_loop3A_655, %parallel_loop3A_567], %parallel_loop3A_656 : memref<8x6195xf32, #tpu.memory_space<vmem>>[vector<16xi32>, vector<16xi32>], vector<16xf32>,
        %parallel_loop3A_657 = arith.constant 3 : i32
        %parallel_loop3A_658 = vector.broadcast %parallel_loop3A_657 : i32 to vector<16xi32>
        %parallel_loop3A_659 = arith.mulf %parallel_loop3A_602, %parallel_loop3A_607 : vector<16xf32>
        tpu.vector_store_idx %arg12[%parallel_loop3A_658, %parallel_loop3A_567], %parallel_loop3A_659 : memref<8x6195xf32, #tpu.memory_space<vmem>>[vector<16xi32>, vector<16xi32>], vector<16xf32>,
        %parallel_loop3A_660 = arith.constant 4 : i32
        %parallel_loop3A_661 = vector.broadcast %parallel_loop3A_660 : i32 to vector<16xi32>
        %parallel_loop3A_662 = arith.mulf %parallel_loop3A_612, %parallel_loop3A_617 : vector<16xf32>
        tpu.vector_store_idx %arg12[%parallel_loop3A_661, %parallel_loop3A_567], %parallel_loop3A_662 : memref<8x6195xf32, #tpu.memory_space<vmem>>[vector<16xi32>, vector<16xi32>], vector<16xf32>,
        %parallel_loop3A_663 = arith.constant 5 : i32
        %parallel_loop3A_664 = vector.broadcast %parallel_loop3A_663 : i32 to vector<16xi32>
        %parallel_loop3A_665 = arith.mulf %parallel_loop3A_622, %parallel_loop3A_627 : vector<16xf32>
        tpu.vector_store_idx %arg12[%parallel_loop3A_664, %parallel_loop3A_567], %parallel_loop3A_665 : memref<8x6195xf32, #tpu.memory_space<vmem>>[vector<16xi32>, vector<16xi32>], vector<16xf32>,
        %parallel_loop3A_666 = arith.constant 6 : i32
        %parallel_loop3A_667 = vector.broadcast %parallel_loop3A_666 : i32 to vector<16xi32>
        %parallel_loop3A_668 = arith.mulf %parallel_loop3A_632, %parallel_loop3A_637 : vector<16xf32>
        tpu.vector_store_idx %arg12[%parallel_loop3A_667, %parallel_loop3A_567], %parallel_loop3A_668 : memref<8x6195xf32, #tpu.memory_space<vmem>>[vector<16xi32>, vector<16xi32>], vector<16xf32>,
        %parallel_loop3A_669 = arith.constant 7 : i32
        %parallel_loop3A_670 = vector.broadcast %parallel_loop3A_669 : i32 to vector<16xi32>
        %parallel_loop3A_671 = arith.mulf %parallel_loop3A_642, %parallel_loop3A_647 : vector<16xf32>
        tpu.vector_store_idx %arg12[%parallel_loop3A_670, %parallel_loop3A_567], %parallel_loop3A_671 : memref<8x6195xf32, #tpu.memory_space<vmem>>[vector<16xi32>, vector<16xi32>], vector<16xf32>,
      } {sc.loop_unroll_factor = 1 : i64, sc.parallel_access}
      %get3A_300 = arith.constant 208 : index
      %get3A_301 = tpu.vector_load %arg9[%get3A_300] {strides = array<i32>} : memref<6208xi32, #tpu.memory_space<vmem>>, vector<16xi32>,
      %get3A_302 = arith.constant 208 : index
      %get3A_303 = tpu.vector_load %arg7[%get3A_302] {strides = array<i32>} : memref<6208xi32, #tpu.memory_space<vmem>>, vector<16xi32>,
      %get3A_304 = arith.constant 208 : index
      %get3A_305 = tpu.vector_load %arg8[%get3A_304] {strides = array<i32>} : memref<6208xi32, #tpu.memory_space<vmem>>, vector<16xi32>,
      %add3A_306 = arith.constant 208 : i32
      %add3A_307 = vector.broadcast %add3A_306 : i32 to vector<16xi32>
      %add3A_308 = arith.addi %add3A_307, %iota3A : vector<16xi32>
      %broadcast_in_dim3A_309 = arith.constant 0 : i32
      %broadcast_in_dim3A_310 = vector.broadcast %broadcast_in_dim3A_309 : i32 to vector<16xi32>
      %add3A_311 = vector.broadcast %mul3A_296 : i32 to vector<16xi32>
      %add3A_312 = arith.addi %add3A_311, %broadcast_in_dim3A_310 : vector<16xi32>
      %gather3A_313 = tpu.vector_load_idx %arg10[%add3A_312, %get3A_303] : memref<128x24xf32, #tpu.memory_space<vmem>>[vector<16xi32>, vector<16xi32>], vector<16xf32>,
      %broadcast_in_dim3A_314 = arith.constant 0 : i32
      %broadcast_in_dim3A_315 = vector.broadcast %broadcast_in_dim3A_314 : i32 to vector<16xi32>
      %gather3A_316 = tpu.vector_load_idx %arg12[%broadcast_in_dim3A_315, %get3A_305] : memref<8x6195xf32, #tpu.memory_space<vmem>>[vector<16xi32>, vector<16xi32>], vector<16xf32>,
      %broadcast_in_dim3A_317 = arith.constant 0 : i32
      %broadcast_in_dim3A_318 = vector.broadcast %broadcast_in_dim3A_317 : i32 to vector<16xi32>
      %add3A_319 = vector.broadcast %mul3A_296 : i32 to vector<16xi32>
      %add3A_320 = arith.addi %add3A_319, %broadcast_in_dim3A_318 : vector<16xi32>
      %gather3A_321 = tpu.vector_load_idx %arg10[%add3A_320, %get3A_301] : memref<128x24xf32, #tpu.memory_space<vmem>>[vector<16xi32>, vector<16xi32>], vector<16xf32>,
      %select_n3A_322 = arith.select %ge3A_4, %gather3A_316, %gather3A_313 : vector<16xi1>, vector<16xf32>
      %mul3A_323 = arith.mulf %select_n3A_322, %gather3A_321 : vector<16xf32>
      %broadcast_in_dim3A_324 = arith.constant 1 : i32
      %broadcast_in_dim3A_325 = vector.broadcast %broadcast_in_dim3A_324 : i32 to vector<16xi32>
      %add3A_326 = vector.broadcast %mul3A_296 : i32 to vector<16xi32>
      %add3A_327 = arith.addi %add3A_326, %broadcast_in_dim3A_325 : vector<16xi32>
      %gather3A_328 = tpu.vector_load_idx %arg10[%add3A_327, %get3A_303] : memref<128x24xf32, #tpu.memory_space<vmem>>[vector<16xi32>, vector<16xi32>], vector<16xf32>,
      %broadcast_in_dim3A_329 = arith.constant 1 : i32
      %broadcast_in_dim3A_330 = vector.broadcast %broadcast_in_dim3A_329 : i32 to vector<16xi32>
      %gather3A_331 = tpu.vector_load_idx %arg12[%broadcast_in_dim3A_330, %get3A_305] : memref<8x6195xf32, #tpu.memory_space<vmem>>[vector<16xi32>, vector<16xi32>], vector<16xf32>,
      %broadcast_in_dim3A_332 = arith.constant 1 : i32
      %broadcast_in_dim3A_333 = vector.broadcast %broadcast_in_dim3A_332 : i32 to vector<16xi32>
      %add3A_334 = vector.broadcast %mul3A_296 : i32 to vector<16xi32>
      %add3A_335 = arith.addi %add3A_334, %broadcast_in_dim3A_333 : vector<16xi32>
      %gather3A_336 = tpu.vector_load_idx %arg10[%add3A_335, %get3A_301] : memref<128x24xf32, #tpu.memory_space<vmem>>[vector<16xi32>, vector<16xi32>], vector<16xf32>,
      %select_n3A_337 = arith.select %ge3A_4, %gather3A_331, %gather3A_328 : vector<16xi1>, vector<16xf32>
      %mul3A_338 = arith.mulf %select_n3A_337, %gather3A_336 : vector<16xf32>
      %broadcast_in_dim3A_339 = arith.constant 2 : i32
      %broadcast_in_dim3A_340 = vector.broadcast %broadcast_in_dim3A_339 : i32 to vector<16xi32>
      %add3A_341 = vector.broadcast %mul3A_296 : i32 to vector<16xi32>
      %add3A_342 = arith.addi %add3A_341, %broadcast_in_dim3A_340 : vector<16xi32>
      %gather3A_343 = tpu.vector_load_idx %arg10[%add3A_342, %get3A_303] : memref<128x24xf32, #tpu.memory_space<vmem>>[vector<16xi32>, vector<16xi32>], vector<16xf32>,
      %broadcast_in_dim3A_344 = arith.constant 2 : i32
      %broadcast_in_dim3A_345 = vector.broadcast %broadcast_in_dim3A_344 : i32 to vector<16xi32>
      %gather3A_346 = tpu.vector_load_idx %arg12[%broadcast_in_dim3A_345, %get3A_305] : memref<8x6195xf32, #tpu.memory_space<vmem>>[vector<16xi32>, vector<16xi32>], vector<16xf32>,
      %broadcast_in_dim3A_347 = arith.constant 2 : i32
      %broadcast_in_dim3A_348 = vector.broadcast %broadcast_in_dim3A_347 : i32 to vector<16xi32>
      %add3A_349 = vector.broadcast %mul3A_296 : i32 to vector<16xi32>
      %add3A_350 = arith.addi %add3A_349, %broadcast_in_dim3A_348 : vector<16xi32>
      %gather3A_351 = tpu.vector_load_idx %arg10[%add3A_350, %get3A_301] : memref<128x24xf32, #tpu.memory_space<vmem>>[vector<16xi32>, vector<16xi32>], vector<16xf32>,
      %select_n3A_352 = arith.select %ge3A_4, %gather3A_346, %gather3A_343 : vector<16xi1>, vector<16xf32>
      %mul3A_353 = arith.mulf %select_n3A_352, %gather3A_351 : vector<16xf32>
      %broadcast_in_dim3A_354 = arith.constant 3 : i32
      %broadcast_in_dim3A_355 = vector.broadcast %broadcast_in_dim3A_354 : i32 to vector<16xi32>
      %add3A_356 = vector.broadcast %mul3A_296 : i32 to vector<16xi32>
      %add3A_357 = arith.addi %add3A_356, %broadcast_in_dim3A_355 : vector<16xi32>
      %gather3A_358 = tpu.vector_load_idx %arg10[%add3A_357, %get3A_303] : memref<128x24xf32, #tpu.memory_space<vmem>>[vector<16xi32>, vector<16xi32>], vector<16xf32>,
      %broadcast_in_dim3A_359 = arith.constant 3 : i32
      %broadcast_in_dim3A_360 = vector.broadcast %broadcast_in_dim3A_359 : i32 to vector<16xi32>
      %gather3A_361 = tpu.vector_load_idx %arg12[%broadcast_in_dim3A_360, %get3A_305] : memref<8x6195xf32, #tpu.memory_space<vmem>>[vector<16xi32>, vector<16xi32>], vector<16xf32>,
      %broadcast_in_dim3A_362 = arith.constant 3 : i32
      %broadcast_in_dim3A_363 = vector.broadcast %broadcast_in_dim3A_362 : i32 to vector<16xi32>
      %add3A_364 = vector.broadcast %mul3A_296 : i32 to vector<16xi32>
      %add3A_365 = arith.addi %add3A_364, %broadcast_in_dim3A_363 : vector<16xi32>
      %gather3A_366 = tpu.vector_load_idx %arg10[%add3A_365, %get3A_301] : memref<128x24xf32, #tpu.memory_space<vmem>>[vector<16xi32>, vector<16xi32>], vector<16xf32>,
      %select_n3A_367 = arith.select %ge3A_4, %gather3A_361, %gather3A_358 : vector<16xi1>, vector<16xf32>
      %mul3A_368 = arith.mulf %select_n3A_367, %gather3A_366 : vector<16xf32>
      %broadcast_in_dim3A_369 = arith.constant 4 : i32
      %broadcast_in_dim3A_370 = vector.broadcast %broadcast_in_dim3A_369 : i32 to vector<16xi32>
      %add3A_371 = vector.broadcast %mul3A_296 : i32 to vector<16xi32>
      %add3A_372 = arith.addi %add3A_371, %broadcast_in_dim3A_370 : vector<16xi32>
      %gather3A_373 = tpu.vector_load_idx %arg10[%add3A_372, %get3A_303] : memref<128x24xf32, #tpu.memory_space<vmem>>[vector<16xi32>, vector<16xi32>], vector<16xf32>,
      %broadcast_in_dim3A_374 = arith.constant 4 : i32
      %broadcast_in_dim3A_375 = vector.broadcast %broadcast_in_dim3A_374 : i32 to vector<16xi32>
      %gather3A_376 = tpu.vector_load_idx %arg12[%broadcast_in_dim3A_375, %get3A_305] : memref<8x6195xf32, #tpu.memory_space<vmem>>[vector<16xi32>, vector<16xi32>], vector<16xf32>,
      %broadcast_in_dim3A_377 = arith.constant 4 : i32
      %broadcast_in_dim3A_378 = vector.broadcast %broadcast_in_dim3A_377 : i32 to vector<16xi32>
      %add3A_379 = vector.broadcast %mul3A_296 : i32 to vector<16xi32>
      %add3A_380 = arith.addi %add3A_379, %broadcast_in_dim3A_378 : vector<16xi32>
      %gather3A_381 = tpu.vector_load_idx %arg10[%add3A_380, %get3A_301] : memref<128x24xf32, #tpu.memory_space<vmem>>[vector<16xi32>, vector<16xi32>], vector<16xf32>,
      %select_n3A_382 = arith.select %ge3A_4, %gather3A_376, %gather3A_373 : vector<16xi1>, vector<16xf32>
      %mul3A_383 = arith.mulf %select_n3A_382, %gather3A_381 : vector<16xf32>
      %broadcast_in_dim3A_384 = arith.constant 5 : i32
      %broadcast_in_dim3A_385 = vector.broadcast %broadcast_in_dim3A_384 : i32 to vector<16xi32>
      %add3A_386 = vector.broadcast %mul3A_296 : i32 to vector<16xi32>
      %add3A_387 = arith.addi %add3A_386, %broadcast_in_dim3A_385 : vector<16xi32>
      %gather3A_388 = tpu.vector_load_idx %arg10[%add3A_387, %get3A_303] : memref<128x24xf32, #tpu.memory_space<vmem>>[vector<16xi32>, vector<16xi32>], vector<16xf32>,
      %broadcast_in_dim3A_389 = arith.constant 5 : i32
      %broadcast_in_dim3A_390 = vector.broadcast %broadcast_in_dim3A_389 : i32 to vector<16xi32>
      %gather3A_391 = tpu.vector_load_idx %arg12[%broadcast_in_dim3A_390, %get3A_305] : memref<8x6195xf32, #tpu.memory_space<vmem>>[vector<16xi32>, vector<16xi32>], vector<16xf32>,
      %broadcast_in_dim3A_392 = arith.constant 5 : i32
      %broadcast_in_dim3A_393 = vector.broadcast %broadcast_in_dim3A_392 : i32 to vector<16xi32>
      %add3A_394 = vector.broadcast %mul3A_296 : i32 to vector<16xi32>
      %add3A_395 = arith.addi %add3A_394, %broadcast_in_dim3A_393 : vector<16xi32>
      %gather3A_396 = tpu.vector_load_idx %arg10[%add3A_395, %get3A_301] : memref<128x24xf32, #tpu.memory_space<vmem>>[vector<16xi32>, vector<16xi32>], vector<16xf32>,
      %select_n3A_397 = arith.select %ge3A_4, %gather3A_391, %gather3A_388 : vector<16xi1>, vector<16xf32>
      %mul3A_398 = arith.mulf %select_n3A_397, %gather3A_396 : vector<16xf32>
      %broadcast_in_dim3A_399 = arith.constant 6 : i32
      %broadcast_in_dim3A_400 = vector.broadcast %broadcast_in_dim3A_399 : i32 to vector<16xi32>
      %add3A_401 = vector.broadcast %mul3A_296 : i32 to vector<16xi32>
      %add3A_402 = arith.addi %add3A_401, %broadcast_in_dim3A_400 : vector<16xi32>
      %gather3A_403 = tpu.vector_load_idx %arg10[%add3A_402, %get3A_303] : memref<128x24xf32, #tpu.memory_space<vmem>>[vector<16xi32>, vector<16xi32>], vector<16xf32>,
      %broadcast_in_dim3A_404 = arith.constant 6 : i32
      %broadcast_in_dim3A_405 = vector.broadcast %broadcast_in_dim3A_404 : i32 to vector<16xi32>
      %gather3A_406 = tpu.vector_load_idx %arg12[%broadcast_in_dim3A_405, %get3A_305] : memref<8x6195xf32, #tpu.memory_space<vmem>>[vector<16xi32>, vector<16xi32>], vector<16xf32>,
      %broadcast_in_dim3A_407 = arith.constant 6 : i32
      %broadcast_in_dim3A_408 = vector.broadcast %broadcast_in_dim3A_407 : i32 to vector<16xi32>
      %add3A_409 = vector.broadcast %mul3A_296 : i32 to vector<16xi32>
      %add3A_410 = arith.addi %add3A_409, %broadcast_in_dim3A_408 : vector<16xi32>
      %gather3A_411 = tpu.vector_load_idx %arg10[%add3A_410, %get3A_301] : memref<128x24xf32, #tpu.memory_space<vmem>>[vector<16xi32>, vector<16xi32>], vector<16xf32>,
      %select_n3A_412 = arith.select %ge3A_4, %gather3A_406, %gather3A_403 : vector<16xi1>, vector<16xf32>
      %mul3A_413 = arith.mulf %select_n3A_412, %gather3A_411 : vector<16xf32>
      %broadcast_in_dim3A_414 = arith.constant 7 : i32
      %broadcast_in_dim3A_415 = vector.broadcast %broadcast_in_dim3A_414 : i32 to vector<16xi32>
      %add3A_416 = vector.broadcast %mul3A_296 : i32 to vector<16xi32>
      %add3A_417 = arith.addi %add3A_416, %broadcast_in_dim3A_415 : vector<16xi32>
      %gather3A_418 = tpu.vector_load_idx %arg10[%add3A_417, %get3A_303] : memref<128x24xf32, #tpu.memory_space<vmem>>[vector<16xi32>, vector<16xi32>], vector<16xf32>,
      %broadcast_in_dim3A_419 = arith.constant 7 : i32
      %broadcast_in_dim3A_420 = vector.broadcast %broadcast_in_dim3A_419 : i32 to vector<16xi32>
      %gather3A_421 = tpu.vector_load_idx %arg12[%broadcast_in_dim3A_420, %get3A_305] : memref<8x6195xf32, #tpu.memory_space<vmem>>[vector<16xi32>, vector<16xi32>], vector<16xf32>,
      %broadcast_in_dim3A_422 = arith.constant 7 : i32
      %broadcast_in_dim3A_423 = vector.broadcast %broadcast_in_dim3A_422 : i32 to vector<16xi32>
      %add3A_424 = vector.broadcast %mul3A_296 : i32 to vector<16xi32>
      %add3A_425 = arith.addi %add3A_424, %broadcast_in_dim3A_423 : vector<16xi32>
      %gather3A_426 = tpu.vector_load_idx %arg10[%add3A_425, %get3A_301] : memref<128x24xf32, #tpu.memory_space<vmem>>[vector<16xi32>, vector<16xi32>], vector<16xf32>,
      %select_n3A_427 = arith.select %ge3A_4, %gather3A_421, %gather3A_418 : vector<16xi1>, vector<16xf32>
      %mul3A_428 = arith.mulf %select_n3A_427, %gather3A_426 : vector<16xf32>
      %broadcast_in_dim3A_429 = arith.constant 0 : i32
      %broadcast_in_dim3A_430 = vector.broadcast %broadcast_in_dim3A_429 : i32 to vector<16xi32>
      tpu.vector_store_idx %arg12[%broadcast_in_dim3A_430, %add3A_308], %mul3A_323 : memref<8x6195xf32, #tpu.memory_space<vmem>>[vector<16xi32>, vector<16xi32>], vector<16xf32>,
      %broadcast_in_dim3A_431 = arith.constant 1 : i32
      %broadcast_in_dim3A_432 = vector.broadcast %broadcast_in_dim3A_431 : i32 to vector<16xi32>
      tpu.vector_store_idx %arg12[%broadcast_in_dim3A_432, %add3A_308], %mul3A_338 : memref<8x6195xf32, #tpu.memory_space<vmem>>[vector<16xi32>, vector<16xi32>], vector<16xf32>,
      %broadcast_in_dim3A_433 = arith.constant 2 : i32
      %broadcast_in_dim3A_434 = vector.broadcast %broadcast_in_dim3A_433 : i32 to vector<16xi32>
      tpu.vector_store_idx %arg12[%broadcast_in_dim3A_434, %add3A_308], %mul3A_353 : memref<8x6195xf32, #tpu.memory_space<vmem>>[vector<16xi32>, vector<16xi32>], vector<16xf32>,
      %broadcast_in_dim3A_435 = arith.constant 3 : i32
      %broadcast_in_dim3A_436 = vector.broadcast %broadcast_in_dim3A_435 : i32 to vector<16xi32>
      tpu.vector_store_idx %arg12[%broadcast_in_dim3A_436, %add3A_308], %mul3A_368 : memref<8x6195xf32, #tpu.memory_space<vmem>>[vector<16xi32>, vector<16xi32>], vector<16xf32>,
      %broadcast_in_dim3A_437 = arith.constant 4 : i32
      %broadcast_in_dim3A_438 = vector.broadcast %broadcast_in_dim3A_437 : i32 to vector<16xi32>
      tpu.vector_store_idx %arg12[%broadcast_in_dim3A_438, %add3A_308], %mul3A_383 : memref<8x6195xf32, #tpu.memory_space<vmem>>[vector<16xi32>, vector<16xi32>], vector<16xf32>,
      %broadcast_in_dim3A_439 = arith.constant 5 : i32
      %broadcast_in_dim3A_440 = vector.broadcast %broadcast_in_dim3A_439 : i32 to vector<16xi32>
      tpu.vector_store_idx %arg12[%broadcast_in_dim3A_440, %add3A_308], %mul3A_398 : memref<8x6195xf32, #tpu.memory_space<vmem>>[vector<16xi32>, vector<16xi32>], vector<16xf32>,
      %broadcast_in_dim3A_441 = arith.constant 6 : i32
      %broadcast_in_dim3A_442 = vector.broadcast %broadcast_in_dim3A_441 : i32 to vector<16xi32>
      tpu.vector_store_idx %arg12[%broadcast_in_dim3A_442, %add3A_308], %mul3A_413 : memref<8x6195xf32, #tpu.memory_space<vmem>>[vector<16xi32>, vector<16xi32>], vector<16xf32>,
      %broadcast_in_dim3A_443 = arith.constant 7 : i32
      %broadcast_in_dim3A_444 = vector.broadcast %broadcast_in_dim3A_443 : i32 to vector<16xi32>
      tpu.vector_store_idx %arg12[%broadcast_in_dim3A_444, %add3A_308], %mul3A_428 : memref<8x6195xf32, #tpu.memory_space<vmem>>[vector<16xi32>, vector<16xi32>], vector<16xf32>,
      %parallel_loop3A_445 = arith.constant 14 : i32
      %parallel_loop3A_446 = arith.constant 85 : i32
      %parallel_loop3A_447 = arith.constant 1 : i32
      scf.for %parallel_loop3A_555 = %parallel_loop3A_445 to %parallel_loop3A_446 step %parallel_loop3A_447  : i32 {
        %parallel_loop3A_556 = arith.constant 16 : i32
        %parallel_loop3A_557 = arith.muli %parallel_loop3A_555, %parallel_loop3A_556 : i32
        %parallel_loop3A_558 = arith.index_cast %parallel_loop3A_557 : i32 to index
        %parallel_loop3A_559 = tpu.vector_load %arg9[%parallel_loop3A_558] {strides = array<i32>} : memref<6208xi32, #tpu.memory_space<vmem>>, vector<16xi32>,
        %parallel_loop3A_560 = arith.constant 16 : i32
        %parallel_loop3A_561 = arith.muli %parallel_loop3A_555, %parallel_loop3A_560 : i32
        %parallel_loop3A_562 = arith.index_cast %parallel_loop3A_561 : i32 to index
        %parallel_loop3A_563 = tpu.vector_load %arg8[%parallel_loop3A_562] {strides = array<i32>} : memref<6208xi32, #tpu.memory_space<vmem>>, vector<16xi32>,
        %parallel_loop3A_564 = arith.constant 16 : i32
        %parallel_loop3A_565 = arith.muli %parallel_loop3A_555, %parallel_loop3A_564 : i32
        %parallel_loop3A_566 = vector.broadcast %parallel_loop3A_565 : i32 to vector<16xi32>
        %parallel_loop3A_567 = arith.addi %parallel_loop3A_566, %iota3A : vector<16xi32>
        %parallel_loop3A_568 = arith.constant 0 : i32
        %parallel_loop3A_569 = vector.broadcast %parallel_loop3A_568 : i32 to vector<16xi32>
        %parallel_loop3A_570 = tpu.vector_load_idx %arg12[%parallel_loop3A_569, %parallel_loop3A_563] : memref<8x6195xf32, #tpu.memory_space<vmem>>[vector<16xi32>, vector<16xi32>], vector<16xf32>,
        %parallel_loop3A_571 = arith.constant 0 : i32
        %parallel_loop3A_572 = vector.broadcast %parallel_loop3A_571 : i32 to vector<16xi32>
        %parallel_loop3A_573 = vector.broadcast %mul3A_296 : i32 to vector<16xi32>
        %parallel_loop3A_574 = arith.addi %parallel_loop3A_573, %parallel_loop3A_572 : vector<16xi32>
        %parallel_loop3A_575 = tpu.vector_load_idx %arg10[%parallel_loop3A_574, %parallel_loop3A_559] : memref<128x24xf32, #tpu.memory_space<vmem>>[vector<16xi32>, vector<16xi32>], vector<16xf32>,
        %parallel_loop3A_576 = arith.constant 1 : i32
        %parallel_loop3A_577 = vector.broadcast %parallel_loop3A_576 : i32 to vector<16xi32>
        %parallel_loop3A_578 = tpu.vector_load_idx %arg12[%parallel_loop3A_577, %parallel_loop3A_563] : memref<8x6195xf32, #tpu.memory_space<vmem>>[vector<16xi32>, vector<16xi32>], vector<16xf32>,
        %parallel_loop3A_579 = arith.constant 1 : i32
        %parallel_loop3A_580 = vector.broadcast %parallel_loop3A_579 : i32 to vector<16xi32>
        %parallel_loop3A_581 = vector.broadcast %mul3A_296 : i32 to vector<16xi32>
        %parallel_loop3A_582 = arith.addi %parallel_loop3A_581, %parallel_loop3A_580 : vector<16xi32>
        %parallel_loop3A_583 = tpu.vector_load_idx %arg10[%parallel_loop3A_582, %parallel_loop3A_559] : memref<128x24xf32, #tpu.memory_space<vmem>>[vector<16xi32>, vector<16xi32>], vector<16xf32>,
        %parallel_loop3A_584 = arith.constant 2 : i32
        %parallel_loop3A_585 = vector.broadcast %parallel_loop3A_584 : i32 to vector<16xi32>
        %parallel_loop3A_586 = tpu.vector_load_idx %arg12[%parallel_loop3A_585, %parallel_loop3A_563] : memref<8x6195xf32, #tpu.memory_space<vmem>>[vector<16xi32>, vector<16xi32>], vector<16xf32>,
        %parallel_loop3A_587 = arith.constant 2 : i32
        %parallel_loop3A_588 = vector.broadcast %parallel_loop3A_587 : i32 to vector<16xi32>
        %parallel_loop3A_589 = vector.broadcast %mul3A_296 : i32 to vector<16xi32>
        %parallel_loop3A_590 = arith.addi %parallel_loop3A_589, %parallel_loop3A_588 : vector<16xi32>
        %parallel_loop3A_591 = tpu.vector_load_idx %arg10[%parallel_loop3A_590, %parallel_loop3A_559] : memref<128x24xf32, #tpu.memory_space<vmem>>[vector<16xi32>, vector<16xi32>], vector<16xf32>,
        %parallel_loop3A_592 = arith.constant 3 : i32
        %parallel_loop3A_593 = vector.broadcast %parallel_loop3A_592 : i32 to vector<16xi32>
        %parallel_loop3A_594 = tpu.vector_load_idx %arg12[%parallel_loop3A_593, %parallel_loop3A_563] : memref<8x6195xf32, #tpu.memory_space<vmem>>[vector<16xi32>, vector<16xi32>], vector<16xf32>,
        %parallel_loop3A_595 = arith.constant 3 : i32
        %parallel_loop3A_596 = vector.broadcast %parallel_loop3A_595 : i32 to vector<16xi32>
        %parallel_loop3A_597 = vector.broadcast %mul3A_296 : i32 to vector<16xi32>
        %parallel_loop3A_598 = arith.addi %parallel_loop3A_597, %parallel_loop3A_596 : vector<16xi32>
        %parallel_loop3A_599 = tpu.vector_load_idx %arg10[%parallel_loop3A_598, %parallel_loop3A_559] : memref<128x24xf32, #tpu.memory_space<vmem>>[vector<16xi32>, vector<16xi32>], vector<16xf32>,
        %parallel_loop3A_600 = arith.constant 4 : i32
        %parallel_loop3A_601 = vector.broadcast %parallel_loop3A_600 : i32 to vector<16xi32>
        %parallel_loop3A_602 = tpu.vector_load_idx %arg12[%parallel_loop3A_601, %parallel_loop3A_563] : memref<8x6195xf32, #tpu.memory_space<vmem>>[vector<16xi32>, vector<16xi32>], vector<16xf32>,
        %parallel_loop3A_603 = arith.constant 4 : i32
        %parallel_loop3A_604 = vector.broadcast %parallel_loop3A_603 : i32 to vector<16xi32>
        %parallel_loop3A_605 = vector.broadcast %mul3A_296 : i32 to vector<16xi32>
        %parallel_loop3A_606 = arith.addi %parallel_loop3A_605, %parallel_loop3A_604 : vector<16xi32>
        %parallel_loop3A_607 = tpu.vector_load_idx %arg10[%parallel_loop3A_606, %parallel_loop3A_559] : memref<128x24xf32, #tpu.memory_space<vmem>>[vector<16xi32>, vector<16xi32>], vector<16xf32>,
        %parallel_loop3A_608 = arith.constant 5 : i32
        %parallel_loop3A_609 = vector.broadcast %parallel_loop3A_608 : i32 to vector<16xi32>
        %parallel_loop3A_610 = tpu.vector_load_idx %arg12[%parallel_loop3A_609, %parallel_loop3A_563] : memref<8x6195xf32, #tpu.memory_space<vmem>>[vector<16xi32>, vector<16xi32>], vector<16xf32>,
        %parallel_loop3A_611 = arith.constant 5 : i32
        %parallel_loop3A_612 = vector.broadcast %parallel_loop3A_611 : i32 to vector<16xi32>
        %parallel_loop3A_613 = vector.broadcast %mul3A_296 : i32 to vector<16xi32>
        %parallel_loop3A_614 = arith.addi %parallel_loop3A_613, %parallel_loop3A_612 : vector<16xi32>
        %parallel_loop3A_615 = tpu.vector_load_idx %arg10[%parallel_loop3A_614, %parallel_loop3A_559] : memref<128x24xf32, #tpu.memory_space<vmem>>[vector<16xi32>, vector<16xi32>], vector<16xf32>,
        %parallel_loop3A_616 = arith.constant 6 : i32
        %parallel_loop3A_617 = vector.broadcast %parallel_loop3A_616 : i32 to vector<16xi32>
        %parallel_loop3A_618 = tpu.vector_load_idx %arg12[%parallel_loop3A_617, %parallel_loop3A_563] : memref<8x6195xf32, #tpu.memory_space<vmem>>[vector<16xi32>, vector<16xi32>], vector<16xf32>,
        %parallel_loop3A_619 = arith.constant 6 : i32
        %parallel_loop3A_620 = vector.broadcast %parallel_loop3A_619 : i32 to vector<16xi32>
        %parallel_loop3A_621 = vector.broadcast %mul3A_296 : i32 to vector<16xi32>
        %parallel_loop3A_622 = arith.addi %parallel_loop3A_621, %parallel_loop3A_620 : vector<16xi32>
        %parallel_loop3A_623 = tpu.vector_load_idx %arg10[%parallel_loop3A_622, %parallel_loop3A_559] : memref<128x24xf32, #tpu.memory_space<vmem>>[vector<16xi32>, vector<16xi32>], vector<16xf32>,
        %parallel_loop3A_624 = arith.constant 7 : i32
        %parallel_loop3A_625 = vector.broadcast %parallel_loop3A_624 : i32 to vector<16xi32>
        %parallel_loop3A_626 = tpu.vector_load_idx %arg12[%parallel_loop3A_625, %parallel_loop3A_563] : memref<8x6195xf32, #tpu.memory_space<vmem>>[vector<16xi32>, vector<16xi32>], vector<16xf32>,
        %parallel_loop3A_627 = arith.constant 7 : i32
        %parallel_loop3A_628 = vector.broadcast %parallel_loop3A_627 : i32 to vector<16xi32>
        %parallel_loop3A_629 = vector.broadcast %mul3A_296 : i32 to vector<16xi32>
        %parallel_loop3A_630 = arith.addi %parallel_loop3A_629, %parallel_loop3A_628 : vector<16xi32>
        %parallel_loop3A_631 = tpu.vector_load_idx %arg10[%parallel_loop3A_630, %parallel_loop3A_559] : memref<128x24xf32, #tpu.memory_space<vmem>>[vector<16xi32>, vector<16xi32>], vector<16xf32>,
        %parallel_loop3A_632 = arith.constant 0 : i32
        %parallel_loop3A_633 = vector.broadcast %parallel_loop3A_632 : i32 to vector<16xi32>
        %parallel_loop3A_634 = arith.mulf %parallel_loop3A_570, %parallel_loop3A_575 : vector<16xf32>
        tpu.vector_store_idx %arg12[%parallel_loop3A_633, %parallel_loop3A_567], %parallel_loop3A_634 : memref<8x6195xf32, #tpu.memory_space<vmem>>[vector<16xi32>, vector<16xi32>], vector<16xf32>,
        %parallel_loop3A_635 = arith.constant 1 : i32
        %parallel_loop3A_636 = vector.broadcast %parallel_loop3A_635 : i32 to vector<16xi32>
        %parallel_loop3A_637 = arith.mulf %parallel_loop3A_578, %parallel_loop3A_583 : vector<16xf32>
        tpu.vector_store_idx %arg12[%parallel_loop3A_636, %parallel_loop3A_567], %parallel_loop3A_637 : memref<8x6195xf32, #tpu.memory_space<vmem>>[vector<16xi32>, vector<16xi32>], vector<16xf32>,
        %parallel_loop3A_638 = arith.constant 2 : i32
        %parallel_loop3A_639 = vector.broadcast %parallel_loop3A_638 : i32 to vector<16xi32>
        %parallel_loop3A_640 = arith.mulf %parallel_loop3A_586, %parallel_loop3A_591 : vector<16xf32>
        tpu.vector_store_idx %arg12[%parallel_loop3A_639, %parallel_loop3A_567], %parallel_loop3A_640 : memref<8x6195xf32, #tpu.memory_space<vmem>>[vector<16xi32>, vector<16xi32>], vector<16xf32>,
        %parallel_loop3A_641 = arith.constant 3 : i32
        %parallel_loop3A_642 = vector.broadcast %parallel_loop3A_641 : i32 to vector<16xi32>
        %parallel_loop3A_643 = arith.mulf %parallel_loop3A_594, %parallel_loop3A_599 : vector<16xf32>
        tpu.vector_store_idx %arg12[%parallel_loop3A_642, %parallel_loop3A_567], %parallel_loop3A_643 : memref<8x6195xf32, #tpu.memory_space<vmem>>[vector<16xi32>, vector<16xi32>], vector<16xf32>,
        %parallel_loop3A_644 = arith.constant 4 : i32
        %parallel_loop3A_645 = vector.broadcast %parallel_loop3A_644 : i32 to vector<16xi32>
        %parallel_loop3A_646 = arith.mulf %parallel_loop3A_602, %parallel_loop3A_607 : vector<16xf32>
        tpu.vector_store_idx %arg12[%parallel_loop3A_645, %parallel_loop3A_567], %parallel_loop3A_646 : memref<8x6195xf32, #tpu.memory_space<vmem>>[vector<16xi32>, vector<16xi32>], vector<16xf32>,
        %parallel_loop3A_647 = arith.constant 5 : i32
        %parallel_loop3A_648 = vector.broadcast %parallel_loop3A_647 : i32 to vector<16xi32>
        %parallel_loop3A_649 = arith.mulf %parallel_loop3A_610, %parallel_loop3A_615 : vector<16xf32>
        tpu.vector_store_idx %arg12[%parallel_loop3A_648, %parallel_loop3A_567], %parallel_loop3A_649 : memref<8x6195xf32, #tpu.memory_space<vmem>>[vector<16xi32>, vector<16xi32>], vector<16xf32>,
        %parallel_loop3A_650 = arith.constant 6 : i32
        %parallel_loop3A_651 = vector.broadcast %parallel_loop3A_650 : i32 to vector<16xi32>
        %parallel_loop3A_652 = arith.mulf %parallel_loop3A_618, %parallel_loop3A_623 : vector<16xf32>
        tpu.vector_store_idx %arg12[%parallel_loop3A_651, %parallel_loop3A_567], %parallel_loop3A_652 : memref<8x6195xf32, #tpu.memory_space<vmem>>[vector<16xi32>, vector<16xi32>], vector<16xf32>,
        %parallel_loop3A_653 = arith.constant 7 : i32
        %parallel_loop3A_654 = vector.broadcast %parallel_loop3A_653 : i32 to vector<16xi32>
        %parallel_loop3A_655 = arith.mulf %parallel_loop3A_626, %parallel_loop3A_631 : vector<16xf32>
        tpu.vector_store_idx %arg12[%parallel_loop3A_654, %parallel_loop3A_567], %parallel_loop3A_655 : memref<8x6195xf32, #tpu.memory_space<vmem>>[vector<16xi32>, vector<16xi32>], vector<16xf32>,
      } {sc.loop_unroll_factor = 2 : i64, sc.parallel_access}
      %parallel_loop3A_448 = arith.constant 85 : i32
      %parallel_loop3A_449 = arith.constant 387 : i32
      %parallel_loop3A_450 = arith.constant 1 : i32
      scf.for %parallel_loop3A_555 = %parallel_loop3A_448 to %parallel_loop3A_449 step %parallel_loop3A_450  : i32 {
        %parallel_loop3A_556 = arith.constant 16 : i32
        %parallel_loop3A_557 = arith.muli %parallel_loop3A_555, %parallel_loop3A_556 : i32
        %parallel_loop3A_558 = arith.index_cast %parallel_loop3A_557 : i32 to index
        %parallel_loop3A_559 = tpu.vector_load %arg9[%parallel_loop3A_558] {strides = array<i32>} : memref<6208xi32, #tpu.memory_space<vmem>>, vector<16xi32>,
        %parallel_loop3A_560 = arith.constant 16 : i32
        %parallel_loop3A_561 = arith.muli %parallel_loop3A_555, %parallel_loop3A_560 : i32
        %parallel_loop3A_562 = arith.index_cast %parallel_loop3A_561 : i32 to index
        %parallel_loop3A_563 = tpu.vector_load %arg8[%parallel_loop3A_562] {strides = array<i32>} : memref<6208xi32, #tpu.memory_space<vmem>>, vector<16xi32>,
        %parallel_loop3A_564 = arith.constant 16 : i32
        %parallel_loop3A_565 = arith.muli %parallel_loop3A_555, %parallel_loop3A_564 : i32
        %parallel_loop3A_566 = vector.broadcast %parallel_loop3A_565 : i32 to vector<16xi32>
        %parallel_loop3A_567 = arith.addi %parallel_loop3A_566, %iota3A : vector<16xi32>
        %parallel_loop3A_568 = arith.constant 0 : i32
        %parallel_loop3A_569 = vector.broadcast %parallel_loop3A_568 : i32 to vector<16xi32>
        %parallel_loop3A_570 = tpu.vector_load_idx %arg12[%parallel_loop3A_569, %parallel_loop3A_563] : memref<8x6195xf32, #tpu.memory_space<vmem>>[vector<16xi32>, vector<16xi32>], vector<16xf32>,
        %parallel_loop3A_571 = arith.constant 0 : i32
        %parallel_loop3A_572 = vector.broadcast %parallel_loop3A_571 : i32 to vector<16xi32>
        %parallel_loop3A_573 = vector.broadcast %mul3A_296 : i32 to vector<16xi32>
        %parallel_loop3A_574 = arith.addi %parallel_loop3A_573, %parallel_loop3A_572 : vector<16xi32>
        %parallel_loop3A_575 = tpu.vector_load_idx %arg10[%parallel_loop3A_574, %parallel_loop3A_559] : memref<128x24xf32, #tpu.memory_space<vmem>>[vector<16xi32>, vector<16xi32>], vector<16xf32>,
        %parallel_loop3A_576 = arith.constant 1 : i32
        %parallel_loop3A_577 = vector.broadcast %parallel_loop3A_576 : i32 to vector<16xi32>
        %parallel_loop3A_578 = tpu.vector_load_idx %arg12[%parallel_loop3A_577, %parallel_loop3A_563] : memref<8x6195xf32, #tpu.memory_space<vmem>>[vector<16xi32>, vector<16xi32>], vector<16xf32>,
        %parallel_loop3A_579 = arith.constant 1 : i32
        %parallel_loop3A_580 = vector.broadcast %parallel_loop3A_579 : i32 to vector<16xi32>
        %parallel_loop3A_581 = vector.broadcast %mul3A_296 : i32 to vector<16xi32>
        %parallel_loop3A_582 = arith.addi %parallel_loop3A_581, %parallel_loop3A_580 : vector<16xi32>
        %parallel_loop3A_583 = tpu.vector_load_idx %arg10[%parallel_loop3A_582, %parallel_loop3A_559] : memref<128x24xf32, #tpu.memory_space<vmem>>[vector<16xi32>, vector<16xi32>], vector<16xf32>,
        %parallel_loop3A_584 = arith.constant 2 : i32
        %parallel_loop3A_585 = vector.broadcast %parallel_loop3A_584 : i32 to vector<16xi32>
        %parallel_loop3A_586 = tpu.vector_load_idx %arg12[%parallel_loop3A_585, %parallel_loop3A_563] : memref<8x6195xf32, #tpu.memory_space<vmem>>[vector<16xi32>, vector<16xi32>], vector<16xf32>,
        %parallel_loop3A_587 = arith.constant 2 : i32
        %parallel_loop3A_588 = vector.broadcast %parallel_loop3A_587 : i32 to vector<16xi32>
        %parallel_loop3A_589 = vector.broadcast %mul3A_296 : i32 to vector<16xi32>
        %parallel_loop3A_590 = arith.addi %parallel_loop3A_589, %parallel_loop3A_588 : vector<16xi32>
        %parallel_loop3A_591 = tpu.vector_load_idx %arg10[%parallel_loop3A_590, %parallel_loop3A_559] : memref<128x24xf32, #tpu.memory_space<vmem>>[vector<16xi32>, vector<16xi32>], vector<16xf32>,
        %parallel_loop3A_592 = arith.constant 3 : i32
        %parallel_loop3A_593 = vector.broadcast %parallel_loop3A_592 : i32 to vector<16xi32>
        %parallel_loop3A_594 = tpu.vector_load_idx %arg12[%parallel_loop3A_593, %parallel_loop3A_563] : memref<8x6195xf32, #tpu.memory_space<vmem>>[vector<16xi32>, vector<16xi32>], vector<16xf32>,
        %parallel_loop3A_595 = arith.constant 3 : i32
        %parallel_loop3A_596 = vector.broadcast %parallel_loop3A_595 : i32 to vector<16xi32>
        %parallel_loop3A_597 = vector.broadcast %mul3A_296 : i32 to vector<16xi32>
        %parallel_loop3A_598 = arith.addi %parallel_loop3A_597, %parallel_loop3A_596 : vector<16xi32>
        %parallel_loop3A_599 = tpu.vector_load_idx %arg10[%parallel_loop3A_598, %parallel_loop3A_559] : memref<128x24xf32, #tpu.memory_space<vmem>>[vector<16xi32>, vector<16xi32>], vector<16xf32>,
        %parallel_loop3A_600 = arith.constant 4 : i32
        %parallel_loop3A_601 = vector.broadcast %parallel_loop3A_600 : i32 to vector<16xi32>
        %parallel_loop3A_602 = tpu.vector_load_idx %arg12[%parallel_loop3A_601, %parallel_loop3A_563] : memref<8x6195xf32, #tpu.memory_space<vmem>>[vector<16xi32>, vector<16xi32>], vector<16xf32>,
        %parallel_loop3A_603 = arith.constant 4 : i32
        %parallel_loop3A_604 = vector.broadcast %parallel_loop3A_603 : i32 to vector<16xi32>
        %parallel_loop3A_605 = vector.broadcast %mul3A_296 : i32 to vector<16xi32>
        %parallel_loop3A_606 = arith.addi %parallel_loop3A_605, %parallel_loop3A_604 : vector<16xi32>
        %parallel_loop3A_607 = tpu.vector_load_idx %arg10[%parallel_loop3A_606, %parallel_loop3A_559] : memref<128x24xf32, #tpu.memory_space<vmem>>[vector<16xi32>, vector<16xi32>], vector<16xf32>,
        %parallel_loop3A_608 = arith.constant 5 : i32
        %parallel_loop3A_609 = vector.broadcast %parallel_loop3A_608 : i32 to vector<16xi32>
        %parallel_loop3A_610 = tpu.vector_load_idx %arg12[%parallel_loop3A_609, %parallel_loop3A_563] : memref<8x6195xf32, #tpu.memory_space<vmem>>[vector<16xi32>, vector<16xi32>], vector<16xf32>,
        %parallel_loop3A_611 = arith.constant 5 : i32
        %parallel_loop3A_612 = vector.broadcast %parallel_loop3A_611 : i32 to vector<16xi32>
        %parallel_loop3A_613 = vector.broadcast %mul3A_296 : i32 to vector<16xi32>
        %parallel_loop3A_614 = arith.addi %parallel_loop3A_613, %parallel_loop3A_612 : vector<16xi32>
        %parallel_loop3A_615 = tpu.vector_load_idx %arg10[%parallel_loop3A_614, %parallel_loop3A_559] : memref<128x24xf32, #tpu.memory_space<vmem>>[vector<16xi32>, vector<16xi32>], vector<16xf32>,
        %parallel_loop3A_616 = arith.constant 6 : i32
        %parallel_loop3A_617 = vector.broadcast %parallel_loop3A_616 : i32 to vector<16xi32>
        %parallel_loop3A_618 = tpu.vector_load_idx %arg12[%parallel_loop3A_617, %parallel_loop3A_563] : memref<8x6195xf32, #tpu.memory_space<vmem>>[vector<16xi32>, vector<16xi32>], vector<16xf32>,
        %parallel_loop3A_619 = arith.constant 6 : i32
        %parallel_loop3A_620 = vector.broadcast %parallel_loop3A_619 : i32 to vector<16xi32>
        %parallel_loop3A_621 = vector.broadcast %mul3A_296 : i32 to vector<16xi32>
        %parallel_loop3A_622 = arith.addi %parallel_loop3A_621, %parallel_loop3A_620 : vector<16xi32>
        %parallel_loop3A_623 = tpu.vector_load_idx %arg10[%parallel_loop3A_622, %parallel_loop3A_559] : memref<128x24xf32, #tpu.memory_space<vmem>>[vector<16xi32>, vector<16xi32>], vector<16xf32>,
        %parallel_loop3A_624 = arith.constant 7 : i32
        %parallel_loop3A_625 = vector.broadcast %parallel_loop3A_624 : i32 to vector<16xi32>
        %parallel_loop3A_626 = tpu.vector_load_idx %arg12[%parallel_loop3A_625, %parallel_loop3A_563] : memref<8x6195xf32, #tpu.memory_space<vmem>>[vector<16xi32>, vector<16xi32>], vector<16xf32>,
        %parallel_loop3A_627 = arith.constant 7 : i32
        %parallel_loop3A_628 = vector.broadcast %parallel_loop3A_627 : i32 to vector<16xi32>
        %parallel_loop3A_629 = vector.broadcast %mul3A_296 : i32 to vector<16xi32>
        %parallel_loop3A_630 = arith.addi %parallel_loop3A_629, %parallel_loop3A_628 : vector<16xi32>
        %parallel_loop3A_631 = tpu.vector_load_idx %arg10[%parallel_loop3A_630, %parallel_loop3A_559] : memref<128x24xf32, #tpu.memory_space<vmem>>[vector<16xi32>, vector<16xi32>], vector<16xf32>,
        %parallel_loop3A_632 = arith.constant 0 : i32
        %parallel_loop3A_633 = vector.broadcast %parallel_loop3A_632 : i32 to vector<16xi32>
        %parallel_loop3A_634 = arith.mulf %parallel_loop3A_570, %parallel_loop3A_575 : vector<16xf32>
        tpu.vector_store_idx %arg12[%parallel_loop3A_633, %parallel_loop3A_567], %parallel_loop3A_634 : memref<8x6195xf32, #tpu.memory_space<vmem>>[vector<16xi32>, vector<16xi32>], vector<16xf32>,
        %parallel_loop3A_635 = arith.constant 1 : i32
        %parallel_loop3A_636 = vector.broadcast %parallel_loop3A_635 : i32 to vector<16xi32>
        %parallel_loop3A_637 = arith.mulf %parallel_loop3A_578, %parallel_loop3A_583 : vector<16xf32>
        tpu.vector_store_idx %arg12[%parallel_loop3A_636, %parallel_loop3A_567], %parallel_loop3A_637 : memref<8x6195xf32, #tpu.memory_space<vmem>>[vector<16xi32>, vector<16xi32>], vector<16xf32>,
        %parallel_loop3A_638 = arith.constant 2 : i32
        %parallel_loop3A_639 = vector.broadcast %parallel_loop3A_638 : i32 to vector<16xi32>
        %parallel_loop3A_640 = arith.mulf %parallel_loop3A_586, %parallel_loop3A_591 : vector<16xf32>
        tpu.vector_store_idx %arg12[%parallel_loop3A_639, %parallel_loop3A_567], %parallel_loop3A_640 : memref<8x6195xf32, #tpu.memory_space<vmem>>[vector<16xi32>, vector<16xi32>], vector<16xf32>,
        %parallel_loop3A_641 = arith.constant 3 : i32
        %parallel_loop3A_642 = vector.broadcast %parallel_loop3A_641 : i32 to vector<16xi32>
        %parallel_loop3A_643 = arith.mulf %parallel_loop3A_594, %parallel_loop3A_599 : vector<16xf32>
        tpu.vector_store_idx %arg12[%parallel_loop3A_642, %parallel_loop3A_567], %parallel_loop3A_643 : memref<8x6195xf32, #tpu.memory_space<vmem>>[vector<16xi32>, vector<16xi32>], vector<16xf32>,
        %parallel_loop3A_644 = arith.constant 4 : i32
        %parallel_loop3A_645 = vector.broadcast %parallel_loop3A_644 : i32 to vector<16xi32>
        %parallel_loop3A_646 = arith.mulf %parallel_loop3A_602, %parallel_loop3A_607 : vector<16xf32>
        tpu.vector_store_idx %arg12[%parallel_loop3A_645, %parallel_loop3A_567], %parallel_loop3A_646 : memref<8x6195xf32, #tpu.memory_space<vmem>>[vector<16xi32>, vector<16xi32>], vector<16xf32>,
        %parallel_loop3A_647 = arith.constant 5 : i32
        %parallel_loop3A_648 = vector.broadcast %parallel_loop3A_647 : i32 to vector<16xi32>
        %parallel_loop3A_649 = arith.mulf %parallel_loop3A_610, %parallel_loop3A_615 : vector<16xf32>
        tpu.vector_store_idx %arg12[%parallel_loop3A_648, %parallel_loop3A_567], %parallel_loop3A_649 : memref<8x6195xf32, #tpu.memory_space<vmem>>[vector<16xi32>, vector<16xi32>], vector<16xf32>,
        %parallel_loop3A_650 = arith.constant 6 : i32
        %parallel_loop3A_651 = vector.broadcast %parallel_loop3A_650 : i32 to vector<16xi32>
        %parallel_loop3A_652 = arith.mulf %parallel_loop3A_618, %parallel_loop3A_623 : vector<16xf32>
        tpu.vector_store_idx %arg12[%parallel_loop3A_651, %parallel_loop3A_567], %parallel_loop3A_652 : memref<8x6195xf32, #tpu.memory_space<vmem>>[vector<16xi32>, vector<16xi32>], vector<16xf32>,
        %parallel_loop3A_653 = arith.constant 7 : i32
        %parallel_loop3A_654 = vector.broadcast %parallel_loop3A_653 : i32 to vector<16xi32>
        %parallel_loop3A_655 = arith.mulf %parallel_loop3A_626, %parallel_loop3A_631 : vector<16xf32>
        tpu.vector_store_idx %arg12[%parallel_loop3A_654, %parallel_loop3A_567], %parallel_loop3A_655 : memref<8x6195xf32, #tpu.memory_space<vmem>>[vector<16xi32>, vector<16xi32>], vector<16xf32>,
      } {sc.loop_unroll_factor = 2 : i64, sc.parallel_access}
      %get3A_451 = arith.constant 6192 : index
      %get3A_452 = tpu.vector_load %arg9[%get3A_451] {strides = array<i32>} : memref<6208xi32, #tpu.memory_space<vmem>>, vector<16xi32>,
      %get3A_453 = arith.constant 6192 : index
      %get3A_454 = tpu.vector_load %arg8[%get3A_453] {strides = array<i32>} : memref<6208xi32, #tpu.memory_space<vmem>>, vector<16xi32>,
      %add3A_455 = arith.constant 6192 : i32
      %add3A_456 = vector.broadcast %add3A_455 : i32 to vector<16xi32>
      %add3A_457 = arith.addi %add3A_456, %iota3A : vector<16xi32>
      %broadcast_in_dim3A_458 = arith.constant 0 : i32
      %broadcast_in_dim3A_459 = vector.broadcast %broadcast_in_dim3A_458 : i32 to vector<16xi32>
      %gather3A_460 = tpu.vector_load_idx %arg12[%broadcast_in_dim3A_459, %get3A_454] : memref<8x6195xf32, #tpu.memory_space<vmem>>[vector<16xi32>, vector<16xi32>], vector<16xf32>,
      %broadcast_in_dim3A_461 = arith.constant 0 : i32
      %broadcast_in_dim3A_462 = vector.broadcast %broadcast_in_dim3A_461 : i32 to vector<16xi32>
      %add3A_463 = vector.broadcast %mul3A_296 : i32 to vector<16xi32>
      %add3A_464 = arith.addi %add3A_463, %broadcast_in_dim3A_462 : vector<16xi32>
      %gather3A_465 = tpu.vector_load_idx %arg10[%add3A_464, %get3A_452] : memref<128x24xf32, #tpu.memory_space<vmem>>[vector<16xi32>, vector<16xi32>], vector<16xf32>,
      %mul3A_466 = arith.mulf %gather3A_460, %gather3A_465 : vector<16xf32>
      %broadcast_in_dim3A_467 = arith.constant 1 : i32
      %broadcast_in_dim3A_468 = vector.broadcast %broadcast_in_dim3A_467 : i32 to vector<16xi32>
      %gather3A_469 = tpu.vector_load_idx %arg12[%broadcast_in_dim3A_468, %get3A_454] : memref<8x6195xf32, #tpu.memory_space<vmem>>[vector<16xi32>, vector<16xi32>], vector<16xf32>,
      %broadcast_in_dim3A_470 = arith.constant 1 : i32
      %broadcast_in_dim3A_471 = vector.broadcast %broadcast_in_dim3A_470 : i32 to vector<16xi32>
      %add3A_472 = vector.broadcast %mul3A_296 : i32 to vector<16xi32>
      %add3A_473 = arith.addi %add3A_472, %broadcast_in_dim3A_471 : vector<16xi32>
      %gather3A_474 = tpu.vector_load_idx %arg10[%add3A_473, %get3A_452] : memref<128x24xf32, #tpu.memory_space<vmem>>[vector<16xi32>, vector<16xi32>], vector<16xf32>,
      %mul3A_475 = arith.mulf %gather3A_469, %gather3A_474 : vector<16xf32>
      %broadcast_in_dim3A_476 = arith.constant 2 : i32
      %broadcast_in_dim3A_477 = vector.broadcast %broadcast_in_dim3A_476 : i32 to vector<16xi32>
      %gather3A_478 = tpu.vector_load_idx %arg12[%broadcast_in_dim3A_477, %get3A_454] : memref<8x6195xf32, #tpu.memory_space<vmem>>[vector<16xi32>, vector<16xi32>], vector<16xf32>,
      %broadcast_in_dim3A_479 = arith.constant 2 : i32
      %broadcast_in_dim3A_480 = vector.broadcast %broadcast_in_dim3A_479 : i32 to vector<16xi32>
      %add3A_481 = vector.broadcast %mul3A_296 : i32 to vector<16xi32>
      %add3A_482 = arith.addi %add3A_481, %broadcast_in_dim3A_480 : vector<16xi32>
      %gather3A_483 = tpu.vector_load_idx %arg10[%add3A_482, %get3A_452] : memref<128x24xf32, #tpu.memory_space<vmem>>[vector<16xi32>, vector<16xi32>], vector<16xf32>,
      %mul3A_484 = arith.mulf %gather3A_478, %gather3A_483 : vector<16xf32>
      %broadcast_in_dim3A_485 = arith.constant 3 : i32
      %broadcast_in_dim3A_486 = vector.broadcast %broadcast_in_dim3A_485 : i32 to vector<16xi32>
      %gather3A_487 = tpu.vector_load_idx %arg12[%broadcast_in_dim3A_486, %get3A_454] : memref<8x6195xf32, #tpu.memory_space<vmem>>[vector<16xi32>, vector<16xi32>], vector<16xf32>,
      %broadcast_in_dim3A_488 = arith.constant 3 : i32
      %broadcast_in_dim3A_489 = vector.broadcast %broadcast_in_dim3A_488 : i32 to vector<16xi32>
      %add3A_490 = vector.broadcast %mul3A_296 : i32 to vector<16xi32>
      %add3A_491 = arith.addi %add3A_490, %broadcast_in_dim3A_489 : vector<16xi32>
      %gather3A_492 = tpu.vector_load_idx %arg10[%add3A_491, %get3A_452] : memref<128x24xf32, #tpu.memory_space<vmem>>[vector<16xi32>, vector<16xi32>], vector<16xf32>,
      %mul3A_493 = arith.mulf %gather3A_487, %gather3A_492 : vector<16xf32>
      %broadcast_in_dim3A_494 = arith.constant 4 : i32
      %broadcast_in_dim3A_495 = vector.broadcast %broadcast_in_dim3A_494 : i32 to vector<16xi32>
      %gather3A_496 = tpu.vector_load_idx %arg12[%broadcast_in_dim3A_495, %get3A_454] : memref<8x6195xf32, #tpu.memory_space<vmem>>[vector<16xi32>, vector<16xi32>], vector<16xf32>,
      %broadcast_in_dim3A_497 = arith.constant 4 : i32
      %broadcast_in_dim3A_498 = vector.broadcast %broadcast_in_dim3A_497 : i32 to vector<16xi32>
      %add3A_499 = vector.broadcast %mul3A_296 : i32 to vector<16xi32>
      %add3A_500 = arith.addi %add3A_499, %broadcast_in_dim3A_498 : vector<16xi32>
      %gather3A_501 = tpu.vector_load_idx %arg10[%add3A_500, %get3A_452] : memref<128x24xf32, #tpu.memory_space<vmem>>[vector<16xi32>, vector<16xi32>], vector<16xf32>,
      %mul3A_502 = arith.mulf %gather3A_496, %gather3A_501 : vector<16xf32>
      %broadcast_in_dim3A_503 = arith.constant 5 : i32
      %broadcast_in_dim3A_504 = vector.broadcast %broadcast_in_dim3A_503 : i32 to vector<16xi32>
      %gather3A_505 = tpu.vector_load_idx %arg12[%broadcast_in_dim3A_504, %get3A_454] : memref<8x6195xf32, #tpu.memory_space<vmem>>[vector<16xi32>, vector<16xi32>], vector<16xf32>,
      %broadcast_in_dim3A_506 = arith.constant 5 : i32
      %broadcast_in_dim3A_507 = vector.broadcast %broadcast_in_dim3A_506 : i32 to vector<16xi32>
      %add3A_508 = vector.broadcast %mul3A_296 : i32 to vector<16xi32>
      %add3A_509 = arith.addi %add3A_508, %broadcast_in_dim3A_507 : vector<16xi32>
      %gather3A_510 = tpu.vector_load_idx %arg10[%add3A_509, %get3A_452] : memref<128x24xf32, #tpu.memory_space<vmem>>[vector<16xi32>, vector<16xi32>], vector<16xf32>,
      %mul3A_511 = arith.mulf %gather3A_505, %gather3A_510 : vector<16xf32>
      %broadcast_in_dim3A_512 = arith.constant 6 : i32
      %broadcast_in_dim3A_513 = vector.broadcast %broadcast_in_dim3A_512 : i32 to vector<16xi32>
      %gather3A_514 = tpu.vector_load_idx %arg12[%broadcast_in_dim3A_513, %get3A_454] : memref<8x6195xf32, #tpu.memory_space<vmem>>[vector<16xi32>, vector<16xi32>], vector<16xf32>,
      %broadcast_in_dim3A_515 = arith.constant 6 : i32
      %broadcast_in_dim3A_516 = vector.broadcast %broadcast_in_dim3A_515 : i32 to vector<16xi32>
      %add3A_517 = vector.broadcast %mul3A_296 : i32 to vector<16xi32>
      %add3A_518 = arith.addi %add3A_517, %broadcast_in_dim3A_516 : vector<16xi32>
      %gather3A_519 = tpu.vector_load_idx %arg10[%add3A_518, %get3A_452] : memref<128x24xf32, #tpu.memory_space<vmem>>[vector<16xi32>, vector<16xi32>], vector<16xf32>,
      %mul3A_520 = arith.mulf %gather3A_514, %gather3A_519 : vector<16xf32>
      %broadcast_in_dim3A_521 = arith.constant 7 : i32
      %broadcast_in_dim3A_522 = vector.broadcast %broadcast_in_dim3A_521 : i32 to vector<16xi32>
      %gather3A_523 = tpu.vector_load_idx %arg12[%broadcast_in_dim3A_522, %get3A_454] : memref<8x6195xf32, #tpu.memory_space<vmem>>[vector<16xi32>, vector<16xi32>], vector<16xf32>,
      %broadcast_in_dim3A_524 = arith.constant 7 : i32
      %broadcast_in_dim3A_525 = vector.broadcast %broadcast_in_dim3A_524 : i32 to vector<16xi32>
      %add3A_526 = vector.broadcast %mul3A_296 : i32 to vector<16xi32>
      %add3A_527 = arith.addi %add3A_526, %broadcast_in_dim3A_525 : vector<16xi32>
      %gather3A_528 = tpu.vector_load_idx %arg10[%add3A_527, %get3A_452] : memref<128x24xf32, #tpu.memory_space<vmem>>[vector<16xi32>, vector<16xi32>], vector<16xf32>,
      %mul3A_529 = arith.mulf %gather3A_523, %gather3A_528 : vector<16xf32>
      %broadcast_in_dim3A_530 = arith.constant 0 : i32
      %broadcast_in_dim3A_531 = vector.broadcast %broadcast_in_dim3A_530 : i32 to vector<16xi32>
      tpu.vector_store_idx %arg12[%broadcast_in_dim3A_531, %add3A_457], %mul3A_466 masked %lt3A_6 : memref<8x6195xf32, #tpu.memory_space<vmem>>[vector<16xi32>, vector<16xi32>], vector<16xf32>, vector<16xi1>
      %broadcast_in_dim3A_532 = arith.constant 1 : i32
      %broadcast_in_dim3A_533 = vector.broadcast %broadcast_in_dim3A_532 : i32 to vector<16xi32>
      tpu.vector_store_idx %arg12[%broadcast_in_dim3A_533, %add3A_457], %mul3A_475 masked %lt3A_6 : memref<8x6195xf32, #tpu.memory_space<vmem>>[vector<16xi32>, vector<16xi32>], vector<16xf32>, vector<16xi1>
      %broadcast_in_dim3A_534 = arith.constant 2 : i32
      %broadcast_in_dim3A_535 = vector.broadcast %broadcast_in_dim3A_534 : i32 to vector<16xi32>
      tpu.vector_store_idx %arg12[%broadcast_in_dim3A_535, %add3A_457], %mul3A_484 masked %lt3A_6 : memref<8x6195xf32, #tpu.memory_space<vmem>>[vector<16xi32>, vector<16xi32>], vector<16xf32>, vector<16xi1>
      %broadcast_in_dim3A_536 = arith.constant 3 : i32
      %broadcast_in_dim3A_537 = vector.broadcast %broadcast_in_dim3A_536 : i32 to vector<16xi32>
      tpu.vector_store_idx %arg12[%broadcast_in_dim3A_537, %add3A_457], %mul3A_493 masked %lt3A_6 : memref<8x6195xf32, #tpu.memory_space<vmem>>[vector<16xi32>, vector<16xi32>], vector<16xf32>, vector<16xi1>
      %broadcast_in_dim3A_538 = arith.constant 4 : i32
      %broadcast_in_dim3A_539 = vector.broadcast %broadcast_in_dim3A_538 : i32 to vector<16xi32>
      tpu.vector_store_idx %arg12[%broadcast_in_dim3A_539, %add3A_457], %mul3A_502 masked %lt3A_6 : memref<8x6195xf32, #tpu.memory_space<vmem>>[vector<16xi32>, vector<16xi32>], vector<16xf32>, vector<16xi1>
      %broadcast_in_dim3A_540 = arith.constant 5 : i32
      %broadcast_in_dim3A_541 = vector.broadcast %broadcast_in_dim3A_540 : i32 to vector<16xi32>
      tpu.vector_store_idx %arg12[%broadcast_in_dim3A_541, %add3A_457], %mul3A_511 masked %lt3A_6 : memref<8x6195xf32, #tpu.memory_space<vmem>>[vector<16xi32>, vector<16xi32>], vector<16xf32>, vector<16xi1>
      %broadcast_in_dim3A_542 = arith.constant 6 : i32
      %broadcast_in_dim3A_543 = vector.broadcast %broadcast_in_dim3A_542 : i32 to vector<16xi32>
      tpu.vector_store_idx %arg12[%broadcast_in_dim3A_543, %add3A_457], %mul3A_520 masked %lt3A_6 : memref<8x6195xf32, #tpu.memory_space<vmem>>[vector<16xi32>, vector<16xi32>], vector<16xf32>, vector<16xi1>
      %broadcast_in_dim3A_544 = arith.constant 7 : i32
      %broadcast_in_dim3A_545 = vector.broadcast %broadcast_in_dim3A_544 : i32 to vector<16xi32>
      tpu.vector_store_idx %arg12[%broadcast_in_dim3A_545, %add3A_457], %mul3A_529 masked %lt3A_6 : memref<8x6195xf32, #tpu.memory_space<vmem>>[vector<16xi32>, vector<16xi32>], vector<16xf32>, vector<16xi1>
      %mul3A_546 = arith.constant 128 : i32
      %mul3A_547 = arith.muli %add3A, %mul3A_546 : i32
      %mul3A_548 = arith.constant 8 : i32
      %mul3A_549 = arith.muli %add3A_33, %mul3A_548 : i32
      %add3A_550 = arith.addi %mul3A_547, %mul3A_549 : i32
      %dma_start3A_551 = arith.constant 0 : i32
      %dma_start3A_552 = tpu.memref_slice %arg6[%add3A_550, %dma_start3A_551] : memref<4096x6195xf32, #tpu.memory_space<hbm>> -> memref<8x6195xf32, #tpu.memory_space<hbm>>
      %dma_start3A_553 = arith.constant 0 : i32
      %dma_start3A_554 = tpu.memref_slice %arg6[%add3A_550, %dma_start3A_553] : memref<4096x6195xf32, #tpu.memory_space<hbm>> -> memref<8x6195xf32, #tpu.memory_space<hbm>>
      tpu.enqueue_dma source(%arg12 : memref<8x6195xf32, #tpu.memory_space<vmem>>) target(%dma_start3A_554 : memref<8x6195xf32, #tpu.memory_space<hbm>>) target_semaphore(%arg14 : memref<!tpu.dma_semaphore, #tpu.memory_space<semaphore_mem>>)
    }
    %scan3A_11 = arith.constant 8 : i32
    %mul3A_12 = arith.constant 128 : i32
    %mul3A_13 = arith.muli %add3A, %mul3A_12 : i32
    %add3A_14 = arith.constant 112 : i32
    %add3A_15 = arith.addi %mul3A_13, %add3A_14 : i32
    %dma_wait3A = arith.constant 0 : i32
    %dma_wait3A_16 = tpu.memref_slice %arg6[%add3A_15, %dma_wait3A] : memref<4096x6195xf32, #tpu.memory_space<hbm>> -> memref<8x6195xf32, #tpu.memory_space<hbm>>
    %dma_wait3A_17 = arith.constant 0 : i32
    %dma_wait3A_18 = tpu.memref_slice %arg6[%add3A_15, %dma_wait3A_17] : memref<4096x6195xf32, #tpu.memory_space<hbm>> -> memref<8x6195xf32, #tpu.memory_space<hbm>>
    tpu.wait_dma2 semaphore(%arg13 : memref<!tpu.dma_semaphore, #tpu.memory_space<semaphore_mem>>) src(%arg11 : memref<8x6195xf32, #tpu.memory_space<vmem>>) dst(%dma_wait3A_18 : memref<8x6195xf32, #tpu.memory_space<hbm>>)
    %mul3A_19 = arith.constant 128 : i32
    %mul3A_20 = arith.muli %add3A, %mul3A_19 : i32
    %add3A_21 = arith.constant 120 : i32
    %add3A_22 = arith.addi %mul3A_20, %add3A_21 : i32
    %dma_wait3A_23 = arith.constant 0 : i32
    %dma_wait3A_24 = tpu.memref_slice %arg6[%add3A_22, %dma_wait3A_23] : memref<4096x6195xf32, #tpu.memory_space<hbm>> -> memref<8x6195xf32, #tpu.memory_space<hbm>>
    %dma_wait3A_25 = arith.constant 0 : i32
    %dma_wait3A_26 = tpu.memref_slice %arg6[%add3A_22, %dma_wait3A_25] : memref<4096x6195xf32, #tpu.memory_space<hbm>> -> memref<8x6195xf32, #tpu.memory_space<hbm>>
    tpu.wait_dma2 semaphore(%arg14 : memref<!tpu.dma_semaphore, #tpu.memory_space<semaphore_mem>>) src(%arg12 : memref<8x6195xf32, #tpu.memory_space<vmem>>) dst(%dma_wait3A_26 : memref<8x6195xf32, #tpu.memory_space<hbm>>)
    return
  }
}

</mosaic_0001>

<sc_bundles>
// kernel: kernel.3.cloned.1.call-start
scs
__scs_entry_jumppad:
0x0: {  	(pc) =	sbr.rel $0x88, $3  }
0x1: {  	(tag) =	ssettag $0x0;
	lr =	simm.s32 $0x1  }
0x2: {  	[smem:$0x3FA0] =	sst lr;
	_ =	strace $0xD0000000  }
0x3: {  	_ = 	snop  }
0x4: {  	_ = 	snop  }
0x5: {  	_ = 	snop  }
0x6: {  	_ = 	snop  }
0x7: {  	_ = 	snop  }
__scs_overlays_trampoline_lowered:
0x8: {  	[smem:$0x3FAF] =	sst s0  }
0x9: {  	[smem:$0x3FB0] =	sst s1  }
0xa: {  	[smem:$0x3FB1] =	sst s2  }
0xb: {  	[smem:$0x3FB2] =	sst s3  }
0xc: {  	[smem:$0x3FB3] =	sst s4  }
0xd: {  	[smem:$0x3FB4] =	sst s5  }
0xe: {  	[smem:$0x3FB5] =	sst s6  }
0xf: {  	[smem:$0x3FB6] =	sst s7  }
0x10: {  	[smem:$0x3FB7] =	sst s8  }
0x11: {  	[smem:$0x3FB8] =	sst s9;
	s0 =	simm.s32 @!p0 $0x0  }
0x12: {  	s1 =	sld [smem:$0x3F9E];
	s0 =	simm.s32 @p0 $0x1  }
0x13: {  	[smem:$0x3FB9] =	sst s0;
	s0 =	simm.s32 @!p1 $0x0  }
0x14: {  	s2 =	sld [smem:$0x3F9D];
	s0 =	simm.s32 @p1 $0x1  }
0x15: {  	[smem:$0x3FBA] =	sst s0;
	s0 =	simm.s32 @!p2 $0x0  }
0x16: {  	s3 =	sld [smem:$0x3FDB];
	s0 =	simm.s32 @p2 $0x1  }
0x17: {  	s4 =	simm.s32 $0x1BF5;
	[smem:$0x3FBC] =	sst s0  }
0x18: {  	s0 =	sld [smem:$0x3F9F];
	_ =	swait.ge [sflag:s4], $0x0  }
0x19: {  	s7 =	sld [smem:$0x3FA0]  }
0x1a: {  	s8 =	sadd.s32 $0xFFFFE003, lr  }
0x1b: {  	s9 =	sadd.s32 $0xFFFFFEF7, lr;
	s5 =	simm.s32 $0xFFFFFFFF;
	p2 =	slt.u32 s8, $0xFFFFF086  }
0x1c: {  	p1 =	slt.u32 s9, $0xF7A;
	s5 =	simm.s32 @!p2 $0x0  }
0x1d: {  	s5 =	simm.s32 @p1 $0x1;
	p0 =	seq.s32 s7, s2  }
0x1e: {  	s7 =	smul.u32 @!p0 $0xF7A, s2;
	p2 =	seq.s32 @!p0 s5, $0x0  }
0x1f: {  	s9 =	smul.u32 $0xF7A, s1;
	s8 =	simm.s32 @!p0 $0x1BF5;
	p2 =	por !p2, p0  }
0x20: {  	[sflag:s8] =	ssyncset.s32 @!p0 $0xFFFFF086;
	s6 =	sadd.s32 @!p0 s3, s7;
	s7 =	simm.s32 @!p0 $0x108  }
0x21: {  	s3 =	sadd.s32 s3, s9;
	s6 =	sadd.s32 @!p0 $0x88, s6;
	s7 =	simm.s32 @p2 $0x1082  }
0x22: {  	[simem:s7], [sflag:s8] =	dma.local @!p0 [hbm:s6], $0xF7A  }
0x23: {  	s9 =	sor.u32 $0xD0000000, s2;
	s6 =	simm.s32 $0x108;
	_ =	swait.ge @!p0 [sflag:s8], $0x0  }
0x24: {  	s3 =	sadd.s32 $0x88, s3;
	s6 =	simm.s32 @!p1 $0x1082;
	[sflag:s4] =	ssyncset.s32 $0xFFFFF086  }
0x25: {  	[simem:s6], [sflag:s4] =	dma.local [hbm:s3], $0xF7A  }
0x26: {  	[smem:$0x3FA0] =	sst s1;
	(tag) =	ssettag s2;
	_ =	strace s9  }
0x27: {  	s1 =	sld [smem:$0x3FB0]  }
0x28: {  	s2 =	sld [smem:$0x3FB1]  }
0x29: {  	s4 =	sld [smem:$0x3FB3]  }
0x2a: {  	p0 =	seq.s32 s5, $0x0;
	s5 =	sld [smem:$0x3FB4]  }
0x2b: {  	s6 =	sld [smem:$0x3FB5]  }
0x2c: {  	s7 =	sld [smem:$0x3FB6]  }
0x2d: {  	s3 =	simm.s32 $0x108;
	s8 =	sld [smem:$0x3FB7]  }
0x2e: {  	s3 =	simm.s32 @!p0 $0x1082;
	s9 =	sld [smem:$0x3FB8]  }
0x2f: {  	lr =	sadd.s32 s0, s3;
	s0 =	sld [smem:$0x3FAF]  }
0x30: {  	s3 =	sld [smem:$0x3FB2]  }
0x31: {  	[smem:$0x3FBB] =	sst s10  }
0x32: {  	s10 =	sld [smem:$0x3FB9];
	_ =	sdelay $0x3  }
0x33: {  	p0 =	seq.s32 s10, $0x1;
	s10 =	sld [smem:$0x3FBB];
	_ =	sdelay $0x3  }
0x34: {  	[smem:$0x3FBB] =	sst s10  }
0x35: {  	s10 =	sld [smem:$0x3FBA];
	_ =	sdelay $0x3  }
0x36: {  	p1 =	seq.s32 s10, $0x1;
	s10 =	sld [smem:$0x3FBB];
	_ =	sdelay $0x3  }
0x37: {  	[smem:$0x3FBB] =	sst s10  }
0x38: {  	s10 =	sld [smem:$0x3FBC]  }
0x39: {  	_ = 	snop;
	(pc) =	sbr.ind lr, $3  }
0x3a: {  	_ = 	snop  }
0x3b: {  	_ = 	snop  }
0x3c: {  	p2 =	seq.s32 s10, $0x1;
	s10 =	sld [smem:$0x3FBB]  }
0x3d: {  	_ =	shalt  }
0x3e: {  	_ =	shalt  }
0x3f: {  	_ =	shalt  }
0x40: {  	_ =	shalt  }
0x41: {  	_ =	shalt  }
0x42: {  	_ =	shalt  }
0x43: {  	_ =	shalt  }
0x44: {  	_ =	shalt  }
0x45: {  	_ =	shalt  }
0x46: {  	_ =	shalt  }
0x47: {  	_ =	shalt  }
0x48: {  	_ =	shalt  }
0x49: {  	_ =	shalt  }
0x4a: {  	_ =	shalt  }
0x4b: {  	_ =	shalt  }
0x4c: {  	_ =	shalt  }
0x4d: {  	_ =	shalt  }
0x4e: {  	_ =	shalt  }
0x4f: {  	_ =	shalt  }
0x50: {  	_ =	shalt  }
0x51: {  	_ =	shalt  }
0x52: {  	_ =	shalt  }
0x53: {  	_ =	shalt  }
0x54: {  	_ =	shalt  }
0x55: {  	_ =	shalt  }
0x56: {  	_ =	shalt  }
0x57: {  	_ =	shalt  }
0x58: {  	_ =	shalt  }
0x59: {  	_ =	shalt  }
0x5a: {  	_ =	shalt  }
0x5b: {  	_ =	shalt  }
0x5c: {  	_ =	shalt  }
0x5d: {  	_ =	shalt  }
0x5e: {  	_ =	shalt  }
0x5f: {  	_ =	shalt  }
0x60: {  	_ =	shalt  }
0x61: {  	_ =	shalt  }
0x62: {  	_ =	shalt  }
0x63: {  	_ =	shalt  }
0x64: {  	_ =	shalt  }
0x65: {  	_ =	shalt  }
0x66: {  	_ =	shalt  }
0x67: {  	_ =	shalt  }
0x68: {  	_ =	shalt  }
0x69: {  	_ =	shalt  }
0x6a: {  	_ =	shalt  }
0x6b: {  	_ =	shalt  }
0x6c: {  	_ =	shalt  }
0x6d: {  	_ =	shalt  }
0x6e: {  	_ =	shalt  }
0x6f: {  	_ =	shalt  }
0x70: {  	_ =	shalt  }
0x71: {  	_ =	shalt  }
0x72: {  	_ =	shalt  }
0x73: {  	_ =	shalt  }
0x74: {  	_ =	shalt  }
0x75: {  	_ =	shalt  }
0x76: {  	_ =	shalt  }
0x77: {  	_ =	shalt  }
0x78: {  	_ =	shalt  }
0x79: {  	_ =	shalt  }
0x7a: {  	_ =	shalt  }
0x7b: {  	_ =	shalt  }
0x7c: {  	_ =	shalt  }
0x7d: {  	_ =	shalt  }
0x7e: {  	_ =	shalt  }
0x7f: {  	_ =	shalt  }
0x80: {  	_ =	shalt  }
0x81: {  	_ =	shalt  }
0x82: {  	_ =	shalt  }
0x83: {  	_ =	shalt  }
0x84: {  	_ =	shalt  }
0x85: {  	_ =	shalt  }
0x86: {  	_ =	shalt  }
0x87: {  	_ =	shalt  }
.Lfunc_end0:
.L_simem_size_0:
called_computation.1_lowered:
.L_overlay_start_0:
0x88: {  	s2 =	sld [smem:$0x3FD9]  }
0x89: {  	s3 =	sld [smem:$0x3FFE];
	_ =	sdelay $0x1  }
0x8a: {  	s1 =	srdreg.scid  }
0x8b: {  	s0 =	sand.u32 $0x1, s1  }
0x8c: {  	s17 =	sshll.u32 s0, $0xA;
	s2 =	sadd.s32 s3, s2  }
0x8d: {  	s2 =	sadd.s32 s2, s17  }
0x8e: {  	[smem:$0x3FC7] =	sst s2  }
0x8f: {  	_ = 	snop  }
0x90: {  	s2 =	sld [smem:$0x3FD0];
	(tm) =	ssettm $0x1  }
0x91: {  	s18 =	sld [smem:$0x3FFB];
	_ =	sdelay $0x3  }
0x92: {  	_ =	strace s18  }
0x93: {  	s3 =	sld [smem:$0x3FFC];
	_ =	sdelay $0x3  }
0x94: {  	_ =	strace s3  }
0x95: {  	s3 =	sld [smem:$0x3FFD];
	_ =	sdelay $0x3  }
0x96: {  	_ =	strace s3  }
0x97: {  	_ =	strace $0x8FFFFFFF  }
0x98: {  	s19 =	sld [smem:$0x3FDB];
	_ =	sdelay $0x1  }
0x99: {  	s4 =	simm.s32 $_scs_section_size  }
0x9a: {  	s5 =	simm.s32 $_size__tile_overlayer_lowered;
	s6 =	simm.s32 $_tile_overlayer_lowered  }
0x9b: {  	s22 =	simm.s32 $0x1BFF;
	s21 =	sshll.u32 s6, $0x1;
	s3 =	sadd.s32 s4, s19  }
0x9c: {  	s7 =	simm.s32 $0x0;
	s20 =	sshll.u32 s5, $0x1;
	s5 =	sadd.s32 s21, s3  }
0x9d: {  	[timem:s7], [sflag:s22] =	dma.local [hbm:s5], s20  }
0x9e: {  	_ =	swait.ge [sflag:s22], s20  }
0x9f: {  	s4 =	ssub.s32 $0x0, s20;
	[sflag:s22] =	ssyncset.done $0x0  }
0xa0: {  	[sflag:s22] =	ssyncadd.s32 s4;
	_ =	sdelay $0x1  }
0xa1: {  	s23 =	simm.s32 $0x1B8B  }
0xa2: {  	_ =	swait.ge [sflag:s23], $0x1  }
0xa3: {  	[sflag:s23] =	ssyncset.done $0x0  }
0xa4: {  	s25 =	simm.s32 $0x1B8E;
	s24 =	sld [smem:$0x3FFE];
	[sflag:s23] =	ssyncadd.s32 $0xFFFFFFFF  }
0xa5: {  	s26 =	simm.s32 $execute0_lowered;
	[smem:$0x3FD2] =	sst s25  }
0xa6: {  	s5 =	sshll.u32 s26, $0x1;
	_ =	strace $0x80000046;
	[dreg:$0x1] =	wrdreg $0xFFFFFFFF  }
0xa7: {  	s28 =	simm.s32 $_size_execute0_lowered;
	s3 =	sadd.s32 s3, s5;
	[dreg:$0x0] =	wrdreg $0x0  }
0xa8: {  	s5 =	sshll.u32 s28, $0x1;
	[dreg:$0x2] =	wrdreg s3  }
0xa9: {  	[dreg:$0x3] =	wrdreg s5  }
0xaa: {  	[dreg:$0x4] =	wrdreg $0xC0  }
0xab: {  	_ =	task [dreg:s7], $0x5FFFF  }
0xac: {  	[dreg:$0x1] =	wrdreg $0xFFFFFFFF  }
0xad: {  	[dreg:$0x0] =	wrdreg $0x60  }
0xae: {  	[dreg:$0x2] =	wrdreg s24  }
0xaf: {  	[dreg:$0x3] =	wrdreg s2  }
0xb0: {  	[dreg:$0x4] =	wrdreg $0x9  }
0xb1: {  	_ =	task.clear_ibuf [dreg:s7], $0x5FFFF;
	_ =	strace $0x90000046  }
0xb2: {  	s29 =	simm.s32 $0x9;
	_ =	strace $0x80000048  }
0xb3: {  	_ =	swait.ge [sflag:s29], $0x1  }
0xb4: {  	[sflag:s29] =	ssyncadd.s32 $0xFFFFFFFF  }
0xb5: {  	_ =	strace $0x90000048  }
0xb6: {  	_ =	sfence  }
0xb7: {  	s30 =	sld [smem:$0x0];
	_ =	sdelay $0x2  }
0xb8: {  	s31 =	sshll.u32 s1, $0xD;
	s1 =	sshrl.u32 s1, $0x2  }
0xb9: {  	s3 =	sand.u32 $0x4000, s31;
	s1 =	sadd.s32 s1, s30  }
0xba: {  	s0 =	sor.u32 s3, s0;
	s1 =	sshll.u32 s1, $0x11  }
0xbb: {  	s0 =	sor.u32 s1, s0  }
0xbc: {  	s0 =	sadd.s32 $0x8F2B, s0  }
0xbd: {  	[sflag:s0] =	ssyncadd.remote.s32 $0x1  }
0xbe: {  	_ =	sfence.sel $0xFFFF  }
0xbf: {  	[dreg:$0x0] =	wrdreg $0xFFFFFFFF;
	(pc) =	sbr.abs _section_cstart, $3  }
0xc0: {  	[dreg:$0x1] =	wrdreg $0xFFFFFFFF  }
0xc1: {  	_ =	task.clear_ibuf [dreg:s7], $0x2FFFF;
	_ =	strace $0x9FFFFFFF  }
0xc2: {  	(tm) =	ssettm $0x7FFFFFFF  }
0xc3: {  	_ =	shalt  }
tec
execute0_lowered:
.L_overlay_start_1:
0x0: {  	(tag) =	ssettag $0x1  }
0x1: {  	v38 =	vlaneseq.u32  }
0x2: {  	v0 =	vor.u32 $0xD0, v38  }
0x3: {  	v40 =	vadd.s32 $0x1908, v38;
	[tilespmem:$0x1FE10] =	vst v0  }
0x4: {  	v41 =	vor.u32 $0x3140, v38;
	[tilespmem:$0x1FE20] =	vst v40  }
0x5: {  	v42 =	vadd.s32 $0x4978, v38;
	[tilespmem:$0x1FE30] =	vst v41  }
0x6: {  	s7 =	rddreg [dreg:$0x0];
	v43 =	vor.u32 $0x61B0, v38;
	[tilespmem:$0x1FE40] =	vst v42  }
0x7: {  	s2 =	rddreg [dreg:$0x1];
	s4 =	simm.s32 $0x0;
	v44 =	vadd.s32 $0x79E8, v38;
	[tilespmem:$0x1FE50] =	vst v43  }
0x8: {  	s1 =	srdreg.scid;
	[smem:$0x7FF] =	sst s4;
	v45 =	vor.u32 $0x9220, v38;
	[tilespmem:$0x1FE60] =	vst v44  }
0x9: {  	s5 =	sand.u32 $0x1, s1;
	s1 =	rddreg [dreg:$0x2];
	v46 =	vadd.s32 $0xAA58, v38;
	_ =	strace $0x80000047;
	[tilespmem:$0x1FE70] =	vst v45  }
0xa: {  	v47 =	vor.u32 $0x540, v38;
	[tilespmem:$0x1FE80] =	vst v46  }
0xb: {  	v48 =	vadd.s32 $0x1D78, v38;
	[tilespmem:$0x1FE90] =	vst v47  }
0xc: {  	v49 =	vor.u32 $0x35B0, v38;
	[tilespmem:$0x1FEA0] =	vst v48  }
0xd: {  	v50 =	vadd.s32 $0x4DE8, v38;
	[tilespmem:$0x1FEB0] =	vst v49  }
0xe: {  	v51 =	vor.u32 $0x6620, v38;
	[tilespmem:$0x1FEC0] =	vst v50  }
0xf: {  	v52 =	vadd.s32 $0x7E58, v38;
	[tilespmem:$0x1FED0] =	vst v51  }
0x10: {  	v53 =	vor.u32 $0x9690, v38;
	[tilespmem:$0x1FEE0] =	vst v52  }
0x11: {  	v54 =	vadd.s32 $0xAEC8, v38;
	[tilespmem:$0x1FEF0] =	vst v53  }
0x12: {  	v55 =	vor.u32 $0x1830, v38;
	[tilespmem:$0x1FF00] =	vst v54  }
0x13: {  	v56 =	vadd.s32 $0x3068, v38;
	[tilespmem:$0x1FF10] =	vst v55  }
0x14: {  	v57 =	vor.u32 $0x48A0, v38;
	[tilespmem:$0x1FF20] =	vst v56  }
0x15: {  	v58 =	vadd.s32 $0x60D8, v38;
	[tilespmem:$0x1FF30] =	vst v57  }
0x16: {  	v59 =	vor.u32 $0x7910, v38;
	[tilespmem:$0x1FF40] =	vst v58  }
0x17: {  	v60 =	vadd.s32 $0x9148, v38;
	[tilespmem:$0x1FF50] =	vst v59  }
0x18: {  	v61 =	vor.u32 $0xA980, v38;
	[tilespmem:$0x1FF60] =	vst v60  }
0x19: {  	v63 =	vadd.s32 $0xC1B8, v38;
	[tilespmem:$0x1FF70] =	vst v61  }
0x1a: {  	s0 =	stileid.u32;
	s11 =	simm.s32 $0x1840;
	v36 =	vadd.s32 $0x1838, v38;
	[tilespmem:$0x1FF80] =	vst v63  }
0x1b: {  	s12 =	simm.s32 $0x3080;
	s13 =	simm.s32 $0x48C0;
	s14 =	simm.s32 $0x54C0;
	v37 =	vor.u32 $0x3070, v38;
	[tilespmem:$0x1FF90] =	vst v36  }
0x1c: {  	s15 =	simm.s32 $0x11680;
	s31 =	sshll.u32 s0, $0x8;
	v39 =	vadd.s32 $0x48A8, v38;
	s3 =	sshll.u32 s5, $0x7;
	[tilespmem:$0x1FFA0] =	vst v37  }
0x1d: {  	s16 =	simm.s32 $0x1;
	v34 =	vor.u32 $0x60E0, v38;
	s8 =	ssub.s32 $0x2, s5;
	s3 =	sor.u32 s3, s31;
	[tilespmem:$0x1FFB0] =	vst v39  }
0x1e: {  	s17 =	simm.s32 $0x2;
	v35 =	vadd.s32 $0x7918, v38;
	s10 =	sshrl.u32 s8, $0x1;
	[tilespmem:$0x1FFC0] =	vst v34;
	s6 =	smul.u32 $0x3, s3  }
0x1f: {  	s18 =	simm.s32 $0x0;
	v32 =	vor.u32 $0x9150, v38;
	s5 =	sadd.s32 $0x4000, s7;
	[tilespmem:$0x1FFD0] =	vst v35;
	s10 =	ssub.s32 s8, s10  }
0x20: {  	v62 =	vadd.s32 $0xA988, v38;
	[tilespmem:$0x1FFE0] =	vst v32;
	s9 =	sadd.s32 s6, s7;
	s6 =	sadd.s32 $0x3C00, s7;
	s7 =	sadd.s32 $0x3800, s7  }
0x21: {  	vm0 =	vmmov $0x3;
	[tilespmem:$0x1FFF0] =	vst v62;
	s8 =	sadd.s32 $0x800, s9;
	s9 =	smax.u32 s10, $0x1;
	s10 =	simm.s32 $0x3  }
.LBB2_1:
0x22: {  	[tilespmem:s4], [sflag:$0x3] =	stream.linear.gather [hbm4b:s5+s4], $0x1840, $0x38;
	[tilespmem:$0x1D840] =	vst v63  }
0x23: {  	_ =	swait.ge [sflag:s10], $0x1840  }
0x24: {  	[sflag:s10] =	ssyncset.done $0x0  }
0x25: {  	[sflag:s10] =	ssyncadd.s32 $0xFFFFE7C0  }
0x26: {  	[tilespmem:s11], [sflag:$0x3] =	stream.linear.gather [hbm4b:s6+s4], $0x1840, $0x38;
	[tilespmem:$0x1D840] =	vst v63  }
0x27: {  	_ =	swait.ge [sflag:s10], $0x1840  }
0x28: {  	[sflag:s10] =	ssyncset.done $0x0  }
0x29: {  	[sflag:s10] =	ssyncadd.s32 $0xFFFFE7C0  }
0x2a: {  	[tilespmem:s12], [sflag:$0x3] =	stream.linear.gather [hbm4b:s7+s4], $0x1840, $0x38;
	[tilespmem:$0x1D840] =	vst v63  }
0x2b: {  	_ =	swait.ge [sflag:s10], $0x1840  }
0x2c: {  	[sflag:s10] =	ssyncset.done $0x0  }
0x2d: {  	[sflag:s10] =	ssyncadd.s32 $0xFFFFE7C0  }
0x2e: {  	[tilespmem:s13], [sflag:$0x3] =	stream.linear.gather [hbm4b:s8+s4], $0xC00, $0x38;
	[tilespmem:$0x1D840] =	vst v63  }
0x2f: {  	_ =	swait.ge [sflag:s10], $0xC00  }
0x30: {  	[sflag:s10] =	ssyncset.done $0x0  }
0x31: {  	s19 =	simm.s32 $0x0;
	[sflag:s10] =	ssyncadd.s32 $0xFFFFF400  }
.LBB2_2:
0x32: {  	p0 =	seq.s32 s19, $0x0  }
0x33: {  	s20 =	simm.s32 @!p0 $0x1  }
0x34: {  	_ =	swait.ge @!p0 [sflag:s20], $0xC1C0  }
0x35: {  	s21 =	sshll.u32 s19, $0x4;
	[sflag:s20] =	ssyncset.done @!p0 $0x0  }
0x36: {  	s22 =	simm.s32 $0x0;
	v8 =	vmov s21;
	[sflag:s20] =	ssyncadd.s32 @!p0 $0xFFFF3E40  }
0x37: {  	v8 =	vmul.u32 $0x18, v8;
	v9 =	vld [tilespmem:s22+$0x0]  }
0x38: {  	s31 =	simm.s32 $0x3080  }
0x39: {  	v7 =	vbroadcast v8, $0x0;
	v8 =	vld [tilespmem:s31+$0x0];
	_ =	sdelay $0x1  }
0x3a: {  	v6 =	vor.u32 $0x18, v7;
	v5 =	vor.u32 $0x30, v7;
	v4 =	vor.u32 $0x48, v7  }
0x3b: {  	v3 =	vor.u32 $0x60, v7;
	v0 =	vor.u32 $0x78, v7;
	v11 =	vand.u32 $0xFFFFFFF8, v9  }
0x3c: {  	v2 =	vadd.s32 $0x90, v7;
	v12 =	vand.u32 $0x7, v9;
	v9 =	vadd.s32 v6, v11  }
0x3d: {  	v13 =	vand.u32 $0xFFFFFFF8, v8;
	v10 =	vadd.s32 v7, v11;
	v9 =	vor.u32 v12, v9  }
0x3e: {  	v8 =	vand.u32 $0x7, v8;
	v14 =	vadd.s32 v3, v13;
	v10 =	vor.u32 v12, v10  }
0x3f: {  	s23 =	simm.s32 $0x10;
	v15 =	vadd.s32 v7, v13;
	v16 =	vadd.s32 v6, v13;
	v14 =	vor.u32 v8, v14  }
0x40: {  	s25 =	simm.s32 $0x3090;
	v17 =	vld [tilespmem:s23+$0x0];
	v18 =	vadd.s32 v3, v11;
	v19 =	vadd.s32 v2, v11;
	v15 =	vor.u32 v8, v15  }
0x41: {  	v22 =	vld [tilespmem:s25+$0x0];
	v20 =	vadd.s32 v4, v11;
	v25 =	vadd.s32 v5, v11;
	v16 =	vor.u32 v8, v16  }
0x42: {  	v23 =	vadd.s32 v0, v11;
	v24 =	vadd.s32 v2, v13;
	v25 =	vor.u32 v12, v25;
	v42 =	vld.idx.msk [tilespmem:v9+s13+$0x0], $0xffff  }
0x43: {  	v1 =	vadd.s32 $0xA8, v7;
	v20 =	vor.u32 v12, v20;
	v9 =	vadd.s32 v5, v13;
	v26 =	vld.idx.msk [tilespmem:v10+s13+$0x0], $0xffff;
	[tilespmem:$0x1FD90] =	vst v5  }
0x44: {  	v11 =	vadd.s32 v1, v11;
	v23 =	vor.u32 v12, v23;
	v21 =	vor.u32 v8, v9;
	v9 =	vld.idx.msk [tilespmem:v14+s13+$0x0], $0xffff  }
0x45: {  	v10 =	vor.u32 v12, v18;
	v14 =	vadd.s32 v1, v13;
	v27 =	vld.idx.msk [tilespmem:v15+s13+$0x0], $0xffff;
	[tilespmem:$0x1FDA0] =	vst v1  }
0x46: {  	v15 =	vor.u32 v8, v14;
	v14 =	vadd.s32 v4, v13;
	v13 =	vadd.s32 v0, v13;
	v18 =	vld.idx.msk [tilespmem:v16+s13+$0x0], $0xffff  }
0x47: {  	v25 =	vld.idx.msk [tilespmem:v25+s13+$0x0], $0xffff;
	v30 =	vor.u32 v8, v13;
	v13 =	vor.u32 v12, v11  }
0x48: {  	v49 =	vor.u32 v12, v19;
	v12 =	vld.idx.msk [tilespmem:v20+s13+$0x0], $0xffff  }
0x49: {  	v16 =	vor.u32 v8, v14;
	v11 =	vld.idx.msk [tilespmem:v23+s13+$0x0], $0xffff  }
0x4a: {  	v45 =	vld.idx.msk [tilespmem:v21+s13+$0x0], $0xffff  }
0x4b: {  	v44 =	vadd.s32 s22, v32;
	v41 =	vadd.s32 s22, v39;
	v43 =	vld.idx.msk [tilespmem:v15+s13+$0x0], $0xffff  }
0x4c: {  	v40 =	vadd.s32 s22, v34;
	v46 =	vadd.s32 s22, v36;
	v47 =	vand.u32 $0xFFFFFFF8, v17;
	v13 =	vld.idx.msk [tilespmem:v13+s13+$0x0], $0xffff;
	[tilespmem:$0x1FDB0] =	vst v6  }
0x4d: {  	v17 =	vand.u32 $0x7, v17;
	v48 =	vadd.s32 v0, v47;
	v50 =	vadd.s32 v4, v47;
	[tilespmem:$0x1FDC0] =	vst v3  }
0x4e: {  	v19 =	vadd.s32 s22, v35;
	v28 =	vor.u32 v8, v24;
	v20 =	vadd.s32 v6, v47;
	v24 =	vld.idx.msk [tilespmem:v16+s13+$0x0], $0xffff;
	[tilespmem:$0x1FDD0] =	vst v7  }
0x4f: {  	v14 =	vadd.s32 s22, v62;
	v8 =	vand.u32 $0x7, v22;
	v51 =	vor.u32 v17, v20;
	[tilespmem:$0x1FDE0] =	vst v0  }
0x50: {  	v21 =	vor.u32 s22, v38;
	v23 =	vmul.f32 v27, v26;
	v27 =	vadd.s32 v3, v47;
	v16 =	vld.idx.msk [tilespmem:v49+s13+$0x0], $0xffff;
	[tilespmem:$0x1FDF0] =	vst v4  }
0x51: {  	v26 =	vadd.s32 v7, v47;
	v15 =	vand.u32 $0xFFFFFFF8, v22;
	v22 =	vadd.s32 v2, v47;
	[tilespmem:$0x1FE00] =	vst v2  }
0x52: {  	s26 =	simm.s32 $0x20;
	s24 =	simm.s32 $0x10;
	s20 =	sor.u32 $0x8, s21;
	v29 =	vadd.s32 v6, v15;
	v20 =	vadd.s32 v2, v15;
	v49 =	vor.u32 v17, v26;
	v26 =	vld.idx.msk [tilespmem:v30+s13+$0x0], $0xffff  }
.LBB2_3:
0x53: {  	v4 =	vld [tilespmem:$0x1FDD0]  }
0x54: {  	v2 =	vld [tilespmem:$0x1FDC0]  }
0x55: {  	v0 =	vld [tilespmem:$0x1FD90]  }
0x56: {  	v28 =	vld.idx.msk [tilespmem:v28+s13+$0x0], $0xffff  }
0x57: {  	v56 =	vmov v19;
	v19 =	vld.idx.msk [tilespmem:v10+s13+$0x0], $0xffff  }
0x58: {  	v18 =	vmul.f32 v18, v42;
	v3 =	vld [tilespmem:$0x1FDF0]  }
0x59: {  	s23 =	sadd.s32 $0x10, s23;
	v29 =	vor.u32 v8, v29;
	v10 =	vor.u32 v17, v27;
	v1 =	vld [tilespmem:$0x1FDA0];
	v30 =	vadd.s32 v4, v15  }
0x5a: {  	v55 =	vmovc v14;
	v52 =	vadd.s32 v2, v15;
	v27 =	vadd.s32 v0, v15;
	v14 =	vor.u32 v8, v30;
	v30 =	vld [tilespmem:s23+$0x0]  }
0x5b: {  	v53 =	vmov v9;
	v9 =	vor.u32 v8, v52;
	[tilespmem:v21+s14+$0x0] =	vst.idx.msk $0xffff, v23;
	v23 =	vadd.s32 v0, v47;
	v0 =	vld [tilespmem:$0x1FDE0]  }
0x5c: {  	s25 =	sadd.s32 $0x10, s25;
	v24 =	vmul.f32 v24, v12;
	v42 =	vld.idx.msk [tilespmem:v51+s13+$0x0], $0xffff;
	[tilespmem:v46+s14+$0x0] =	vst.idx.msk $0xffff, v18  }
0x5d: {  	v21 =	vadd.s32 s22, v37;
	v27 =	vor.u32 v8, v27;
	v18 =	vadd.s32 v3, v15;
	v61 =	vld [tilespmem:s25+$0x0]  }
0x5e: {  	v12 =	vor.u32 v17, v50;
	v49 =	vld.idx.msk [tilespmem:v49+s13+$0x0], $0xffff;
	v50 =	vor.u32 v8, v18;
	v18 =	vadd.s32 v1, v15  }
0x5f: {  	v26 =	vmul.f32 v26, v11;
	v11 =	vor.u32 v17, v48;
	v5 =	vor.u32 v8, v18;
	v18 =	vld.idx.msk [tilespmem:v29+s13+$0x0], $0xffff  }
0x60: {  	v25 =	vmul.f32 v45, v25;
	v9 =	vld.idx.msk [tilespmem:v9+s13+$0x0], $0xffff  }
0x61: {  	v54 =	vmov v44;
	v57 =	vor.u32 v17, v22;
	v60 =	vmul.f32 v43, v13;
	v63 =	vld.idx.msk [tilespmem:v14+s13+$0x0], $0xffff  }
0x62: {  	v22 =	vmul.f32 v53, v19;
	v23 =	vor.u32 v17, v23;
	v45 =	vld.idx.msk [tilespmem:v27+s13+$0x0], $0xffff;
	[tilespmem:v21+s14+$0x0] =	vst.idx.msk $0xffff, v25  }
0x63: {  	v13 =	vmul.f32 v28, v16;
	v14 =	vadd.s32 v0, v15;
	v12 =	vld.idx.msk [tilespmem:v12+s13+$0x0], $0xffff;
	[tilespmem:v41+s14+$0x0] =	vst.idx.msk $0xffff, v24  }
0x64: {  	v28 =	vor.u32 v8, v20;
	v15 =	vadd.s32 v1, v47;
	v33 =	vor.u32 v8, v14;
	v11 =	vld.idx.msk [tilespmem:v11+s13+$0x0], $0xffff  }
0x65: {  	v27 =	vor.u32 v17, v15;
	[tilespmem:v40+s14+$0x0] =	vst.idx.msk $0xffff, v22;
	v15 =	vand.u32 $0xFFFFFFF8, v61;
	v8 =	vand.u32 $0x7, v61;
	v61 =	vld [tilespmem:$0x1FDB0]  }
0x66: {  	s22 =	smov.u32 s24;
	v43 =	vld.idx.msk [tilespmem:v5+s13+$0x0], $0xffff;
	[tilespmem:v56+s14+$0x0] =	vst.idx.msk $0xffff, v26  }
0x67: {  	v44 =	vadd.s32 s22, v32;
	v19 =	vadd.s32 s22, v35;
	v46 =	vadd.s32 s22, v36;
	v25 =	vld.idx.msk [tilespmem:v23+s13+$0x0], $0xffff  }
0x68: {  	p1 =	sne.s32 s26, $0xC0;
	v21 =	vor.u32 s22, v38;
	v47 =	vand.u32 $0xFFFFFFF8, v30;
	v23 =	vmul.f32 v63, v49;
	v63 =	vld [tilespmem:$0x1FE00]  }
.Ltmp0:
0x69: {  	v14 =	vadd.s32 s22, v62;
	v41 =	vadd.s32 s22, v39;
	v17 =	vand.u32 $0x7, v30;
	[tilespmem:v54+s14+$0x0] =	vst.idx.msk $0xffff, v13;
	(pc) =	sbr.rel @p1 .LBB2_3-.Ltmp0, $4  }
0x6a: {  	v20 =	vadd.s32 v4, v47;
	v48 =	vadd.s32 v0, v47;
	v13 =	vld.idx.msk [tilespmem:v27+s13+$0x0], $0xffff;
	[tilespmem:v55+s14+$0x0] =	vst.idx.msk $0xffff, v60  }
0x6b: {  	v40 =	vadd.s32 s22, v34;
	v49 =	vor.u32 v17, v20;
	v27 =	vadd.s32 v2, v47;
	v24 =	vld.idx.msk [tilespmem:v50+s13+$0x0], $0xffff  }
0x6c: {  	s28 =	smov.u32 s26;
	v29 =	vadd.s32 v61, v15;
	v16 =	vadd.s32 v61, v47;
	v50 =	vadd.s32 v3, v47;
	v26 =	vld.idx.msk [tilespmem:v33+s13+$0x0], $0xffff  }
0x6d: {  	s26 =	sadd.s32 $0x10, s26;
	s24 =	smov.u32 s28;
	v51 =	vor.u32 v17, v16;
	v16 =	vld.idx.msk [tilespmem:v57+s13+$0x0], $0xffff;
	v22 =	vadd.s32 v63, v47;
	v20 =	vadd.s32 v63, v15  }
0x6e: {  	_ =	sdelay $0x1  }
0x6f: {  	v5 =	vld [tilespmem:$0x1FDC0]  }
0x70: {  	v33 =	vld [tilespmem:$0x1FDD0]  }
0x71: {  	v28 =	vld.idx.msk [tilespmem:v28+s13+$0x0], $0xffff  }
0x72: {  	v1 =	vld [tilespmem:$0x1FD90]  }
0x73: {  	v29 =	vor.u32 v8, v29;
	v3 =	vld [tilespmem:$0x1FDA0]  }
0x74: {  	v10 =	vld.idx.msk [tilespmem:v10+s13+$0x0], $0xffff  }
0x75: {  	v51 =	vld.idx.msk [tilespmem:v51+s13+$0x0], $0xffff;
	v50 =	vor.u32 v17, v50  }
0x76: {  	v49 =	vld.idx.msk [tilespmem:v49+s13+$0x0], $0xffff;
	v48 =	vor.u32 v17, v48;
	v22 =	vor.u32 v17, v22  }
0x77: {  	v6 =	vld [tilespmem:$0x1FDF0];
	[tilespmem:v21+s14+$0x0] =	vst.idx.msk $0xffff, v23;
	v30 =	vadd.s32 v5, v15;
	v52 =	vadd.s32 v33, v15  }
0x78: {  	v53 =	vadd.s32 v1, v15;
	v2 =	vadd.s32 v3, v47;
	v29 =	vld.idx.msk [tilespmem:v29+s13+$0x0], $0xffff;
	v30 =	vor.u32 v8, v30  }
0x79: {  	v55 =	vadd.s32 v1, v47;
	v52 =	vor.u32 v8, v52;
	v47 =	vor.u32 v17, v2;
	v2 =	vld [tilespmem:$0x1FDE0]  }
0x7a: {  	v54 =	vadd.s32 v3, v15;
	v50 =	vld.idx.msk [tilespmem:v50+s13+$0x0], $0xffff;
	v53 =	vor.u32 v8, v53  }
0x7b: {  	v56 =	vadd.s32 s22, v37;
	v4 =	vld.idx.msk [tilespmem:v48+s13+$0x0], $0xffff;
	v54 =	vor.u32 v8, v54  }
0x7c: {  	v57 =	vadd.s32 v6, v15;
	v22 =	vld.idx.msk [tilespmem:v22+s13+$0x0], $0xffff;
	v55 =	vor.u32 v17, v55  }
0x7d: {  	v18 =	vmul.f32 v18, v42;
	v57 =	vor.u32 v8, v57;
	v30 =	vld.idx.msk [tilespmem:v30+s13+$0x0], $0xffff  }
0x7e: {  	v25 =	vmul.f32 v45, v25;
	v17 =	vor.u32 v17, v27;
	v52 =	vld.idx.msk [tilespmem:v52+s13+$0x0], $0xffff;
	v15 =	vadd.s32 v2, v15  }
0x7f: {  	v12 =	vmul.f32 v24, v12;
	[tilespmem:v46+s14+$0x0] =	vst.idx.msk $0xffff, v18;
	v53 =	vld.idx.msk [tilespmem:v53+s13+$0x0], $0xffff;
	v15 =	vor.u32 v8, v15  }
0x80: {  	v9 =	vmul.f32 v9, v10;
	[tilespmem:v56+s14+$0x0] =	vst.idx.msk $0xffff, v25;
	v21 =	vld.idx.msk [tilespmem:v54+s13+$0x0], $0xffff;
	v8 =	vor.u32 v8, v20  }
0x81: {  	v11 =	vmul.f32 v26, v11;
	[tilespmem:v41+s14+$0x0] =	vst.idx.msk $0xffff, v12;
	v12 =	vor.u32 s24, v38;
	v18 =	vld.idx.msk [tilespmem:v55+s13+$0x0], $0xffff  }
0x82: {  	v16 =	vmul.f32 v28, v16;
	[tilespmem:v40+s14+$0x0] =	vst.idx.msk $0xffff, v9;
	v9 =	vadd.s32 s24, v36;
	v20 =	vld.idx.msk [tilespmem:v57+s13+$0x0], $0xffff  }
0x83: {  	v13 =	vmul.f32 v43, v13;
	[tilespmem:v19+s14+$0x0] =	vst.idx.msk $0xffff, v11;
	v11 =	vld.idx.msk [tilespmem:v17+s13+$0x0], $0xffff;
	v17 =	vadd.s32 s24, v37  }
0x84: {  	v19 =	vadd.s32 s24, v39;
	[tilespmem:v44+s14+$0x0] =	vst.idx.msk $0xffff, v16;
	v23 =	vmul.f32 v52, v49;
	v15 =	vld.idx.msk [tilespmem:v15+s13+$0x0], $0xffff  }
0x85: {  	v16 =	vadd.s32 s24, v34;
	[tilespmem:v14+s14+$0x0] =	vst.idx.msk $0xffff, v13;
	v13 =	vmul.f32 v29, v51;
	v8 =	vld.idx.msk [tilespmem:v8+s13+$0x0], $0xffff  }
0x86: {  	v10 =	vld.idx.msk [tilespmem:v47+s13+$0x0], $0xffff;
	v14 =	vadd.s32 s24, v35;
	v18 =	vmul.f32 v53, v18;
	[tilespmem:v12+s14+$0x0] =	vst.idx.msk $0xffff, v23  }
0x87: {  	v12 =	vadd.s32 s24, v32;
	[tilespmem:v9+s14+$0x0] =	vst.idx.msk $0xffff, v13;
	v9 =	vmul.f32 v20, v50  }
0x88: {  	v11 =	vmul.f32 v30, v11;
	v13 =	vadd.s32 s24, v62;
	[tilespmem:v17+s14+$0x0] =	vst.idx.msk $0xffff, v18  }
0x89: {  	[tilespmem:v19+s14+$0x0] =	vst.idx.msk $0xffff, v9;
	v15 =	vmul.f32 v15, v4  }
0x8a: {  	v8 =	vmul.f32 v8, v22;
	[tilespmem:v16+s14+$0x0] =	vst.idx.msk $0xffff, v11  }
0x8b: {  	v9 =	vmul.f32 v21, v10;
	[tilespmem:v14+s14+$0x0] =	vst.idx.msk $0xffff, v15  }
0x8c: {  	[tilespmem:v12+s14+$0x0] =	vst.idx.msk $0xffff, v8  }
0x8d: {  	[tilespmem:v13+s14+$0x0] =	vst.idx.msk $0xffff, v9  }
0x8e: {  	v8 =	vld [tilespmem:$0xD0]  }
0x8f: {  	v9 =	vld [tilespmem:$0x3150]  }
0x90: {  	v10 =	vld [tilespmem:$0x1910]  }
0x91: {  	v7 =	vld [tilespmem:$0x1FDB0]  }
0x92: {  	v4 =	vld [tilespmem:$0x1FE00]  }
0x93: {  	v0 =	vld [tilespmem:$0x1FE10]  }
0x94: {  	v48 =	vld [tilespmem:$0x1FE20]  }
0x95: {  	v49 =	vld [tilespmem:$0x1FE30]  }
0x96: {  	v50 =	vld [tilespmem:$0x1FE40]  }
0x97: {  	v51 =	vld [tilespmem:$0x1FE50];
	v11 =	vand.u32 $0xFFFFFFF8, v8;
	v16 =	vadd.s32 $0x1838, v10  }
0x98: {  	v52 =	vld [tilespmem:$0x1FE60];
	v8 =	vand.u32 $0x7, v8;
	v13 =	vand.u32 $0xFFFFFFF8, v9;
	v20 =	vadd.s32 $0x3070, v10  }
0x99: {  	v53 =	vld [tilespmem:$0x1FE70];
	v9 =	vand.u32 $0x7, v9;
	v23 =	vadd.s32 $0x48A8, v10;
	v26 =	vadd.s32 $0x60E0, v10  }
0x9a: {  	v54 =	vld [tilespmem:$0x1FE80];
	v29 =	vadd.s32 $0x7918, v10;
	v45 =	vadd.s32 $0x9150, v10;
	v12 =	vadd.s32 v33, v11  }
0x9b: {  	v14 =	vadd.s32 v33, v13;
	v15 =	vadd.s32 v7, v11;
	v17 =	vadd.s32 v7, v13;
	v19 =	vld.idx.msk [tilespmem:v10+s14+$0x0], $0xffff  }
0x9c: {  	v18 =	vadd.s32 v1, v11;
	v21 =	vadd.s32 v1, v13;
	v24 =	vadd.s32 v6, v13;
	v16 =	vld.idx.msk [tilespmem:v16+s14+$0x0], $0xffff  }
0x9d: {  	v27 =	vadd.s32 v5, v13;
	v30 =	vadd.s32 v2, v13;
	v12 =	vor.u32 v8, v12;
	v20 =	vld.idx.msk [tilespmem:v20+s14+$0x0], $0xffff  }
0x9e: {  	v46 =	vadd.s32 v4, v13;
	v13 =	vadd.s32 v3, v13;
	v14 =	vor.u32 v9, v14;
	v23 =	vld.idx.msk [tilespmem:v23+s14+$0x0], $0xffff  }
0x9f: {  	v15 =	vor.u32 v8, v15;
	v17 =	vor.u32 v9, v17;
	v18 =	vor.u32 v8, v18;
	v26 =	vld.idx.msk [tilespmem:v26+s14+$0x0], $0xffff  }
0xa0: {  	v21 =	vor.u32 v9, v21;
	v24 =	vor.u32 v9, v24;
	v27 =	vor.u32 v9, v27;
	v29 =	vld.idx.msk [tilespmem:v29+s14+$0x0], $0xffff  }
0xa1: {  	v30 =	vor.u32 v9, v30;
	v42 =	vor.u32 v9, v46;
	v9 =	vor.u32 v9, v13;
	v13 =	vld.idx.msk [tilespmem:v45+s14+$0x0], $0xffff  }
0xa2: {  	v22 =	vadd.s32 v6, v11;
	v12 =	vld.idx.msk [tilespmem:v12+s13+$0x0], $0xffff  }
0xa3: {  	v22 =	vor.u32 v8, v22;
	v14 =	vld.idx.msk [tilespmem:v14+s13+$0x0], $0xffff  }
0xa4: {  	v25 =	vadd.s32 v5, v11;
	v15 =	vld.idx.msk [tilespmem:v15+s13+$0x0], $0xffff  }
0xa5: {  	v25 =	vor.u32 v8, v25;
	v17 =	vld.idx.msk [tilespmem:v17+s13+$0x0], $0xffff  }
0xa6: {  	v28 =	vadd.s32 v2, v11;
	v18 =	vld.idx.msk [tilespmem:v18+s13+$0x0], $0xffff  }
0xa7: {  	v28 =	vor.u32 v8, v28;
	v21 =	vld.idx.msk [tilespmem:v21+s13+$0x0], $0xffff  }
0xa8: {  	v44 =	vadd.s32 v4, v11;
	v22 =	vld.idx.msk [tilespmem:v22+s13+$0x0], $0xffff  }
0xa9: {  	v40 =	vor.u32 v8, v44;
	v24 =	vld.idx.msk [tilespmem:v24+s13+$0x0], $0xffff  }
0xaa: {  	v11 =	vadd.s32 v3, v11;
	v25 =	vld.idx.msk [tilespmem:v25+s13+$0x0], $0xffff  }
0xab: {  	v8 =	vor.u32 v8, v11;
	v27 =	vld.idx.msk [tilespmem:v27+s13+$0x0], $0xffff  }
0xac: {  	v10 =	vadd.s32 $0xA988, v10;
	v28 =	vld.idx.msk [tilespmem:v28+s13+$0x0], $0xffff  }
0xad: {  	v11 =	vld.idx.msk [tilespmem:v30+s13+$0x0], $0xffff  }
0xae: {  	v30 =	vld.idx.msk [tilespmem:v40+s13+$0x0], $0xffff  }
0xaf: {  	v47 =	vld.idx.msk [tilespmem:v42+s13+$0x0], $0xffff;
	v12 =	vsel vm0, v12, v19  }
0xb0: {  	v8 =	vld.idx.msk [tilespmem:v8+s13+$0x0], $0xffff;
	v12 =	vmul.f32 v14, v12;
	v14 =	vsel vm0, v15, v16  }
0xb1: {  	v10 =	vld.idx.msk [tilespmem:v10+s14+$0x0], $0xffff;
	v15 =	vsel vm0, v18, v20;
	v14 =	vmul.f32 v17, v14  }
0xb2: {  	v9 =	vld.idx.msk [tilespmem:v9+s13+$0x0], $0xffff;
	v16 =	vsel vm0, v22, v23;
	v15 =	vmul.f32 v21, v15;
	[tilespmem:v0+s14+$0x0] =	vst.idx.msk $0xffff, v12  }
0xb3: {  	v12 =	vmul.f32 v24, v16;
	v16 =	vsel vm0, v25, v26;
	[tilespmem:v48+s14+$0x0] =	vst.idx.msk $0xffff, v14  }
0xb4: {  	v14 =	vmul.f32 v27, v16;
	v16 =	vsel vm0, v28, v29;
	[tilespmem:v49+s14+$0x0] =	vst.idx.msk $0xffff, v15  }
0xb5: {  	v13 =	vsel vm0, v30, v13;
	v11 =	vmul.f32 v11, v16;
	[tilespmem:v50+s14+$0x0] =	vst.idx.msk $0xffff, v12  }
0xb6: {  	v8 =	vsel vm0, v8, v10;
	v12 =	vmul.f32 v47, v13;
	[tilespmem:v51+s14+$0x0] =	vst.idx.msk $0xffff, v14  }
0xb7: {  	v8 =	vmul.f32 v9, v8;
	[tilespmem:v52+s14+$0x0] =	vst.idx.msk $0xffff, v11  }
0xb8: {  	[tilespmem:v53+s14+$0x0] =	vst.idx.msk $0xffff, v12  }
0xb9: {  	s30 =	simm.s32 $0x3170;
	[tilespmem:v54+s14+$0x0] =	vst.idx.msk $0xffff, v8  }
0xba: {  	v8 =	vld [tilespmem:s30+$0xFFFFFFF0];
	_ =	sdelay $0x4  }
0xbb: {  	v13 =	vand.u32 $0xFFFFFFF8, v8  }
0xbc: {  	s31 =	simm.s32 $0x1930;
	v8 =	vand.u32 $0x7, v8;
	v10 =	vadd.s32 v33, v13  }
0xbd: {  	v15 =	vld [tilespmem:s31+$0xFFFFFFF0];
	v10 =	vor.u32 v8, v10;
	_ =	sdelay $0x2  }
0xbe: {  	v9 =	vld [tilespmem:s30+$0x0];
	v12 =	vadd.s32 v1, v13  }
0xbf: {  	v14 =	vld [tilespmem:s31+$0x0];
	v12 =	vor.u32 v8, v12  }
0xc0: {  	v18 =	vld.idx.msk [tilespmem:v10+s13+$0x0], $0xffff;
	v10 =	vadd.s32 $0x60E0, v15;
	_ =	sdelay $0x2  }
0xc1: {  	v16 =	vand.u32 $0xFFFFFFF8, v9;
	v11 =	vadd.s32 v7, v13  }
0xc2: {  	v9 =	vand.u32 $0x7, v9;
	v17 =	vadd.s32 v33, v16;
	v11 =	vor.u32 v8, v11;
	v59 =	vld.idx.msk [tilespmem:v12+s13+$0x0], $0xffff  }
0xc3: {  	v17 =	vor.u32 v9, v17;
	v12 =	vadd.s32 v4, v16;
	v0 =	vld.idx.msk [tilespmem:v10+s14+$0x0], $0xffff  }
0xc4: {  	v12 =	vor.u32 v9, v12;
	_ =	sdelay $0x1  }
0xc5: {  	v20 =	vadd.s32 $0x48A8, v14;
	v21 =	vld.idx.msk [tilespmem:v14+s14+$0x0], $0xffff  }
0xc6: {  	v22 =	vadd.s32 $0xA988, v15;
	v19 =	vld.idx.msk [tilespmem:v11+s13+$0x0], $0xffff;
	v11 =	vadd.s32 v5, v16  }
0xc7: {  	v17 =	vld.idx.msk [tilespmem:v17+s13+$0x0], $0xffff;
	v23 =	vor.u32 v9, v11;
	[tilespmem:$0x1FD60] =	vst v0  }
0xc8: {  	v0 =	vld.idx.msk [tilespmem:v12+s13+$0x0], $0xffff  }
0xc9: {  	v27 =	vadd.s32 $0x7918, v15  }
0xca: {  	v20 =	vld.idx.msk [tilespmem:v20+s14+$0x0], $0xffff  }
0xcb: {  	v22 =	vld.idx.msk [tilespmem:v22+s14+$0x0], $0xffff  }
0xcc: {  	v25 =	vadd.s32 v6, v16;
	v40 =	vld.idx.msk [tilespmem:v23+s13+$0x0], $0xffff  }
0xcd: {  	v25 =	vor.u32 v9, v25;
	v10 =	vadd.s32 v3, v13;
	v29 =	vld.idx.msk [tilespmem:v15+s14+$0x0], $0xffff;
	[tilespmem:$0x1FD70] =	vst v0  }
0xce: {  	v26 =	vor.u32 v8, v10;
	v23 =	vadd.s32 v3, v16;
	v0 =	vld.idx.msk [tilespmem:v27+s14+$0x0], $0xffff  }
0xcf: {  	v23 =	vor.u32 v9, v23;
	_ =	sdelay $0x2  }
0xd0: {  	v25 =	vld.idx.msk [tilespmem:v25+s13+$0x0], $0xffff  }
0xd1: {  	v26 =	vld.idx.msk [tilespmem:v26+s13+$0x0], $0xffff;
	[tilespmem:$0x1FD80] =	vst v0  }
0xd2: {  	v28 =	vadd.s32 $0x7918, v14;
	v0 =	vld.idx.msk [tilespmem:v23+s13+$0x0], $0xffff;
	_ =	sdelay $0x2  }
0xd3: {  	v55 =	vadd.s32 $0x3070, v14  }
0xd4: {  	v56 =	vadd.s32 $0x1838, v14;
	v27 =	vadd.s32 v7, v16  }
0xd5: {  	s22 =	simm.s32 $0x3190;
	v27 =	vor.u32 v9, v27;
	v30 =	vld.idx.msk [tilespmem:v28+s14+$0x0], $0xffff;
	[tilespmem:$0x1FD40] =	vst v0  }
0xd6: {  	v23 =	vadd.s32 $0x1838, v15;
	v43 =	vld [tilespmem:s22+$0xFFFFFFF0]  }
0xd7: {  	v58 =	vadd.s32 $0x3070, v15;
	v57 =	vadd.s32 v1, v16;
	v47 =	vld [tilespmem:s22+$0x0]  }
0xd8: {  	v44 =	vor.u32 v9, v57;
	v52 =	vld.idx.msk [tilespmem:v55+s14+$0x0], $0xffff  }
0xd9: {  	v60 =	vadd.s32 $0x9150, v14;
	v49 =	vld.idx.msk [tilespmem:v56+s14+$0x0], $0xffff  }
0xda: {  	v42 =	vadd.s32 $0xA988, v14;
	v27 =	vld.idx.msk [tilespmem:v27+s13+$0x0], $0xffff  }
0xdb: {  	v61 =	vadd.s32 v6, v13;
	v14 =	vadd.s32 $0x60E0, v14;
	v23 =	vld.idx.msk [tilespmem:v23+s14+$0x0], $0xffff  }
0xdc: {  	v51 =	vadd.s32 $0x9150, v15;
	v54 =	vor.u32 v8, v61;
	v45 =	vld.idx.msk [tilespmem:v58+s14+$0x0], $0xffff  }
0xdd: {  	s23 =	simm.s32 $0xF0;
	v17 =	vmul.f32 v17, v21;
	v16 =	vadd.s32 v2, v16;
	v15 =	vadd.s32 $0x48A8, v15;
	v21 =	vld.idx.msk [tilespmem:v44+s13+$0x0], $0xffff  }
0xde: {  	v9 =	vor.u32 v9, v16;
	v20 =	vmul.f32 v25, v20;
	v25 =	vor.u32 s23, v38;
	v61 =	vld.idx.msk [tilespmem:v60+s14+$0x0], $0xffff  }
0xdf: {  	v63 =	vadd.s32 v5, v13;
	v16 =	vmul.f32 v18, v29;
	v46 =	vld.idx.msk [tilespmem:v42+s14+$0x0], $0xffff  }
0xe0: {  	s24 =	simm.s32 $0x1950;
	v41 =	vmul.f32 v26, v22;
	v26 =	vadd.s32 s23, v36;
	v0 =	vadd.s32 v2, v13;
	v28 =	vld.idx.msk [tilespmem:v14+s14+$0x0], $0xffff  }
0xe1: {  	v13 =	vadd.s32 v4, v13;
	v56 =	vor.u32 v8, v63;
	v58 =	vor.u32 v8, v0;
	v48 =	vld [tilespmem:s24+$0x0]  }
0xe2: {  	v60 =	vld.idx.msk [tilespmem:v15+s14+$0x0], $0xffff;
	v8 =	vor.u32 v8, v13;
	v42 =	vand.u32 $0xFFFFFFF8, v43;
	v43 =	vand.u32 $0x7, v43  }
0xe3: {  	v24 =	vld.idx.msk [tilespmem:v9+s13+$0x0], $0xffff;
	[tilespmem:v25+s14+$0x0] =	vst.idx.msk $0xffff, v17;
	v53 =	vand.u32 $0xFFFFFFF8, v47;
	v50 =	vand.u32 $0x7, v47;
	v27 =	vmul.f32 v27, v49  }
0xe4: {  	v31 =	vld.idx.msk [tilespmem:v51+s14+$0x0], $0xffff;
	v19 =	vmul.f32 v19, v23;
	v29 =	vadd.s32 v33, v42;
	v15 =	vadd.s32 v33, v53  }
0xe5: {  	s26 =	simm.s32 $0xE0;
	v63 =	vld.idx.msk [tilespmem:v54+s13+$0x0], $0xffff;
	v29 =	vor.u32 v43, v29;
	v23 =	vor.u32 v50, v15;
	v15 =	vadd.s32 v1, v42  }
0xe6: {  	v0 =	vld [tilespmem:s24+$0xFFFFFFF0];
	v9 =	vor.u32 s26, v38;
	v55 =	vadd.s32 v7, v42;
	[tilespmem:v26+s14+$0x0] =	vst.idx.msk $0xffff, v27;
	v26 =	vor.u32 v43, v15  }
0xe7: {  	v18 =	vadd.s32 s23, v37;
	v56 =	vld.idx.msk [tilespmem:v56+s13+$0x0], $0xffff;
	v13 =	vor.u32 v43, v55  }
0xe8: {  	v17 =	vadd.s32 s26, v36;
	v25 =	vmul.f32 v59, v45;
	v45 =	vld.idx.msk [tilespmem:v58+s13+$0x0], $0xffff  }
0xe9: {  	v22 =	vadd.s32 s23, v39;
	v27 =	vld.idx.msk [tilespmem:v8+s13+$0x0], $0xffff  }
0xea: {  	v21 =	vmul.f32 v21, v52;
	v49 =	vld.idx.msk [tilespmem:v29+s13+$0x0], $0xffff;
	v29 =	vadd.s32 s26, v37  }
0xeb: {  	v57 =	vadd.s32 v7, v53;
	[tilespmem:v9+s14+$0x0] =	vst.idx.msk $0xffff, v16;
	v7 =	vld.idx.msk [tilespmem:v26+s13+$0x0], $0xffff  }
0xec: {  	[tilespmem:v18+s14+$0x0] =	vst.idx.msk $0xffff, v21;
	v33 =	vld.idx.msk [tilespmem:v13+s13+$0x0], $0xffff;
	v13 =	vadd.s32 s26, v39  }
0xed: {  	[tilespmem:v17+s14+$0x0] =	vst.idx.msk $0xffff, v19  }
0xee: {  	[tilespmem:v22+s14+$0x0] =	vst.idx.msk $0xffff, v20  }
0xef: {  	v58 =	vld.idx.msk [tilespmem:v48+s14+$0x0], $0xffff;
	v21 =	vmul.f32 v63, v60;
	[tilespmem:v29+s14+$0x0] =	vst.idx.msk $0xffff, v25  }
0xf0: {  	v18 =	vadd.s32 $0x60E0, v0;
	v19 =	vld.idx.msk [tilespmem:v23+s13+$0x0], $0xffff;
	[tilespmem:$0x1FD50] =	vst v7  }
0xf1: {  	v51 =	vadd.s32 s26, v35;
	v59 =	vadd.s32 $0x1838, v48;
	v11 =	vadd.s32 $0xA988, v0;
	[tilespmem:v13+s14+$0x0] =	vst.idx.msk $0xffff, v21  }
0xf2: {  	v54 =	vadd.s32 $0x60E0, v48;
	v28 =	vmul.f32 v40, v28;
	v10 =	vadd.s32 v6, v42;
	v52 =	vld [tilespmem:$0x1FD60]  }
0xf3: {  	v55 =	vor.u32 v50, v57;
	v1 =	vadd.s32 v1, v53;
	v20 =	vadd.s32 v5, v53  }
0xf4: {  	v57 =	vadd.s32 s26, v34;
	v8 =	vadd.s32 $0x3070, v48;
	v17 =	vor.u32 v50, v20  }
0xf5: {  	v16 =	vadd.s32 $0x48A8, v48;
	v9 =	vadd.s32 $0x3070, v0;
	v10 =	vor.u32 v43, v10;
	v47 =	vld.idx.msk [tilespmem:v18+s14+$0x0], $0xffff  }
0xf6: {  	v15 =	vadd.s32 v3, v53;
	v63 =	vadd.s32 $0x1838, v0;
	v13 =	vadd.s32 v4, v53;
	v11 =	vld.idx.msk [tilespmem:v11+s14+$0x0], $0xffff  }
0xf7: {  	v20 =	vadd.s32 v6, v53;
	v23 =	vor.u32 v50, v13;
	v25 =	vmul.f32 v56, v52;
	v56 =	vld [tilespmem:$0x1FD70]  }
0xf8: {  	v60 =	vadd.s32 $0x9150, v48;
	v15 =	vor.u32 v50, v15;
	v12 =	vor.u32 v50, v20;
	v52 =	vld [tilespmem:$0x1FD80]  }
0xf9: {  	v22 =	vadd.s32 $0x7918, v0;
	v5 =	vadd.s32 v5, v42;
	v26 =	vmul.f32 v24, v30;
	v20 =	vld.idx.msk [tilespmem:v17+s13+$0x0], $0xffff  }
0xfa: {  	v24 =	vor.u32 v50, v1;
	v58 =	vmul.f32 v19, v58;
	v29 =	vadd.s32 $0x7918, v48;
	v19 =	vld.idx.msk [tilespmem:v0+s14+$0x0], $0xffff  }
0xfb: {  	v21 =	vmul.f32 v27, v31;
	v31 =	vadd.s32 v3, v42;
	v18 =	vadd.s32 v2, v42;
	v13 =	vld.idx.msk [tilespmem:v16+s14+$0x0], $0xffff  }
0xfc: {  	v17 =	vadd.s32 $0x48A8, v0;
	v30 =	vor.u32 v43, v31;
	v44 =	vld.idx.msk [tilespmem:v23+s13+$0x0], $0xffff;
	v16 =	vmul.f32 v56, v61  }
0xfd: {  	s25 =	simm.s32 $0x110;
	s28 =	simm.s32 $0x10;
	s29 =	simm.s32 $0x130;
	v23 =	vld.idx.msk [tilespmem:v12+s13+$0x0], $0xffff;
	v56 =	vadd.s32 $0x9150, v0;
	v27 =	vmul.f32 v45, v52;
	v61 =	vor.u32 v43, v5  }
.LBB2_5:
0xfe: {  	v0 =	vld [tilespmem:$0x1FD40]  }
0xff: {  	v14 =	vld [tilespmem:$0x1FDE0];
	_ =	sdelay $0x1  }
0x100: {  	v30 =	vld.idx.msk [tilespmem:v30+s13+$0x0], $0xffff  }
0x101: {  	v40 =	vld [tilespmem:$0x1FE00]  }
0x102: {  	v31 =	vmul.f32 v0, v46;
	v46 =	vld.idx.msk [tilespmem:v22+s14+$0x0], $0xffff  }
0x103: {  	v12 =	vadd.s32 v14, v53;
	v53 =	vld.idx.msk [tilespmem:v15+s13+$0x0], $0xffff  }
0x104: {  	s22 =	sadd.s32 $0x20, s22;
	v22 =	vor.u32 v50, v12;
	v50 =	vld.idx.msk [tilespmem:v29+s14+$0x0], $0xffff  }
0x105: {  	v2 =	vld [tilespmem:s22+$0x0];
	v29 =	vadd.s32 s23, v34  }
0x106: {  	v52 =	vmov v20;
	v20 =	vld [tilespmem:s22+$0xFFFFFFF0];
	v15 =	vadd.s32 s23, v35  }
0x107: {  	v11 =	vmul.f32 v30, v11;
	v30 =	vld.idx.msk [tilespmem:v8+s14+$0x0], $0xffff;
	[tilespmem:v57+s14+$0x0] =	vst.idx.msk $0xffff, v25  }
0x108: {  	v23 =	vmul.f32 v23, v13;
	v25 =	vld.idx.msk [tilespmem:v59+s14+$0x0], $0xffff;
	v13 =	vadd.s32 v40, v42;
	[tilespmem:$0x1FD40] =	vst v53  }
0x109: {  	v18 =	vor.u32 v43, v18;
	v3 =	vadd.s32 s26, v32;
	v13 =	vor.u32 v43, v13;
	v43 =	vld [tilespmem:$0x1FDD0];
	[tilespmem:$0x1FD10] =	vst v50  }
0x10a: {  	v4 =	vadd.s32 s23, v32;
	v53 =	vand.u32 $0xFFFFFFF8, v2;
	[tilespmem:v29+s14+$0x0] =	vst.idx.msk $0xffff, v28;
	v50 =	vand.u32 $0x7, v2;
	v2 =	vld [tilespmem:$0x1FDB0]  }
0x10b: {  	v28 =	vld.idx.msk [tilespmem:v55+s13+$0x0], $0xffff;
	[tilespmem:v15+s14+$0x0] =	vst.idx.msk $0xffff, v26  }
0x10c: {  	v15 =	vld.idx.msk [tilespmem:v63+s14+$0x0], $0xffff;
	[tilespmem:v51+s14+$0x0] =	vst.idx.msk $0xffff, v27  }
0x10d: {  	v8 =	vadd.s32 s23, v62;
	v9 =	vld.idx.msk [tilespmem:v9+s14+$0x0], $0xffff  }
0x10e: {  	v5 =	vadd.s32 s26, v62;
	s23 =	smov.u32 s25;
	[tilespmem:v3+s14+$0x0] =	vst.idx.msk $0xffff, v21;
	v21 =	vld.idx.msk [tilespmem:v24+s13+$0x0], $0xffff  }
0x10f: {  	s26 =	sadd.s32 $0xFFFFFFF0, s23;
	[tilespmem:v4+s14+$0x0] =	vst.idx.msk $0xffff, v16;
	v4 =	vld [tilespmem:$0x1FD90]  }
0x110: {  	v6 =	vadd.s32 s26, v37;
	v24 =	vadd.s32 s23, v37;
	v37 =	vld [tilespmem:$0x1FDA0]  }
0x111: {  	v26 =	vadd.s32 s23, v39;
	v3 =	vadd.s32 s26, v39;
	v39 =	vld [tilespmem:$0x1FDC0]  }
0x112: {  	v16 =	vld.idx.msk [tilespmem:v60+s14+$0x0], $0xffff;
	[tilespmem:v8+s14+$0x0] =	vst.idx.msk $0xffff, v31  }
0x113: {  	[tilespmem:v5+s14+$0x0] =	vst.idx.msk $0xffff, v41;
	v41 =	vld [tilespmem:$0x1FDF0]  }
0x114: {  	s24 =	sadd.s32 $0x20, s24;
	v31 =	vld.idx.msk [tilespmem:v54+s14+$0x0], $0xffff  }
0x115: {  	v29 =	vadd.s32 $0xA988, v48;
	v48 =	vld [tilespmem:s24+$0x0]  }
0x116: {  	v1 =	vld [tilespmem:s24+$0xFFFFFFF0]  }
0x117: {  	v17 =	vld.idx.msk [tilespmem:v17+s14+$0x0], $0xffff  }
0x118: {  	v42 =	vand.u32 $0xFFFFFFF8, v20;
	v10 =	vld.idx.msk [tilespmem:v10+s13+$0x0], $0xffff  }
0x119: {  	v12 =	vmov v11;
	v11 =	vadd.s32 v43, v42;
	v27 =	vor.u32 s23, v38;
	v61 =	vld.idx.msk [tilespmem:v61+s13+$0x0], $0xffff  }
0x11a: {  	v60 =	vadd.s32 s23, v36;
	v8 =	vadd.s32 v43, v53;
	v43 =	vand.u32 $0x7, v20;
	v7 =	vld.idx.msk [tilespmem:v22+s13+$0x0], $0xffff  }
0x11b: {  	[tilespmem:$0x1FD20] =	vst v52;
	v19 =	vmul.f32 v49, v19;
	v57 =	vadd.s32 s26, v34;
	v11 =	vor.u32 v43, v11;
	v34 =	vld.idx.msk [tilespmem:v13+s13+$0x0], $0xffff  }
0x11c: {  	[tilespmem:$0x1FD30] =	vst v46;
	v46 =	vmov v32;
	v52 =	vld.idx.msk [tilespmem:v29+s14+$0x0], $0xffff;
	v25 =	vmul.f32 v28, v25;
	v28 =	vadd.s32 v2, v42  }
0x11d: {  	v0 =	vmul.f32 v33, v15;
	v15 =	vadd.s32 v2, v53;
	v2 =	vld.idx.msk [tilespmem:v56+s14+$0x0], $0xffff;
	v20 =	vor.u32 v43, v28  }
0x11e: {  	v5 =	vld [tilespmem:$0x1FD50];
	[tilespmem:v27+s14+$0x0] =	vst.idx.msk $0xffff, v58;
	v27 =	vadd.s32 s26, v36;
	v28 =	vor.u32 v50, v8;
	v32 =	vadd.s32 v41, v42  }
0x11f: {  	v36 =	vld.idx.msk [tilespmem:v18+s13+$0x0], $0xffff;
	v8 =	vadd.s32 v4, v42;
	[tilespmem:v60+s14+$0x0] =	vst.idx.msk $0xffff, v25;
	v25 =	vadd.s32 v39, v53  }
0x120: {  	v29 =	vor.u32 v43, v8;
	v49 =	vld.idx.msk [tilespmem:v11+s13+$0x0], $0xffff;
	v33 =	vor.u32 v50, v25;
	v25 =	vadd.s32 v41, v53  }
0x121: {  	v11 =	vadd.s32 $0x60E0, v1;
	v41 =	vmul.f32 v10, v17;
	v10 =	vor.u32 v43, v32;
	v32 =	vmovc v46;
	v46 =	vmovc v52;
	v52 =	vld [tilespmem:$0x1FD30]  }
0x122: {  	v51 =	vadd.s32 s26, v35;
	v35 =	vadd.s32 $0xA988, v1;
	v45 =	vld.idx.msk [tilespmem:v20+s13+$0x0], $0xffff  }
0x123: {  	v38 =	vor.u32 s26, v38;
	v58 =	vld.idx.msk [tilespmem:v48+s14+$0x0], $0xffff  }
0x124: {  	v28 =	vld.idx.msk [tilespmem:v28+s13+$0x0], $0xffff  }
0x125: {  	v13 =	vadd.s32 v37, v42;
	v5 =	vmul.f32 v5, v9;
	v20 =	vadd.s32 $0x48A8, v48;
	v18 =	vld.idx.msk [tilespmem:v29+s13+$0x0], $0xffff  }
0x126: {  	v9 =	vadd.s32 v37, v53;
	v37 =	vadd.s32 v39, v42;
	v39 =	vadd.s32 v40, v53;
	v40 =	vld.idx.msk [tilespmem:v11+s14+$0x0], $0xffff  }
0x127: {  	v11 =	vld.idx.msk [tilespmem:v35+s14+$0x0], $0xffff  }
0x128: {  	v21 =	vmul.f32 v21, v30;
	v35 =	vld [tilespmem:$0x1FFD0];
	[tilespmem:v38+s14+$0x0] =	vst.idx.msk $0xffff, v19  }
0x129: {  	v19 =	vld.idx.msk [tilespmem:v1+s14+$0x0], $0xffff;
	[tilespmem:v27+s14+$0x0] =	vst.idx.msk $0xffff, v0  }
0x12a: {  	v55 =	vor.u32 v50, v15;
	v30 =	vor.u32 v43, v13;
	v13 =	vld.idx.msk [tilespmem:v20+s14+$0x0], $0xffff;
	[tilespmem:v24+s14+$0x0] =	vst.idx.msk $0xffff, v21  }
0x12b: {  	v39 =	vor.u32 v50, v39;
	v27 =	vmul.f32 v36, v52;
	v36 =	vld [tilespmem:$0x1FF90];
	[tilespmem:$0x1FD50] =	vst v18;
	v18 =	vadd.s32 v14, v42  }
0x12c: {  	v14 =	vmov v62;
	v62 =	vor.u32 v50, v25;
	v25 =	vmul.f32 v61, v47;
	[tilespmem:v26+s14+$0x0] =	vst.idx.msk $0xffff, v23;
	v47 =	vld [tilespmem:$0x1FD20]  }
0x12d: {  	s28 =	sadd.s32 $0x2, s28;
	v4 =	vadd.s32 v4, v53;
	v16 =	vmul.f32 v44, v16;
	v59 =	vadd.s32 $0x1838, v48;
	v20 =	vld.idx.msk [tilespmem:v33+s13+$0x0], $0xffff  }
0x12e: {  	p1 =	slt.u32 s28, $0x52;
	v8 =	vadd.s32 $0x3070, v48;
	v54 =	vadd.s32 $0x60E0, v48;
	v63 =	vadd.s32 $0x1838, v1;
	v33 =	vmovc v45;
	v45 =	vld [tilespmem:$0x1FD10]  }
.Ltmp1:
0x12f: {  	v15 =	vor.u32 v50, v9;
	v9 =	vadd.s32 $0x3070, v1;
	v21 =	vmul.f32 v34, v2;
	v34 =	vld [tilespmem:$0x1FFC0];
	(pc) =	sbr.rel @p1 .LBB2_5-.Ltmp1, $4  }
0x130: {  	v22 =	vadd.s32 $0x7918, v1;
	v60 =	vadd.s32 $0x9150, v48;
	v61 =	vor.u32 v43, v37;
	v37 =	vld [tilespmem:$0x1FFA0]  }
0x131: {  	v56 =	vadd.s32 $0x9150, v1;
	v17 =	vadd.s32 $0x48A8, v1;
	v29 =	vadd.s32 $0x7918, v48;
	[tilespmem:v6+s14+$0x0] =	vst.idx.msk $0xffff, v5;
	v44 =	vld.idx.msk [tilespmem:v39+s13+$0x0], $0xffff  }
0x132: {  	v24 =	vor.u32 v50, v4;
	v58 =	vmul.f32 v28, v58;
	[tilespmem:v3+s14+$0x0] =	vst.idx.msk $0xffff, v41;
	v41 =	vmov v12;
	v39 =	vld [tilespmem:$0x1FFB0]  }
0x133: {  	s25 =	smov.u32 s29;
	s29 =	sadd.s32 $0x20, s29;
	v38 =	vlaneseq.u32;
	v28 =	vmul.f32 v47, v31;
	v23 =	vld.idx.msk [tilespmem:v62+s13+$0x0], $0xffff;
	v62 =	vmovc v14;
	v47 =	vmovc v40;
	v26 =	vmul.f32 v7, v45  }
0x134: {  	_ =	sdelay $0x2  }
0x135: {  	v4 =	vadd.s32 s23, v34  }
0x136: {  	v0 =	vld.idx.msk [tilespmem:v30+s13+$0x0], $0xffff  }
0x137: {  	v1 =	vld.idx.msk [tilespmem:v22+s14+$0x0], $0xffff  }
0x138: {  	v2 =	vld.idx.msk [tilespmem:v29+s14+$0x0], $0xffff;
	v6 =	vadd.s32 s23, v35  }
0x139: {  	v3 =	vld.idx.msk [tilespmem:v15+s13+$0x0], $0xffff;
	[tilespmem:v57+s14+$0x0] =	vst.idx.msk $0xffff, v25  }
0x13a: {  	v5 =	vld.idx.msk [tilespmem:v8+s14+$0x0], $0xffff;
	[tilespmem:v4+s14+$0x0] =	vst.idx.msk $0xffff, v28  }
0x13b: {  	v40 =	vld [tilespmem:$0x1FDE0]  }
0x13c: {  	v7 =	vld.idx.msk [tilespmem:v59+s14+$0x0], $0xffff;
	v12 =	vadd.s32 $0xA988, v48  }
0x13d: {  	v8 =	vld.idx.msk [tilespmem:v55+s13+$0x0], $0xffff;
	v29 =	vadd.s32 s26, v32;
	[tilespmem:v6+s14+$0x0] =	vst.idx.msk $0xffff, v26  }
0x13e: {  	v22 =	vadd.s32 s23, v32;
	v14 =	vld [tilespmem:$0x1FD40]  }
0x13f: {  	v15 =	vld.idx.msk [tilespmem:v63+s14+$0x0], $0xffff;
	v45 =	vadd.s32 s26, v62  }
0x140: {  	v25 =	vadd.s32 s23, v62;
	v24 =	vld.idx.msk [tilespmem:v24+s13+$0x0], $0xffff;
	v63 =	vadd.s32 v40, v53  }
0x141: {  	v12 =	vld.idx.msk [tilespmem:v12+s14+$0x0], $0xffff;
	[tilespmem:v51+s14+$0x0] =	vst.idx.msk $0xffff, v27;
	v27 =	vor.u32 s25, v38;
	v4 =	vor.u32 v50, v63  }
0x142: {  	v26 =	vld.idx.msk [tilespmem:v60+s14+$0x0], $0xffff;
	[tilespmem:v29+s14+$0x0] =	vst.idx.msk $0xffff, v21;
	v21 =	vadd.s32 s25, v36  }
0x143: {  	v30 =	vadd.s32 s25, v37;
	v48 =	vld [tilespmem:$0x1FE00];
	[tilespmem:v22+s14+$0x0] =	vst.idx.msk $0xffff, v16;
	v28 =	vmul.f32 v14, v46  }
0x144: {  	v16 =	vld.idx.msk [tilespmem:v17+s14+$0x0], $0xffff;
	v17 =	vor.u32 v43, v18;
	v18 =	vadd.s32 s25, v39;
	[tilespmem:v45+s14+$0x0] =	vst.idx.msk $0xffff, v41  }
0x145: {  	v51 =	vmul.f32 v8, v7;
	v29 =	vld.idx.msk [tilespmem:v54+s14+$0x0], $0xffff;
	[tilespmem:v25+s14+$0x0] =	vst.idx.msk $0xffff, v28  }
0x146: {  	v5 =	vmul.f32 v24, v5;
	v4 =	vld.idx.msk [tilespmem:v4+s13+$0x0], $0xffff;
	[tilespmem:v27+s14+$0x0] =	vst.idx.msk $0xffff, v58  }
0x147: {  	v13 =	vmul.f32 v23, v13;
	[tilespmem:v21+s14+$0x0] =	vst.idx.msk $0xffff, v51  }
0x148: {  	[tilespmem:v30+s14+$0x0] =	vst.idx.msk $0xffff, v5  }
0x149: {  	v9 =	vld.idx.msk [tilespmem:v9+s14+$0x0], $0xffff;
	s22 =	sadd.s32 $0xFFFFFFF0, s25;
	v31 =	vadd.s32 v48, v42;
	[tilespmem:v18+s14+$0x0] =	vst.idx.msk $0xffff, v13  }
0x14a: {  	v52 =	vor.u32 s22, v38;
	v31 =	vor.u32 v43, v31;
	v13 =	vld [tilespmem:$0x1FD50]  }
0x14b: {  	v8 =	vld.idx.msk [tilespmem:v10+s13+$0x0], $0xffff;
	v10 =	vadd.s32 s22, v36  }
0x14c: {  	v23 =	vld.idx.msk [tilespmem:v61+s13+$0x0], $0xffff;
	v24 =	vadd.s32 s22, v37  }
0x14d: {  	v22 =	vld.idx.msk [tilespmem:v56+s14+$0x0], $0xffff;
	v53 =	vmul.f32 v49, v19;
	v19 =	vadd.s32 s22, v39  }
0x14e: {  	v54 =	vmul.f32 v33, v15;
	v15 =	vadd.s32 s22, v34;
	v17 =	vld.idx.msk [tilespmem:v17+s13+$0x0], $0xffff  }
0x14f: {  	v55 =	vadd.s32 s25, v34;
	v21 =	vld.idx.msk [tilespmem:v31+s13+$0x0], $0xffff;
	[tilespmem:v52+s14+$0x0] =	vst.idx.msk $0xffff, v53;
	v9 =	vmul.f32 v13, v9  }
0x150: {  	v57 =	vadd.s32 s25, v35;
	v56 =	vmul.f32 v8, v16;
	[tilespmem:v10+s14+$0x0] =	vst.idx.msk $0xffff, v54  }
0x151: {  	v8 =	vadd.s32 s22, v35;
	v10 =	vmul.f32 v23, v47;
	[tilespmem:v24+s14+$0x0] =	vst.idx.msk $0xffff, v9  }
0x152: {  	v58 =	vadd.s32 s22, v32;
	v9 =	vmul.f32 v20, v29;
	[tilespmem:v19+s14+$0x0] =	vst.idx.msk $0xffff, v56  }
0x153: {  	v59 =	vadd.s32 s25, v32;
	v2 =	vmul.f32 v4, v2;
	[tilespmem:v15+s14+$0x0] =	vst.idx.msk $0xffff, v10  }
0x154: {  	v1 =	vmul.f32 v17, v1;
	v10 =	vadd.s32 s25, v62;
	[tilespmem:v55+s14+$0x0] =	vst.idx.msk $0xffff, v9  }
0x155: {  	v60 =	vmul.f32 v21, v22;
	v9 =	vadd.s32 s22, v62;
	[tilespmem:v57+s14+$0x0] =	vst.idx.msk $0xffff, v2  }
0x156: {  	v61 =	vmul.f32 v44, v26;
	[tilespmem:v8+s14+$0x0] =	vst.idx.msk $0xffff, v1  }
0x157: {  	v62 =	vmul.f32 v3, v12;
	[tilespmem:v58+s14+$0x0] =	vst.idx.msk $0xffff, v60  }
0x158: {  	v0 =	vmul.f32 v0, v11;
	[tilespmem:v59+s14+$0x0] =	vst.idx.msk $0xffff, v61  }
0x159: {  	[tilespmem:v10+s14+$0x0] =	vst.idx.msk $0xffff, v62  }
0x15a: {  	[tilespmem:v9+s14+$0x0] =	vst.idx.msk $0xffff, v0  }
0x15b: {  	v0 =	vld [tilespmem:$0x35C0]  }
0x15c: {  	v1 =	vld [tilespmem:$0x1D80]  }
0x15d: {  	v51 =	vld [tilespmem:$0x1FDD0]  }
0x15e: {  	v50 =	vld [tilespmem:$0x1FDB0]  }
0x15f: {  	v44 =	vld [tilespmem:$0x1FD90]  }
0x160: {  	v56 =	vld [tilespmem:$0x1FDF0]  }
0x161: {  	v58 =	vld [tilespmem:$0x1FDC0]  }
0x162: {  	v45 =	vld [tilespmem:$0x1FDA0]  }
0x163: {  	v46 =	vld [tilespmem:$0x1FE90]  }
0x164: {  	v49 =	vld [tilespmem:$0x1FEA0]  }
0x165: {  	v53 =	vld [tilespmem:$0x1FEB0]  }
0x166: {  	v55 =	vld [tilespmem:$0x1FEC0]  }
0x167: {  	v57 =	vld [tilespmem:$0x1FED0];
	v32 =	vadd.s32 $0x1838, v1  }
0x168: {  	v60 =	vld [tilespmem:$0x1FEE0];
	v41 =	vadd.s32 $0x3070, v1  }
0x169: {  	v61 =	vld [tilespmem:$0x1FEF0];
	v9 =	vadd.s32 $0x48A8, v1  }
0x16a: {  	v62 =	vld [tilespmem:$0x1FF00];
	v63 =	vand.u32 $0xFFFFFFF8, v0;
	v11 =	vadd.s32 $0x60E0, v1  }
0x16b: {  	v0 =	vand.u32 $0x7, v0;
	v13 =	vadd.s32 $0x7918, v1;
	v7 =	vadd.s32 v51, v63;
	v8 =	vld.idx.msk [tilespmem:v1+s14+$0x0], $0xffff  }
0x16c: {  	v33 =	vadd.s32 v50, v63;
	v3 =	vor.u32 v0, v7;
	v4 =	vld.idx.msk [tilespmem:v32+s14+$0x0], $0xffff  }
0x16d: {  	v42 =	vadd.s32 v44, v63;
	v5 =	vor.u32 v0, v33;
	v6 =	vld.idx.msk [tilespmem:v41+s14+$0x0], $0xffff  }
0x16e: {  	v10 =	vadd.s32 v56, v63;
	v7 =	vor.u32 v0, v42;
	v9 =	vld.idx.msk [tilespmem:v9+s14+$0x0], $0xffff  }
0x16f: {  	v12 =	vadd.s32 v58, v63;
	v10 =	vor.u32 v0, v10;
	v11 =	vld.idx.msk [tilespmem:v11+s14+$0x0], $0xffff  }
0x170: {  	v14 =	vadd.s32 v40, v63;
	v12 =	vor.u32 v0, v12;
	v13 =	vld.idx.msk [tilespmem:v13+s14+$0x0], $0xffff  }
0x171: {  	v14 =	vor.u32 v0, v14;
	v3 =	vld.idx.msk [tilespmem:v3+s13+$0x0], $0xffff  }
0x172: {  	v15 =	vadd.s32 $0x9150, v1;
	v16 =	vadd.s32 v48, v63;
	v5 =	vld.idx.msk [tilespmem:v5+s13+$0x0], $0xffff  }
0x173: {  	v2 =	vadd.s32 v45, v63;
	v16 =	vor.u32 v0, v16;
	v7 =	vld.idx.msk [tilespmem:v7+s13+$0x0], $0xffff  }
0x174: {  	v0 =	vor.u32 v0, v2;
	v10 =	vld.idx.msk [tilespmem:v10+s13+$0x0], $0xffff  }
0x175: {  	v1 =	vadd.s32 $0xA988, v1;
	v12 =	vld.idx.msk [tilespmem:v12+s13+$0x0], $0xffff  }
0x176: {  	v43 =	vld.idx.msk [tilespmem:v14+s13+$0x0], $0xffff  }
0x177: {  	v14 =	vld.idx.msk [tilespmem:v15+s14+$0x0], $0xffff  }
0x178: {  	v15 =	vld.idx.msk [tilespmem:v16+s13+$0x0], $0xffff;
	v3 =	vmul.f32 v3, v8  }
0x179: {  	v0 =	vld.idx.msk [tilespmem:v0+s13+$0x0], $0xffff;
	v4 =	vmul.f32 v5, v4  }
0x17a: {  	v1 =	vld.idx.msk [tilespmem:v1+s14+$0x0], $0xffff;
	v47 =	vmul.f32 v7, v6;
	[tilespmem:v46+s14+$0x0] =	vst.idx.msk $0xffff, v3  }
0x17b: {  	v52 =	vmul.f32 v10, v9;
	[tilespmem:v49+s14+$0x0] =	vst.idx.msk $0xffff, v4  }
0x17c: {  	v54 =	vmul.f32 v12, v11;
	[tilespmem:v53+s14+$0x0] =	vst.idx.msk $0xffff, v47  }
0x17d: {  	v2 =	vmul.f32 v43, v13;
	[tilespmem:v55+s14+$0x0] =	vst.idx.msk $0xffff, v52  }
0x17e: {  	v59 =	vmul.f32 v15, v14;
	[tilespmem:v57+s14+$0x0] =	vst.idx.msk $0xffff, v54  }
0x17f: {  	v0 =	vmul.f32 v0, v1;
	[tilespmem:v60+s14+$0x0] =	vst.idx.msk $0xffff, v2  }
0x180: {  	[tilespmem:v61+s14+$0x0] =	vst.idx.msk $0xffff, v59  }
0x181: {  	s31 =	simm.s32 $0x1DA0;
	[tilespmem:v62+s14+$0x0] =	vst.idx.msk $0xffff, v0  }
0x182: {  	v4 =	vld [tilespmem:s31+$0x0]  }
0x183: {  	v47 =	vld [tilespmem:s31+$0xFFFFFFF0];
	_ =	sdelay $0x2  }
0x184: {  	s30 =	simm.s32 $0x35E0  }
0x185: {  	v0 =	vld [tilespmem:s30+$0xFFFFFFF0]  }
0x186: {  	s22 =	simm.s32 $0x3600;
	v1 =	vld [tilespmem:s30+$0x0];
	v10 =	vadd.s32 $0x60E0, v47  }
0x187: {  	v25 =	vld [tilespmem:s22+$0xFFFFFFF0];
	v11 =	vadd.s32 $0x48A8, v4  }
0x188: {  	v28 =	vld [tilespmem:s22+$0x0];
	v14 =	vadd.s32 $0xA988, v47  }
0x189: {  	v20 =	vadd.s32 $0x7918, v4;
	v13 =	vld.idx.msk [tilespmem:v4+s14+$0x0], $0xffff  }
0x18a: {  	v63 =	vand.u32 $0xFFFFFFF8, v0;
	v23 =	vadd.s32 $0x3070, v4;
	v21 =	vld.idx.msk [tilespmem:v47+s14+$0x0], $0xffff  }
0x18b: {  	v0 =	vand.u32 $0x7, v0;
	v24 =	vadd.s32 $0x1838, v4;
	v8 =	vadd.s32 v44, v63;
	v10 =	vld.idx.msk [tilespmem:v10+s14+$0x0], $0xffff  }
0x18c: {  	v8 =	vor.u32 v0, v8;
	v11 =	vld.idx.msk [tilespmem:v11+s14+$0x0], $0xffff  }
0x18d: {  	v49 =	vand.u32 $0xFFFFFFF8, v1;
	v27 =	vadd.s32 $0x3070, v47;
	v14 =	vld.idx.msk [tilespmem:v14+s14+$0x0], $0xffff  }
0x18e: {  	v1 =	vand.u32 $0x7, v1;
	v29 =	vadd.s32 $0x9150, v4;
	v12 =	vadd.s32 v58, v49;
	v20 =	vld.idx.msk [tilespmem:v20+s14+$0x0], $0xffff  }
0x18f: {  	v43 =	vadd.s32 v51, v63;
	v12 =	vor.u32 v1, v12;
	v23 =	vld.idx.msk [tilespmem:v23+s14+$0x0], $0xffff  }
0x190: {  	v9 =	vadd.s32 v51, v49;
	v3 =	vor.u32 v0, v43;
	v24 =	vld.idx.msk [tilespmem:v24+s14+$0x0], $0xffff  }
0x191: {  	v9 =	vor.u32 v1, v9;
	v15 =	vld.idx.msk [tilespmem:v8+s13+$0x0], $0xffff;
	v8 =	vadd.s32 v48, v49  }
0x192: {  	v19 =	vadd.s32 $0x7918, v47;
	v27 =	vld.idx.msk [tilespmem:v27+s14+$0x0], $0xffff;
	v17 =	vor.u32 v1, v8;
	v8 =	vadd.s32 v45, v63  }
0x193: {  	v46 =	vadd.s32 v50, v63;
	v29 =	vld.idx.msk [tilespmem:v29+s14+$0x0], $0xffff;
	v18 =	vor.u32 v0, v8  }
0x194: {  	v53 =	vmov v35;
	v5 =	vor.u32 v0, v46;
	v35 =	vld.idx.msk [tilespmem:v12+s13+$0x0], $0xffff;
	v12 =	vadd.s32 v45, v49  }
0x195: {  	v16 =	vadd.s32 v56, v49;
	v3 =	vld.idx.msk [tilespmem:v3+s13+$0x0], $0xffff;
	v22 =	vor.u32 v1, v12  }
0x196: {  	v26 =	vadd.s32 v44, v49;
	v16 =	vor.u32 v1, v16;
	v9 =	vld.idx.msk [tilespmem:v9+s13+$0x0], $0xffff  }
0x197: {  	v26 =	vor.u32 v1, v26;
	v8 =	vld.idx.msk [tilespmem:v19+s14+$0x0], $0xffff  }
0x198: {  	v19 =	vadd.s32 v50, v49;
	v18 =	vld.idx.msk [tilespmem:v18+s13+$0x0], $0xffff  }
0x199: {  	v5 =	vld.idx.msk [tilespmem:v5+s13+$0x0], $0xffff;
	v19 =	vor.u32 v1, v19  }
0x19a: {  	v41 =	vld.idx.msk [tilespmem:v22+s13+$0x0], $0xffff;
	v22 =	vadd.s32 $0x1838, v47  }
0x19b: {  	v30 =	vadd.s32 $0xA988, v4;
	v16 =	vld.idx.msk [tilespmem:v16+s13+$0x0], $0xffff  }
0x19c: {  	s26 =	simm.s32 $0x550;
	v4 =	vadd.s32 $0x60E0, v4;
	v9 =	vmul.f32 v9, v13;
	v13 =	vld.idx.msk [tilespmem:v26+s13+$0x0], $0xffff  }
0x19d: {  	s23 =	simm.s32 $0x560;
	v32 =	vor.u32 s26, v38;
	v17 =	vld.idx.msk [tilespmem:v17+s13+$0x0], $0xffff;
	v61 =	vmul.f32 v18, v14  }
0x19e: {  	v53 =	vadd.s32 s26, v53;
	v62 =	vadd.s32 s23, v37;
	v57 =	vadd.s32 $0x9150, v47;
	v19 =	vld.idx.msk [tilespmem:v19+s13+$0x0], $0xffff  }
0x19f: {  	v6 =	vadd.s32 $0x48A8, v47;
	v42 =	vand.u32 $0xFFFFFFF8, v25;
	v52 =	vand.u32 $0xFFFFFFF8, v28;
	v22 =	vld.idx.msk [tilespmem:v22+s14+$0x0], $0xffff;
	[tilespmem:$0x1FD00] =	vst v61  }
0x1a0: {  	v31 =	vadd.s32 v56, v63;
	v59 =	vadd.s32 v58, v63;
	v60 =	vadd.s32 v40, v63;
	v46 =	vld.idx.msk [tilespmem:v30+s14+$0x0], $0xffff  }
0x1a1: {  	s24 =	simm.s32 $0x1DC0;
	v7 =	vadd.s32 v40, v49;
	v2 =	vadd.s32 v48, v63;
	v31 =	vor.u32 v0, v31;
	v4 =	vld.idx.msk [tilespmem:v4+s14+$0x0], $0xffff  }
0x1a2: {  	v33 =	vor.u32 v0, v59;
	v43 =	vand.u32 $0x7, v25;
	v25 =	vadd.s32 v50, v42;
	v47 =	vld [tilespmem:s24+$0x0]  }
0x1a3: {  	v12 =	vmovc v34;
	v1 =	vor.u32 v1, v7;
	v3 =	vmul.f32 v3, v21;
	v21 =	vadd.s32 v51, v42;
	v34 =	vld [tilespmem:s24+$0xFFFFFFF0]  }
0x1a4: {  	v11 =	vmul.f32 v16, v11;
	v16 =	vor.u32 s23, v38;
	v21 =	vor.u32 v43, v21;
	v6 =	vld.idx.msk [tilespmem:v6+s14+$0x0], $0xffff  }
0x1a5: {  	v49 =	vand.u32 $0x7, v28;
	v26 =	vor.u32 v0, v60;
	v0 =	vor.u32 v0, v2;
	v28 =	vld.idx.msk [tilespmem:v57+s14+$0x0], $0xffff  }
0x1a6: {  	v63 =	vor.u32 v43, v25;
	v19 =	vmul.f32 v19, v24;
	v24 =	vadd.s32 v50, v52;
	v30 =	vld.idx.msk [tilespmem:v31+s13+$0x0], $0xffff  }
0x1a7: {  	v25 =	vadd.s32 v51, v52;
	v18 =	vadd.s32 s23, v36;
	v55 =	vor.u32 v49, v24;
	v24 =	vld.idx.msk [tilespmem:v33+s13+$0x0], $0xffff  }
0x1a8: {  	v38 =	vadd.s32 s26, v39;
	v13 =	vmul.f32 v13, v23;
	v61 =	vadd.s32 v58, v42;
	v1 =	vld.idx.msk [tilespmem:v1+s13+$0x0], $0xffff  }
0x1a9: {  	v14 =	vadd.s32 s23, v39;
	v31 =	vadd.s32 v44, v52;
	v50 =	vld.idx.msk [tilespmem:v21+s13+$0x0], $0xffff;
	[tilespmem:v16+s14+$0x0] =	vst.idx.msk $0xffff, v9;
	v9 =	vadd.s32 s26, v36  }
0x1aa: {  	v0 =	vld.idx.msk [tilespmem:v0+s13+$0x0], $0xffff;
	v33 =	vadd.s32 v48, v52;
	v5 =	vmul.f32 v5, v22;
	v22 =	vor.u32 v49, v25  }
0x1ab: {  	v23 =	vld.idx.msk [tilespmem:v26+s13+$0x0], $0xffff;
	[tilespmem:v32+s14+$0x0] =	vst.idx.msk $0xffff, v3;
	v25 =	vadd.s32 v44, v42;
	v2 =	vor.u32 v49, v33  }
0x1ac: {  	v16 =	vmul.f32 v15, v27;
	v21 =	vadd.s32 s26, v37;
	[tilespmem:v18+s14+$0x0] =	vst.idx.msk $0xffff, v19;
	v18 =	vor.u32 v43, v25  }
0x1ad: {  	v61 =	vor.u32 v43, v61;
	v44 =	vld.idx.msk [tilespmem:v63+s13+$0x0], $0xffff;
	v63 =	vadd.s32 v45, v52;
	[tilespmem:v62+s14+$0x0] =	vst.idx.msk $0xffff, v13  }
0x1ae: {  	v45 =	vadd.s32 v45, v42;
	v15 =	vor.u32 v49, v63;
	[tilespmem:v14+s14+$0x0] =	vst.idx.msk $0xffff, v11;
	v13 =	vadd.s32 $0x60E0, v34  }
0x1af: {  	v11 =	vadd.s32 v58, v52;
	v3 =	vadd.s32 $0x48A8, v47;
	v6 =	vmul.f32 v30, v6;
	v19 =	vld.idx.msk [tilespmem:v22+s13+$0x0], $0xffff  }
0x1b0: {  	v57 =	vadd.s32 s26, v12;
	v14 =	vadd.s32 $0xA988, v34;
	[tilespmem:v9+s14+$0x0] =	vst.idx.msk $0xffff, v5;
	v30 =	vor.u32 v43, v45;
	v45 =	vld.idx.msk [tilespmem:v2+s13+$0x0], $0xffff  }
0x1b1: {  	v59 =	vadd.s32 $0x1838, v47;
	v62 =	vadd.s32 $0x3070, v47;
	v32 =	vor.u32 v49, v11;
	[tilespmem:v21+s14+$0x0] =	vst.idx.msk $0xffff, v16;
	v51 =	vld.idx.msk [tilespmem:v18+s13+$0x0], $0xffff  }
0x1b2: {  	v54 =	vadd.s32 $0x60E0, v47;
	v63 =	vadd.s32 $0x1838, v34;
	[tilespmem:v38+s14+$0x0] =	vst.idx.msk $0xffff, v6;
	v38 =	vadd.s32 v56, v52;
	v7 =	vld.idx.msk [tilespmem:v47+s14+$0x0], $0xffff  }
0x1b3: {  	v9 =	vadd.s32 $0x3070, v34;
	v60 =	vadd.s32 $0x9150, v47;
	v6 =	vor.u32 v49, v38;
	v48 =	vld.idx.msk [tilespmem:v13+s14+$0x0], $0xffff  }
0x1b4: {  	v25 =	vmul.f32 v24, v10;
	v10 =	vadd.s32 v56, v42;
	v26 =	vmul.f32 v1, v20;
	v13 =	vld.idx.msk [tilespmem:v3+s14+$0x0], $0xffff  }
0x1b5: {  	v27 =	vmul.f32 v23, v8;
	v24 =	vor.u32 v49, v31;
	v16 =	vmul.f32 v17, v29;
	v11 =	vld.idx.msk [tilespmem:v14+s14+$0x0], $0xffff  }
0x1b6: {  	v21 =	vadd.s32 $0x7918, v34;
	v22 =	vmul.f32 v0, v28;
	v28 =	vmul.f32 v35, v4;
	v20 =	vld.idx.msk [tilespmem:v32+s13+$0x0], $0xffff  }
0x1b7: {  	v29 =	vadd.s32 $0x7918, v47;
	v10 =	vor.u32 v43, v10;
	v58 =	vmul.f32 v19, v7;
	v19 =	vld.idx.msk [tilespmem:v34+s14+$0x0], $0xffff  }
0x1b8: {  	s28 =	simm.s32 $0x57;
	s29 =	simm.s32 $0x5A0;
	s25 =	simm.s32 $0x580;
	v17 =	vadd.s32 $0x48A8, v34;
	v56 =	vadd.s32 $0x9150, v34;
	v18 =	vadd.s32 v40, v42;
	v23 =	vld.idx.msk [tilespmem:v6+s13+$0x0], $0xffff  }
.LBB2_7:
0x1b9: {  	v0 =	vld.idx.msk [tilespmem:v30+s13+$0x0], $0xffff  }
0x1ba: {  	v12 =	vld [tilespmem:$0x1FDE0]  }
0x1bb: {  	v3 =	vld.idx.msk [tilespmem:v21+s14+$0x0], $0xffff  }
0x1bc: {  	v2 =	vmul.f32 v41, v46;
	v46 =	vld.idx.msk [tilespmem:v29+s14+$0x0], $0xffff  }
0x1bd: {  	v30 =	vld [tilespmem:$0x1FFC0]  }
0x1be: {  	v8 =	vld [tilespmem:$0x1FFE0]  }
0x1bf: {  	v14 =	vld.idx.msk [tilespmem:v15+s13+$0x0], $0xffff  }
0x1c0: {  	v29 =	vld [tilespmem:$0x1FFD0]  }
0x1c1: {  	v21 =	vld.idx.msk [tilespmem:v59+s14+$0x0], $0xffff  }
0x1c2: {  	s22 =	sadd.s32 $0x20, s22;
	v40 =	vld [tilespmem:$0x1FE00]  }
0x1c3: {  	v5 =	vld [tilespmem:s22+$0xFFFFFFF0];
	v1 =	vadd.s32 v12, v52;
	v7 =	vadd.s32 s26, v8  }
0x1c4: {  	v15 =	vadd.s32 s23, v8;
	v8 =	vld [tilespmem:$0x1FFF0];
	v1 =	vor.u32 v49, v1;
	v49 =	vadd.s32 s23, v30  }
0x1c5: {  	v6 =	vld [tilespmem:s22+$0x0];
	[tilespmem:v57+s14+$0x0] =	vst.idx.msk $0xffff, v25  }
0x1c6: {  	v59 =	vld.idx.msk [tilespmem:v63+s14+$0x0], $0xffff;
	[tilespmem:v53+s14+$0x0] =	vst.idx.msk $0xffff, v27;
	v52 =	vadd.s32 s23, v29  }
0x1c7: {  	v9 =	vld.idx.msk [tilespmem:v9+s14+$0x0], $0xffff  }
0x1c8: {  	[tilespmem:$0x1FCF0] =	vst v3;
	v0 =	vmul.f32 v0, v11;
	v11 =	vld.idx.msk [tilespmem:v62+s14+$0x0], $0xffff  }
0x1c9: {  	v4 =	vmov v20;
	v20 =	vadd.s32 s23, v8;
	s23 =	smov.u32 s25;
	v25 =	vadd.s32 s26, v8;
	v8 =	vld [tilespmem:$0x1FDD0];
	[tilespmem:v49+s14+$0x0] =	vst.idx.msk $0xffff, v28  }
0x1ca: {  	[tilespmem:v7+s14+$0x0] =	vst.idx.msk $0xffff, v22;
	s26 =	sadd.s32 $0xFFFFFFF0, s23;
	v3 =	vld.idx.msk [tilespmem:v55+s13+$0x0], $0xffff  }
0x1cb: {  	v28 =	vadd.s32 $0xA988, v47;
	[tilespmem:v52+s14+$0x0] =	vst.idx.msk $0xffff, v26;
	v53 =	vadd.s32 s26, v29;
	v29 =	vld [tilespmem:$0x1FDA0]  }
0x1cc: {  	v7 =	vld.idx.msk [tilespmem:v24+s13+$0x0], $0xffff;
	[tilespmem:v15+s14+$0x0] =	vst.idx.msk $0xffff, v16  }
0x1cd: {  	v16 =	vld.idx.msk [tilespmem:v60+s14+$0x0], $0xffff  }
0x1ce: {  	v52 =	vand.u32 $0xFFFFFFF8, v6;
	v15 =	vadd.s32 v40, v42;
	v42 =	vand.u32 $0xFFFFFFF8, v5;
	v60 =	vld [tilespmem:$0x1FD00]  }
0x1cf: {  	[tilespmem:v20+s14+$0x0] =	vst.idx.msk $0xffff, v2;
	v62 =	vadd.s32 v8, v52;
	v63 =	vadd.s32 v8, v42;
	v8 =	vld [tilespmem:$0x1FDB0]  }
0x1d0: {  	[tilespmem:$0x1FCD0] =	vst v46;
	v46 =	vld.idx.msk [tilespmem:v28+s14+$0x0], $0xffff  }
0x1d1: {  	s24 =	sadd.s32 $0x20, s24;
	v28 =	vld.idx.msk [tilespmem:v54+s14+$0x0], $0xffff  }
0x1d2: {  	v23 =	vmul.f32 v23, v13;
	v13 =	vmov v0;
	v47 =	vld [tilespmem:s24+$0x0]  }
0x1d3: {  	[tilespmem:$0x1FD00] =	vst v13;
	v1 =	vld.idx.msk [tilespmem:v1+s13+$0x0], $0xffff  }
0x1d4: {  	[tilespmem:v25+s14+$0x0] =	vst.idx.msk $0xffff, v60;
	v13 =	vadd.s32 v8, v42;
	v33 =	vadd.s32 v8, v52;
	v8 =	vld [tilespmem:$0x1FD90]  }
0x1d5: {  	v31 =	vld [tilespmem:s24+$0xFFFFFFF0]  }
0x1d6: {  	v17 =	vld.idx.msk [tilespmem:v17+s14+$0x0], $0xffff  }
0x1d7: {  	v18 =	vor.u32 v43, v18;
	v2 =	vor.u32 v43, v15;
	v43 =	vand.u32 $0x7, v5;
	v5 =	vld.idx.msk [tilespmem:v56+s14+$0x0], $0xffff  }
0x1d8: {  	v0 =	vor.u32 v43, v63;
	v10 =	vld.idx.msk [tilespmem:v10+s13+$0x0], $0xffff  }
0x1d9: {  	v41 =	vlaneseq.u32;
	v15 =	vadd.s32 v8, v42;
	v20 =	vadd.s32 v8, v52;
	v8 =	vld [tilespmem:$0x1FF90]  }
0x1da: {  	v24 =	vor.u32 s23, v41;
	v34 =	vld.idx.msk [tilespmem:v61+s13+$0x0], $0xffff  }
0x1db: {  	v27 =	vadd.s32 s23, v36;
	v49 =	vand.u32 $0x7, v6;
	v61 =	vld [tilespmem:$0x1FDF0];
	v13 =	vor.u32 v43, v13  }
0x1dc: {  	v6 =	vor.u32 v49, v62;
	v2 =	vld.idx.msk [tilespmem:v2+s13+$0x0], $0xffff  }
0x1dd: {  	v19 =	vmul.f32 v50, v19;
	v50 =	vld.idx.msk [tilespmem:v0+s13+$0x0], $0xffff  }
0x1de: {  	[tilespmem:$0x1FCE0] =	vst v4;
	v3 =	vmul.f32 v3, v21;
	v0 =	vadd.s32 $0x60E0, v31;
	v36 =	vadd.s32 s26, v8;
	v8 =	vld [tilespmem:$0x1FDC0]  }
0x1df: {  	[tilespmem:v24+s14+$0x0] =	vst.idx.msk $0xffff, v58;
	v38 =	vld.idx.msk [tilespmem:v18+s13+$0x0], $0xffff;
	v25 =	vor.u32 v43, v15  }
0x1e0: {  	v4 =	vmul.f32 v44, v59;
	[tilespmem:v27+s14+$0x0] =	vst.idx.msk $0xffff, v3;
	v44 =	vld.idx.msk [tilespmem:v13+s13+$0x0], $0xffff;
	v13 =	vadd.s32 $0x48A8, v47  }
0x1e1: {  	v22 =	vadd.s32 s23, v37;
	v26 =	vadd.s32 s23, v39;
	v57 =	vadd.s32 s26, v30;
	v6 =	vld.idx.msk [tilespmem:v6+s13+$0x0], $0xffff  }
0x1e2: {  	v32 =	vadd.s32 s26, v39;
	v35 =	vadd.s32 s26, v37;
	v30 =	vadd.s32 v29, v42;
	v3 =	vld.idx.msk [tilespmem:v47+s14+$0x0], $0xffff  }
0x1e3: {  	v58 =	vor.u32 s26, v41;
	v55 =	vor.u32 v49, v33;
	v0 =	vld.idx.msk [tilespmem:v0+s14+$0x0], $0xffff;
	v24 =	vadd.s32 v8, v52  }
0x1e4: {  	v33 =	vmul.f32 v51, v9;
	v51 =	vld.idx.msk [tilespmem:v25+s13+$0x0], $0xffff;
	v37 =	vor.u32 v49, v24;
	v24 =	vadd.s32 $0xA988, v31  }
0x1e5: {  	v7 =	vmul.f32 v7, v11;
	v11 =	vadd.s32 v61, v52;
	v25 =	vadd.s32 v40, v52;
	v13 =	vld.idx.msk [tilespmem:v13+s14+$0x0], $0xffff  }
0x1e6: {  	v39 =	vadd.s32 v8, v42;
	v8 =	vor.u32 v49, v25;
	v25 =	vmul.f32 v34, v48;
	v34 =	vld [tilespmem:$0x1FCD0]  }
0x1e7: {  	v30 =	vor.u32 v43, v30;
	v40 =	vor.u32 v49, v11;
	[tilespmem:v22+s14+$0x0] =	vst.idx.msk $0xffff, v7;
	v48 =	vld [tilespmem:$0x1FCF0]  }
0x1e8: {  	v27 =	vadd.s32 v61, v42;
	[tilespmem:v26+s14+$0x0] =	vst.idx.msk $0xffff, v23;
	v61 =	vor.u32 v43, v39;
	v39 =	vld [tilespmem:$0x1FFB0]  }
0x1e9: {  	v16 =	vmul.f32 v45, v16;
	v18 =	vadd.s32 v12, v42;
	v11 =	vld.idx.msk [tilespmem:v24+s14+$0x0], $0xffff;
	[tilespmem:v58+s14+$0x0] =	vst.idx.msk $0xffff, v19  }
0x1ea: {  	s28 =	sadd.s32 $0x2, s28;
	v59 =	vadd.s32 $0x1838, v47;
	v62 =	vadd.s32 $0x3070, v47;
	v54 =	vadd.s32 $0x60E0, v47;
	v19 =	vld.idx.msk [tilespmem:v31+s14+$0x0], $0xffff;
	[tilespmem:v36+s14+$0x0] =	vst.idx.msk $0xffff, v4  }
0x1eb: {  	p1 =	slt.u32 s28, $0x181;
	v9 =	vadd.s32 v29, v52;
	v60 =	vadd.s32 $0x9150, v47;
	v29 =	vadd.s32 $0x7918, v47;
	[tilespmem:v35+s14+$0x0] =	vst.idx.msk $0xffff, v33;
	v35 =	vld [tilespmem:$0x1FCE0]  }
.Ltmp2:
0x1ec: {  	v63 =	vadd.s32 $0x1838, v31;
	v21 =	vadd.s32 $0x7918, v31;
	v56 =	vadd.s32 $0x9150, v31;
	v23 =	vld.idx.msk [tilespmem:v40+s13+$0x0], $0xffff;
	(pc) =	sbr.rel @p1 .LBB2_7-.Ltmp2, $4  }
0x1ed: {  	v12 =	vmul.f32 v10, v17;
	v17 =	vadd.s32 $0x48A8, v31;
	v15 =	vor.u32 v49, v9;
	v45 =	vld.idx.msk [tilespmem:v8+s13+$0x0], $0xffff  }
0x1ee: {  	v9 =	vadd.s32 $0x3070, v31;
	v22 =	vmul.f32 v2, v5;
	v24 =	vor.u32 v49, v20;
	v20 =	vld.idx.msk [tilespmem:v37+s13+$0x0], $0xffff  }
0x1ef: {  	v41 =	vmovc v14;
	v10 =	vor.u32 v43, v27;
	v26 =	vmul.f32 v1, v34;
	v27 =	vmul.f32 v38, v48;
	v37 =	vld [tilespmem:$0x1FFA0]  }
0x1f0: {  	s25 =	smov.u32 s29;
	s29 =	sadd.s32 $0x20, s29;
	v48 =	vmov v0;
	v58 =	vmul.f32 v6, v3;
	v36 =	vld [tilespmem:$0x1FF90];
	[tilespmem:v32+s14+$0x0] =	vst.idx.msk $0xffff, v12;
	v28 =	vmul.f32 v35, v28  }
0x1f1: {  	v34 =	vld [tilespmem:$0x1FFC0]  }
0x1f2: {  	v35 =	vld [tilespmem:$0x1FFD0];
	_ =	sdelay $0x3  }
0x1f3: {  	v3 =	vadd.s32 s23, v34  }
0x1f4: {  	v5 =	vadd.s32 s23, v35  }
0x1f5: {  	v0 =	vld.idx.msk [tilespmem:v30+s13+$0x0], $0xffff  }
0x1f6: {  	v1 =	vld.idx.msk [tilespmem:v21+s14+$0x0], $0xffff  }
0x1f7: {  	v38 =	vld [tilespmem:$0x1FFE0];
	[tilespmem:v57+s14+$0x0] =	vst.idx.msk $0xffff, v25  }
0x1f8: {  	v2 =	vld.idx.msk [tilespmem:v29+s14+$0x0], $0xffff;
	[tilespmem:v3+s14+$0x0] =	vst.idx.msk $0xffff, v28  }
0x1f9: {  	v4 =	vld.idx.msk [tilespmem:v15+s13+$0x0], $0xffff;
	[tilespmem:v5+s14+$0x0] =	vst.idx.msk $0xffff, v26  }
0x1fa: {  	v30 =	vld [tilespmem:$0x1FDE0]  }
0x1fb: {  	v6 =	vld.idx.msk [tilespmem:v62+s14+$0x0], $0xffff  }
0x1fc: {  	v7 =	vld.idx.msk [tilespmem:v59+s14+$0x0], $0xffff;
	v8 =	vadd.s32 s26, v38  }
0x1fd: {  	v12 =	vld.idx.msk [tilespmem:v55+s13+$0x0], $0xffff  }
0x1fe: {  	v15 =	vld.idx.msk [tilespmem:v63+s14+$0x0], $0xffff  }
0x1ff: {  	v59 =	vadd.s32 v30, v52;
	v52 =	vld [tilespmem:$0x1FFF0]  }
0x200: {  	v9 =	vld.idx.msk [tilespmem:v9+s14+$0x0], $0xffff;
	[tilespmem:v53+s14+$0x0] =	vst.idx.msk $0xffff, v27  }
0x201: {  	v14 =	vadd.s32 $0xA988, v47;
	v24 =	vld.idx.msk [tilespmem:v24+s13+$0x0], $0xffff;
	[tilespmem:v8+s14+$0x0] =	vst.idx.msk $0xffff, v22  }
0x202: {  	v31 =	vld [tilespmem:$0x1FE00]  }
0x203: {  	v29 =	vld.idx.msk [tilespmem:v54+s14+$0x0], $0xffff;
	v18 =	vor.u32 v43, v18;
	v57 =	vadd.s32 s23, v38  }
0x204: {  	v33 =	vlaneseq.u32;
	v17 =	vld.idx.msk [tilespmem:v17+s14+$0x0], $0xffff;
	v5 =	vor.u32 v49, v59;
	v21 =	vadd.s32 s23, v52  }
0x205: {  	s22 =	sadd.s32 $0xFFFFFFF0, s25;
	v13 =	vmul.f32 v23, v13;
	v23 =	vld.idx.msk [tilespmem:v61+s13+$0x0], $0xffff;
	v8 =	vor.u32 s25, v33  }
0x206: {  	v14 =	vld.idx.msk [tilespmem:v14+s14+$0x0], $0xffff;
	v7 =	vmul.f32 v12, v7;
	v12 =	vor.u32 s22, v33;
	v28 =	vadd.s32 s25, v36  }
0x207: {  	v26 =	vld.idx.msk [tilespmem:v60+s14+$0x0], $0xffff;
	v60 =	vadd.s32 s25, v37;
	v22 =	vmul.f32 v41, v46;
	v27 =	vadd.s32 v31, v42  }
0x208: {  	v61 =	vmul.f32 v44, v15;
	v15 =	vld.idx.msk [tilespmem:v18+s13+$0x0], $0xffff;
	[tilespmem:v57+s14+$0x0] =	vst.idx.msk $0xffff, v16;
	v16 =	vor.u32 v43, v27  }
0x209: {  	v5 =	vld.idx.msk [tilespmem:v5+s13+$0x0], $0xffff;
	[tilespmem:v21+s14+$0x0] =	vst.idx.msk $0xffff, v22;
	v21 =	vadd.s32 s25, v39  }
0x20a: {  	v6 =	vmul.f32 v24, v6;
	v25 =	vadd.s32 s26, v52;
	v27 =	vld [tilespmem:$0x1FD00];
	[tilespmem:v8+s14+$0x0] =	vst.idx.msk $0xffff, v58  }
0x20b: {  	v8 =	vld.idx.msk [tilespmem:v10+s13+$0x0], $0xffff;
	v10 =	vadd.s32 s22, v36;
	[tilespmem:v28+s14+$0x0] =	vst.idx.msk $0xffff, v7;
	v7 =	vmul.f32 v50, v19  }
0x20c: {  	v24 =	vadd.s32 s22, v37;
	v22 =	vld.idx.msk [tilespmem:v56+s14+$0x0], $0xffff;
	[tilespmem:v60+s14+$0x0] =	vst.idx.msk $0xffff, v6  }
0x20d: {  	v19 =	vadd.s32 s22, v39;
	v16 =	vld.idx.msk [tilespmem:v16+s13+$0x0], $0xffff;
	[tilespmem:v12+s14+$0x0] =	vst.idx.msk $0xffff, v7  }
0x20e: {  	v6 =	vadd.s32 s22, v34;
	[tilespmem:v21+s14+$0x0] =	vst.idx.msk $0xffff, v13  }
0x20f: {  	v9 =	vmul.f32 v51, v9;
	v7 =	vadd.s32 s25, v34;
	[tilespmem:v25+s14+$0x0] =	vst.idx.msk $0xffff, v27  }
0x210: {  	v62 =	vadd.s32 s25, v35;
	v8 =	vmul.f32 v8, v17;
	[tilespmem:v10+s14+$0x0] =	vst.idx.msk $0xffff, v61  }
0x211: {  	v12 =	vmul.f32 v23, v48;
	v10 =	vadd.s32 s22, v35;
	[tilespmem:v24+s14+$0x0] =	vst.idx.msk $0xffff, v9  }
0x212: {  	v63 =	vadd.s32 s25, v38;
	v9 =	vmul.f32 v20, v29;
	[tilespmem:v19+s14+$0x0] =	vst.idx.msk $0xffff, v8  }
0x213: {  	v2 =	vmul.f32 v5, v2;
	v8 =	vadd.s32 s22, v38;
	[tilespmem:v6+s14+$0x0] =	vst.idx.msk $0xffff, v12  }
0x214: {  	v1 =	vmul.f32 v15, v1;
	v6 =	vadd.s32 s25, v52;
	[tilespmem:v7+s14+$0x0] =	vst.idx.msk $0xffff, v9  }
0x215: {  	v32 =	vmul.f32 v45, v26;
	v9 =	vadd.s32 s22, v52;
	[tilespmem:v62+s14+$0x0] =	vst.idx.msk $0xffff, v2  }
0x216: {  	v7 =	vmul.f32 v16, v22;
	[tilespmem:v10+s14+$0x0] =	vst.idx.msk $0xffff, v1  }
0x217: {  	v40 =	vmul.f32 v4, v14;
	[tilespmem:v63+s14+$0x0] =	vst.idx.msk $0xffff, v32  }
0x218: {  	v0 =	vmul.f32 v0, v11;
	[tilespmem:v8+s14+$0x0] =	vst.idx.msk $0xffff, v7  }
0x219: {  	[tilespmem:v6+s14+$0x0] =	vst.idx.msk $0xffff, v40  }
0x21a: {  	[tilespmem:v9+s14+$0x0] =	vst.idx.msk $0xffff, v0  }
0x21b: {  	v1 =	vld [tilespmem:$0x3070]  }
0x21c: {  	v0 =	vld [tilespmem:$0x48B0]  }
0x21d: {  	v7 =	vld [tilespmem:$0x1FD90];
	_ =	sdelay $0x1  }
0x21e: {  	v3 =	vld [tilespmem:$0x1FDD0]  }
0x21f: {  	v5 =	vld [tilespmem:$0x1FDB0];
	v42 =	vadd.s32 $0x1838, v1  }
0x220: {  	v10 =	vld [tilespmem:$0x1FDF0];
	v41 =	vand.u32 $0xFFFFFFF8, v0;
	v6 =	vadd.s32 $0x3070, v1  }
0x221: {  	v12 =	vld [tilespmem:$0x1FDC0];
	v0 =	vand.u32 $0x7, v0;
	v9 =	vadd.s32 $0x48A8, v1;
	v7 =	vadd.s32 v7, v41  }
0x222: {  	v17 =	vld [tilespmem:$0x1FDA0];
	v7 =	vor.u32 v0, v7  }
0x223: {  	v11 =	vadd.s32 $0x60E0, v1;
	v8 =	vld.idx.msk [tilespmem:v1+s14+$0x0], $0xffff  }
0x224: {  	v13 =	vadd.s32 $0x7918, v1;
	v3 =	vadd.s32 v3, v41;
	v4 =	vld.idx.msk [tilespmem:v42+s14+$0x0], $0xffff  }
0x225: {  	v5 =	vadd.s32 v5, v41;
	v3 =	vor.u32 v0, v3;
	v6 =	vld.idx.msk [tilespmem:v6+s14+$0x0], $0xffff  }
0x226: {  	v5 =	vor.u32 v0, v5;
	v9 =	vld.idx.msk [tilespmem:v9+s14+$0x0], $0xffff  }
0x227: {  	v10 =	vadd.s32 v10, v41;
	v7 =	vld.idx.msk [tilespmem:v7+s13+$0x0], $0xffff  }
0x228: {  	v12 =	vadd.s32 v12, v41;
	v10 =	vor.u32 v0, v10;
	v11 =	vld.idx.msk [tilespmem:v11+s14+$0x0], $0xffff  }
0x229: {  	v14 =	vadd.s32 v30, v41;
	v12 =	vor.u32 v0, v12;
	v13 =	vld.idx.msk [tilespmem:v13+s14+$0x0], $0xffff  }
0x22a: {  	v14 =	vor.u32 v0, v14;
	v3 =	vld.idx.msk [tilespmem:v3+s13+$0x0], $0xffff  }
0x22b: {  	v15 =	vadd.s32 $0x9150, v1;
	v16 =	vadd.s32 v31, v41;
	v5 =	vld.idx.msk [tilespmem:v5+s13+$0x0], $0xffff  }
0x22c: {  	v2 =	vadd.s32 v17, v41;
	v16 =	vor.u32 v0, v16;
	v44 =	vmul.f32 v7, v6;
	v6 =	vld [tilespmem:$0x1FF10]  }
0x22d: {  	v0 =	vor.u32 v0, v2;
	v10 =	vld.idx.msk [tilespmem:v10+s13+$0x0], $0xffff  }
0x22e: {  	v1 =	vadd.s32 $0xA988, v1;
	v12 =	vld.idx.msk [tilespmem:v12+s13+$0x0], $0xffff  }
0x22f: {  	v43 =	vld.idx.msk [tilespmem:v14+s13+$0x0], $0xffff  }
0x230: {  	v14 =	vld.idx.msk [tilespmem:v15+s14+$0x0], $0xffff  }
0x231: {  	v15 =	vld.idx.msk [tilespmem:v16+s13+$0x0], $0xffff  }
0x232: {  	v0 =	vld.idx.msk [tilespmem:v0+s13+$0x0], $0xffff;
	v3 =	vmul.f32 v3, v8  }
0x233: {  	v1 =	vld.idx.msk [tilespmem:v1+s14+$0x0], $0xffff  }
0x234: {  	[tilespmem:v6+s14+$0x0] =	vst.idx.msk $0x7, v3;
	v6 =	vld [tilespmem:$0x1FF20];
	_ =	sdelay $0x5  }
0x235: {  	v4 =	vmul.f32 v5, v4;
	_ =	sdelay $0x1  }
0x236: {  	[tilespmem:v6+s14+$0x0] =	vst.idx.msk $0x7, v4;
	v6 =	vld [tilespmem:$0x1FF30]  }
0x237: {  	v47 =	vld [tilespmem:$0x1FF40]  }
0x238: {  	v49 =	vld [tilespmem:$0x1FF50]  }
0x239: {  	v50 =	vld [tilespmem:$0x1FF60]  }
0x23a: {  	v51 =	vld [tilespmem:$0x1FF70]  }
0x23b: {  	v53 =	vld [tilespmem:$0x1FF80];
	_ =	sdelay $0x1  }
0x23c: {  	v45 =	vmul.f32 v10, v9  }
0x23d: {  	v46 =	vmul.f32 v12, v11;
	[tilespmem:v6+s14+$0x0] =	vst.idx.msk $0x7, v44  }
0x23e: {  	v2 =	vmul.f32 v43, v13;
	[tilespmem:v47+s14+$0x0] =	vst.idx.msk $0x7, v45  }
0x23f: {  	s21 =	sadd.s32 s3, s21;
	v48 =	vmul.f32 v15, v14;
	[tilespmem:v49+s14+$0x0] =	vst.idx.msk $0x7, v46  }
0x240: {  	s21 =	smul.u32 $0x307, s21;
	v0 =	vmul.f32 v0, v1;
	[tilespmem:v50+s14+$0x0] =	vst.idx.msk $0x7, v2  }
0x241: {  	[tilespmem:v51+s14+$0x0] =	vst.idx.msk $0x7, v48  }
0x242: {  	s21 =	sadd.s32 s2, s21;
	[tilespmem:v53+s14+$0x0] =	vst.idx.msk $0x7, v0  }
0x243: {  	[hbm4b:s21+s4] =	stream.linear.scatter [tilespmem:s14], [sflag:$0x1], $0xC1C0, $0x38;
	[tilespmem:$0x1D840] =	vst v63  }
0x244: {  	s21 =	simm.s32 @!p0 $0x2  }
0x245: {  	_ =	swait.ge @!p0 [sflag:s21], $0xC1C0  }
0x246: {  	[sflag:s21] =	ssyncset.done @!p0 $0x0  }
0x247: {  	[sflag:s21] =	ssyncadd.s32 @!p0 $0xFFFF3E40;
	s21 =	simm.s32 $0x0  }
0x248: {  	v54 =	vmov s20;
	v55 =	vld [tilespmem:s21+$0x0]  }
0x249: {  	s31 =	simm.s32 $0x3080;
	v0 =	vmul.u32 $0x18, v54  }
0x24a: {  	v56 =	vld [tilespmem:s31+$0x0]  }
0x24b: {  	v32 =	vbroadcast v0, $0x0;
	_ =	sdelay $0x1  }
0x24c: {  	v27 =	vor.u32 $0x18, v32;
	v57 =	vand.u32 $0xFFFFFFF8, v55  }
0x24d: {  	v22 =	vadd.s32 $0x60, v32;
	v1 =	vand.u32 $0x7, v55;
	v58 =	vadd.s32 v27, v57  }
0x24e: {  	v59 =	vand.u32 $0xFFFFFFF8, v56;
	v60 =	vadd.s32 v32, v57;
	v3 =	vor.u32 v1, v58  }
0x24f: {  	v0 =	vand.u32 $0x7, v56;
	v6 =	vadd.s32 v22, v59;
	v5 =	vor.u32 v1, v60  }
0x250: {  	s23 =	simm.s32 $0x10;
	v7 =	vadd.s32 v32, v59;
	v6 =	vor.u32 v0, v6  }
0x251: {  	s24 =	simm.s32 $0x3090;
	v31 =	vadd.s32 $0x48, v32;
	v13 =	vld [tilespmem:s23+$0x0];
	v8 =	vadd.s32 v27, v59;
	v7 =	vor.u32 v0, v7  }
0x252: {  	v15 =	vor.u32 $0x30, v32;
	v17 =	vld [tilespmem:s24+$0x0];
	v9 =	vadd.s32 v31, v57;
	v8 =	vor.u32 v0, v8  }
0x253: {  	v26 =	vadd.s32 $0x78, v32;
	v61 =	vadd.s32 v15, v59;
	v14 =	vor.u32 v1, v9;
	v42 =	vld.idx.msk [tilespmem:v3+s13+$0x0], $0xffff  }
0x254: {  	v19 =	vadd.s32 $0xA8, v32;
	v12 =	vadd.s32 v26, v57;
	v3 =	vor.u32 v0, v61;
	v5 =	vld.idx.msk [tilespmem:v5+s13+$0x0], $0xffff;
	[tilespmem:$0x1FC50] =	vst v15  }
0x255: {  	v2 =	vadd.s32 v19, v57;
	v15 =	vadd.s32 v15, v57;
	v9 =	vld.idx.msk [tilespmem:v6+s13+$0x0], $0xffff;
	v6 =	vor.u32 v1, v12  }
0x256: {  	v12 =	vadd.s32 v19, v59;
	v18 =	vor.u32 v1, v15;
	v7 =	vld.idx.msk [tilespmem:v7+s13+$0x0], $0xffff;
	[tilespmem:$0x1FC60] =	vst v19  }
0x257: {  	v2 =	vor.u32 v1, v2;
	v20 =	vor.u32 v0, v12;
	v12 =	vadd.s32 v31, v59;
	v19 =	vld.idx.msk [tilespmem:v8+s13+$0x0], $0xffff  }
0x258: {  	v30 =	vadd.s32 $0x90, v32;
	v24 =	vor.u32 v0, v12;
	v12 =	vld.idx.msk [tilespmem:v14+s13+$0x0], $0xffff  }
0x259: {  	v10 =	vadd.s32 v22, v57;
	v11 =	vadd.s32 v30, v57;
	v44 =	vld.idx.msk [tilespmem:v3+s13+$0x0], $0xffff  }
0x25a: {  	v10 =	vor.u32 v1, v10;
	v1 =	vor.u32 v1, v11;
	v11 =	vld.idx.msk [tilespmem:v6+s13+$0x0], $0xffff  }
0x25b: {  	v41 =	vadd.s32 s21, v39;
	v40 =	vadd.s32 s21, v34;
	v45 =	vadd.s32 s21, v35;
	v25 =	vld.idx.msk [tilespmem:v18+s13+$0x0], $0xffff  }
0x25c: {  	v21 =	vor.u32 s21, v33;
	v47 =	vand.u32 $0xFFFFFFF8, v13;
	v18 =	vand.u32 $0x7, v13;
	v13 =	vld.idx.msk [tilespmem:v2+s13+$0x0], $0xffff  }
0x25d: {  	v46 =	vadd.s32 s21, v36;
	v16 =	vadd.s32 v30, v59;
	v4 =	vadd.s32 v26, v59;
	v43 =	vld.idx.msk [tilespmem:v20+s13+$0x0], $0xffff;
	[tilespmem:$0x1FC70] =	vst v27  }
0x25e: {  	v62 =	vadd.s32 v27, v47;
	v63 =	vadd.s32 v32, v47;
	v4 =	vor.u32 v0, v4;
	[tilespmem:$0x1FC80] =	vst v22  }
0x25f: {  	v48 =	vadd.s32 v26, v47;
	v28 =	vor.u32 v0, v16;
	v16 =	vand.u32 $0xFFFFFFF8, v17;
	v24 =	vld.idx.msk [tilespmem:v24+s13+$0x0], $0xffff;
	[tilespmem:$0x1FC90] =	vst v32  }
0x260: {  	v50 =	vadd.s32 v31, v47;
	v29 =	vadd.s32 v27, v16;
	v15 =	vadd.s32 s21, v38;
	[tilespmem:$0x1FCA0] =	vst v26  }
0x261: {  	v8 =	vand.u32 $0x7, v17;
	v14 =	vadd.s32 s21, v52;
	v23 =	vmul.f32 v7, v5;
	v17 =	vld.idx.msk [tilespmem:v1+s13+$0x0], $0xffff;
	[tilespmem:$0x1FCB0] =	vst v31  }
0x262: {  	v27 =	vadd.s32 v22, v47;
	v22 =	vadd.s32 v30, v47;
	v51 =	vor.u32 v18, v62;
	[tilespmem:$0x1FCC0] =	vst v30  }
0x263: {  	s25 =	simm.s32 $0x20;
	s22 =	simm.s32 $0x10;
	v33 =	vlaneseq.u32;
	v49 =	vor.u32 v18, v63;
	v20 =	vadd.s32 v30, v16;
	v32 =	vmovc v38;
	v38 =	vmovc v52;
	v26 =	vld.idx.msk [tilespmem:v4+s13+$0x0], $0xffff  }
.LBB2_9:
0x264: {  	v55 =	vld [tilespmem:$0x1FC90]  }
0x265: {  	v53 =	vld [tilespmem:$0x1FC80]  }
0x266: {  	v2 =	vld.idx.msk [tilespmem:v28+s13+$0x0], $0xffff  }
0x267: {  	v6 =	vmov v14;
	v14 =	vld.idx.msk [tilespmem:v10+s13+$0x0], $0xffff  }
0x268: {  	s23 =	sadd.s32 $0x10, s23;
	v54 =	vld [tilespmem:$0x1FCB0]  }
0x269: {  	v30 =	vld [tilespmem:s23+$0x0]  }
0x26a: {  	[tilespmem:v21+s15+$0x0] =	vst.idx.msk $0xffff, v23;
	v23 =	vld [tilespmem:$0x1FC50]  }
0x26b: {  	v3 =	vmul.f32 v19, v42;
	v28 =	vld [tilespmem:$0x1FC60]  }
0x26c: {  	v5 =	vmovc v15;
	v19 =	vor.u32 v8, v29;
	v10 =	vor.u32 v18, v27;
	v57 =	vor.u32 v18, v48;
	v58 =	vld [tilespmem:$0x1FCA0]  }
0x26d: {  	v59 =	vor.u32 v18, v22;
	v15 =	vmul.f32 v44, v25;
	v42 =	vld.idx.msk [tilespmem:v51+s13+$0x0], $0xffff;
	v1 =	vadd.s32 v53, v16  }
0x26e: {  	v61 =	vld [tilespmem:$0x1FC70];
	[tilespmem:v46+s15+$0x0] =	vst.idx.msk $0xffff, v3;
	v21 =	vadd.s32 s21, v37;
	v0 =	vadd.s32 v55, v16;
	v1 =	vor.u32 v8, v1  }
0x26f: {  	v4 =	vmovc v9;
	s24 =	sadd.s32 $0x10, s24;
	v62 =	vld [tilespmem:$0x1FCC0];
	v0 =	vor.u32 v8, v0;
	v9 =	vadd.s32 v23, v47;
	v23 =	vadd.s32 v23, v16  }
0x270: {  	s21 =	smov.u32 s22;
	v3 =	vld [tilespmem:s24+$0x0];
	v60 =	vmul.f32 v43, v13;
	v24 =	vmul.f32 v24, v12;
	v23 =	vor.u32 v8, v23  }
0x271: {  	v7 =	vmovc v45;
	v27 =	vld.idx.msk [tilespmem:v49+s13+$0x0], $0xffff;
	v12 =	vor.u32 v18, v50;
	v26 =	vmul.f32 v26, v11;
	v45 =	vadd.s32 s21, v35  }
0x272: {  	v11 =	vadd.s32 v28, v16;
	v19 =	vld.idx.msk [tilespmem:v19+s13+$0x0], $0xffff;
	v25 =	vor.u32 v18, v9;
	v9 =	vadd.s32 v54, v16  }
0x273: {  	v46 =	vadd.s32 s21, v36;
	v29 =	vor.u32 v8, v11;
	v31 =	vor.u32 v8, v9;
	v9 =	vld.idx.msk [tilespmem:v1+s13+$0x0], $0xffff  }
0x274: {  	v28 =	vadd.s32 v28, v47;
	v4 =	vmul.f32 v4, v14;
	v2 =	vmul.f32 v2, v17;
	v0 =	vld.idx.msk [tilespmem:v0+s13+$0x0], $0xffff  }
0x275: {  	v22 =	vor.u32 v18, v28;
	v28 =	vor.u32 v8, v20;
	v44 =	vld.idx.msk [tilespmem:v23+s13+$0x0], $0xffff;
	[tilespmem:v21+s15+$0x0] =	vst.idx.msk $0xffff, v15  }
0x276: {  	v47 =	vand.u32 $0xFFFFFFF8, v30;
	v16 =	vadd.s32 v58, v16;
	v18 =	vand.u32 $0x7, v30;
	v12 =	vld.idx.msk [tilespmem:v12+s13+$0x0], $0xffff;
	[tilespmem:v41+s15+$0x0] =	vst.idx.msk $0xffff, v24  }
0x277: {  	v63 =	vadd.s32 v55, v47;
	v48 =	vadd.s32 v58, v47;
	v11 =	vld.idx.msk [tilespmem:v57+s13+$0x0], $0xffff;
	[tilespmem:v40+s15+$0x0] =	vst.idx.msk $0xffff, v4  }
0x278: {  	p0 =	sne.s32 s25, $0xC0;
	v50 =	vadd.s32 v54, v47;
	v52 =	vor.u32 v8, v16;
	v43 =	vld.idx.msk [tilespmem:v29+s13+$0x0], $0xffff;
	[tilespmem:v7+s15+$0x0] =	vst.idx.msk $0xffff, v26  }
.Ltmp3:
0x279: {  	v14 =	vadd.s32 s21, v38;
	v16 =	vand.u32 $0xFFFFFFF8, v3;
	v49 =	vor.u32 v18, v63;
	v25 =	vld.idx.msk [tilespmem:v25+s13+$0x0], $0xffff;
	[tilespmem:v5+s15+$0x0] =	vst.idx.msk $0xffff, v2;
	(pc) =	sbr.rel @p0 .LBB2_9-.Ltmp3, $4  }
0x27a: {  	v8 =	vand.u32 $0x7, v3;
	v20 =	vadd.s32 v62, v16;
	v15 =	vadd.s32 s21, v32;
	v13 =	vld.idx.msk [tilespmem:v22+s13+$0x0], $0xffff;
	[tilespmem:v6+s15+$0x0] =	vst.idx.msk $0xffff, v60  }
0x27b: {  	v21 =	vor.u32 s21, v33;
	v41 =	vadd.s32 s21, v39;
	v40 =	vadd.s32 s21, v34;
	v24 =	vld.idx.msk [tilespmem:v31+s13+$0x0], $0xffff  }
0x27c: {  	s26 =	smov.u32 s25;
	v29 =	vadd.s32 v61, v16;
	v23 =	vmul.f32 v0, v27;
	v0 =	vadd.s32 v61, v47;
	v17 =	vld.idx.msk [tilespmem:v59+s13+$0x0], $0xffff  }
0x27d: {  	s25 =	sadd.s32 $0x10, s25;
	s22 =	smov.u32 s26;
	v27 =	vadd.s32 v53, v47;
	v22 =	vadd.s32 v62, v47;
	v51 =	vor.u32 v18, v0;
	v26 =	vld.idx.msk [tilespmem:v52+s13+$0x0], $0xffff  }
0x27e: {  	_ =	sdelay $0x1  }
0x27f: {  	v61 =	vld [tilespmem:$0x1FC80]  }
0x280: {  	v54 =	vld [tilespmem:$0x1FC90]  }
0x281: {  	v2 =	vld.idx.msk [tilespmem:v28+s13+$0x0], $0xffff  }
0x282: {  	v3 =	vld.idx.msk [tilespmem:v10+s13+$0x0], $0xffff  }
0x283: {  	v52 =	vld [tilespmem:$0x1FC50]  }
0x284: {  	v4 =	vor.u32 v8, v29;
	v6 =	vld.idx.msk [tilespmem:v51+s13+$0x0], $0xffff  }
0x285: {  	v10 =	vor.u32 v18, v50;
	v58 =	vld [tilespmem:$0x1FC60]  }
0x286: {  	v7 =	vld.idx.msk [tilespmem:v49+s13+$0x0], $0xffff;
	v28 =	vor.u32 v18, v48  }
0x287: {  	v56 =	vld [tilespmem:$0x1FCB0];
	v22 =	vor.u32 v18, v22;
	[tilespmem:v21+s15+$0x0] =	vst.idx.msk $0xffff, v23;
	v0 =	vadd.s32 v61, v16  }
0x288: {  	v23 =	vld [tilespmem:$0x1FCA0];
	v1 =	vadd.s32 v54, v16;
	v0 =	vor.u32 v8, v0  }
0x289: {  	v5 =	vadd.s32 v52, v16;
	v4 =	vld.idx.msk [tilespmem:v4+s13+$0x0], $0xffff;
	v1 =	vor.u32 v8, v1  }
0x28a: {  	v62 =	vadd.s32 s21, v37;
	v29 =	vadd.s32 v58, v16;
	v10 =	vld.idx.msk [tilespmem:v10+s13+$0x0], $0xffff;
	v5 =	vor.u32 v8, v5  }
0x28b: {  	v19 =	vmul.f32 v19, v42;
	v30 =	vadd.s32 v52, v47;
	v28 =	vld.idx.msk [tilespmem:v28+s13+$0x0], $0xffff;
	v29 =	vor.u32 v8, v29  }
0x28c: {  	v63 =	vadd.s32 v56, v16;
	v2 =	vmul.f32 v2, v17;
	v17 =	vld.idx.msk [tilespmem:v22+s13+$0x0], $0xffff;
	v30 =	vor.u32 v18, v30  }
0x28d: {  	v25 =	vmul.f32 v44, v25;
	v31 =	vadd.s32 v58, v47;
	v48 =	vor.u32 v8, v63;
	v0 =	vld.idx.msk [tilespmem:v0+s13+$0x0], $0xffff  }
0x28e: {  	v31 =	vor.u32 v18, v31;
	v18 =	vor.u32 v18, v27;
	v16 =	vadd.s32 v23, v16;
	v1 =	vld.idx.msk [tilespmem:v1+s13+$0x0], $0xffff  }
0x28f: {  	[tilespmem:v46+s15+$0x0] =	vst.idx.msk $0xffff, v19;
	v12 =	vmul.f32 v24, v12;
	v16 =	vor.u32 v8, v16;
	v5 =	vld.idx.msk [tilespmem:v5+s13+$0x0], $0xffff  }
0x290: {  	v3 =	vmul.f32 v9, v3;
	[tilespmem:v62+s15+$0x0] =	vst.idx.msk $0xffff, v25;
	v8 =	vor.u32 v8, v20;
	v21 =	vld.idx.msk [tilespmem:v29+s13+$0x0], $0xffff  }
0x291: {  	v11 =	vmul.f32 v26, v11;
	[tilespmem:v41+s15+$0x0] =	vst.idx.msk $0xffff, v12;
	v12 =	vor.u32 s22, v33;
	v19 =	vld.idx.msk [tilespmem:v30+s13+$0x0], $0xffff  }
0x292: {  	v44 =	vadd.s32 s22, v36;
	[tilespmem:v40+s15+$0x0] =	vst.idx.msk $0xffff, v3;
	v20 =	vld.idx.msk [tilespmem:v48+s13+$0x0], $0xffff  }
0x293: {  	v13 =	vmul.f32 v43, v13;
	[tilespmem:v45+s15+$0x0] =	vst.idx.msk $0xffff, v11;
	v11 =	vld.idx.msk [tilespmem:v18+s13+$0x0], $0xffff;
	v18 =	vadd.s32 s22, v37  }
0x294: {  	v22 =	vadd.s32 s22, v39;
	[tilespmem:v15+s15+$0x0] =	vst.idx.msk $0xffff, v2;
	v46 =	vld.idx.msk [tilespmem:v16+s13+$0x0], $0xffff;
	v1 =	vmul.f32 v1, v7  }
0x295: {  	v47 =	vadd.s32 s22, v34;
	[tilespmem:v14+s15+$0x0] =	vst.idx.msk $0xffff, v13;
	v4 =	vmul.f32 v4, v6;
	v8 =	vld.idx.msk [tilespmem:v8+s13+$0x0], $0xffff  }
0x296: {  	v9 =	vld.idx.msk [tilespmem:v31+s13+$0x0], $0xffff;
	v48 =	vadd.s32 s22, v35;
	v5 =	vmul.f32 v5, v19;
	[tilespmem:v12+s15+$0x0] =	vst.idx.msk $0xffff, v1  }
0x297: {  	v49 =	vadd.s32 s22, v32;
	v50 =	vmul.f32 v20, v10;
	[tilespmem:v44+s15+$0x0] =	vst.idx.msk $0xffff, v4  }
0x298: {  	v51 =	vadd.s32 s22, v38;
	v0 =	vmul.f32 v0, v11;
	[tilespmem:v18+s15+$0x0] =	vst.idx.msk $0xffff, v5  }
0x299: {  	v2 =	vmul.f32 v46, v28;
	[tilespmem:v22+s15+$0x0] =	vst.idx.msk $0xffff, v50  }
0x29a: {  	v53 =	vmul.f32 v8, v17;
	[tilespmem:v47+s15+$0x0] =	vst.idx.msk $0xffff, v0  }
0x29b: {  	v55 =	vmul.f32 v21, v9;
	[tilespmem:v48+s15+$0x0] =	vst.idx.msk $0xffff, v2  }
0x29c: {  	[tilespmem:v49+s15+$0x0] =	vst.idx.msk $0xffff, v53  }
0x29d: {  	[tilespmem:v51+s15+$0x0] =	vst.idx.msk $0xffff, v55  }
0x29e: {  	v2 =	vld [tilespmem:$0x1910];
	_ =	sdelay $0x3  }
0x29f: {  	v0 =	vld [tilespmem:$0xD0]  }
0x2a0: {  	v1 =	vld [tilespmem:$0x3150];
	v8 =	vadd.s32 $0x1838, v2  }
0x2a1: {  	v12 =	vadd.s32 $0x3070, v2  }
0x2a2: {  	v49 =	vld [tilespmem:$0x1FC70];
	v15 =	vadd.s32 $0x48A8, v2  }
0x2a3: {  	v47 =	vld [tilespmem:$0x1FCC0];
	v18 =	vadd.s32 $0x60E0, v2  }
0x2a4: {  	v57 =	vand.u32 $0xFFFFFFF8, v0;
	v0 =	vand.u32 $0x7, v0;
	v21 =	vadd.s32 $0x7918, v2;
	v11 =	vld.idx.msk [tilespmem:v2+s15+$0x0], $0xffff  }
0x2a5: {  	v60 =	vand.u32 $0xFFFFFFF8, v1;
	v24 =	vadd.s32 $0x9150, v2;
	v59 =	vadd.s32 v54, v57;
	v8 =	vld.idx.msk [tilespmem:v8+s15+$0x0], $0xffff  }
0x2a6: {  	v1 =	vand.u32 $0x7, v1;
	v62 =	vadd.s32 v54, v60;
	v4 =	vor.u32 v0, v59;
	v12 =	vld.idx.msk [tilespmem:v12+s15+$0x0], $0xffff  }
0x2a7: {  	v63 =	vadd.s32 v49, v57;
	v6 =	vor.u32 v1, v62;
	v15 =	vld.idx.msk [tilespmem:v15+s15+$0x0], $0xffff  }
0x2a8: {  	v9 =	vadd.s32 v49, v60;
	v7 =	vor.u32 v0, v63;
	v18 =	vld.idx.msk [tilespmem:v18+s15+$0x0], $0xffff  }
0x2a9: {  	v10 =	vadd.s32 v52, v57;
	v9 =	vor.u32 v1, v9;
	v21 =	vld.idx.msk [tilespmem:v21+s15+$0x0], $0xffff  }
0x2aa: {  	v13 =	vadd.s32 v52, v60;
	v10 =	vor.u32 v0, v10;
	v38 =	vld.idx.msk [tilespmem:v24+s15+$0x0], $0xffff  }
0x2ab: {  	v14 =	vadd.s32 v56, v57;
	v13 =	vor.u32 v1, v13;
	v4 =	vld.idx.msk [tilespmem:v4+s13+$0x0], $0xffff  }
0x2ac: {  	v16 =	vadd.s32 v56, v60;
	v14 =	vor.u32 v0, v14;
	v6 =	vld.idx.msk [tilespmem:v6+s13+$0x0], $0xffff  }
0x2ad: {  	v17 =	vadd.s32 v61, v57;
	v16 =	vor.u32 v1, v16;
	v7 =	vld.idx.msk [tilespmem:v7+s13+$0x0], $0xffff  }
0x2ae: {  	v19 =	vadd.s32 v61, v60;
	v17 =	vor.u32 v0, v17;
	v9 =	vld.idx.msk [tilespmem:v9+s13+$0x0], $0xffff  }
0x2af: {  	v19 =	vor.u32 v1, v19;
	v10 =	vld.idx.msk [tilespmem:v10+s13+$0x0], $0xffff  }
0x2b0: {  	v20 =	vadd.s32 v23, v57;
	v13 =	vld.idx.msk [tilespmem:v13+s13+$0x0], $0xffff  }
0x2b1: {  	v40 =	vmov v23;
	v22 =	vadd.s32 v23, v60;
	v20 =	vor.u32 v0, v20;
	v14 =	vld.idx.msk [tilespmem:v14+s13+$0x0], $0xffff  }
0x2b2: {  	v23 =	vadd.s32 v47, v57;
	v25 =	vadd.s32 v47, v60;
	v22 =	vor.u32 v1, v22;
	v16 =	vld.idx.msk [tilespmem:v16+s13+$0x0], $0xffff  }
0x2b3: {  	v3 =	vadd.s32 v58, v57;
	v5 =	vadd.s32 v58, v60;
	v23 =	vor.u32 v0, v23;
	v17 =	vld.idx.msk [tilespmem:v17+s13+$0x0], $0xffff  }
0x2b4: {  	v25 =	vor.u32 v1, v25;
	v19 =	vld.idx.msk [tilespmem:v19+s13+$0x0], $0xffff;
	v4 =	vsel vm0, v4, v11;
	v41 =	vsel vm0, v7, v8  }
0x2b5: {  	v0 =	vor.u32 v0, v3;
	v4 =	vmul.f32 v6, v4;
	v6 =	vmul.f32 v9, v41;
	v9 =	vld [tilespmem:$0x1FE10]  }
0x2b6: {  	v1 =	vor.u32 v1, v5;
	v20 =	vld.idx.msk [tilespmem:v20+s13+$0x0], $0xffff  }
0x2b7: {  	v2 =	vadd.s32 $0xA988, v2;
	v32 =	vld.idx.msk [tilespmem:v22+s13+$0x0], $0xffff  }
0x2b8: {  	v22 =	vld.idx.msk [tilespmem:v23+s13+$0x0], $0xffff  }
0x2b9: {  	v23 =	vld.idx.msk [tilespmem:v25+s13+$0x0], $0xffff  }
0x2ba: {  	v0 =	vld.idx.msk [tilespmem:v0+s13+$0x0], $0xffff  }
0x2bb: {  	v1 =	vld.idx.msk [tilespmem:v1+s13+$0x0], $0xffff  }
0x2bc: {  	v2 =	vld.idx.msk [tilespmem:v2+s15+$0x0], $0xffff  }
0x2bd: {  	[tilespmem:v9+s15+$0x0] =	vst.idx.msk $0xffff, v4;
	v9 =	vld [tilespmem:$0x1FE20];
	_ =	sdelay $0x7  }
0x2be: {  	[tilespmem:v9+s15+$0x0] =	vst.idx.msk $0xffff, v6;
	v9 =	vld [tilespmem:$0x1FE30]  }
0x2bf: {  	v45 =	vld [tilespmem:$0x1FE40]  }
0x2c0: {  	v48 =	vld [tilespmem:$0x1FE50]  }
0x2c1: {  	v50 =	vld [tilespmem:$0x1FE60]  }
0x2c2: {  	v51 =	vld [tilespmem:$0x1FE70]  }
0x2c3: {  	v53 =	vld [tilespmem:$0x1FE80];
	v42 =	vsel vm0, v10, v12  }
0x2c4: {  	v8 =	vsel vm0, v14, v15;
	v7 =	vmul.f32 v13, v42  }
0x2c5: {  	v43 =	vmul.f32 v16, v8;
	v8 =	vsel vm0, v17, v18  }
0x2c6: {  	v44 =	vmul.f32 v19, v8;
	v8 =	vsel vm0, v20, v21;
	[tilespmem:v9+s15+$0x0] =	vst.idx.msk $0xffff, v7  }
0x2c7: {  	v5 =	vsel vm0, v22, v38;
	v3 =	vmul.f32 v32, v8;
	[tilespmem:v45+s15+$0x0] =	vst.idx.msk $0xffff, v43  }
0x2c8: {  	v46 =	vmul.f32 v23, v5;
	v0 =	vsel vm0, v0, v2;
	[tilespmem:v48+s15+$0x0] =	vst.idx.msk $0xffff, v44  }
0x2c9: {  	v0 =	vmul.f32 v1, v0;
	[tilespmem:v50+s15+$0x0] =	vst.idx.msk $0xffff, v3  }
0x2ca: {  	[tilespmem:v51+s15+$0x0] =	vst.idx.msk $0xffff, v46  }
0x2cb: {  	s30 =	simm.s32 $0x3170;
	[tilespmem:v53+s15+$0x0] =	vst.idx.msk $0xffff, v0  }
0x2cc: {  	v0 =	vld [tilespmem:s30+$0xFFFFFFF0]  }
0x2cd: {  	s31 =	simm.s32 $0x1930;
	v1 =	vld [tilespmem:s30+$0x0]  }
0x2ce: {  	v4 =	vld [tilespmem:s31+$0x0]  }
0x2cf: {  	v6 =	vld [tilespmem:s31+$0xFFFFFFF0];
	_ =	sdelay $0x1  }
0x2d0: {  	v55 =	vand.u32 $0xFFFFFFF8, v0  }
0x2d1: {  	v0 =	vand.u32 $0x7, v0;
	v8 =	vadd.s32 v52, v55  }
0x2d2: {  	v63 =	vand.u32 $0xFFFFFFF8, v1;
	v8 =	vor.u32 v0, v8  }
0x2d3: {  	v1 =	vand.u32 $0x7, v1;
	v10 =	vadd.s32 $0x60E0, v6;
	v12 =	vadd.s32 v61, v63  }
0x2d4: {  	v12 =	vor.u32 v1, v12  }
0x2d5: {  	v11 =	vadd.s32 $0x48A8, v4  }
0x2d6: {  	v14 =	vadd.s32 $0xA988, v6;
	v60 =	vadd.s32 v54, v55;
	v62 =	vadd.s32 v49, v55;
	v13 =	vld.idx.msk [tilespmem:v4+s15+$0x0], $0xffff  }
0x2d7: {  	v9 =	vadd.s32 v54, v63;
	v3 =	vor.u32 v0, v60;
	v15 =	vld.idx.msk [tilespmem:v8+s13+$0x0], $0xffff;
	v8 =	vadd.s32 v47, v63  }
0x2d8: {  	v5 =	vor.u32 v0, v62;
	v10 =	vld.idx.msk [tilespmem:v10+s15+$0x0], $0xffff;
	v17 =	vor.u32 v1, v8;
	v8 =	vadd.s32 v58, v55  }
0x2d9: {  	v9 =	vor.u32 v1, v9;
	v18 =	vor.u32 v0, v8;
	v8 =	vld.idx.msk [tilespmem:v12+s13+$0x0], $0xffff  }
0x2da: {  	v11 =	vld.idx.msk [tilespmem:v11+s15+$0x0], $0xffff  }
0x2db: {  	v16 =	vadd.s32 v56, v63;
	v14 =	vld.idx.msk [tilespmem:v14+s15+$0x0], $0xffff  }
0x2dc: {  	v16 =	vor.u32 v1, v16;
	v3 =	vld.idx.msk [tilespmem:v3+s13+$0x0], $0xffff  }
0x2dd: {  	v5 =	vld.idx.msk [tilespmem:v5+s13+$0x0], $0xffff  }
0x2de: {  	v19 =	vadd.s32 $0x7918, v6;
	v9 =	vld.idx.msk [tilespmem:v9+s13+$0x0], $0xffff;
	[tilespmem:$0x1FC40] =	vst v8  }
0x2df: {  	v20 =	vadd.s32 $0x7918, v4;
	v12 =	vadd.s32 v58, v63;
	v21 =	vld.idx.msk [tilespmem:v6+s15+$0x0], $0xffff  }
0x2e0: {  	v22 =	vor.u32 v1, v12;
	v17 =	vld.idx.msk [tilespmem:v17+s13+$0x0], $0xffff  }
0x2e1: {  	v16 =	vld.idx.msk [tilespmem:v16+s13+$0x0], $0xffff  }
0x2e2: {  	v18 =	vld.idx.msk [tilespmem:v18+s13+$0x0], $0xffff  }
0x2e3: {  	v23 =	vadd.s32 $0x3070, v4;
	v8 =	vld.idx.msk [tilespmem:v19+s15+$0x0], $0xffff  }
0x2e4: {  	v24 =	vadd.s32 $0x1838, v4;
	v20 =	vld.idx.msk [tilespmem:v20+s15+$0x0], $0xffff  }
0x2e5: {  	s21 =	simm.s32 $0x3190;
	v27 =	vadd.s32 $0x3070, v6;
	v26 =	vadd.s32 v52, v63;
	v12 =	vld.idx.msk [tilespmem:v22+s13+$0x0], $0xffff  }
0x2e6: {  	v26 =	vor.u32 v1, v26;
	v25 =	vld [tilespmem:s21+$0xFFFFFFF0]  }
0x2e7: {  	v29 =	vadd.s32 $0x9150, v4;
	v28 =	vld [tilespmem:s21+$0x0]  }
0x2e8: {  	v30 =	vadd.s32 $0xA988, v4;
	v23 =	vld.idx.msk [tilespmem:v23+s15+$0x0], $0xffff  }
0x2e9: {  	v4 =	vadd.s32 $0x60E0, v4;
	v24 =	vld.idx.msk [tilespmem:v24+s15+$0x0], $0xffff  }
0x2ea: {  	s25 =	simm.s32 $0xE0;
	v31 =	vadd.s32 v56, v55;
	v27 =	vld.idx.msk [tilespmem:v27+s15+$0x0], $0xffff  }
0x2eb: {  	v51 =	vadd.s32 s25, v35;
	v31 =	vor.u32 v0, v31;
	v9 =	vmul.f32 v9, v13;
	v13 =	vld.idx.msk [tilespmem:v26+s13+$0x0], $0xffff  }
0x2ec: {  	v38 =	vadd.s32 $0x9150, v6;
	v57 =	vadd.s32 v61, v55;
	v22 =	vadd.s32 $0x1838, v6;
	v29 =	vld.idx.msk [tilespmem:v29+s15+$0x0], $0xffff  }
0x2ed: {  	v59 =	vadd.s32 v40, v55;
	v19 =	vadd.s32 v49, v63;
	v6 =	vadd.s32 $0x48A8, v6;
	v46 =	vld.idx.msk [tilespmem:v30+s15+$0x0], $0xffff  }
0x2ee: {  	s23 =	simm.s32 $0x1950;
	s22 =	simm.s32 $0xF0;
	v7 =	vadd.s32 v40, v63;
	v2 =	vadd.s32 v47, v55;
	v4 =	vld.idx.msk [tilespmem:v4+s15+$0x0], $0xffff;
	v19 =	vor.u32 v1, v19  }
0x2ef: {  	v60 =	vor.u32 v0, v57;
	v62 =	vadd.s32 s22, v37;
	v57 =	vadd.s32 s25, v34;
	v48 =	vld [tilespmem:s23+$0x0]  }
0x2f0: {  	v26 =	vor.u32 v0, v59;
	v0 =	vor.u32 v0, v2;
	v30 =	vld.idx.msk [tilespmem:v31+s13+$0x0], $0xffff;
	v41 =	vmul.f32 v18, v14  }
0x2f1: {  	v1 =	vor.u32 v1, v7;
	v22 =	vld.idx.msk [tilespmem:v22+s15+$0x0], $0xffff;
	v3 =	vmul.f32 v3, v21;
	v11 =	vmul.f32 v16, v11  }
0x2f2: {  	v14 =	vadd.s32 s22, v39;
	v16 =	vor.u32 s22, v33;
	v42 =	vand.u32 $0xFFFFFFF8, v25;
	v6 =	vld.idx.msk [tilespmem:v6+s15+$0x0], $0xffff  }
0x2f3: {  	v18 =	vadd.s32 s22, v36;
	v43 =	vand.u32 $0x7, v25;
	v53 =	vand.u32 $0xFFFFFFF8, v28;
	v19 =	vld.idx.msk [tilespmem:v19+s13+$0x0], $0xffff  }
0x2f4: {  	v50 =	vand.u32 $0x7, v28;
	v28 =	vld.idx.msk [tilespmem:v38+s15+$0x0], $0xffff;
	v33 =	vor.u32 s25, v33;
	v21 =	vadd.s32 v54, v42  }
0x2f5: {  	v38 =	vadd.s32 s25, v39;
	v0 =	vld.idx.msk [tilespmem:v0+s13+$0x0], $0xffff;
	v25 =	vadd.s32 v49, v42;
	v21 =	vor.u32 v43, v21  }
0x2f6: {  	v59 =	vadd.s32 $0x1838, v48;
	v31 =	vadd.s32 v52, v53;
	v1 =	vld.idx.msk [tilespmem:v1+s13+$0x0], $0xffff;
	v63 =	vor.u32 v43, v25  }
0x2f7: {  	v32 =	vld [tilespmem:s23+$0xFFFFFFF0];
	v25 =	vadd.s32 v54, v53;
	v54 =	vadd.s32 $0x60E0, v48;
	v5 =	vmul.f32 v5, v22;
	[tilespmem:v16+s15+$0x0] =	vst.idx.msk $0xffff, v9  }
0x2f8: {  	v9 =	vmul.f32 v13, v23;
	v23 =	vld.idx.msk [tilespmem:v26+s13+$0x0], $0xffff;
	v19 =	vmul.f32 v19, v24;
	v24 =	vadd.s32 v49, v53  }
0x2f9: {  	v22 =	vor.u32 v50, v25;
	v16 =	vadd.s32 s25, v36;
	v55 =	vor.u32 v50, v24;
	v24 =	vld.idx.msk [tilespmem:v60+s13+$0x0], $0xffff  }
0x2fa: {  	v25 =	vadd.s32 v52, v42;
	v49 =	vld.idx.msk [tilespmem:v21+s13+$0x0], $0xffff;
	v21 =	vadd.s32 s25, v37;
	[tilespmem:v33+s15+$0x0] =	vst.idx.msk $0xffff, v3;
	v3 =	vadd.s32 $0x48A8, v48  }
0x2fb: {  	v7 =	vld.idx.msk [tilespmem:v48+s15+$0x0], $0xffff;
	v13 =	vmul.f32 v15, v27;
	[tilespmem:v18+s15+$0x0] =	vst.idx.msk $0xffff, v19;
	v18 =	vor.u32 v43, v25  }
0x2fc: {  	v6 =	vmul.f32 v30, v6;
	v26 =	vmul.f32 v1, v20;
	v44 =	vld.idx.msk [tilespmem:v63+s13+$0x0], $0xffff;
	v19 =	vadd.s32 $0x60E0, v32  }
0x2fd: {  	v63 =	vadd.s32 v58, v53;
	v60 =	vadd.s32 $0x9150, v48;
	v33 =	vadd.s32 v47, v53;
	[tilespmem:v62+s15+$0x0] =	vst.idx.msk $0xffff, v9  }
0x2fe: {  	v15 =	vor.u32 v50, v63;
	v2 =	vor.u32 v50, v33;
	[tilespmem:v16+s15+$0x0] =	vst.idx.msk $0xffff, v5;
	v27 =	vld.idx.msk [tilespmem:v22+s13+$0x0], $0xffff  }
0x2ff: {  	v63 =	vadd.s32 $0x3070, v32;
	v33 =	vadd.s32 v58, v42;
	v9 =	vadd.s32 $0x3070, v48;
	[tilespmem:v21+s15+$0x0] =	vst.idx.msk $0xffff, v13;
	v13 =	vld.idx.msk [tilespmem:v3+s15+$0x0], $0xffff  }
0x300: {  	v62 =	vadd.s32 $0x1838, v32;
	[tilespmem:v14+s15+$0x0] =	vst.idx.msk $0xffff, v11;
	v11 =	vadd.s32 v61, v53;
	v14 =	vadd.s32 $0xA988, v32;
	v52 =	vld.idx.msk [tilespmem:v18+s13+$0x0], $0xffff  }
0x301: {  	v5 =	vor.u32 v50, v11;
	[tilespmem:v38+s15+$0x0] =	vst.idx.msk $0xffff, v6;
	v38 =	vadd.s32 v56, v53;
	v47 =	vld.idx.msk [tilespmem:v19+s15+$0x0], $0xffff  }
0x302: {  	v30 =	vor.u32 v43, v33;
	v6 =	vor.u32 v50, v38;
	v38 =	vadd.s32 v61, v42;
	v61 =	vld [tilespmem:$0x1FC40]  }
0x303: {  	v22 =	vadd.s32 $0x7918, v32;
	v16 =	vmul.f32 v17, v29;
	v29 =	vadd.s32 $0x7918, v48;
	v19 =	vld.idx.msk [tilespmem:v32+s15+$0x0], $0xffff  }
0x304: {  	v17 =	vadd.s32 $0x48A8, v32;
	v25 =	vmul.f32 v24, v10;
	v10 =	vadd.s32 v56, v42;
	v45 =	vld.idx.msk [tilespmem:v2+s13+$0x0], $0xffff  }
0x305: {  	v21 =	vmul.f32 v0, v28;
	v24 =	vor.u32 v50, v31;
	v56 =	vadd.s32 $0x9150, v32;
	v11 =	vld.idx.msk [tilespmem:v14+s15+$0x0], $0xffff  }
0x306: {  	v18 =	vadd.s32 v40, v42;
	v10 =	vor.u32 v43, v10;
	v58 =	vmul.f32 v27, v7;
	v20 =	vld.idx.msk [tilespmem:v5+s13+$0x0], $0xffff  }
0x307: {  	s24 =	simm.s32 $0x110;
	s26 =	simm.s32 $0x10;
	s28 =	simm.s32 $0x130;
	v27 =	vmul.f32 v23, v8;
	v28 =	vmul.f32 v61, v4;
	v61 =	vor.u32 v43, v38;
	v23 =	vld.idx.msk [tilespmem:v6+s13+$0x0], $0xffff  }
.LBB2_11:
0x308: {  	v0 =	vld.idx.msk [tilespmem:v30+s13+$0x0], $0xffff  }
0x309: {  	v8 =	vld [tilespmem:$0x1FCA0]  }
0x30a: {  	v3 =	vld.idx.msk [tilespmem:v22+s15+$0x0], $0xffff  }
0x30b: {  	v14 =	vld.idx.msk [tilespmem:v29+s15+$0x0], $0xffff  }
0x30c: {  	v2 =	vmul.f32 v12, v46;
	v12 =	vld.idx.msk [tilespmem:v15+s13+$0x0], $0xffff  }
0x30d: {  	v15 =	vld [tilespmem:$0x1FFE0]  }
0x30e: {  	v22 =	vld [tilespmem:$0x1FFF0]  }
0x30f: {  	v40 =	vld [tilespmem:$0x1FCC0];
	v1 =	vadd.s32 v8, v53  }
0x310: {  	s21 =	sadd.s32 $0x20, s21;
	v29 =	vld [tilespmem:$0x1FC60];
	v1 =	vor.u32 v50, v1;
	v50 =	vadd.s32 s22, v34  }
0x311: {  	v5 =	vld [tilespmem:s21+$0xFFFFFFF0]  }
0x312: {  	v6 =	vld [tilespmem:s21+$0x0];
	v53 =	vadd.s32 s22, v35  }
0x313: {  	[tilespmem:v57+s15+$0x0] =	vst.idx.msk $0xffff, v25;
	v4 =	vmov v20;
	v20 =	vld.idx.msk [tilespmem:v59+s15+$0x0], $0xffff;
	v7 =	vadd.s32 s25, v15  }
0x314: {  	v59 =	vld.idx.msk [tilespmem:v62+s15+$0x0], $0xffff;
	[tilespmem:v51+s15+$0x0] =	vst.idx.msk $0xffff, v27  }
0x315: {  	v15 =	vadd.s32 s22, v15;
	v0 =	vmul.f32 v0, v11;
	v11 =	vld.idx.msk [tilespmem:v9+s15+$0x0], $0xffff;
	[tilespmem:v50+s15+$0x0] =	vst.idx.msk $0xffff, v28  }
0x316: {  	[tilespmem:$0x1FC30] =	vst v3;
	v9 =	vadd.s32 s22, v22;
	s22 =	smov.u32 s24;
	v3 =	vld.idx.msk [tilespmem:v55+s13+$0x0], $0xffff  }
0x317: {  	v22 =	vadd.s32 s25, v22;
	s25 =	sadd.s32 $0xFFFFFFF0, s22;
	[tilespmem:v53+s15+$0x0] =	vst.idx.msk $0xffff, v26;
	v26 =	vld.idx.msk [tilespmem:v63+s15+$0x0], $0xffff  }
0x318: {  	v51 =	vadd.s32 s25, v35;
	v35 =	vadd.s32 s25, v37;
	[tilespmem:v7+s15+$0x0] =	vst.idx.msk $0xffff, v21;
	v21 =	vadd.s32 s22, v37;
	v37 =	vld [tilespmem:$0x1FC80]  }
0x319: {  	v7 =	vld.idx.msk [tilespmem:v24+s13+$0x0], $0xffff  }
0x31a: {  	[tilespmem:v15+s15+$0x0] =	vst.idx.msk $0xffff, v16;
	v15 =	vld [tilespmem:$0x1FC50]  }
0x31b: {  	v16 =	vld.idx.msk [tilespmem:v60+s15+$0x0], $0xffff  }
0x31c: {  	v23 =	vmul.f32 v23, v13;
	v13 =	vadd.s32 v40, v42;
	[tilespmem:v9+s15+$0x0] =	vst.idx.msk $0xffff, v2;
	v9 =	vld [tilespmem:$0x1FC90]  }
0x31d: {  	s23 =	sadd.s32 $0x20, s23;
	[tilespmem:v22+s15+$0x0] =	vst.idx.msk $0xffff, v41;
	v2 =	vor.u32 v43, v13;
	v13 =	vld [tilespmem:$0x1FC70]  }
0x31e: {  	v25 =	vadd.s32 $0xA988, v48;
	v32 =	vld [tilespmem:s23+$0xFFFFFFF0]  }
0x31f: {  	v18 =	vor.u32 v43, v18;
	v38 =	vlaneseq.u32;
	v17 =	vld.idx.msk [tilespmem:v17+s15+$0x0], $0xffff  }
0x320: {  	v42 =	vand.u32 $0xFFFFFFF8, v5;
	v24 =	vor.u32 s22, v38;
	v43 =	vand.u32 $0x7, v5;
	v5 =	vld.idx.msk [tilespmem:v56+s15+$0x0], $0xffff  }
0x321: {  	v10 =	vld.idx.msk [tilespmem:v10+s13+$0x0], $0xffff  }
0x322: {  	v48 =	vld [tilespmem:s23+$0x0]  }
0x323: {  	v27 =	vadd.s32 s22, v39;
	v57 =	vadd.s32 s25, v34;
	v28 =	vadd.s32 s22, v36;
	v46 =	vld.idx.msk [tilespmem:v25+s15+$0x0], $0xffff  }
0x324: {  	v50 =	vand.u32 $0x7, v6;
	v53 =	vand.u32 $0xFFFFFFF8, v6;
	v41 =	vmovc v0;
	v31 =	vld.idx.msk [tilespmem:v54+s15+$0x0], $0xffff;
	v3 =	vmul.f32 v3, v20  }
0x325: {  	v1 =	vld.idx.msk [tilespmem:v1+s13+$0x0], $0xffff;
	v34 =	vmul.f32 v52, v26;
	[tilespmem:v24+s15+$0x0] =	vst.idx.msk $0xffff, v58;
	v63 =	vadd.s32 v9, v42  }
0x326: {  	v26 =	vld.idx.msk [tilespmem:v61+s13+$0x0], $0xffff;
	v62 =	vadd.s32 v9, v53;
	v9 =	vadd.s32 v13, v42;
	v0 =	vor.u32 v43, v63  }
0x327: {  	v58 =	vadd.s32 s25, v36;
	v36 =	vld.idx.msk [tilespmem:v18+s13+$0x0], $0xffff;
	v33 =	vadd.s32 v13, v53;
	v13 =	vor.u32 v43, v9  }
0x328: {  	v24 =	vadd.s32 v37, v53;
	v2 =	vld.idx.msk [tilespmem:v2+s13+$0x0], $0xffff;
	v6 =	vor.u32 v50, v62;
	v9 =	vadd.s32 v15, v42  }
0x329: {  	[tilespmem:v28+s15+$0x0] =	vst.idx.msk $0xffff, v3;
	v55 =	vor.u32 v50, v33;
	v33 =	vadd.s32 s25, v39;
	v39 =	vld [tilespmem:$0x1FCB0];
	v25 =	vor.u32 v43, v9  }
0x32a: {  	v61 =	vor.u32 v50, v24;
	v24 =	vadd.s32 $0xA988, v32;
	v3 =	vld.idx.msk [tilespmem:v48+s15+$0x0], $0xffff  }
0x32b: {  	v19 =	vmul.f32 v49, v19;
	v49 =	vld.idx.msk [tilespmem:v0+s13+$0x0], $0xffff  }
0x32c: {  	[tilespmem:$0x1FC20] =	vst v4;
	v4 =	vmul.f32 v44, v59;
	v44 =	vld.idx.msk [tilespmem:v13+s13+$0x0], $0xffff;
	v13 =	vadd.s32 $0x48A8, v48  }
0x32d: {  	v38 =	vor.u32 s25, v38;
	v0 =	vadd.s32 $0x60E0, v32;
	v6 =	vld.idx.msk [tilespmem:v6+s13+$0x0], $0xffff  }
0x32e: {  	v7 =	vmul.f32 v7, v11;
	v11 =	vadd.s32 v39, v53;
	v52 =	vld.idx.msk [tilespmem:v25+s13+$0x0], $0xffff  }
0x32f: {  	v28 =	vadd.s32 v39, v42;
	v25 =	vadd.s32 v40, v53;
	v39 =	vor.u32 v50, v11;
	v11 =	vld.idx.msk [tilespmem:v24+s15+$0x0], $0xffff  }
0x330: {  	v40 =	vor.u32 v50, v25;
	v25 =	vmul.f32 v26, v47;
	v47 =	vld [tilespmem:$0x1FC30]  }
0x331: {  	v13 =	vld.idx.msk [tilespmem:v13+s15+$0x0], $0xffff;
	[tilespmem:v21+s15+$0x0] =	vst.idx.msk $0xffff, v7  }
0x332: {  	v0 =	vld.idx.msk [tilespmem:v0+s15+$0x0], $0xffff;
	[tilespmem:v38+s15+$0x0] =	vst.idx.msk $0xffff, v19  }
0x333: {  	v20 =	vadd.s32 v15, v53;
	[tilespmem:v27+s15+$0x0] =	vst.idx.msk $0xffff, v23;
	v19 =	vld.idx.msk [tilespmem:v32+s15+$0x0], $0xffff  }
0x334: {  	v30 =	vadd.s32 v29, v42;
	v37 =	vadd.s32 v37, v42;
	v24 =	vor.u32 v50, v20;
	v20 =	vld.idx.msk [tilespmem:v61+s13+$0x0], $0xffff  }
0x335: {  	v30 =	vor.u32 v43, v30;
	v18 =	vadd.s32 v8, v42;
	v61 =	vor.u32 v43, v37;
	v37 =	vld [tilespmem:$0x1FFA0]  }
0x336: {  	s26 =	sadd.s32 $0x2, s26;
	v22 =	vadd.s32 $0x7918, v32;
	v56 =	vadd.s32 $0x9150, v32;
	v16 =	vmul.f32 v45, v16;
	v45 =	vld.idx.msk [tilespmem:v40+s13+$0x0], $0xffff  }
0x337: {  	p0 =	slt.u32 s26, $0x52;
	v8 =	vmul.f32 v10, v17;
	v17 =	vadd.s32 $0x48A8, v32;
	v59 =	vadd.s32 $0x1838, v48;
	[tilespmem:v58+s15+$0x0] =	vst.idx.msk $0xffff, v4;
	v40 =	vld [tilespmem:$0x1FC20]  }
.Ltmp4:
0x338: {  	v54 =	vadd.s32 $0x60E0, v48;
	v15 =	vadd.s32 v29, v53;
	v62 =	vadd.s32 $0x1838, v32;
	[tilespmem:v35+s15+$0x0] =	vst.idx.msk $0xffff, v34;
	v35 =	vld [tilespmem:$0x1FFD0];
	(pc) =	sbr.rel @p0 .LBB2_11-.Ltmp4, $4  }
0x339: {  	v63 =	vadd.s32 $0x3070, v32;
	v60 =	vadd.s32 $0x9150, v48;
	v29 =	vadd.s32 $0x7918, v48;
	v34 =	vld [tilespmem:$0x1FFC0]  }
0x33a: {  	v9 =	vadd.s32 $0x3070, v48;
	v15 =	vor.u32 v50, v15;
	v26 =	vmul.f32 v1, v14;
	v23 =	vld.idx.msk [tilespmem:v39+s13+$0x0], $0xffff  }
0x33b: {  	v10 =	vor.u32 v43, v28;
	v21 =	vmul.f32 v2, v5;
	v58 =	vmul.f32 v6, v3;
	v39 =	vld [tilespmem:$0x1FFB0]  }
0x33c: {  	s24 =	smov.u32 s28;
	s28 =	sadd.s32 $0x20, s28;
	v27 =	vmul.f32 v36, v47;
	v36 =	vld [tilespmem:$0x1FF90];
	[tilespmem:v33+s15+$0x0] =	vst.idx.msk $0xffff, v8;
	v47 =	vmov v0;
	v28 =	vmul.f32 v40, v31  }
0x33d: {  	_ =	sdelay $0x3  }
0x33e: {  	v0 =	vld.idx.msk [tilespmem:v30+s13+$0x0], $0xffff  }
0x33f: {  	v31 =	vld [tilespmem:$0x1FFE0];
	v4 =	vadd.s32 s22, v34  }
0x340: {  	v1 =	vld.idx.msk [tilespmem:v22+s15+$0x0], $0xffff  }
0x341: {  	v2 =	vld.idx.msk [tilespmem:v29+s15+$0x0], $0xffff  }
0x342: {  	v3 =	vld.idx.msk [tilespmem:v15+s13+$0x0], $0xffff;
	v6 =	vadd.s32 s22, v35  }
0x343: {  	v5 =	vld.idx.msk [tilespmem:v9+s15+$0x0], $0xffff;
	[tilespmem:v57+s15+$0x0] =	vst.idx.msk $0xffff, v25  }
0x344: {  	v7 =	vld.idx.msk [tilespmem:v59+s15+$0x0], $0xffff;
	v14 =	vadd.s32 s25, v31;
	[tilespmem:v4+s15+$0x0] =	vst.idx.msk $0xffff, v28  }
0x345: {  	v32 =	vld [tilespmem:$0x1FFF0]  }
0x346: {  	v38 =	vld [tilespmem:$0x1FCA0]  }
0x347: {  	v8 =	vld.idx.msk [tilespmem:v55+s13+$0x0], $0xffff;
	[tilespmem:v6+s15+$0x0] =	vst.idx.msk $0xffff, v26  }
0x348: {  	v9 =	vadd.s32 $0xA988, v48;
	v15 =	vld.idx.msk [tilespmem:v62+s15+$0x0], $0xffff;
	[tilespmem:v51+s15+$0x0] =	vst.idx.msk $0xffff, v27  }
0x349: {  	v25 =	vld.idx.msk [tilespmem:v63+s15+$0x0], $0xffff;
	v22 =	vadd.s32 s22, v31;
	[tilespmem:v14+s15+$0x0] =	vst.idx.msk $0xffff, v21  }
0x34a: {  	v40 =	vld [tilespmem:$0x1FCC0];
	v28 =	vadd.s32 s22, v32  }
0x34b: {  	v24 =	vld.idx.msk [tilespmem:v24+s13+$0x0], $0xffff;
	v51 =	vlaneseq.u32;
	v63 =	vadd.s32 v38, v53;
	v33 =	vadd.s32 s25, v32  }
0x34c: {  	v29 =	vld.idx.msk [tilespmem:v54+s15+$0x0], $0xffff;
	v27 =	vor.u32 s24, v51;
	v4 =	vor.u32 v50, v63  }
0x34d: {  	v12 =	vmul.f32 v12, v46;
	v9 =	vld.idx.msk [tilespmem:v9+s15+$0x0], $0xffff;
	v21 =	vadd.s32 s24, v36  }
0x34e: {  	v30 =	vadd.s32 s24, v37;
	s21 =	sadd.s32 $0xFFFFFFF0, s24;
	[tilespmem:v22+s15+$0x0] =	vst.idx.msk $0xffff, v16;
	v16 =	vld.idx.msk [tilespmem:v17+s15+$0x0], $0xffff;
	v17 =	vor.u32 v43, v18  }
0x34f: {  	v26 =	vld.idx.msk [tilespmem:v60+s15+$0x0], $0xffff;
	v54 =	vor.u32 s21, v51;
	v18 =	vadd.s32 s24, v39;
	v14 =	vadd.s32 v40, v42;
	[tilespmem:v28+s15+$0x0] =	vst.idx.msk $0xffff, v12  }
0x350: {  	v53 =	vmul.f32 v8, v7;
	v8 =	vld.idx.msk [tilespmem:v10+s13+$0x0], $0xffff;
	v14 =	vor.u32 v43, v14;
	[tilespmem:v33+s15+$0x0] =	vst.idx.msk $0xffff, v41  }
0x351: {  	v5 =	vmul.f32 v24, v5;
	v10 =	vadd.s32 s21, v36;
	v4 =	vld.idx.msk [tilespmem:v4+s13+$0x0], $0xffff;
	[tilespmem:v27+s15+$0x0] =	vst.idx.msk $0xffff, v58  }
0x352: {  	v13 =	vmul.f32 v23, v13;
	v23 =	vadd.s32 s21, v37;
	v22 =	vld.idx.msk [tilespmem:v61+s13+$0x0], $0xffff;
	[tilespmem:v21+s15+$0x0] =	vst.idx.msk $0xffff, v53  }
0x353: {  	v55 =	vmul.f32 v49, v19;
	v19 =	vadd.s32 s21, v39;
	v17 =	vld.idx.msk [tilespmem:v17+s13+$0x0], $0xffff;
	[tilespmem:v30+s15+$0x0] =	vst.idx.msk $0xffff, v5  }
0x354: {  	v12 =	vld.idx.msk [tilespmem:v56+s15+$0x0], $0xffff;
	v56 =	vmul.f32 v44, v15;
	v15 =	vadd.s32 s21, v34;
	[tilespmem:v18+s15+$0x0] =	vst.idx.msk $0xffff, v13  }
0x355: {  	v57 =	vadd.s32 s24, v34;
	v13 =	vmul.f32 v52, v25;
	v14 =	vld.idx.msk [tilespmem:v14+s13+$0x0], $0xffff;
	[tilespmem:v54+s15+$0x0] =	vst.idx.msk $0xffff, v55  }
0x356: {  	v59 =	vadd.s32 s24, v35;
	v58 =	vmul.f32 v8, v16;
	[tilespmem:v10+s15+$0x0] =	vst.idx.msk $0xffff, v56  }
0x357: {  	v8 =	vadd.s32 s21, v35;
	v10 =	vmul.f32 v22, v47;
	[tilespmem:v23+s15+$0x0] =	vst.idx.msk $0xffff, v13  }
0x358: {  	v61 =	vadd.s32 s24, v31;
	v13 =	vmul.f32 v20, v29;
	[tilespmem:v19+s15+$0x0] =	vst.idx.msk $0xffff, v58  }
0x359: {  	v60 =	vadd.s32 s21, v31;
	v2 =	vmul.f32 v4, v2;
	[tilespmem:v15+s15+$0x0] =	vst.idx.msk $0xffff, v10  }
0x35a: {  	v1 =	vmul.f32 v17, v1;
	v10 =	vadd.s32 s24, v32;
	[tilespmem:v57+s15+$0x0] =	vst.idx.msk $0xffff, v13  }
0x35b: {  	v63 =	vmul.f32 v45, v26;
	v62 =	vmul.f32 v14, v12;
	v12 =	vadd.s32 s21, v32;
	[tilespmem:v59+s15+$0x0] =	vst.idx.msk $0xffff, v2  }
0x35c: {  	[tilespmem:v8+s15+$0x0] =	vst.idx.msk $0xffff, v1  }
0x35d: {  	v5 =	vmul.f32 v3, v9;
	[tilespmem:v61+s15+$0x0] =	vst.idx.msk $0xffff, v63  }
0x35e: {  	v0 =	vmul.f32 v0, v11;
	[tilespmem:v60+s15+$0x0] =	vst.idx.msk $0xffff, v62  }
0x35f: {  	[tilespmem:v10+s15+$0x0] =	vst.idx.msk $0xffff, v5  }
0x360: {  	[tilespmem:v12+s15+$0x0] =	vst.idx.msk $0xffff, v0  }
0x361: {  	v0 =	vld [tilespmem:$0x35C0]  }
0x362: {  	v1 =	vld [tilespmem:$0x1D80]  }
0x363: {  	v49 =	vld [tilespmem:$0x1FC90]  }
0x364: {  	v48 =	vld [tilespmem:$0x1FC70]  }
0x365: {  	v44 =	vld [tilespmem:$0x1FC50]  }
0x366: {  	v58 =	vld [tilespmem:$0x1FC80]  }
0x367: {  	v45 =	vld [tilespmem:$0x1FC60]  }
0x368: {  	v59 =	vld [tilespmem:$0x1FE90]  }
0x369: {  	v61 =	vld [tilespmem:$0x1FEA0]  }
0x36a: {  	v63 =	vld [tilespmem:$0x1FEB0]  }
0x36b: {  	v43 =	vld [tilespmem:$0x1FEE0]  }
0x36c: {  	v46 =	vld [tilespmem:$0x1FEF0];
	v32 =	vand.u32 $0xFFFFFFF8, v0;
	v41 =	vadd.s32 $0x1838, v1  }
0x36d: {  	v47 =	vld [tilespmem:$0x1FF00];
	v0 =	vand.u32 $0x7, v0;
	v53 =	vadd.s32 $0x3070, v1;
	v56 =	vadd.s32 v44, v32  }
0x36e: {  	v9 =	vadd.s32 $0x48A8, v1;
	v33 =	vadd.s32 v49, v32;
	v7 =	vor.u32 v0, v56;
	v56 =	vld [tilespmem:$0x1FCB0]  }
0x36f: {  	v11 =	vadd.s32 $0x60E0, v1;
	v3 =	vor.u32 v0, v33;
	v33 =	vld [tilespmem:$0x1FEC0]  }
0x370: {  	v13 =	vadd.s32 $0x7918, v1;
	v8 =	vld.idx.msk [tilespmem:v1+s15+$0x0], $0xffff  }
0x371: {  	v4 =	vld.idx.msk [tilespmem:v41+s15+$0x0], $0xffff  }
0x372: {  	v52 =	vadd.s32 v48, v32;
	v6 =	vld.idx.msk [tilespmem:v53+s15+$0x0], $0xffff  }
0x373: {  	v5 =	vor.u32 v0, v52;
	v9 =	vld.idx.msk [tilespmem:v9+s15+$0x0], $0xffff  }
0x374: {  	v12 =	vadd.s32 v58, v32;
	v11 =	vld.idx.msk [tilespmem:v11+s15+$0x0], $0xffff  }
0x375: {  	v14 =	vadd.s32 v38, v32;
	v12 =	vor.u32 v0, v12;
	v13 =	vld.idx.msk [tilespmem:v13+s15+$0x0], $0xffff  }
0x376: {  	v14 =	vor.u32 v0, v14;
	v41 =	vld [tilespmem:$0x1FED0];
	v10 =	vadd.s32 v56, v32  }
0x377: {  	v3 =	vld.idx.msk [tilespmem:v3+s13+$0x0], $0xffff;
	v10 =	vor.u32 v0, v10  }
0x378: {  	v15 =	vadd.s32 $0x9150, v1;
	v16 =	vadd.s32 v40, v32;
	v5 =	vld.idx.msk [tilespmem:v5+s13+$0x0], $0xffff  }
0x379: {  	v16 =	vor.u32 v0, v16;
	v7 =	vld.idx.msk [tilespmem:v7+s13+$0x0], $0xffff  }
0x37a: {  	v2 =	vadd.s32 v45, v32;
	v1 =	vadd.s32 $0xA988, v1;
	v12 =	vld.idx.msk [tilespmem:v12+s13+$0x0], $0xffff  }
0x37b: {  	v57 =	vld.idx.msk [tilespmem:v14+s13+$0x0], $0xffff;
	v0 =	vor.u32 v0, v2  }
0x37c: {  	v10 =	vld.idx.msk [tilespmem:v10+s13+$0x0], $0xffff  }
0x37d: {  	v14 =	vld.idx.msk [tilespmem:v15+s15+$0x0], $0xffff  }
0x37e: {  	v15 =	vld.idx.msk [tilespmem:v16+s13+$0x0], $0xffff;
	v3 =	vmul.f32 v3, v8  }
0x37f: {  	v1 =	vld.idx.msk [tilespmem:v1+s15+$0x0], $0xffff;
	v4 =	vmul.f32 v5, v4  }
0x380: {  	v60 =	vmul.f32 v7, v6;
	v0 =	vld.idx.msk [tilespmem:v0+s13+$0x0], $0xffff;
	[tilespmem:v59+s15+$0x0] =	vst.idx.msk $0xffff, v3  }
0x381: {  	[tilespmem:v61+s15+$0x0] =	vst.idx.msk $0xffff, v4;
	v62 =	vmul.f32 v10, v9  }
0x382: {  	v32 =	vmul.f32 v12, v11;
	[tilespmem:v63+s15+$0x0] =	vst.idx.msk $0xffff, v60  }
0x383: {  	v2 =	vmul.f32 v57, v13;
	[tilespmem:v33+s15+$0x0] =	vst.idx.msk $0xffff, v62  }
0x384: {  	v42 =	vmul.f32 v15, v14;
	[tilespmem:v41+s15+$0x0] =	vst.idx.msk $0xffff, v32  }
0x385: {  	v0 =	vmul.f32 v0, v1;
	[tilespmem:v43+s15+$0x0] =	vst.idx.msk $0xffff, v2  }
0x386: {  	[tilespmem:v46+s15+$0x0] =	vst.idx.msk $0xffff, v42  }
0x387: {  	s30 =	simm.s32 $0x35E0;
	[tilespmem:v47+s15+$0x0] =	vst.idx.msk $0xffff, v0  }
0x388: {  	s31 =	simm.s32 $0x1DA0;
	v1 =	vld [tilespmem:s30+$0x0]  }
0x389: {  	v4 =	vld [tilespmem:s31+$0x0]  }
0x38a: {  	v54 =	vld [tilespmem:s31+$0xFFFFFFF0];
	_ =	sdelay $0x2  }
0x38b: {  	v0 =	vld [tilespmem:s30+$0xFFFFFFF0];
	_ =	sdelay $0x1  }
0x38c: {  	v55 =	vand.u32 $0xFFFFFFF8, v1;
	v10 =	vadd.s32 $0x60E0, v54  }
0x38d: {  	v1 =	vand.u32 $0x7, v1;
	v11 =	vadd.s32 $0x48A8, v4;
	v13 =	vadd.s32 v58, v55  }
0x38e: {  	v13 =	vor.u32 v1, v13  }
0x38f: {  	v50 =	vand.u32 $0xFFFFFFF8, v0;
	v14 =	vadd.s32 $0xA988, v54;
	v12 =	vld.idx.msk [tilespmem:v4+s15+$0x0], $0xffff  }
0x390: {  	v0 =	vand.u32 $0x7, v0;
	v20 =	vadd.s32 $0x7918, v4;
	v52 =	vadd.s32 v49, v50;
	v21 =	vld.idx.msk [tilespmem:v54+s15+$0x0], $0xffff  }
0x391: {  	v8 =	vadd.s32 v44, v50;
	v3 =	vor.u32 v0, v52;
	v10 =	vld.idx.msk [tilespmem:v10+s15+$0x0], $0xffff  }
0x392: {  	v53 =	vadd.s32 v48, v50;
	v8 =	vor.u32 v0, v8;
	v11 =	vld.idx.msk [tilespmem:v11+s15+$0x0], $0xffff  }
0x393: {  	v57 =	vmov v35;
	v5 =	vor.u32 v0, v53;
	v35 =	vld.idx.msk [tilespmem:v13+s13+$0x0], $0xffff;
	v13 =	vadd.s32 v45, v55  }
0x394: {  	v9 =	vadd.s32 v49, v55;
	v14 =	vld.idx.msk [tilespmem:v14+s15+$0x0], $0xffff;
	v22 =	vor.u32 v1, v13  }
0x395: {  	v16 =	vadd.s32 v56, v55;
	v9 =	vor.u32 v1, v9;
	v20 =	vld.idx.msk [tilespmem:v20+s15+$0x0], $0xffff  }
0x396: {  	v16 =	vor.u32 v1, v16;
	v3 =	vld.idx.msk [tilespmem:v3+s13+$0x0], $0xffff  }
0x397: {  	v19 =	vadd.s32 $0x7918, v54;
	v15 =	vld.idx.msk [tilespmem:v8+s13+$0x0], $0xffff;
	v8 =	vadd.s32 v40, v55  }
0x398: {  	v5 =	vld.idx.msk [tilespmem:v5+s13+$0x0], $0xffff;
	v17 =	vor.u32 v1, v8;
	v8 =	vadd.s32 v45, v50  }
0x399: {  	v18 =	vor.u32 v0, v8;
	v13 =	vld.idx.msk [tilespmem:v22+s13+$0x0], $0xffff  }
0x39a: {  	v9 =	vld.idx.msk [tilespmem:v9+s13+$0x0], $0xffff  }
0x39b: {  	v16 =	vld.idx.msk [tilespmem:v16+s13+$0x0], $0xffff  }
0x39c: {  	v23 =	vadd.s32 $0x3070, v4;
	v8 =	vld.idx.msk [tilespmem:v19+s15+$0x0], $0xffff  }
0x39d: {  	v24 =	vadd.s32 $0x1838, v4;
	v19 =	vadd.s32 v48, v55;
	v17 =	vld.idx.msk [tilespmem:v17+s13+$0x0], $0xffff  }
0x39e: {  	s21 =	simm.s32 $0x3600;
	v19 =	vor.u32 v1, v19;
	v18 =	vld.idx.msk [tilespmem:v18+s13+$0x0], $0xffff;
	[tilespmem:$0x1FC00] =	vst v13  }
0x39f: {  	v22 =	vadd.s32 $0x1838, v54;
	v25 =	vld [tilespmem:s21+$0xFFFFFFF0]  }
0x3a0: {  	s22 =	simm.s32 $0x560;
	v27 =	vadd.s32 $0x3070, v54;
	v26 =	vadd.s32 v44, v55;
	v28 =	vld [tilespmem:s21+$0x0]  }
0x3a1: {  	s25 =	simm.s32 $0x550;
	v62 =	vadd.s32 s22, v37;
	v26 =	vor.u32 v1, v26;
	v23 =	vld.idx.msk [tilespmem:v23+s15+$0x0], $0xffff  }
0x3a2: {  	v32 =	vor.u32 s25, v51;
	v41 =	vadd.s32 s25, v39;
	v29 =	vadd.s32 $0x9150, v4;
	v24 =	vld.idx.msk [tilespmem:v24+s15+$0x0], $0xffff  }
0x3a3: {  	v30 =	vadd.s32 $0xA988, v4;
	v59 =	vadd.s32 $0x9150, v54;
	v7 =	vadd.s32 v38, v55;
	v19 =	vld.idx.msk [tilespmem:v19+s13+$0x0], $0xffff  }
0x3a4: {  	v31 =	vadd.s32 v56, v50;
	v4 =	vadd.s32 $0x60E0, v4;
	v1 =	vor.u32 v1, v7;
	v22 =	vld.idx.msk [tilespmem:v22+s15+$0x0], $0xffff  }
0x3a5: {  	v11 =	vmul.f32 v16, v11;
	v16 =	vor.u32 s22, v51;
	v27 =	vld.idx.msk [tilespmem:v27+s15+$0x0], $0xffff;
	v61 =	vmul.f32 v18, v14  }
0x3a6: {  	v33 =	vadd.s32 v58, v50;
	v60 =	vadd.s32 v38, v50;
	v9 =	vmul.f32 v9, v12;
	v12 =	vld.idx.msk [tilespmem:v26+s13+$0x0], $0xffff  }
0x3a7: {  	v6 =	vadd.s32 $0x48A8, v54;
	v2 =	vadd.s32 v40, v50;
	v31 =	vor.u32 v0, v31;
	v29 =	vld.idx.msk [tilespmem:v29+s15+$0x0], $0xffff;
	[tilespmem:$0x1FC10] =	vst v61  }
0x3a8: {  	v33 =	vor.u32 v0, v33;
	v53 =	vadd.s32 s25, v57;
	v3 =	vmul.f32 v3, v21;
	v46 =	vld.idx.msk [tilespmem:v30+s15+$0x0], $0xffff  }
0x3a9: {  	v13 =	vmovc v34;
	v26 =	vor.u32 v0, v60;
	v14 =	vadd.s32 s22, v39;
	v18 =	vadd.s32 s22, v36;
	v4 =	vld.idx.msk [tilespmem:v4+s15+$0x0], $0xffff  }
0x3aa: {  	s23 =	simm.s32 $0x1DC0;
	v0 =	vor.u32 v0, v2;
	v57 =	vadd.s32 s25, v13;
	v1 =	vld.idx.msk [tilespmem:v1+s13+$0x0], $0xffff;
	[tilespmem:v16+s15+$0x0] =	vst.idx.msk $0xffff, v9;
	v9 =	vadd.s32 s25, v36  }
0x3ab: {  	v47 =	vld [tilespmem:s23+$0x0];
	v42 =	vand.u32 $0xFFFFFFF8, v25;
	v43 =	vand.u32 $0x7, v25;
	v52 =	vand.u32 $0xFFFFFFF8, v28  }
0x3ac: {  	v34 =	vld [tilespmem:s23+$0xFFFFFFF0];
	v50 =	vand.u32 $0x7, v28;
	v19 =	vmul.f32 v19, v24;
	v21 =	vadd.s32 v49, v42  }
0x3ad: {  	v6 =	vld.idx.msk [tilespmem:v6+s15+$0x0], $0xffff;
	v5 =	vmul.f32 v5, v22;
	v12 =	vmul.f32 v12, v23;
	v21 =	vor.u32 v43, v21  }
0x3ae: {  	v30 =	vld.idx.msk [tilespmem:v31+s13+$0x0], $0xffff;
	v16 =	vmul.f32 v15, v27;
	v25 =	vadd.s32 v48, v42;
	v24 =	vadd.s32 v48, v52  }
0x3af: {  	v28 =	vld.idx.msk [tilespmem:v59+s15+$0x0], $0xffff;
	v31 =	vadd.s32 v44, v52;
	v40 =	vadd.s32 v40, v52;
	v61 =	vadd.s32 v58, v42  }
0x3b0: {  	v0 =	vld.idx.msk [tilespmem:v0+s13+$0x0], $0xffff;
	v63 =	vor.u32 v43, v25;
	v25 =	vadd.s32 v49, v52;
	v55 =	vor.u32 v50, v24  }
0x3b1: {  	v23 =	vld.idx.msk [tilespmem:v26+s13+$0x0], $0xffff;
	[tilespmem:v18+s15+$0x0] =	vst.idx.msk $0xffff, v19;
	v2 =	vor.u32 v50, v40;
	v22 =	vor.u32 v50, v25  }
0x3b2: {  	v61 =	vor.u32 v43, v61;
	[tilespmem:v62+s15+$0x0] =	vst.idx.msk $0xffff, v12;
	v12 =	vadd.s32 $0x60E0, v34;
	v49 =	vld.idx.msk [tilespmem:v21+s13+$0x0], $0xffff;
	v21 =	vadd.s32 s25, v37  }
0x3b3: {  	v24 =	vld.idx.msk [tilespmem:v33+s13+$0x0], $0xffff;
	[tilespmem:v32+s15+$0x0] =	vst.idx.msk $0xffff, v3;
	v25 =	vadd.s32 v44, v42;
	v59 =	vadd.s32 $0x1838, v47;
	v32 =	vadd.s32 $0x48A8, v47  }
0x3b4: {  	v62 =	vadd.s32 $0x3070, v47;
	v54 =	vadd.s32 $0x60E0, v47;
	v6 =	vmul.f32 v30, v6;
	[tilespmem:v9+s15+$0x0] =	vst.idx.msk $0xffff, v5;
	v7 =	vld.idx.msk [tilespmem:v47+s15+$0x0], $0xffff  }
0x3b5: {  	v9 =	vadd.s32 $0x3070, v34;
	v26 =	vmul.f32 v1, v20;
	v18 =	vor.u32 v43, v25;
	v44 =	vld.idx.msk [tilespmem:v63+s13+$0x0], $0xffff  }
0x3b6: {  	v60 =	vadd.s32 $0x9150, v47;
	[tilespmem:v14+s15+$0x0] =	vst.idx.msk $0xffff, v11;
	v11 =	vadd.s32 v58, v52;
	v14 =	vadd.s32 $0xA988, v34;
	v19 =	vld.idx.msk [tilespmem:v22+s13+$0x0], $0xffff  }
0x3b7: {  	v33 =	vor.u32 v50, v11;
	v63 =	vadd.s32 v45, v52;
	v48 =	vld.idx.msk [tilespmem:v12+s15+$0x0], $0xffff;
	[tilespmem:v21+s15+$0x0] =	vst.idx.msk $0xffff, v16  }
0x3b8: {  	v45 =	vadd.s32 v45, v42;
	v12 =	vld.idx.msk [tilespmem:v32+s15+$0x0], $0xffff;
	[tilespmem:v41+s15+$0x0] =	vst.idx.msk $0xffff, v6;
	v41 =	vadd.s32 v56, v52  }
0x3b9: {  	v27 =	vmul.f32 v23, v8;
	v30 =	vor.u32 v43, v45;
	v45 =	vld.idx.msk [tilespmem:v2+s13+$0x0], $0xffff;
	v6 =	vor.u32 v50, v41  }
0x3ba: {  	v25 =	vmul.f32 v24, v10;
	v10 =	vadd.s32 v56, v42;
	v24 =	vor.u32 v50, v31;
	v51 =	vld.idx.msk [tilespmem:v18+s13+$0x0], $0xffff  }
0x3bb: {  	v15 =	vor.u32 v50, v63;
	v63 =	vadd.s32 $0x1838, v34;
	v22 =	vmul.f32 v0, v28;
	v11 =	vld.idx.msk [tilespmem:v14+s15+$0x0], $0xffff  }
0x3bc: {  	v28 =	vmul.f32 v35, v4;
	v10 =	vor.u32 v43, v10;
	v18 =	vld.idx.msk [tilespmem:v34+s15+$0x0], $0xffff;
	v21 =	vadd.s32 $0x7918, v34  }
0x3bd: {  	v20 =	vld.idx.msk [tilespmem:v33+s13+$0x0], $0xffff;
	v16 =	vmul.f32 v17, v29;
	v29 =	vadd.s32 $0x7918, v47;
	v17 =	vadd.s32 $0x48A8, v34  }
0x3be: {  	s26 =	simm.s32 $0x57;
	s28 =	simm.s32 $0x5A0;
	s24 =	simm.s32 $0x580;
	v56 =	vadd.s32 $0x9150, v34;
	v58 =	vmul.f32 v19, v7;
	v19 =	vadd.s32 v38, v42;
	v23 =	vld.idx.msk [tilespmem:v6+s13+$0x0], $0xffff  }
.LBB2_13:
0x3bf: {  	v0 =	vld.idx.msk [tilespmem:v30+s13+$0x0], $0xffff  }
0x3c0: {  	v13 =	vld [tilespmem:$0x1FCA0]  }
0x3c1: {  	v2 =	vld [tilespmem:$0x1FC00]  }
0x3c2: {  	v3 =	vld.idx.msk [tilespmem:v21+s15+$0x0], $0xffff  }
0x3c3: {  	v14 =	vld.idx.msk [tilespmem:v29+s15+$0x0], $0xffff  }
0x3c4: {  	v30 =	vld [tilespmem:$0x1FFC0]  }
0x3c5: {  	v29 =	vld [tilespmem:$0x1FFD0]  }
0x3c6: {  	v8 =	vld [tilespmem:$0x1FFE0]  }
0x3c7: {  	v21 =	vld.idx.msk [tilespmem:v59+s15+$0x0], $0xffff  }
0x3c8: {  	v40 =	vld [tilespmem:$0x1FCC0]  }
0x3c9: {  	s21 =	sadd.s32 $0x20, s21;
	v34 =	vld [tilespmem:$0x1FC10]  }
0x3ca: {  	v5 =	vld [tilespmem:s21+$0xFFFFFFF0]  }
0x3cb: {  	v1 =	vadd.s32 v13, v52;
	v52 =	vld.idx.msk [tilespmem:v15+s13+$0x0], $0xffff;
	v7 =	vadd.s32 s25, v8  }
0x3cc: {  	v15 =	vadd.s32 s22, v8;
	v8 =	vld [tilespmem:$0x1FFF0];
	v1 =	vor.u32 v50, v1;
	v50 =	vadd.s32 s22, v30  }
0x3cd: {  	v6 =	vld [tilespmem:s21+$0x0];
	[tilespmem:v57+s15+$0x0] =	vst.idx.msk $0xffff, v25  }
0x3ce: {  	v33 =	vld.idx.msk [tilespmem:v63+s15+$0x0], $0xffff;
	[tilespmem:v53+s15+$0x0] =	vst.idx.msk $0xffff, v27;
	v32 =	vadd.s32 s22, v29  }
0x3cf: {  	v9 =	vld.idx.msk [tilespmem:v9+s15+$0x0], $0xffff  }
0x3d0: {  	[tilespmem:$0x1FBF0] =	vst v3;
	v0 =	vmul.f32 v0, v11;
	v11 =	vld.idx.msk [tilespmem:v62+s15+$0x0], $0xffff  }
0x3d1: {  	v4 =	vmov v20;
	v20 =	vadd.s32 s22, v8;
	s22 =	smov.u32 s24;
	v25 =	vadd.s32 s25, v8;
	v8 =	vld [tilespmem:$0x1FC90];
	[tilespmem:v50+s15+$0x0] =	vst.idx.msk $0xffff, v28  }
0x3d2: {  	[tilespmem:v7+s15+$0x0] =	vst.idx.msk $0xffff, v22;
	v28 =	vadd.s32 $0xA988, v47;
	s25 =	sadd.s32 $0xFFFFFFF0, s22;
	v3 =	vld.idx.msk [tilespmem:v55+s13+$0x0], $0xffff  }
0x3d3: {  	[tilespmem:v32+s15+$0x0] =	vst.idx.msk $0xffff, v26;
	v53 =	vadd.s32 s25, v29;
	v29 =	vld [tilespmem:$0x1FC60]  }
0x3d4: {  	v2 =	vmul.f32 v2, v46;
	v7 =	vld.idx.msk [tilespmem:v24+s13+$0x0], $0xffff;
	[tilespmem:v15+s15+$0x0] =	vst.idx.msk $0xffff, v16  }
0x3d5: {  	[tilespmem:$0x1FC00] =	vst v52;
	v52 =	vand.u32 $0xFFFFFFF8, v6;
	v15 =	vadd.s32 v40, v42;
	v42 =	vand.u32 $0xFFFFFFF8, v5;
	v16 =	vld.idx.msk [tilespmem:v60+s15+$0x0], $0xffff  }
0x3d6: {  	v27 =	vadd.s32 s22, v36;
	[tilespmem:v20+s15+$0x0] =	vst.idx.msk $0xffff, v2;
	v35 =	vadd.s32 v8, v52;
	v36 =	vadd.s32 v8, v42;
	v8 =	vld [tilespmem:$0x1FC70]  }
0x3d7: {  	v46 =	vld.idx.msk [tilespmem:v28+s15+$0x0], $0xffff  }
0x3d8: {  	s23 =	sadd.s32 $0x20, s23;
	v28 =	vld.idx.msk [tilespmem:v54+s15+$0x0], $0xffff  }
0x3d9: {  	[tilespmem:v25+s15+$0x0] =	vst.idx.msk $0xffff, v34;
	v47 =	vld [tilespmem:s23+$0x0]  }
0x3da: {  	v31 =	vld [tilespmem:s23+$0xFFFFFFF0]  }
0x3db: {  	v19 =	vor.u32 v43, v19;
	v17 =	vld.idx.msk [tilespmem:v17+s15+$0x0], $0xffff  }
0x3dc: {  	v23 =	vmul.f32 v23, v12;
	v12 =	vmovc v0;
	v2 =	vor.u32 v43, v15;
	v43 =	vand.u32 $0x7, v5;
	v5 =	vld.idx.msk [tilespmem:v56+s15+$0x0], $0xffff  }
0x3dd: {  	v41 =	vlaneseq.u32;
	[tilespmem:$0x1FC10] =	vst v12;
	v12 =	vadd.s32 v8, v42;
	v38 =	vadd.s32 v8, v52;
	v8 =	vld [tilespmem:$0x1FC50]  }
0x3de: {  	v24 =	vor.u32 s22, v41;
	v10 =	vld.idx.msk [tilespmem:v10+s13+$0x0], $0xffff  }
0x3df: {  	v34 =	vld.idx.msk [tilespmem:v61+s13+$0x0], $0xffff  }
0x3e0: {  	v0 =	vor.u32 v43, v36;
	v1 =	vld.idx.msk [tilespmem:v1+s13+$0x0], $0xffff  }
0x3e1: {  	v61 =	vld [tilespmem:$0x1FCB0]  }
0x3e2: {  	[tilespmem:$0x1FBE0] =	vst v4;
	v15 =	vadd.s32 v8, v42;
	v20 =	vadd.s32 v8, v52;
	v8 =	vld [tilespmem:$0x1FF90]  }
0x3e3: {  	v50 =	vand.u32 $0x7, v6;
	[tilespmem:v24+s15+$0x0] =	vst.idx.msk $0xffff, v58;
	v58 =	vor.u32 s25, v41;
	v41 =	vld [tilespmem:$0x1FBE0];
	v12 =	vor.u32 v43, v12  }
0x3e4: {  	v6 =	vor.u32 v50, v35;
	v2 =	vld.idx.msk [tilespmem:v2+s13+$0x0], $0xffff  }
0x3e5: {  	v18 =	vmul.f32 v49, v18;
	v4 =	vmul.f32 v44, v33;
	v49 =	vld.idx.msk [tilespmem:v0+s13+$0x0], $0xffff  }
0x3e6: {  	v3 =	vmul.f32 v3, v21;
	v55 =	vor.u32 v50, v38;
	v38 =	vld.idx.msk [tilespmem:v19+s13+$0x0], $0xffff;
	v25 =	vor.u32 v43, v15  }
0x3e7: {  	v33 =	vmul.f32 v51, v9;
	v0 =	vadd.s32 $0x60E0, v31;
	v36 =	vadd.s32 s25, v8;
	v8 =	vld [tilespmem:$0x1FC80]  }
0x3e8: {  	v22 =	vadd.s32 s22, v37;
	v26 =	vadd.s32 s22, v39;
	[tilespmem:v27+s15+$0x0] =	vst.idx.msk $0xffff, v3;
	v44 =	vld.idx.msk [tilespmem:v12+s13+$0x0], $0xffff;
	v12 =	vadd.s32 $0x48A8, v47  }
0x3e9: {  	v57 =	vadd.s32 s25, v30;
	v32 =	vadd.s32 s25, v39;
	v35 =	vadd.s32 s25, v37;
	v6 =	vld.idx.msk [tilespmem:v6+s13+$0x0], $0xffff  }
0x3ea: {  	v9 =	vadd.s32 v29, v52;
	v7 =	vmul.f32 v7, v11;
	v11 =	vadd.s32 v61, v52;
	v3 =	vld.idx.msk [tilespmem:v47+s15+$0x0], $0xffff  }
0x3eb: {  	v30 =	vadd.s32 v29, v42;
	v51 =	vld.idx.msk [tilespmem:v25+s13+$0x0], $0xffff;
	v25 =	vadd.s32 v40, v52;
	v40 =	vor.u32 v50, v11  }
0x3ec: {  	v0 =	vld.idx.msk [tilespmem:v0+s15+$0x0], $0xffff;
	v24 =	vadd.s32 v8, v52;
	v39 =	vadd.s32 v8, v42;
	v8 =	vor.u32 v50, v25  }
0x3ed: {  	v30 =	vor.u32 v43, v30;
	v12 =	vld.idx.msk [tilespmem:v12+s15+$0x0], $0xffff;
	v37 =	vor.u32 v50, v24;
	v24 =	vadd.s32 $0xA988, v31  }
0x3ee: {  	v16 =	vmul.f32 v45, v16;
	v59 =	vadd.s32 $0x1838, v47;
	[tilespmem:v22+s15+$0x0] =	vst.idx.msk $0xffff, v7;
	v25 =	vmul.f32 v34, v48;
	v48 =	vld [tilespmem:$0x1FBF0]  }
0x3ef: {  	v62 =	vadd.s32 $0x3070, v47;
	v27 =	vadd.s32 v61, v42;
	[tilespmem:v26+s15+$0x0] =	vst.idx.msk $0xffff, v23;
	v61 =	vor.u32 v43, v39;
	v39 =	vld [tilespmem:$0x1FFB0]  }
0x3f0: {  	s26 =	sadd.s32 $0x2, s26;
	v54 =	vadd.s32 $0x60E0, v47;
	v63 =	vadd.s32 $0x1838, v31;
	v21 =	vadd.s32 $0x7918, v31;
	v23 =	vld.idx.msk [tilespmem:v40+s13+$0x0], $0xffff  }
0x3f1: {  	p0 =	slt.u32 s26, $0x181;
	v60 =	vadd.s32 $0x9150, v47;
	v56 =	vadd.s32 $0x9150, v31;
	v19 =	vadd.s32 v13, v42;
	v45 =	vld.idx.msk [tilespmem:v8+s13+$0x0], $0xffff  }
.Ltmp5:
0x3f2: {  	v29 =	vadd.s32 $0x7918, v47;
	v13 =	vmul.f32 v10, v17;
	v17 =	vadd.s32 $0x48A8, v31;
	v11 =	vld.idx.msk [tilespmem:v24+s15+$0x0], $0xffff;
	(pc) =	sbr.rel @p0 .LBB2_13-.Ltmp5, $4  }
0x3f3: {  	v10 =	vor.u32 v43, v27;
	v24 =	vor.u32 v50, v20;
	v20 =	vld.idx.msk [tilespmem:v37+s13+$0x0], $0xffff;
	[tilespmem:v58+s15+$0x0] =	vst.idx.msk $0xffff, v18  }
0x3f4: {  	v28 =	vmul.f32 v41, v28;
	v15 =	vor.u32 v50, v9;
	v18 =	vld.idx.msk [tilespmem:v31+s15+$0x0], $0xffff;
	[tilespmem:v36+s15+$0x0] =	vst.idx.msk $0xffff, v4  }
0x3f5: {  	v9 =	vadd.s32 $0x3070, v31;
	v22 =	vmul.f32 v2, v5;
	v26 =	vmul.f32 v1, v14;
	v37 =	vld [tilespmem:$0x1FFA0];
	[tilespmem:v35+s15+$0x0] =	vst.idx.msk $0xffff, v33  }
0x3f6: {  	s24 =	smov.u32 s28;
	s28 =	sadd.s32 $0x20, s28;
	v27 =	vmul.f32 v38, v48;
	v48 =	vmov v0;
	v58 =	vmul.f32 v6, v3;
	v36 =	vld [tilespmem:$0x1FF90];
	[tilespmem:v32+s15+$0x0] =	vst.idx.msk $0xffff, v13  }
0x3f7: {  	_ = 	snop  }
0x3f8: {  	v34 =	vld [tilespmem:$0x1FFC0]  }
0x3f9: {  	v35 =	vld [tilespmem:$0x1FFD0];
	_ =	sdelay $0x1  }
0x3fa: {  	v0 =	vld.idx.msk [tilespmem:v30+s13+$0x0], $0xffff  }
0x3fb: {  	v1 =	vld.idx.msk [tilespmem:v21+s15+$0x0], $0xffff  }
0x3fc: {  	v32 =	vld [tilespmem:$0x1FFE0];
	v3 =	vadd.s32 s22, v34  }
0x3fd: {  	v2 =	vld.idx.msk [tilespmem:v29+s15+$0x0], $0xffff;
	v5 =	vadd.s32 s22, v35  }
0x3fe: {  	v4 =	vld.idx.msk [tilespmem:v15+s13+$0x0], $0xffff  }
0x3ff: {  	v6 =	vld.idx.msk [tilespmem:v62+s15+$0x0], $0xffff  }
0x400: {  	v7 =	vld.idx.msk [tilespmem:v59+s15+$0x0], $0xffff;
	[tilespmem:v57+s15+$0x0] =	vst.idx.msk $0xffff, v25  }
0x401: {  	v13 =	vld.idx.msk [tilespmem:v55+s13+$0x0], $0xffff;
	v8 =	vadd.s32 s25, v32;
	[tilespmem:v3+s15+$0x0] =	vst.idx.msk $0xffff, v28  }
0x402: {  	v15 =	vld.idx.msk [tilespmem:v63+s15+$0x0], $0xffff;
	[tilespmem:v5+s15+$0x0] =	vst.idx.msk $0xffff, v26  }
0x403: {  	v30 =	vld [tilespmem:$0x1FCA0]  }
0x404: {  	v62 =	vld [tilespmem:$0x1FFF0]  }
0x405: {  	v9 =	vld.idx.msk [tilespmem:v9+s15+$0x0], $0xffff;
	[tilespmem:v53+s15+$0x0] =	vst.idx.msk $0xffff, v27  }
0x406: {  	v14 =	vadd.s32 $0xA988, v47;
	v24 =	vld.idx.msk [tilespmem:v24+s13+$0x0], $0xffff;
	[tilespmem:v8+s15+$0x0] =	vst.idx.msk $0xffff, v22  }
0x407: {  	v22 =	vld [tilespmem:$0x1FC00]  }
0x408: {  	v41 =	vadd.s32 s22, v32;
	v31 =	vld [tilespmem:$0x1FCC0]  }
0x409: {  	v29 =	vld.idx.msk [tilespmem:v54+s15+$0x0], $0xffff;
	v47 =	vadd.s32 v30, v52;
	v52 =	vadd.s32 s22, v62  }
0x40a: {  	v33 =	vlaneseq.u32;
	v17 =	vld.idx.msk [tilespmem:v17+s15+$0x0], $0xffff  }
0x40b: {  	v57 =	vor.u32 s24, v33;
	v14 =	vld.idx.msk [tilespmem:v14+s15+$0x0], $0xffff;
	v5 =	vor.u32 v50, v47  }
0x40c: {  	v19 =	vor.u32 v43, v19;
	v26 =	vld.idx.msk [tilespmem:v60+s15+$0x0], $0xffff;
	v60 =	vadd.s32 s24, v36;
	v22 =	vmul.f32 v22, v46  }
0x40d: {  	s21 =	sadd.s32 $0xFFFFFFF0, s24;
	v63 =	vadd.s32 s24, v37;
	[tilespmem:v41+s15+$0x0] =	vst.idx.msk $0xffff, v16;
	v41 =	vld.idx.msk [tilespmem:v56+s15+$0x0], $0xffff;
	v59 =	vadd.s32 v31, v42  }
0x40e: {  	v46 =	vld.idx.msk [tilespmem:v10+s13+$0x0], $0xffff;
	v38 =	vor.u32 v43, v59;
	v43 =	vor.u32 s21, v33;
	[tilespmem:v52+s15+$0x0] =	vst.idx.msk $0xffff, v22  }
0x40f: {  	v40 =	vadd.s32 s24, v39;
	v7 =	vmul.f32 v13, v7;
	v42 =	vld [tilespmem:$0x1FC10]  }
0x410: {  	v6 =	vmul.f32 v24, v6;
	v47 =	vadd.s32 s21, v36;
	v5 =	vld.idx.msk [tilespmem:v5+s13+$0x0], $0xffff;
	[tilespmem:v57+s15+$0x0] =	vst.idx.msk $0xffff, v58  }
0x411: {  	v54 =	vmul.f32 v49, v18;
	v53 =	vadd.s32 s21, v37;
	v52 =	vld.idx.msk [tilespmem:v61+s13+$0x0], $0xffff;
	[tilespmem:v60+s15+$0x0] =	vst.idx.msk $0xffff, v7  }
0x412: {  	v55 =	vadd.s32 s25, v62;
	v50 =	vmul.f32 v23, v12;
	v58 =	vld.idx.msk [tilespmem:v19+s13+$0x0], $0xffff;
	[tilespmem:v63+s15+$0x0] =	vst.idx.msk $0xffff, v6  }
0x413: {  	v56 =	vmul.f32 v44, v15;
	v60 =	vadd.s32 s24, v34;
	v16 =	vld.idx.msk [tilespmem:v38+s13+$0x0], $0xffff;
	[tilespmem:v43+s15+$0x0] =	vst.idx.msk $0xffff, v54  }
0x414: {  	v59 =	vmul.f32 v51, v9;
	v63 =	vadd.s32 s24, v35;
	[tilespmem:v40+s15+$0x0] =	vst.idx.msk $0xffff, v50  }
0x415: {  	v21 =	vadd.s32 s24, v32;
	[tilespmem:v47+s15+$0x0] =	vst.idx.msk $0xffff, v56  }
0x416: {  	v23 =	vadd.s32 s24, v62;
	v19 =	vmul.f32 v20, v29;
	[tilespmem:v53+s15+$0x0] =	vst.idx.msk $0xffff, v59  }
0x417: {  	[tilespmem:v55+s15+$0x0] =	vst.idx.msk $0xffff, v42;
	v55 =	vadd.s32 s21, v39;
	v2 =	vmul.f32 v5, v2  }
0x418: {  	v27 =	vmul.f32 v45, v26;
	v57 =	vadd.s32 s21, v34;
	[tilespmem:v60+s15+$0x0] =	vst.idx.msk $0xffff, v19  }
0x419: {  	v4 =	vmul.f32 v4, v14;
	v61 =	vmul.f32 v46, v17;
	v17 =	vadd.s32 s21, v35;
	[tilespmem:v63+s15+$0x0] =	vst.idx.msk $0xffff, v2  }
0x41a: {  	v20 =	vadd.s32 s21, v32;
	[tilespmem:v21+s15+$0x0] =	vst.idx.msk $0xffff, v27  }
0x41b: {  	v25 =	vadd.s32 s21, v62;
	v13 =	vmul.f32 v52, v48;
	[tilespmem:v23+s15+$0x0] =	vst.idx.msk $0xffff, v4  }
0x41c: {  	v1 =	vmul.f32 v58, v1;
	[tilespmem:v55+s15+$0x0] =	vst.idx.msk $0xffff, v61  }
0x41d: {  	v24 =	vmul.f32 v16, v41;
	[tilespmem:v57+s15+$0x0] =	vst.idx.msk $0xffff, v13  }
0x41e: {  	v0 =	vmul.f32 v0, v11;
	[tilespmem:v17+s15+$0x0] =	vst.idx.msk $0xffff, v1  }
0x41f: {  	[tilespmem:v20+s15+$0x0] =	vst.idx.msk $0xffff, v24  }
0x420: {  	[tilespmem:v25+s15+$0x0] =	vst.idx.msk $0xffff, v0  }
0x421: {  	v0 =	vld [tilespmem:$0x48B0]  }
0x422: {  	v1 =	vld [tilespmem:$0x3070]  }
0x423: {  	v3 =	vld [tilespmem:$0x1FC90]  }
0x424: {  	v5 =	vld [tilespmem:$0x1FC70]  }
0x425: {  	v7 =	vld [tilespmem:$0x1FC50]  }
0x426: {  	v10 =	vld [tilespmem:$0x1FCB0]  }
0x427: {  	v41 =	vld [tilespmem:$0x1FC80]  }
0x428: {  	v46 =	vld [tilespmem:$0x1FC60]  }
0x429: {  	v52 =	vld [tilespmem:$0x1FF10]  }
0x42a: {  	v54 =	vld [tilespmem:$0x1FF20]  }
0x42b: {  	v56 =	vld [tilespmem:$0x1FF30]  }
0x42c: {  	v57 =	vld [tilespmem:$0x1FF40]  }
0x42d: {  	v59 =	vld [tilespmem:$0x1FF50];
	v29 =	vadd.s32 $0x1838, v1  }
0x42e: {  	v60 =	vld [tilespmem:$0x1FF60];
	v33 =	vadd.s32 $0x3070, v1  }
0x42f: {  	v61 =	vld [tilespmem:$0x1FF70];
	v38 =	vadd.s32 $0x48A8, v1  }
0x430: {  	v63 =	vld [tilespmem:$0x1FF80];
	v40 =	vadd.s32 $0x60E0, v1  }
0x431: {  	v28 =	vand.u32 $0xFFFFFFF8, v0;
	v42 =	vadd.s32 $0x7918, v1;
	v8 =	vld.idx.msk [tilespmem:v1+s15+$0x0], $0xffff  }
0x432: {  	v0 =	vand.u32 $0x7, v0;
	v44 =	vadd.s32 $0x9150, v1;
	v3 =	vadd.s32 v3, v28;
	v4 =	vld.idx.msk [tilespmem:v29+s15+$0x0], $0xffff  }
0x433: {  	v5 =	vadd.s32 v5, v28;
	v3 =	vor.u32 v0, v3;
	v6 =	vld.idx.msk [tilespmem:v33+s15+$0x0], $0xffff  }
0x434: {  	v7 =	vadd.s32 v7, v28;
	v5 =	vor.u32 v0, v5;
	v9 =	vld.idx.msk [tilespmem:v38+s15+$0x0], $0xffff  }
0x435: {  	v10 =	vadd.s32 v10, v28;
	v7 =	vor.u32 v0, v7;
	v11 =	vld.idx.msk [tilespmem:v40+s15+$0x0], $0xffff  }
0x436: {  	v12 =	vadd.s32 v41, v28;
	v10 =	vor.u32 v0, v10;
	v47 =	vld.idx.msk [tilespmem:v42+s15+$0x0], $0xffff  }
0x437: {  	v43 =	vadd.s32 v30, v28;
	v12 =	vor.u32 v0, v12;
	v49 =	vld.idx.msk [tilespmem:v44+s15+$0x0], $0xffff  }
0x438: {  	v45 =	vadd.s32 v31, v28;
	v14 =	vor.u32 v0, v43;
	v3 =	vld.idx.msk [tilespmem:v3+s13+$0x0], $0xffff  }
0x439: {  	v2 =	vadd.s32 v46, v28;
	v16 =	vor.u32 v0, v45;
	v5 =	vld.idx.msk [tilespmem:v5+s13+$0x0], $0xffff  }
0x43a: {  	v0 =	vor.u32 v0, v2;
	v7 =	vld.idx.msk [tilespmem:v7+s13+$0x0], $0xffff  }
0x43b: {  	v1 =	vadd.s32 $0xA988, v1;
	v10 =	vld.idx.msk [tilespmem:v10+s13+$0x0], $0xffff  }
0x43c: {  	v12 =	vld.idx.msk [tilespmem:v12+s13+$0x0], $0xffff  }
0x43d: {  	v48 =	vld.idx.msk [tilespmem:v14+s13+$0x0], $0xffff  }
0x43e: {  	v50 =	vld.idx.msk [tilespmem:v16+s13+$0x0], $0xffff;
	v3 =	vmul.f32 v3, v8  }
0x43f: {  	v0 =	vld.idx.msk [tilespmem:v0+s13+$0x0], $0xffff;
	v4 =	vmul.f32 v5, v4  }
0x440: {  	v1 =	vld.idx.msk [tilespmem:v1+s15+$0x0], $0xffff;
	v51 =	vmul.f32 v7, v6;
	[tilespmem:v52+s15+$0x0] =	vst.idx.msk $0x7, v3  }
0x441: {  	v53 =	vmul.f32 v10, v9;
	[tilespmem:v54+s15+$0x0] =	vst.idx.msk $0x7, v4  }
0x442: {  	s19 =	sadd.s32 $0x1, s19;
	v55 =	vmul.f32 v12, v11;
	[tilespmem:v56+s15+$0x0] =	vst.idx.msk $0x7, v51  }
0x443: {  	p0 =	sne.s32 s19, $0x8;
	v2 =	vmul.f32 v48, v47;
	[tilespmem:v57+s15+$0x0] =	vst.idx.msk $0x7, v53  }
.Ltmp6:
0x444: {  	s20 =	sadd.s32 s3, s20;
	v58 =	vmul.f32 v50, v49;
	[tilespmem:v59+s15+$0x0] =	vst.idx.msk $0x7, v55;
	(pc) =	sbr.rel @p0 .LBB2_2-.Ltmp6, $4  }
0x445: {  	s20 =	smul.u32 $0x307, s20;
	v0 =	vmul.f32 v0, v1;
	[tilespmem:v60+s15+$0x0] =	vst.idx.msk $0x7, v2  }
0x446: {  	[tilespmem:v61+s15+$0x0] =	vst.idx.msk $0x7, v58  }
0x447: {  	s20 =	sadd.s32 s2, s20;
	[tilespmem:v63+s15+$0x0] =	vst.idx.msk $0x7, v0  }
0x448: {  	v38 =	vlaneseq.u32;
	[hbm4b:s20+s4] =	stream.linear.scatter [tilespmem:s15], [sflag:$0x2], $0xC1C0, $0x38;
	[tilespmem:$0x1D840] =	vst v63  }
0x449: {  	s18 =	sadd.s32 $0x1, s18  }
0x44a: {  	_ =	swait.ge [sflag:s16], $0xC1C0;
	p0 =	sne.s32 s18, s9  }
.Ltmp7:
0x44b: {  	[sflag:s16] =	ssyncset.done $0x0;
	(pc) =	sbr.rel @p0 .LBB2_1-.Ltmp7, $4  }
0x44c: {  	[sflag:s16] =	ssyncadd.s32 $0xFFFF3E40  }
0x44d: {  	_ =	swait.ge [sflag:s17], $0xC1C0  }
0x44e: {  	[sflag:s17] =	ssyncset.done $0x0  }
0x44f: {  	[sflag:s17] =	ssyncadd.s32 $0xFFFF3E40  }
0x450: {  	_ =	sfence.sel $0x180000  }
0x451: {  	[bflag:$0x0] =	sbarrier.arrive $0xFFFF  }
0x452: {  	p0 =	sne.s32 s0, $0x0;
	_ =	strace $0x90000047  }
0x453: {  	s0 =	sadd.s32 @!p0 $0x100000, s1;
	[bflag:$0x2] =	sbarrier.arrive $0xFFFF  }
0x454: {  	[sflag:s0] =	ssyncadd.tile.s32 @!p0 $0x1;
	_ =	shalt  }
.Lfunc_end2:
_tile_overlayer_lowered:
.L_overlay_start_2:
0x455: {  	(tag) =	ssettag $0x2  }
0x456: {  	s0 =	rddreg [dreg:$0x0];
	s2 =	stileid.u32  }
0x457: {  	s1 =	rddreg [dreg:$0x1];
	p0 =	sne.s32 s2, $0x0  }
0x458: {  	s3 =	rddreg [dreg:$0x2];
	[bflag:$0x3] =	sbarrier.arrive $0xFFFF;
	s2 =	simm.s32 @!p0 $0x1C03  }
0x459: {  	[timem:s3], [sflag:s2] =	dma.local @!p0 [hbm:s0], s1  }
0x45a: {  	s0 =	simm.s32 @!p0 $0x3  }
0x45b: {  	_ =	swait.ge @!p0 [sflag:s0], s1  }
0x45c: {  	s1 =	ssub.s32 @!p0 $0x0, s1;
	[sflag:s0] =	ssyncset.done @!p0 $0x0  }
0x45d: {  	[sflag:s0] =	ssyncadd.s32 @!p0 s1  }
0x45e: {  	[bflag:$0x3] =	sbarrier.arrive $0xFFFF  }
0x45f: {  	_ =	shalt  }

// kernel: sparse-core-data-format-call.cloned.1.call-start
scs
called_computation_lowered:
.L_overlay_start_0:
0x0: {  	s2 =	sld [smem:$0x3FD9]  }
0x1: {  	s3 =	sld [smem:$0x3FFE];
	_ =	sdelay $0x1  }
0x2: {  	s1 =	srdreg.scid  }
0x3: {  	s0 =	sand.u32 $0x1, s1  }
0x4: {  	s18 =	sshll.u32 s0, $0xA;
	s2 =	sadd.s32 s3, s2  }
0x5: {  	s2 =	sadd.s32 s2, s18  }
0x6: {  	[smem:$0x3FC7] =	sst s2  }
0x7: {  	_ = 	snop  }
0x8: {  	s2 =	sld [smem:$0x3FD0];
	(tm) =	ssettm $0x1  }
0x9: {  	s19 =	sld [smem:$0x3FFB];
	_ =	sdelay $0x3  }
0xa: {  	_ =	strace s19  }
0xb: {  	s3 =	sld [smem:$0x3FFC];
	_ =	sdelay $0x3  }
0xc: {  	_ =	strace s3  }
0xd: {  	s3 =	sld [smem:$0x3FFD];
	_ =	sdelay $0x3  }
0xe: {  	_ =	strace s3  }
0xf: {  	_ =	strace $0x8FFFFFFF  }
0x10: {  	s20 =	sld [smem:$0x3FDB];
	_ =	sdelay $0x1  }
0x11: {  	s4 =	simm.s32 $_scs_section_size  }
0x12: {  	s5 =	simm.s32 $_size__tile_overlayer_lowered;
	s6 =	simm.s32 $_tile_overlayer_lowered  }
0x13: {  	s23 =	simm.s32 $0x1BFF;
	s22 =	sshll.u32 s6, $0x1;
	s3 =	sadd.s32 s4, s20  }
0x14: {  	s7 =	simm.s32 $0x0;
	s21 =	sshll.u32 s5, $0x1;
	s5 =	sadd.s32 s22, s3  }
0x15: {  	[timem:s7], [sflag:s23] =	dma.local [hbm:s5], s21  }
0x16: {  	_ =	swait.ge [sflag:s23], s21  }
0x17: {  	s4 =	ssub.s32 $0x0, s21;
	[sflag:s23] =	ssyncset.done $0x0  }
0x18: {  	[sflag:s23] =	ssyncadd.s32 s4;
	_ =	sdelay $0x1  }
0x19: {  	s24 =	simm.s32 $0x1B8B  }
0x1a: {  	_ =	swait.ge [sflag:s24], $0x1  }
0x1b: {  	[sflag:s24] =	ssyncset.done $0x0  }
0x1c: {  	s26 =	simm.s32 $0x1B8E;
	s25 =	sld [smem:$0x3FFE];
	[sflag:s24] =	ssyncadd.s32 $0xFFFFFFFF  }
0x1d: {  	s27 =	simm.s32 $execute0_lowered;
	[smem:$0x3FD2] =	sst s26  }
0x1e: {  	s5 =	sshll.u32 s27, $0x1;
	_ =	strace $0x80000049;
	[dreg:$0x1] =	wrdreg $0xFFFFFFFF  }
0x1f: {  	s28 =	simm.s32 $_size_execute0_lowered;
	s3 =	sadd.s32 s3, s5;
	[dreg:$0x0] =	wrdreg $0x0  }
0x20: {  	s5 =	sshll.u32 s28, $0x1;
	[dreg:$0x2] =	wrdreg s3  }
0x21: {  	[dreg:$0x3] =	wrdreg s5  }
0x22: {  	[dreg:$0x4] =	wrdreg $0xC0  }
0x23: {  	_ =	task [dreg:s7], $0x5FFFF  }
0x24: {  	[dreg:$0x1] =	wrdreg $0xFFFFFFFF  }
0x25: {  	[dreg:$0x0] =	wrdreg $0x60  }
0x26: {  	[dreg:$0x2] =	wrdreg s25  }
0x27: {  	[dreg:$0x3] =	wrdreg s2  }
0x28: {  	[dreg:$0x4] =	wrdreg $0x9  }
0x29: {  	_ =	task.clear_ibuf [dreg:s7], $0x5FFFF;
	_ =	strace $0x90000049  }
0x2a: {  	s29 =	simm.s32 $0x9;
	_ =	strace $0x8000004B  }
0x2b: {  	_ =	swait.ge [sflag:s29], $0x1  }
0x2c: {  	[sflag:s29] =	ssyncadd.s32 $0xFFFFFFFF  }
0x2d: {  	_ =	strace $0x9000004B  }
0x2e: {  	_ =	sfence  }
0x2f: {  	s30 =	sld [smem:$0x0];
	_ =	sdelay $0x2  }
0x30: {  	s31 =	sshll.u32 s1, $0xD;
	s1 =	sshrl.u32 s1, $0x2  }
0x31: {  	s3 =	sand.u32 $0x4000, s31;
	s1 =	sadd.s32 s1, s30  }
0x32: {  	s0 =	sor.u32 s3, s0;
	s1 =	sshll.u32 s1, $0x11  }
0x33: {  	s0 =	sor.u32 s1, s0  }
0x34: {  	s0 =	sadd.s32 $0x8F2B, s0  }
0x35: {  	[sflag:s0] =	ssyncadd.remote.s32 $0x1  }
0x36: {  	_ =	sfence.sel $0xFFFF  }
0x37: {  	[dreg:$0x0] =	wrdreg $0xFFFFFFFF;
	(pc) =	sbr.abs _section_cstart, $3  }
0x38: {  	[dreg:$0x1] =	wrdreg $0xFFFFFFFF  }
0x39: {  	_ =	task.clear_ibuf [dreg:s7], $0x2FFFF;
	_ =	strace $0x9FFFFFFF  }
0x3a: {  	(tm) =	ssettm $0x7FFFFFFF  }
0x3b: {  	_ =	shalt  }
tec
execute0_lowered:
.L_overlay_start_1:
0x0: {  	(tag) =	ssettag $0x1  }
0x1: {  	s0 =	srdreg.scid  }
0x2: {  	s1 =	sshll.u32 s0, $0x4  }
0x3: {  	s6 =	rddreg [dreg:$0x0];
	s0 =	stileid.u32;
	s1 =	sand.u32 $0x10, s1  }
0x4: {  	s3 =	rddreg [dreg:$0x1];
	s1 =	sor.u32 s0, s1  }
0x5: {  	s5 =	simm.s32 $0x1;
	s31 =	simm.s32 $0x2;
	s2 =	sshll.u32 s1, $0x7  }
0x6: {  	s15 =	simm.s32 $0x0;
	s8 =	simm.s32 $0x8000;
	s4 =	ssub.s32 $0x1000, s2  }
0x7: {  	s14 =	simm.s32 $0x0;
	s9 =	simm.s32 $0x0;
	s30 =	sand.u32 $0xF80, s4  }
0x8: {  	s10 =	simm.s32 $0x0;
	s11 =	simm.s32 $0x0;
	p0 =	sne.s32 s30, $0x0  }
.Ltmp0:
0x9: {  	s7 =	sshrl.u32 s4, $0xC;
	s5 =	simm.s32 @!p0 $0x0;
	(pc) =	sbr.rel .LBB1_1-.Ltmp0, $4  }
0xa: {  	s13 =	simm.s32 $0x0;
	s1 =	rddreg [dreg:$0x2];
	s5 =	sadd.s32 s5, s7  }
0xb: {  	_ =	strace $0x8000004A;
	s4 =	simm.s32 $0x1;
	s5 =	smul.u32 $0x31, s5  }
0xc: {  	s6 =	sadd.s32 $0x800, s6;
	s12 =	smov.u32 s2;
	[sflag:s4] =	ssyncpa.u1 $0x0  }
0xd: {  	[sflag:s31] =	ssyncpa.u1 $0x0;
	p0 =	por $0x0, $0x0;
	s7 =	sadd.s32 $0x1, s5  }
.LBB1_4:
0xe: {  	s20 =	sshra.s32 s20, $0x2  }
0xf: {  	s28 =	sand.u32 $0x78, s10;
	s21 =	sshll.u32 s9, $0xC;
	s22 =	sshll.u32 s10, $0x3  }
0x10: {  	s24 =	sshll.u32 s9, $0x7;
	p1 =	sgt.s32 s9, $0x17B8;
	s30 =	sshra.s32 s9, $0x1F  }
0x11: {  	s26 =	sshra.s32 s10, $0x1F;
	s19 =	sadd.s32 s20, s19;
	s21 =	sand.u32 $0xFFFF8000, s21  }
0x12: {  	v5 =	vld [tilespmem:s17+$0xFFFFFFD0];
	[tilespmem:s18+$0x2040 ss:$0x81] =	vst.msk $0xffff, v4;
	s23 =	sand.u32 $0xFFFFFC00, s22;
	s29 =	sand.u32 $0x380, s24;
	s22 =	sand.u32 $0xC00, s22  }
0x13: {  	v58 =	vld [tilespmem:s17+$0xFFFFFFE0];
	[tilespmem:s18+$0x2850 ss:$0x81] =	vst.msk $0xffff, v3;
	s21 =	sadd.s32 s23, s21;
	s20 =	sor.u32 s28, s22;
	s22 =	smov.u32 s9  }
0x14: {  	v59 =	vld [tilespmem:s17+$0xFFFFFFF0];
	[tilespmem:s18+$0x3060 ss:$0x81] =	vst.msk $0xffff, v2;
	s24 =	sand.u32 s30, s9;
	s21 =	sshrl.u32 s21, $0xC;
	s22 =	simm.s32 @!p1 $0x17B8  }
0x15: {  	v60 =	vld [tilespmem:s17+$0x0];
	[tilespmem:s18+$0x0 ss:$0x81] =	vst.msk $0xffff, v1;
	p1 =	sgt.s32 s10, $0xF80;
	s31 =	ssub.s32 s22, s24;
	s22 =	smov.u32 s10  }
0x16: {  	v61 =	vld [tilespmem:s17+$0x10];
	[tilespmem:s19+$0x3870 ss:$0x81] =	vst.msk $0xffff, v0;
	s25 =	smulhi.u32 $0xA9201, s21;
	s24 =	sand.u32 s26, s10;
	s22 =	simm.s32 @!p1 $0xF80  }
0x17: {  	v62 =	vld [tilespmem:s17+$0x20];
	s20 =	sor.u32 s29, s20;
	[tilespmem:s19+$0x810 ss:$0x81] =	vst.msk $0xffff, v5;
	s27 =	sadd.s32 $0xFFFFE848, s31;
	s22 =	ssub.s32 s22, s24  }
0x18: {  	v63 =	vld [tilespmem:s17+$0xFFFFFFC0];
	[tilespmem:s19+$0x1020 ss:$0x81] =	vst.msk $0xffff, v58;
	s18 =	ssub.s32 $0x1838, s31;
	s28 =	smul.u32 $0x1838, s25;
	s29 =	sadd.s32 $0xFFFFF080, s22  }
0x19: {  	[tilespmem:s19+$0x1830 ss:$0x81] =	vst.msk $0xffff, v59;
	p1 =	sgt.s32 s27, $0x7F;
	s22 =	ssub.s32 $0x1000, s22;
	p2 =	sgt.s32 s29, $0x7F  }
0x1a: {  	s30 =	sand.u32 $0x7, s10;
	[tilespmem:s19+$0x2040 ss:$0x81] =	vst.msk $0xffff, v60;
	s18 =	simm.s32 @p1 $0x0;
	s22 =	simm.s32 @p2 $0x0  }
0x1b: {  	s20 =	sshrl.u32 s20, $0x3;
	[tilespmem:s19+$0x2850 ss:$0x81] =	vst.msk $0xffff, v61;
	s17 =	ssub.s32 s21, s28;
	s18 =	smul.u32 s22, s18  }
0x1c: {  	[tilespmem:s19+$0x3060 ss:$0x81] =	vst.msk $0xffff, v62;
	s20 =	sadd.s32 s3, s20;
	s21 =	sshll.u32 s30, $0x12;
	s17 =	sshll.u32 s17, $0x9  }
0x1d: {  	[tilespmem:s19+$0x0 ss:$0x81] =	vst.msk $0xffff, v63;
	s31 =	sor.u32 $0x400, s21;
	s17 =	sadd.s32 s17, s20;
	s18 =	sand.u32 $0x3FFFFFFF, s18  }
0x1e: {  	[hbm4b:s17+s31] =	stream.strided.scatter [tilespmem:s16], [sflag:$0x2], s18, s8, s31, $0x20;
	[tilespmem:$0x10100] =	vst v63  }
.LBB1_5:
0x1f: {  	p1 =	slt.u32 s13, $0x2  }
0x20: {  	s17 =	smov.u32 s15;
	p2 =	sgt.s32 @!p1 s15, $0x17B8;
	s16 =	sshra.s32 @!p1 s15, $0x1F  }
0x21: {  	p3 =	sgt.s32 @!p1 s14, $0xF80;
	s18 =	sshra.s32 @!p1 s14, $0x1F;
	p2 =	por !p2, p1  }
0x22: {  	s15 =	sand.u32 @!p1 s16, s15;
	p3 =	por !p3, p1;
	s16 =	smov.u32 s14  }
0x23: {  	s14 =	sand.u32 @!p1 s18, s14;
	s17 =	simm.s32 @p2 $0x17B8;
	s16 =	simm.s32 @p3 $0xF80  }
0x24: {  	s15 =	ssub.s32 @!p1 s17, s15;
	s14 =	ssub.s32 @!p1 s16, s14  }
0x25: {  	s18 =	smov.u32 s12;
	s16 =	sadd.s32 @!p1 $0xFFFFE848, s15;
	s17 =	sadd.s32 @!p1 $0xFFFFF080, s14  }
0x26: {  	s15 =	ssub.s32 @!p1 $0x1838, s15;
	p2 =	sgt.s32 @!p1 s16, $0x7F;
	p3 =	sgt.s32 @!p1 s17, $0x7F  }
0x27: {  	s14 =	ssub.s32 @!p1 $0x1000, s14;
	p2 =	por !p2, p1;
	p3 =	por !p3, p1  }
0x28: {  	s16 =	sadd.s32 $0x80, s11;
	s15 =	simm.s32 @!p2 $0x0;
	s14 =	simm.s32 @!p3 $0x0  }
0x29: {  	p2 =	sgt.s32 s16, $0x1832;
	s14 =	smul.u32 @!p1 s14, s15;
	s15 =	sadd.s32 $0x1000, s12  }
0x2a: {  	s18 =	smov.u32 @p2 s15  }
0x2b: {  	s16 =	simm.s32 @p2 $0x0;
	p2 =	sgt.s32 s18, $0xFFF  }
0x2c: {  	s18 =	smov.u32 @p2 s2;
	p2 =	sne.s32 s13, s7  }
.Ltmp1:
0x2d: {  	p0 =	por !p0, !p0;
	s17 =	simm.s32 @!p1 $0x2;
	(pc) =	sbr.rel @!p2 .LBB1_6-.Ltmp1, $4  }
0x2e: {  	s15 =	smov.u32 s9;
	s9 =	smov.u32 s11;
	s14 =	sand.u32 @!p1 $0x3FFFFFFF, s14  }
0x2f: {  	s11 =	smov.u32 s16;
	_ =	swait.ge @!p1 [sflag:s17], s14;
	s19 =	ssub.s32 @!p1 $0x0, s14  }
0x30: {  	s14 =	smov.u32 s10;
	s13 =	sadd.s32 $0x1, s13;
	[sflag:s17] =	ssyncset.done @!p1 $0x0  }
0x31: {  	s10 =	smov.u32 s12;
	s12 =	smov.u32 s18;
	[sflag:s17] =	ssyncadd.s32 @!p1 s19  }
.LBB1_1:
0x32: {  	p1 =	sge.u32 s13, s5  }
0x33: {  	s16 =	sshrl.u32 @!p1 s12, $0x3  }
0x34: {  	s17 =	sshll.u32 @!p1 s11, $0x3;
	s16 =	smul.u32 @!p1 $0xC400, s16  }
0x35: {  	s18 =	sshll.u32 @!p1 s12, $0x7;
	s17 =	sand.u32 @!p1 $0xFFFFFC00, s17  }
0x36: {  	s16 =	sadd.s32 @!p1 s16, s17;
	s17 =	sand.u32 @!p1 $0x380, s18  }
0x37: {  	s18 =	sand.u32 @!p1 $0x7F, s11;
	s16 =	sor.u32 @!p1 s17, s16  }
0x38: {  	s17 =	sor.u32 @!p1 s18, s16  }
0x39: {  	s18 =	smulhi.u32 @!p1 $0x5397829D, s17;
	_ =	sdelay $0x1  }
0x3a: {  	s16 =	smulhi.u32 @!p1 $0x5397829D, s16;
	s18 =	sshrl.u32 @!p1 s18, $0xB  }
0x3b: {  	s18 =	smul.u32 @!p1 $0x1880, s18  }
0x3c: {  	s31 =	sadd.s32 $0xFFFFFFFF, s13;
	s19 =	sxor.u32 @!p1 $0xFFFFFFFF, s13;
	s16 =	sshrl.u32 @!p1 s16, $0xB  }
0x3d: {  	s19 =	sshll.u32 @!p1 s19, $0xE;
	s16 =	sand.u32 @!p1 $0xFFF, s16;
	s17 =	ssub.s32 @!p1 s17, s18  }
0x3e: {  	s16 =	smul.u32 @!p1 $0x310, s16;
	s18 =	sshrl.u32 @!p1 s17, $0x3;
	s17 =	sand.u32 @!p1 $0x7, s17  }
0x3f: {  	s19 =	sand.u32 @!p1 $0x4000, s19;
	s18 =	sadd.s32 @!p1 s6, s18;
	s17 =	sshll.u32 @!p1 s17, $0x12  }
0x40: {  	s16 =	sadd.s32 @!p1 s16, s18;
	s17 =	sor.u32 @!p1 $0x400, s17;
	s18 =	simm.s32 @!p1 $0xC400  }
0x41: {  	[tilespmem:s19], [sflag:$0x1] =	stream.strided.gather @!p1 [hbm4b:s16+s17], $0x4000, s18, s17, $0x38;
	[tilespmem:$0x10100] =	vst v63  }
0x42: {  	p1 =	sge.u32 s31, s5  }
.Ltmp2:
0x43: {  	_ = 	snop;
	(pc) =	sbr.rel @p1 .LBB1_5-.Ltmp2, $1  }
0x44: {  	_ =	sdelay $0x3  }
0x45: {  	s16 =	simm.s32 $0x1  }
0x46: {  	_ =	swait.ge [sflag:s4], $0x4000;
	s16 =	simm.s32 @!p0 $0x0  }
0x47: {  	[sflag:s4] =	ssyncset.done $0x0;
	s17 =	sshll.u32 s16, $0xE  }
0x48: {  	[sflag:s4] =	ssyncadd.s32 $0xFFFFC000;
	s17 =	sor.u32 $0x40, s17  }
0x49: {  	s16 =	smul.u32 $0x10200, s16;
	v0 =	vld [tilespmem:s17+$0x30]  }
0x4a: {  	v1 =	vld [tilespmem:s17+$0xFFFFFFD0]  }
0x4b: {  	s16 =	sshrl.u32 s16, $0x2;
	v5 =	vld [tilespmem:s17+$0xFFFFFFE0]  }
0x4c: {  	v6 =	vld [tilespmem:s17+$0xFFFFFFF0];
	s19 =	sor.u32 $0x8000, s16  }
0x4d: {  	s31 =	sand.u32 $0x1, s13;
	v4 =	vld [tilespmem:s17+$0x0];
	s18 =	sadd.s32 $0x0, s19  }
0x4e: {  	v3 =	vld [tilespmem:s17+$0x10];
	s16 =	smul.u32 $0x10200, s31;
	[tilespmem:s18+$0x3870 ss:$0x81] =	vst.msk $0xffff, v0  }
0x4f: {  	v2 =	vld [tilespmem:s17+$0x20];
	[tilespmem:s18+$0x810 ss:$0x81] =	vst.msk $0xffff, v1  }
0x50: {  	s16 =	sshrl.u32 s16, $0x2;
	v1 =	vld [tilespmem:s17+$0xFFFFFFC0];
	[tilespmem:s18+$0x1020 ss:$0x81] =	vst.msk $0xffff, v5;
	s17 =	sadd.s32 $0x80, s17  }
0x51: {  	s20 =	simm.s32 $0x4;
	s21 =	simm.s32 $0x8;
	s16 =	sor.u32 $0x8000, s16;
	[tilespmem:s18+$0x1830 ss:$0x81] =	vst.msk $0xffff, v6;
	v0 =	vld [tilespmem:s17+$0x30]  }
.LBB1_3:
0x52: {  	p1 =	sne.s32 s21, $0x1FC;
	v5 =	vld [tilespmem:s17+$0xFFFFFFD0];
	[tilespmem:s18+$0x2040 ss:$0x81] =	vst.msk $0xffff, v4  }
0x53: {  	v6 =	vld [tilespmem:s17+$0xFFFFFFE0];
	[tilespmem:s18+$0x2850 ss:$0x81] =	vst.msk $0xffff, v3  }
0x54: {  	s22 =	sshra.s32 s20, $0x2;
	s20 =	smov.u32 s21;
	v7 =	vld [tilespmem:s17+$0xFFFFFFF0];
	[tilespmem:s18+$0x3060 ss:$0x81] =	vst.msk $0xffff, v2  }
.Ltmp3:
0x55: {  	v4 =	vld [tilespmem:s17+$0x0];
	[tilespmem:s18+$0x0 ss:$0x81] =	vst.msk $0xffff, v1;
	s18 =	sadd.s32 s22, s19;
	(pc) =	sbr.rel @p1 .LBB1_3-.Ltmp3, $4  }
0x56: {  	v3 =	vld [tilespmem:s17+$0x10];
	[tilespmem:s18+$0x3870 ss:$0x81] =	vst.msk $0xffff, v0  }
0x57: {  	[tilespmem:s18+$0x810 ss:$0x81] =	vst.msk $0xffff, v5;
	v2 =	vld [tilespmem:s17+$0x20]  }
0x58: {  	v1 =	vld [tilespmem:s17+$0xFFFFFFC0];
	[tilespmem:s18+$0x1020 ss:$0x81] =	vst.msk $0xffff, v6;
	s17 =	sadd.s32 $0x80, s17  }
0x59: {  	s21 =	sadd.s32 $0x4, s21;
	v0 =	vld [tilespmem:s17+$0x30];
	[tilespmem:s18+$0x1830 ss:$0x81] =	vst.msk $0xffff, v7  }
.Ltmp4:
0x5a: {  	_ = 	snop;
	(pc) =	sbr.rel .LBB1_4-.Ltmp4, $1  }
0x5b: {  	_ =	sdelay $0x3  }
.LBB1_6:
0x5c: {  	_ =	sfence.sel $0x180000  }
0x5d: {  	s2 =	simm.s32 $0x1;
	[bflag:$0x0] =	sbarrier.arrive $0xFFFF  }
0x5e: {  	s31 =	simm.s32 $0x2;
	[sflag:s2] =	ssyncpa.u1 $0x1  }
0x5f: {  	[sflag:s31] =	ssyncpa.u1 $0x1  }
0x60: {  	p0 =	sne.s32 s0, $0x0;
	_ =	strace $0x9000004A  }
0x61: {  	s0 =	sadd.s32 @!p0 $0x100000, s1;
	[bflag:$0x2] =	sbarrier.arrive $0xFFFF  }
0x62: {  	[sflag:s0] =	ssyncadd.tile.s32 @!p0 $0x1;
	_ =	shalt  }
.Lfunc_end1:
_tile_overlayer_lowered:
.L_overlay_start_2:
0x63: {  	(tag) =	ssettag $0x2  }
0x64: {  	s0 =	rddreg [dreg:$0x0];
	s2 =	stileid.u32  }
0x65: {  	s1 =	rddreg [dreg:$0x1];
	p0 =	sne.s32 s2, $0x0  }
0x66: {  	s3 =	rddreg [dreg:$0x2];
	[bflag:$0x3] =	sbarrier.arrive $0xFFFF;
	s2 =	simm.s32 @!p0 $0x1C01  }
0x67: {  	[timem:s3], [sflag:s2] =	dma.local @!p0 [hbm:s0], s1  }
0x68: {  	s0 =	simm.s32 @!p0 $0x1  }
0x69: {  	_ =	swait.ge @!p0 [sflag:s0], s1  }
0x6a: {  	s1 =	ssub.s32 @!p0 $0x0, s1;
	[sflag:s0] =	ssyncset.done @!p0 $0x0  }
0x6b: {  	[sflag:s0] =	ssyncadd.s32 @!p0 s1  }
0x6c: {  	[bflag:$0x3] =	sbarrier.arrive $0xFFFF  }
0x6d: {  	_ =	shalt  }

</sc_bundles>
